<compile_context>
chip_gen: v7x
topology: tpu7x:2x2x1
jax: 0.10.2.dev20260603
libtpu: 0.0.44.dev20260713+nightly
codegen_flags: <defaults>
</compile_context>

<pallas_src>
import functools

import numpy as np
import jax
import jax.numpy as jnp
from jax import lax
from jax.experimental import pallas as pl
from jax.experimental.pallas import tpu as pltpu
from jax.experimental.pallas import tpu_sc as plsc

_BATCH = 16384
_FIELDS = 26
_EMB = 16
_BF = _BATCH * _FIELDS
_NW = 32
_PER_W = _BF // _NW
_CH = 3328
_NCH = _PER_W // _CH
_FPAD = 32
_LANES = _FPAD * _EMB
_NT = _LANES // 128
_ROWS2 = _NT * _BATCH * 8
_BM = 512

_SLOT = np.arange(_BF, dtype=np.int64)
_DB = _SLOT // _FIELDS
_DF = _SLOT % _FIELDS
_DSTMAP = ((_DF >> 3) * (_BATCH * 8) + _DB * 8 + (_DF & 7)).astype(np.int32)


def _sc_gather(idx, dstmap, t2, t1):
    mesh = plsc.VectorSubcoreMesh(core_axis_name="c", subcore_axis_name="s")

    @functools.partial(
        pl.kernel,
        mesh=mesh,
        out_type=(
            jax.ShapeDtypeStruct((_ROWS2, _EMB), jnp.float32),
            jax.ShapeDtypeStruct((_BF,), jnp.float32),
        ),
        scratch_types=(
            pltpu.VMEM((_CH,), jnp.int32),
            pltpu.VMEM((_CH // 128, 128), jnp.int32),
            pltpu.VMEM((_CH, _EMB), jnp.float32),
            pltpu.VMEM((_CH,), jnp.float32),
            pltpu.SemaphoreType.DMA,
            pltpu.SemaphoreType.DMA,
        ),
        compiler_params=pltpu.CompilerParams(use_tc_tiling_on_sc=False),
    )
    def k(idx_hbm, dst_hbm, t2_hbm, t1_hbm, out2_hbm, out1_hbm,
          idx_v, dst_v, r2_v, r1_v, s2, s1):
        wid = lax.axis_index("s") * 2 + lax.axis_index("c")
        for c in range(_NCH):
            off = wid * _PER_W + c * _CH
            pltpu.sync_copy(idx_hbm.at[pl.ds(off, _CH)], idx_v)
            cp2 = pltpu.async_copy(t2_hbm.at[idx_v], r2_v, s2)
            cp1 = pltpu.async_copy(t1_hbm.at[idx_v], r1_v, s1)
            pltpu.sync_copy(dst_hbm.at[pl.ds(off // 128, _CH // 128)], dst_v)
            cp2.wait()
            cp1.wait()
            cps = [
                pltpu.async_copy(
                    r2_v.at[pl.ds(j * 128, 128)],
                    out2_hbm.at[dst_v.at[j]], s2)
                for j in range(_CH // 128)
            ]
            for cp in cps:
                cp.wait()
            pltpu.sync_copy(r1_v, out1_hbm.at[pl.ds(off, _CH)])

    return k(idx, dstmap, t2, t1)


def _tc_body(e2, e1, xv, em, sm, w1, b1, w2, b2, bz, out):
    lane = lax.broadcasted_iota(jnp.int32, (1, _LANES), 1)
    d = jnp.concatenate([e2[0], e2[1], e2[2], e2[3]], axis=1)
    xvx = jnp.dot(xv[:], em[:], preferred_element_type=jnp.float32)
    d = jnp.where(lane < _FIELDS * _EMB, d * xvx, 0.0)
    first = jnp.sum(e1[:] * xv[:], axis=1)
    s = jnp.dot(d, sm[:], preferred_element_type=jnp.float32)
    second = 0.5 * (jnp.sum(s * s, axis=1) - jnp.sum(d * d, axis=1))
    x = jnp.maximum(jnp.dot(d, w1[:], preferred_element_type=jnp.float32) + b1[:], 0.0)
    x = jnp.maximum(jnp.dot(x, w2[:], preferred_element_type=jnp.float32) + b2[:], 0.0)
    out[:] = first + second + jnp.sum(x, axis=1) + bz[0, 0]


def _tc_dense(e2, e1, xv, w1p, b1, w2, b2, bias):
    d1 = w1p.shape[1]
    d2 = w2.shape[1]
    em = np.zeros((_FIELDS, _LANES), np.float32)
    sm = np.zeros((_LANES, _EMB), np.float32)
    for f in range(_FIELDS):
        for e in range(_EMB):
            em[f, f * _EMB + e] = 1.0
            sm[f * _EMB + e, e] = 1.0
    em = jnp.asarray(em)
    sm = jnp.asarray(sm)
    return pl.pallas_call(
        _tc_body,
        grid=(_BATCH // _BM,),
        in_specs=[
            pl.BlockSpec((_NT, _BM, 128), lambda i: (0, i, 0)),
            pl.BlockSpec((_BM, _FIELDS), lambda i: (i, 0)),
            pl.BlockSpec((_BM, _FIELDS), lambda i: (i, 0)),
            pl.BlockSpec((_FIELDS, _LANES), lambda i: (0, 0)),
            pl.BlockSpec((_LANES, _EMB), lambda i: (0, 0)),
            pl.BlockSpec((_LANES, d1), lambda i: (0, 0)),
            pl.BlockSpec((1, d1), lambda i: (0, 0)),
            pl.BlockSpec((d1, d2), lambda i: (0, 0)),
            pl.BlockSpec((1, d2), lambda i: (0, 0)),
            pl.BlockSpec((1, 1), lambda i: (0, 0)),
        ],
        out_specs=pl.BlockSpec((_BM,), lambda i: (i,)),
        out_shape=jax.ShapeDtypeStruct((_BATCH,), jnp.float32),
    )(e2, e1, xv, em, sm, w1p, b1.reshape(1, d1), w2, b2.reshape(1, d2),
      bias.reshape(1, 1))


def kernel(Xi, Xv, fm_first_w, fm_second_w, W1, b1, W2, b2, bias):
    idx = Xi.reshape(_BF).astype(jnp.int32)
    emb2, emb1 = _sc_gather(idx, jnp.asarray(_DSTMAP.reshape(-1, 128)),
                            fm_second_w, fm_first_w.reshape(-1))
    e2 = emb2.reshape(_NT, _BATCH, 128)
    e1 = emb1.reshape(_BATCH, _FIELDS)
    d1 = W1.shape[1]
    w1p = jnp.pad(W1.reshape(_FIELDS, _EMB, d1),
                  ((0, _FPAD - _FIELDS), (0, 0), (0, 0))).reshape(_LANES, d1)
    return _tc_dense(e2, e1, Xv, w1p, b1, W2, b2, bias)

# --- scband reference (transcript-rebuilt; emitter-appended) ---
"""Pipeline reference for scband-deep-fm-82291573391403 (READ-ONLY COPY).

The authoritative reference and input builder live on the scoring server;
editing this copy changes nothing except your own understanding.
"""

import jax, jax.numpy as jnp
import numpy as np

BATCH = 16384
FIELDS = 26
VOCAB = 1000000
EMB = 16
D1 = 400
D2 = 400


def setup_inputs(seed: int = 0) -> dict:
    key = jax.random.key(seed)
    ks = jax.random.split(key, 8)
    Xi = jax.random.randint(ks[0], (BATCH, FIELDS), 0, VOCAB, dtype=jnp.int64) if jax.config.jax_enable_x64 else jax.random.randint(ks[0], (BATCH, FIELDS), 0, VOCAB, dtype=jnp.int32)
    Xv = jax.random.uniform(ks[1], (BATCH, FIELDS), dtype=jnp.float32)
    fm_first_w = jax.random.normal(ks[2], (VOCAB, 1), dtype=jnp.float32) * 0.01
    fm_second_w = jax.random.normal(ks[3], (VOCAB, EMB), dtype=jnp.float32) * 0.01
    W1 = jax.random.normal(ks[4], (FIELDS * EMB, D1), dtype=jnp.float32) * (1.0 / np.sqrt(FIELDS * EMB))
    b1 = jnp.zeros((D1,), dtype=jnp.float32)
    W2 = jax.random.normal(ks[5], (D1, D2), dtype=jnp.float32) * (1.0 / np.sqrt(D1))
    b2 = jnp.zeros((D2,), dtype=jnp.float32)
    bias = jax.random.normal(ks[6], (1,), dtype=jnp.float32)
    return {"Xi": Xi, "Xv": Xv, "fm_first_w": fm_first_w, "fm_second_w": fm_second_w, "W1": W1, "b1": b1, "W2": W2, "b2": b2, "bias": bias}


def reference(Xi, Xv, fm_first_w, fm_second_w, W1, b1, W2, b2, bias):
    B = Xi.shape[0]
    # fm first order: embedding lookup [B, F, 1] * Xv
    first_emb = jnp.take(fm_first_w, Xi, axis=0) * Xv[:, :, None]
    fm_first_order = first_emb.reshape(B, FIELDS)
    # fm second order: embedding lookup [B, F, E] * Xv
    second_emb = jnp.take(fm_second_w, Xi, axis=0) * Xv[:, :, None]
    sum_emb = jnp.sum(second_emb, axis=1)
    sum_emb_sq = sum_emb * sum_emb
    sq_sum_emb = jnp.sum(second_emb * second_emb, axis=1)
    fm_second_order = (sum_emb_sq - sq_sum_emb) * 0.5
    # deep part
    deep_emb = second_emb.reshape(B, FIELDS * EMB)
    x = jax.nn.relu(deep_emb @ W1 + b1)
    x = jax.nn.relu(x @ W2 + b2)
    total = jnp.sum(fm_first_order, axis=1) + jnp.sum(fm_second_order, axis=1) + jnp.sum(x, axis=1) + bias
    return total

if __name__ == "__main__":
    import jax
    _d = setup_inputs()
    print(jax.jit(kernel)(*tuple(_d.values())))

</pallas_src>

<mosaic_0001>
#map = affine_map<(d0, d1) -> (0)>
#map1 = affine_map<(d0, d1) -> (0, 0)>
module attributes {stable_mosaic.version = 14 : i64} {
  func.func @k(%arg0: i32, %arg1: i32, %arg2: memref<425984xi32, #tpu.memory_space<hbm>>, %arg3: memref<3328x128xi32, #tpu.memory_space<hbm>>, %arg4: memref<1000000x16xf32, #tpu.memory_space<hbm>>, %arg5: memref<1000000xf32, #tpu.memory_space<hbm>>, %arg6: memref<524288x16xf32, #tpu.memory_space<hbm>>, %arg7: memref<425984xf32, #tpu.memory_space<hbm>>, %arg8: memref<3328xi32, #tpu.memory_space<vmem>>, %arg9: memref<26x128xi32, #tpu.memory_space<vmem>>, %arg10: memref<3328x16xf32, #tpu.memory_space<vmem>>, %arg11: memref<3328xf32, #tpu.memory_space<vmem>>, %arg12: memref<!tpu.dma_semaphore, #tpu.memory_space<semaphore_mem>>, %arg13: memref<!tpu.dma_semaphore, #tpu.memory_space<semaphore_mem>>) attributes {dimension_semantics = [#tpu.dimension_semantics<core_parallel>, #tpu.dimension_semantics<subcore_parallel>], iteration_bounds = array<i64: 2, 16>, scalar_prefetch = 0 : i64, scratch_operands = 6 : i64, tpu.core_type = #tpu.core_type<sc_vector_subcore>, window_params = [{transform_indices = #map}, {transform_indices = #map1}, {transform_indices = #map1}, {transform_indices = #map}, {transform_indices = #map1}, {transform_indices = #map}]} {
    %mul3A = arith.constant 2 : i32
    %mul3A_0 = arith.muli %arg1, %mul3A : i32
    %add3A = arith.addi %mul3A_0, %arg0 : i32
    %mul3A_1 = arith.constant 13312 : i32
    %mul3A_2 = arith.muli %add3A, %mul3A_1 : i32
    %add3A_3 = arith.constant 0 : i32
    %add3A_4 = arith.addi %mul3A_2, %add3A_3 : i32
    "tpu.region"() ({
      %run_scoped3A = tpu.sem_alloc : memref<!tpu.dma_semaphore, #tpu.memory_space<semaphore_mem>>
      %dma_start3A_2223 = tpu.memref_slice %arg2[%add3A_4] : memref<425984xi32, #tpu.memory_space<hbm>> -> memref<3328xi32, #tpu.memory_space<hbm>>
      %dma_start3A_2224 = tpu.memref_slice %arg2[%add3A_4] : memref<425984xi32, #tpu.memory_space<hbm>> -> memref<3328xi32, #tpu.memory_space<hbm>>
      tpu.enqueue_dma source(%dma_start3A_2224 : memref<3328xi32, #tpu.memory_space<hbm>>) target(%arg8 : memref<3328xi32, #tpu.memory_space<vmem>>) target_semaphore(%run_scoped3A : memref<!tpu.dma_semaphore, #tpu.memory_space<semaphore_mem>>)
      %dma_wait3A_2225 = tpu.memref_slice %arg2[%add3A_4] : memref<425984xi32, #tpu.memory_space<hbm>> -> memref<3328xi32, #tpu.memory_space<hbm>>
      %dma_wait3A_2226 = tpu.memref_slice %arg2[%add3A_4] : memref<425984xi32, #tpu.memory_space<hbm>> -> memref<3328xi32, #tpu.memory_space<hbm>>
      tpu.wait_dma2 semaphore(%run_scoped3A : memref<!tpu.dma_semaphore, #tpu.memory_space<semaphore_mem>>) src(%dma_wait3A_2226 : memref<3328xi32, #tpu.memory_space<hbm>>) dst(%arg8 : memref<3328xi32, #tpu.memory_space<vmem>>)
      tpu.yield
    }) : () -> ()
    %dma_start3A = arith.constant 0 : i32
    %dma_start3A_5 = arith.constant 0 : i32
    %dma_start3A_6 = tpu.memref_slice %arg4[%dma_start3A, %dma_start3A_5] : memref<1000000x16xf32, #tpu.memory_space<hbm>> -> memref<1000000x16xf32, #tpu.memory_space<hbm>>
    tpu.enqueue_indirect_dma source(%dma_start3A_6 : memref<1000000x16xf32, #tpu.memory_space<hbm>>) target(%arg10 : memref<3328x16xf32, #tpu.memory_space<vmem>>) offsets(%arg8 : memref<3328xi32, #tpu.memory_space<vmem>>) semaphore(%arg12 : memref<!tpu.dma_semaphore, #tpu.memory_space<semaphore_mem>>)
    %dma_start3A_7 = arith.constant 0 : i32
    %dma_start3A_8 = tpu.memref_slice %arg5[%dma_start3A_7] : memref<1000000xf32, #tpu.memory_space<hbm>> -> memref<1000000xf32, #tpu.memory_space<hbm>>
    tpu.enqueue_indirect_dma source(%dma_start3A_8 : memref<1000000xf32, #tpu.memory_space<hbm>>) target(%arg11 : memref<3328xf32, #tpu.memory_space<vmem>>) offsets(%arg8 : memref<3328xi32, #tpu.memory_space<vmem>>) semaphore(%arg13 : memref<!tpu.dma_semaphore, #tpu.memory_space<semaphore_mem>>)
    %jit3A = arith.constant 128 : i32
    %div3A = arith.divsi %add3A_4, %jit3A : i32
    %sign3A = arith.constant 0 : i32
    %sign3A_9 = arith.cmpi sgt, %add3A_4, %sign3A : i32
    %sign3A_10 = arith.extui %sign3A_9 : i1 to i32
    %sign3A_11 = arith.constant 0 : i32
    %sign3A_12 = arith.cmpi slt, %add3A_4, %sign3A_11 : i32
    %sign3A_13 = arith.extui %sign3A_12 : i1 to i32
    %sign3A_14 = arith.subi %sign3A_10, %sign3A_13 : i32
    %sign3A_15 = arith.constant 0 : i32
    %sign3A_16 = arith.cmpi sgt, %jit3A, %sign3A_15 : i32
    %sign3A_17 = arith.extui %sign3A_16 : i1 to i32
    %sign3A_18 = arith.constant 0 : i32
    %sign3A_19 = arith.cmpi slt, %jit3A, %sign3A_18 : i32
    %sign3A_20 = arith.extui %sign3A_19 : i1 to i32
    %sign3A_21 = arith.subi %sign3A_17, %sign3A_20 : i32
    %ne3A = arith.cmpi ne, %sign3A_14, %sign3A_21 : i32
    %rem3A = arith.remsi %add3A_4, %jit3A : i32
    %ne3A_22 = arith.constant 0 : i32
    %ne3A_23 = arith.cmpi ne, %rem3A, %ne3A_22 : i32
    %and3A = arith.andi %ne3A, %ne3A_23 : i1
    %sub3A = arith.constant 1 : i32
    %sub3A_24 = arith.subi %div3A, %sub3A : i32
    %select_n3A = arith.select %and3A, %sub3A_24, %div3A : i32
    "tpu.region"() ({
      %run_scoped3A = tpu.sem_alloc : memref<!tpu.dma_semaphore, #tpu.memory_space<semaphore_mem>>
      %dma_start3A_2223 = arith.constant 0 : i32
      %dma_start3A_2224 = tpu.memref_slice %arg3[%select_n3A, %dma_start3A_2223] : memref<3328x128xi32, #tpu.memory_space<hbm>> -> memref<26x128xi32, #tpu.memory_space<hbm>>
      %dma_start3A_2225 = arith.constant 0 : i32
      %dma_start3A_2226 = tpu.memref_slice %arg3[%select_n3A, %dma_start3A_2225] : memref<3328x128xi32, #tpu.memory_space<hbm>> -> memref<26x128xi32, #tpu.memory_space<hbm>>
      tpu.enqueue_dma source(%dma_start3A_2226 : memref<26x128xi32, #tpu.memory_space<hbm>>) target(%arg9 : memref<26x128xi32, #tpu.memory_space<vmem>>) target_semaphore(%run_scoped3A : memref<!tpu.dma_semaphore, #tpu.memory_space<semaphore_mem>>)
      %dma_wait3A_2227 = arith.constant 0 : i32
      %dma_wait3A_2228 = tpu.memref_slice %arg3[%select_n3A, %dma_wait3A_2227] : memref<3328x128xi32, #tpu.memory_space<hbm>> -> memref<26x128xi32, #tpu.memory_space<hbm>>
      %dma_wait3A_2229 = arith.constant 0 : i32
      %dma_wait3A_2230 = tpu.memref_slice %arg3[%select_n3A, %dma_wait3A_2229] : memref<3328x128xi32, #tpu.memory_space<hbm>> -> memref<26x128xi32, #tpu.memory_space<hbm>>
      tpu.wait_dma2 semaphore(%run_scoped3A : memref<!tpu.dma_semaphore, #tpu.memory_space<semaphore_mem>>) src(%dma_wait3A_2230 : memref<26x128xi32, #tpu.memory_space<hbm>>) dst(%arg9 : memref<26x128xi32, #tpu.memory_space<vmem>>)
      tpu.yield
    }) : () -> ()
    %dma_wait3A = arith.constant 0 : i32
    %dma_wait3A_25 = arith.constant 0 : i32
    %dma_wait3A_26 = tpu.memref_slice %arg4[%dma_wait3A, %dma_wait3A_25] : memref<1000000x16xf32, #tpu.memory_space<hbm>> -> memref<1000000x16xf32, #tpu.memory_space<hbm>>
    tpu.wait_indirect_dma semaphore(%arg12 : memref<!tpu.dma_semaphore, #tpu.memory_space<semaphore_mem>>) src(%dma_wait3A_26 : memref<1000000x16xf32, #tpu.memory_space<hbm>>) dst(%arg10 : memref<3328x16xf32, #tpu.memory_space<vmem>>)
    %dma_wait3A_27 = arith.constant 0 : i32
    %dma_wait3A_28 = tpu.memref_slice %arg5[%dma_wait3A_27] : memref<1000000xf32, #tpu.memory_space<hbm>> -> memref<1000000xf32, #tpu.memory_space<hbm>>
    tpu.wait_indirect_dma semaphore(%arg13 : memref<!tpu.dma_semaphore, #tpu.memory_space<semaphore_mem>>) src(%dma_wait3A_28 : memref<1000000xf32, #tpu.memory_space<hbm>>) dst(%arg11 : memref<3328xf32, #tpu.memory_space<vmem>>)
    %dma_start3A_29 = arith.constant 0 : i32
    %dma_start3A_30 = arith.constant 0 : i32
    %dma_start3A_31 = arith.constant 0 : i32
    %dma_start3A_32 = tpu.memref_slice %arg10[%dma_start3A_30, %dma_start3A_31] : memref<3328x16xf32, #tpu.memory_space<vmem>> -> memref<128x16xf32, #tpu.memory_space<vmem>>
    %dma_start3A_33 = arith.constant 0 : i32
    %dma_start3A_34 = tpu.memref_slice %arg9[%dma_start3A_29, %dma_start3A_33] : memref<26x128xi32, #tpu.memory_space<vmem>> -> memref<1x128xi32, #tpu.memory_space<vmem>>
    %dma_start3A_35 = tpu.memref_squeeze %dma_start3A_34 : memref<1x128xi32, #tpu.memory_space<vmem>> -> memref<128xi32, #tpu.memory_space<vmem>>
    %dma_start3A_36 = arith.constant 0 : i32
    %dma_start3A_37 = arith.constant 0 : i32
    %dma_start3A_38 = tpu.memref_slice %arg6[%dma_start3A_36, %dma_start3A_37] : memref<524288x16xf32, #tpu.memory_space<hbm>> -> memref<524288x16xf32, #tpu.memory_space<hbm>>
    tpu.enqueue_indirect_dma source(%dma_start3A_32 : memref<128x16xf32, #tpu.memory_space<vmem>>) target(%dma_start3A_38 : memref<524288x16xf32, #tpu.memory_space<hbm>>) offsets(%dma_start3A_35 : memref<128xi32, #tpu.memory_space<vmem>>) semaphore(%arg12 : memref<!tpu.dma_semaphore, #tpu.memory_space<semaphore_mem>>)
    %dma_start3A_39 = arith.constant 1 : i32
    %dma_start3A_40 = arith.constant 128 : i32
    %dma_start3A_41 = arith.constant 0 : i32
    %dma_start3A_42 = tpu.memref_slice %arg10[%dma_start3A_40, %dma_start3A_41] : memref<3328x16xf32, #tpu.memory_space<vmem>> -> memref<128x16xf32, #tpu.memory_space<vmem>>
    %dma_start3A_43 = arith.constant 0 : i32
    %dma_start3A_44 = tpu.memref_slice %arg9[%dma_start3A_39, %dma_start3A_43] : memref<26x128xi32, #tpu.memory_space<vmem>> -> memref<1x128xi32, #tpu.memory_space<vmem>>
    %dma_start3A_45 = tpu.memref_squeeze %dma_start3A_44 : memref<1x128xi32, #tpu.memory_space<vmem>> -> memref<128xi32, #tpu.memory_space<vmem>>
    %dma_start3A_46 = arith.constant 0 : i32
    %dma_start3A_47 = arith.constant 0 : i32
    %dma_start3A_48 = tpu.memref_slice %arg6[%dma_start3A_46, %dma_start3A_47] : memref<524288x16xf32, #tpu.memory_space<hbm>> -> memref<524288x16xf32, #tpu.memory_space<hbm>>
    tpu.enqueue_indirect_dma source(%dma_start3A_42 : memref<128x16xf32, #tpu.memory_space<vmem>>) target(%dma_start3A_48 : memref<524288x16xf32, #tpu.memory_space<hbm>>) offsets(%dma_start3A_45 : memref<128xi32, #tpu.memory_space<vmem>>) semaphore(%arg12 : memref<!tpu.dma_semaphore, #tpu.memory_space<semaphore_mem>>)
    %dma_start3A_49 = arith.constant 2 : i32
    %dma_start3A_50 = arith.constant 256 : i32
    %dma_start3A_51 = arith.constant 0 : i32
    %dma_start3A_52 = tpu.memref_slice %arg10[%dma_start3A_50, %dma_start3A_51] : memref<3328x16xf32, #tpu.memory_space<vmem>> -> memref<128x16xf32, #tpu.memory_space<vmem>>
    %dma_start3A_53 = arith.constant 0 : i32
    %dma_start3A_54 = tpu.memref_slice %arg9[%dma_start3A_49, %dma_start3A_53] : memref<26x128xi32, #tpu.memory_space<vmem>> -> memref<1x128xi32, #tpu.memory_space<vmem>>
    %dma_start3A_55 = tpu.memref_squeeze %dma_start3A_54 : memref<1x128xi32, #tpu.memory_space<vmem>> -> memref<128xi32, #tpu.memory_space<vmem>>
    %dma_start3A_56 = arith.constant 0 : i32
    %dma_start3A_57 = arith.constant 0 : i32
    %dma_start3A_58 = tpu.memref_slice %arg6[%dma_start3A_56, %dma_start3A_57] : memref<524288x16xf32, #tpu.memory_space<hbm>> -> memref<524288x16xf32, #tpu.memory_space<hbm>>
    tpu.enqueue_indirect_dma source(%dma_start3A_52 : memref<128x16xf32, #tpu.memory_space<vmem>>) target(%dma_start3A_58 : memref<524288x16xf32, #tpu.memory_space<hbm>>) offsets(%dma_start3A_55 : memref<128xi32, #tpu.memory_space<vmem>>) semaphore(%arg12 : memref<!tpu.dma_semaphore, #tpu.memory_space<semaphore_mem>>)
    %dma_start3A_59 = arith.constant 3 : i32
    %dma_start3A_60 = arith.constant 384 : i32
    %dma_start3A_61 = arith.constant 0 : i32
    %dma_start3A_62 = tpu.memref_slice %arg10[%dma_start3A_60, %dma_start3A_61] : memref<3328x16xf32, #tpu.memory_space<vmem>> -> memref<128x16xf32, #tpu.memory_space<vmem>>
    %dma_start3A_63 = arith.constant 0 : i32
    %dma_start3A_64 = tpu.memref_slice %arg9[%dma_start3A_59, %dma_start3A_63] : memref<26x128xi32, #tpu.memory_space<vmem>> -> memref<1x128xi32, #tpu.memory_space<vmem>>
    %dma_start3A_65 = tpu.memref_squeeze %dma_start3A_64 : memref<1x128xi32, #tpu.memory_space<vmem>> -> memref<128xi32, #tpu.memory_space<vmem>>
    %dma_start3A_66 = arith.constant 0 : i32
    %dma_start3A_67 = arith.constant 0 : i32
    %dma_start3A_68 = tpu.memref_slice %arg6[%dma_start3A_66, %dma_start3A_67] : memref<524288x16xf32, #tpu.memory_space<hbm>> -> memref<524288x16xf32, #tpu.memory_space<hbm>>
    tpu.enqueue_indirect_dma source(%dma_start3A_62 : memref<128x16xf32, #tpu.memory_space<vmem>>) target(%dma_start3A_68 : memref<524288x16xf32, #tpu.memory_space<hbm>>) offsets(%dma_start3A_65 : memref<128xi32, #tpu.memory_space<vmem>>) semaphore(%arg12 : memref<!tpu.dma_semaphore, #tpu.memory_space<semaphore_mem>>)
    %dma_start3A_69 = arith.constant 4 : i32
    %dma_start3A_70 = arith.constant 512 : i32
    %dma_start3A_71 = arith.constant 0 : i32
    %dma_start3A_72 = tpu.memref_slice %arg10[%dma_start3A_70, %dma_start3A_71] : memref<3328x16xf32, #tpu.memory_space<vmem>> -> memref<128x16xf32, #tpu.memory_space<vmem>>
    %dma_start3A_73 = arith.constant 0 : i32
    %dma_start3A_74 = tpu.memref_slice %arg9[%dma_start3A_69, %dma_start3A_73] : memref<26x128xi32, #tpu.memory_space<vmem>> -> memref<1x128xi32, #tpu.memory_space<vmem>>
    %dma_start3A_75 = tpu.memref_squeeze %dma_start3A_74 : memref<1x128xi32, #tpu.memory_space<vmem>> -> memref<128xi32, #tpu.memory_space<vmem>>
    %dma_start3A_76 = arith.constant 0 : i32
    %dma_start3A_77 = arith.constant 0 : i32
    %dma_start3A_78 = tpu.memref_slice %arg6[%dma_start3A_76, %dma_start3A_77] : memref<524288x16xf32, #tpu.memory_space<hbm>> -> memref<524288x16xf32, #tpu.memory_space<hbm>>
    tpu.enqueue_indirect_dma source(%dma_start3A_72 : memref<128x16xf32, #tpu.memory_space<vmem>>) target(%dma_start3A_78 : memref<524288x16xf32, #tpu.memory_space<hbm>>) offsets(%dma_start3A_75 : memref<128xi32, #tpu.memory_space<vmem>>) semaphore(%arg12 : memref<!tpu.dma_semaphore, #tpu.memory_space<semaphore_mem>>)
    %dma_start3A_79 = arith.constant 5 : i32
    %dma_start3A_80 = arith.constant 640 : i32
    %dma_start3A_81 = arith.constant 0 : i32
    %dma_start3A_82 = tpu.memref_slice %arg10[%dma_start3A_80, %dma_start3A_81] : memref<3328x16xf32, #tpu.memory_space<vmem>> -> memref<128x16xf32, #tpu.memory_space<vmem>>
    %dma_start3A_83 = arith.constant 0 : i32
    %dma_start3A_84 = tpu.memref_slice %arg9[%dma_start3A_79, %dma_start3A_83] : memref<26x128xi32, #tpu.memory_space<vmem>> -> memref<1x128xi32, #tpu.memory_space<vmem>>
    %dma_start3A_85 = tpu.memref_squeeze %dma_start3A_84 : memref<1x128xi32, #tpu.memory_space<vmem>> -> memref<128xi32, #tpu.memory_space<vmem>>
    %dma_start3A_86 = arith.constant 0 : i32
    %dma_start3A_87 = arith.constant 0 : i32
    %dma_start3A_88 = tpu.memref_slice %arg6[%dma_start3A_86, %dma_start3A_87] : memref<524288x16xf32, #tpu.memory_space<hbm>> -> memref<524288x16xf32, #tpu.memory_space<hbm>>
    tpu.enqueue_indirect_dma source(%dma_start3A_82 : memref<128x16xf32, #tpu.memory_space<vmem>>) target(%dma_start3A_88 : memref<524288x16xf32, #tpu.memory_space<hbm>>) offsets(%dma_start3A_85 : memref<128xi32, #tpu.memory_space<vmem>>) semaphore(%arg12 : memref<!tpu.dma_semaphore, #tpu.memory_space<semaphore_mem>>)
    %dma_start3A_89 = arith.constant 6 : i32
    %dma_start3A_90 = arith.constant 768 : i32
    %dma_start3A_91 = arith.constant 0 : i32
    %dma_start3A_92 = tpu.memref_slice %arg10[%dma_start3A_90, %dma_start3A_91] : memref<3328x16xf32, #tpu.memory_space<vmem>> -> memref<128x16xf32, #tpu.memory_space<vmem>>
    %dma_start3A_93 = arith.constant 0 : i32
    %dma_start3A_94 = tpu.memref_slice %arg9[%dma_start3A_89, %dma_start3A_93] : memref<26x128xi32, #tpu.memory_space<vmem>> -> memref<1x128xi32, #tpu.memory_space<vmem>>
    %dma_start3A_95 = tpu.memref_squeeze %dma_start3A_94 : memref<1x128xi32, #tpu.memory_space<vmem>> -> memref<128xi32, #tpu.memory_space<vmem>>
    %dma_start3A_96 = arith.constant 0 : i32
    %dma_start3A_97 = arith.constant 0 : i32
    %dma_start3A_98 = tpu.memref_slice %arg6[%dma_start3A_96, %dma_start3A_97] : memref<524288x16xf32, #tpu.memory_space<hbm>> -> memref<524288x16xf32, #tpu.memory_space<hbm>>
    tpu.enqueue_indirect_dma source(%dma_start3A_92 : memref<128x16xf32, #tpu.memory_space<vmem>>) target(%dma_start3A_98 : memref<524288x16xf32, #tpu.memory_space<hbm>>) offsets(%dma_start3A_95 : memref<128xi32, #tpu.memory_space<vmem>>) semaphore(%arg12 : memref<!tpu.dma_semaphore, #tpu.memory_space<semaphore_mem>>)
    %dma_start3A_99 = arith.constant 7 : i32
    %dma_start3A_100 = arith.constant 896 : i32
    %dma_start3A_101 = arith.constant 0 : i32
    %dma_start3A_102 = tpu.memref_slice %arg10[%dma_start3A_100, %dma_start3A_101] : memref<3328x16xf32, #tpu.memory_space<vmem>> -> memref<128x16xf32, #tpu.memory_space<vmem>>
    %dma_start3A_103 = arith.constant 0 : i32
    %dma_start3A_104 = tpu.memref_slice %arg9[%dma_start3A_99, %dma_start3A_103] : memref<26x128xi32, #tpu.memory_space<vmem>> -> memref<1x128xi32, #tpu.memory_space<vmem>>
    %dma_start3A_105 = tpu.memref_squeeze %dma_start3A_104 : memref<1x128xi32, #tpu.memory_space<vmem>> -> memref<128xi32, #tpu.memory_space<vmem>>
    %dma_start3A_106 = arith.constant 0 : i32
    %dma_start3A_107 = arith.constant 0 : i32
    %dma_start3A_108 = tpu.memref_slice %arg6[%dma_start3A_106, %dma_start3A_107] : memref<524288x16xf32, #tpu.memory_space<hbm>> -> memref<524288x16xf32, #tpu.memory_space<hbm>>
    tpu.enqueue_indirect_dma source(%dma_start3A_102 : memref<128x16xf32, #tpu.memory_space<vmem>>) target(%dma_start3A_108 : memref<524288x16xf32, #tpu.memory_space<hbm>>) offsets(%dma_start3A_105 : memref<128xi32, #tpu.memory_space<vmem>>) semaphore(%arg12 : memref<!tpu.dma_semaphore, #tpu.memory_space<semaphore_mem>>)
    %dma_start3A_109 = arith.constant 8 : i32
    %dma_start3A_110 = arith.constant 1024 : i32
    %dma_start3A_111 = arith.constant 0 : i32
    %dma_start3A_112 = tpu.memref_slice %arg10[%dma_start3A_110, %dma_start3A_111] : memref<3328x16xf32, #tpu.memory_space<vmem>> -> memref<128x16xf32, #tpu.memory_space<vmem>>
    %dma_start3A_113 = arith.constant 0 : i32
    %dma_start3A_114 = tpu.memref_slice %arg9[%dma_start3A_109, %dma_start3A_113] : memref<26x128xi32, #tpu.memory_space<vmem>> -> memref<1x128xi32, #tpu.memory_space<vmem>>
    %dma_start3A_115 = tpu.memref_squeeze %dma_start3A_114 : memref<1x128xi32, #tpu.memory_space<vmem>> -> memref<128xi32, #tpu.memory_space<vmem>>
    %dma_start3A_116 = arith.constant 0 : i32
    %dma_start3A_117 = arith.constant 0 : i32
    %dma_start3A_118 = tpu.memref_slice %arg6[%dma_start3A_116, %dma_start3A_117] : memref<524288x16xf32, #tpu.memory_space<hbm>> -> memref<524288x16xf32, #tpu.memory_space<hbm>>
    tpu.enqueue_indirect_dma source(%dma_start3A_112 : memref<128x16xf32, #tpu.memory_space<vmem>>) target(%dma_start3A_118 : memref<524288x16xf32, #tpu.memory_space<hbm>>) offsets(%dma_start3A_115 : memref<128xi32, #tpu.memory_space<vmem>>) semaphore(%arg12 : memref<!tpu.dma_semaphore, #tpu.memory_space<semaphore_mem>>)
    %dma_start3A_119 = arith.constant 9 : i32
    %dma_start3A_120 = arith.constant 1152 : i32
    %dma_start3A_121 = arith.constant 0 : i32
    %dma_start3A_122 = tpu.memref_slice %arg10[%dma_start3A_120, %dma_start3A_121] : memref<3328x16xf32, #tpu.memory_space<vmem>> -> memref<128x16xf32, #tpu.memory_space<vmem>>
    %dma_start3A_123 = arith.constant 0 : i32
    %dma_start3A_124 = tpu.memref_slice %arg9[%dma_start3A_119, %dma_start3A_123] : memref<26x128xi32, #tpu.memory_space<vmem>> -> memref<1x128xi32, #tpu.memory_space<vmem>>
    %dma_start3A_125 = tpu.memref_squeeze %dma_start3A_124 : memref<1x128xi32, #tpu.memory_space<vmem>> -> memref<128xi32, #tpu.memory_space<vmem>>
    %dma_start3A_126 = arith.constant 0 : i32
    %dma_start3A_127 = arith.constant 0 : i32
    %dma_start3A_128 = tpu.memref_slice %arg6[%dma_start3A_126, %dma_start3A_127] : memref<524288x16xf32, #tpu.memory_space<hbm>> -> memref<524288x16xf32, #tpu.memory_space<hbm>>
    tpu.enqueue_indirect_dma source(%dma_start3A_122 : memref<128x16xf32, #tpu.memory_space<vmem>>) target(%dma_start3A_128 : memref<524288x16xf32, #tpu.memory_space<hbm>>) offsets(%dma_start3A_125 : memref<128xi32, #tpu.memory_space<vmem>>) semaphore(%arg12 : memref<!tpu.dma_semaphore, #tpu.memory_space<semaphore_mem>>)
    %dma_start3A_129 = arith.constant 10 : i32
    %dma_start3A_130 = arith.constant 1280 : i32
    %dma_start3A_131 = arith.constant 0 : i32
    %dma_start3A_132 = tpu.memref_slice %arg10[%dma_start3A_130, %dma_start3A_131] : memref<3328x16xf32, #tpu.memory_space<vmem>> -> memref<128x16xf32, #tpu.memory_space<vmem>>
    %dma_start3A_133 = arith.constant 0 : i32
    %dma_start3A_134 = tpu.memref_slice %arg9[%dma_start3A_129, %dma_start3A_133] : memref<26x128xi32, #tpu.memory_space<vmem>> -> memref<1x128xi32, #tpu.memory_space<vmem>>
    %dma_start3A_135 = tpu.memref_squeeze %dma_start3A_134 : memref<1x128xi32, #tpu.memory_space<vmem>> -> memref<128xi32, #tpu.memory_space<vmem>>
    %dma_start3A_136 = arith.constant 0 : i32
    %dma_start3A_137 = arith.constant 0 : i32
    %dma_start3A_138 = tpu.memref_slice %arg6[%dma_start3A_136, %dma_start3A_137] : memref<524288x16xf32, #tpu.memory_space<hbm>> -> memref<524288x16xf32, #tpu.memory_space<hbm>>
    tpu.enqueue_indirect_dma source(%dma_start3A_132 : memref<128x16xf32, #tpu.memory_space<vmem>>) target(%dma_start3A_138 : memref<524288x16xf32, #tpu.memory_space<hbm>>) offsets(%dma_start3A_135 : memref<128xi32, #tpu.memory_space<vmem>>) semaphore(%arg12 : memref<!tpu.dma_semaphore, #tpu.memory_space<semaphore_mem>>)
    %dma_start3A_139 = arith.constant 11 : i32
    %dma_start3A_140 = arith.constant 1408 : i32
    %dma_start3A_141 = arith.constant 0 : i32
    %dma_start3A_142 = tpu.memref_slice %arg10[%dma_start3A_140, %dma_start3A_141] : memref<3328x16xf32, #tpu.memory_space<vmem>> -> memref<128x16xf32, #tpu.memory_space<vmem>>
    %dma_start3A_143 = arith.constant 0 : i32
    %dma_start3A_144 = tpu.memref_slice %arg9[%dma_start3A_139, %dma_start3A_143] : memref<26x128xi32, #tpu.memory_space<vmem>> -> memref<1x128xi32, #tpu.memory_space<vmem>>
    %dma_start3A_145 = tpu.memref_squeeze %dma_start3A_144 : memref<1x128xi32, #tpu.memory_space<vmem>> -> memref<128xi32, #tpu.memory_space<vmem>>
    %dma_start3A_146 = arith.constant 0 : i32
    %dma_start3A_147 = arith.constant 0 : i32
    %dma_start3A_148 = tpu.memref_slice %arg6[%dma_start3A_146, %dma_start3A_147] : memref<524288x16xf32, #tpu.memory_space<hbm>> -> memref<524288x16xf32, #tpu.memory_space<hbm>>
    tpu.enqueue_indirect_dma source(%dma_start3A_142 : memref<128x16xf32, #tpu.memory_space<vmem>>) target(%dma_start3A_148 : memref<524288x16xf32, #tpu.memory_space<hbm>>) offsets(%dma_start3A_145 : memref<128xi32, #tpu.memory_space<vmem>>) semaphore(%arg12 : memref<!tpu.dma_semaphore, #tpu.memory_space<semaphore_mem>>)
    %dma_start3A_149 = arith.constant 12 : i32
    %dma_start3A_150 = arith.constant 1536 : i32
    %dma_start3A_151 = arith.constant 0 : i32
    %dma_start3A_152 = tpu.memref_slice %arg10[%dma_start3A_150, %dma_start3A_151] : memref<3328x16xf32, #tpu.memory_space<vmem>> -> memref<128x16xf32, #tpu.memory_space<vmem>>
    %dma_start3A_153 = arith.constant 0 : i32
    %dma_start3A_154 = tpu.memref_slice %arg9[%dma_start3A_149, %dma_start3A_153] : memref<26x128xi32, #tpu.memory_space<vmem>> -> memref<1x128xi32, #tpu.memory_space<vmem>>
    %dma_start3A_155 = tpu.memref_squeeze %dma_start3A_154 : memref<1x128xi32, #tpu.memory_space<vmem>> -> memref<128xi32, #tpu.memory_space<vmem>>
    %dma_start3A_156 = arith.constant 0 : i32
    %dma_start3A_157 = arith.constant 0 : i32
    %dma_start3A_158 = tpu.memref_slice %arg6[%dma_start3A_156, %dma_start3A_157] : memref<524288x16xf32, #tpu.memory_space<hbm>> -> memref<524288x16xf32, #tpu.memory_space<hbm>>
    tpu.enqueue_indirect_dma source(%dma_start3A_152 : memref<128x16xf32, #tpu.memory_space<vmem>>) target(%dma_start3A_158 : memref<524288x16xf32, #tpu.memory_space<hbm>>) offsets(%dma_start3A_155 : memref<128xi32, #tpu.memory_space<vmem>>) semaphore(%arg12 : memref<!tpu.dma_semaphore, #tpu.memory_space<semaphore_mem>>)
    %dma_start3A_159 = arith.constant 13 : i32
    %dma_start3A_160 = arith.constant 1664 : i32
    %dma_start3A_161 = arith.constant 0 : i32
    %dma_start3A_162 = tpu.memref_slice %arg10[%dma_start3A_160, %dma_start3A_161] : memref<3328x16xf32, #tpu.memory_space<vmem>> -> memref<128x16xf32, #tpu.memory_space<vmem>>
    %dma_start3A_163 = arith.constant 0 : i32
    %dma_start3A_164 = tpu.memref_slice %arg9[%dma_start3A_159, %dma_start3A_163] : memref<26x128xi32, #tpu.memory_space<vmem>> -> memref<1x128xi32, #tpu.memory_space<vmem>>
    %dma_start3A_165 = tpu.memref_squeeze %dma_start3A_164 : memref<1x128xi32, #tpu.memory_space<vmem>> -> memref<128xi32, #tpu.memory_space<vmem>>
    %dma_start3A_166 = arith.constant 0 : i32
    %dma_start3A_167 = arith.constant 0 : i32
    %dma_start3A_168 = tpu.memref_slice %arg6[%dma_start3A_166, %dma_start3A_167] : memref<524288x16xf32, #tpu.memory_space<hbm>> -> memref<524288x16xf32, #tpu.memory_space<hbm>>
    tpu.enqueue_indirect_dma source(%dma_start3A_162 : memref<128x16xf32, #tpu.memory_space<vmem>>) target(%dma_start3A_168 : memref<524288x16xf32, #tpu.memory_space<hbm>>) offsets(%dma_start3A_165 : memref<128xi32, #tpu.memory_space<vmem>>) semaphore(%arg12 : memref<!tpu.dma_semaphore, #tpu.memory_space<semaphore_mem>>)
    %dma_start3A_169 = arith.constant 14 : i32
    %dma_start3A_170 = arith.constant 1792 : i32
    %dma_start3A_171 = arith.constant 0 : i32
    %dma_start3A_172 = tpu.memref_slice %arg10[%dma_start3A_170, %dma_start3A_171] : memref<3328x16xf32, #tpu.memory_space<vmem>> -> memref<128x16xf32, #tpu.memory_space<vmem>>
    %dma_start3A_173 = arith.constant 0 : i32
    %dma_start3A_174 = tpu.memref_slice %arg9[%dma_start3A_169, %dma_start3A_173] : memref<26x128xi32, #tpu.memory_space<vmem>> -> memref<1x128xi32, #tpu.memory_space<vmem>>
    %dma_start3A_175 = tpu.memref_squeeze %dma_start3A_174 : memref<1x128xi32, #tpu.memory_space<vmem>> -> memref<128xi32, #tpu.memory_space<vmem>>
    %dma_start3A_176 = arith.constant 0 : i32
    %dma_start3A_177 = arith.constant 0 : i32
    %dma_start3A_178 = tpu.memref_slice %arg6[%dma_start3A_176, %dma_start3A_177] : memref<524288x16xf32, #tpu.memory_space<hbm>> -> memref<524288x16xf32, #tpu.memory_space<hbm>>
    tpu.enqueue_indirect_dma source(%dma_start3A_172 : memref<128x16xf32, #tpu.memory_space<vmem>>) target(%dma_start3A_178 : memref<524288x16xf32, #tpu.memory_space<hbm>>) offsets(%dma_start3A_175 : memref<128xi32, #tpu.memory_space<vmem>>) semaphore(%arg12 : memref<!tpu.dma_semaphore, #tpu.memory_space<semaphore_mem>>)
    %dma_start3A_179 = arith.constant 15 : i32
    %dma_start3A_180 = arith.constant 1920 : i32
    %dma_start3A_181 = arith.constant 0 : i32
    %dma_start3A_182 = tpu.memref_slice %arg10[%dma_start3A_180, %dma_start3A_181] : memref<3328x16xf32, #tpu.memory_space<vmem>> -> memref<128x16xf32, #tpu.memory_space<vmem>>
    %dma_start3A_183 = arith.constant 0 : i32
    %dma_start3A_184 = tpu.memref_slice %arg9[%dma_start3A_179, %dma_start3A_183] : memref<26x128xi32, #tpu.memory_space<vmem>> -> memref<1x128xi32, #tpu.memory_space<vmem>>
    %dma_start3A_185 = tpu.memref_squeeze %dma_start3A_184 : memref<1x128xi32, #tpu.memory_space<vmem>> -> memref<128xi32, #tpu.memory_space<vmem>>
    %dma_start3A_186 = arith.constant 0 : i32
    %dma_start3A_187 = arith.constant 0 : i32
    %dma_start3A_188 = tpu.memref_slice %arg6[%dma_start3A_186, %dma_start3A_187] : memref<524288x16xf32, #tpu.memory_space<hbm>> -> memref<524288x16xf32, #tpu.memory_space<hbm>>
    tpu.enqueue_indirect_dma source(%dma_start3A_182 : memref<128x16xf32, #tpu.memory_space<vmem>>) target(%dma_start3A_188 : memref<524288x16xf32, #tpu.memory_space<hbm>>) offsets(%dma_start3A_185 : memref<128xi32, #tpu.memory_space<vmem>>) semaphore(%arg12 : memref<!tpu.dma_semaphore, #tpu.memory_space<semaphore_mem>>)
    %dma_start3A_189 = arith.constant 16 : i32
    %dma_start3A_190 = arith.constant 2048 : i32
    %dma_start3A_191 = arith.constant 0 : i32
    %dma_start3A_192 = tpu.memref_slice %arg10[%dma_start3A_190, %dma_start3A_191] : memref<3328x16xf32, #tpu.memory_space<vmem>> -> memref<128x16xf32, #tpu.memory_space<vmem>>
    %dma_start3A_193 = arith.constant 0 : i32
    %dma_start3A_194 = tpu.memref_slice %arg9[%dma_start3A_189, %dma_start3A_193] : memref<26x128xi32, #tpu.memory_space<vmem>> -> memref<1x128xi32, #tpu.memory_space<vmem>>
    %dma_start3A_195 = tpu.memref_squeeze %dma_start3A_194 : memref<1x128xi32, #tpu.memory_space<vmem>> -> memref<128xi32, #tpu.memory_space<vmem>>
    %dma_start3A_196 = arith.constant 0 : i32
    %dma_start3A_197 = arith.constant 0 : i32
    %dma_start3A_198 = tpu.memref_slice %arg6[%dma_start3A_196, %dma_start3A_197] : memref<524288x16xf32, #tpu.memory_space<hbm>> -> memref<524288x16xf32, #tpu.memory_space<hbm>>
    tpu.enqueue_indirect_dma source(%dma_start3A_192 : memref<128x16xf32, #tpu.memory_space<vmem>>) target(%dma_start3A_198 : memref<524288x16xf32, #tpu.memory_space<hbm>>) offsets(%dma_start3A_195 : memref<128xi32, #tpu.memory_space<vmem>>) semaphore(%arg12 : memref<!tpu.dma_semaphore, #tpu.memory_space<semaphore_mem>>)
    %dma_start3A_199 = arith.constant 17 : i32
    %dma_start3A_200 = arith.constant 2176 : i32
    %dma_start3A_201 = arith.constant 0 : i32
    %dma_start3A_202 = tpu.memref_slice %arg10[%dma_start3A_200, %dma_start3A_201] : memref<3328x16xf32, #tpu.memory_space<vmem>> -> memref<128x16xf32, #tpu.memory_space<vmem>>
    %dma_start3A_203 = arith.constant 0 : i32
    %dma_start3A_204 = tpu.memref_slice %arg9[%dma_start3A_199, %dma_start3A_203] : memref<26x128xi32, #tpu.memory_space<vmem>> -> memref<1x128xi32, #tpu.memory_space<vmem>>
    %dma_start3A_205 = tpu.memref_squeeze %dma_start3A_204 : memref<1x128xi32, #tpu.memory_space<vmem>> -> memref<128xi32, #tpu.memory_space<vmem>>
    %dma_start3A_206 = arith.constant 0 : i32
    %dma_start3A_207 = arith.constant 0 : i32
    %dma_start3A_208 = tpu.memref_slice %arg6[%dma_start3A_206, %dma_start3A_207] : memref<524288x16xf32, #tpu.memory_space<hbm>> -> memref<524288x16xf32, #tpu.memory_space<hbm>>
    tpu.enqueue_indirect_dma source(%dma_start3A_202 : memref<128x16xf32, #tpu.memory_space<vmem>>) target(%dma_start3A_208 : memref<524288x16xf32, #tpu.memory_space<hbm>>) offsets(%dma_start3A_205 : memref<128xi32, #tpu.memory_space<vmem>>) semaphore(%arg12 : memref<!tpu.dma_semaphore, #tpu.memory_space<semaphore_mem>>)
    %dma_start3A_209 = arith.constant 18 : i32
    %dma_start3A_210 = arith.constant 2304 : i32
    %dma_start3A_211 = arith.constant 0 : i32
    %dma_start3A_212 = tpu.memref_slice %arg10[%dma_start3A_210, %dma_start3A_211] : memref<3328x16xf32, #tpu.memory_space<vmem>> -> memref<128x16xf32, #tpu.memory_space<vmem>>
    %dma_start3A_213 = arith.constant 0 : i32
    %dma_start3A_214 = tpu.memref_slice %arg9[%dma_start3A_209, %dma_start3A_213] : memref<26x128xi32, #tpu.memory_space<vmem>> -> memref<1x128xi32, #tpu.memory_space<vmem>>
    %dma_start3A_215 = tpu.memref_squeeze %dma_start3A_214 : memref<1x128xi32, #tpu.memory_space<vmem>> -> memref<128xi32, #tpu.memory_space<vmem>>
    %dma_start3A_216 = arith.constant 0 : i32
    %dma_start3A_217 = arith.constant 0 : i32
    %dma_start3A_218 = tpu.memref_slice %arg6[%dma_start3A_216, %dma_start3A_217] : memref<524288x16xf32, #tpu.memory_space<hbm>> -> memref<524288x16xf32, #tpu.memory_space<hbm>>
    tpu.enqueue_indirect_dma source(%dma_start3A_212 : memref<128x16xf32, #tpu.memory_space<vmem>>) target(%dma_start3A_218 : memref<524288x16xf32, #tpu.memory_space<hbm>>) offsets(%dma_start3A_215 : memref<128xi32, #tpu.memory_space<vmem>>) semaphore(%arg12 : memref<!tpu.dma_semaphore, #tpu.memory_space<semaphore_mem>>)
    %dma_start3A_219 = arith.constant 19 : i32
    %dma_start3A_220 = arith.constant 2432 : i32
    %dma_start3A_221 = arith.constant 0 : i32
    %dma_start3A_222 = tpu.memref_slice %arg10[%dma_start3A_220, %dma_start3A_221] : memref<3328x16xf32, #tpu.memory_space<vmem>> -> memref<128x16xf32, #tpu.memory_space<vmem>>
    %dma_start3A_223 = arith.constant 0 : i32
    %dma_start3A_224 = tpu.memref_slice %arg9[%dma_start3A_219, %dma_start3A_223] : memref<26x128xi32, #tpu.memory_space<vmem>> -> memref<1x128xi32, #tpu.memory_space<vmem>>
    %dma_start3A_225 = tpu.memref_squeeze %dma_start3A_224 : memref<1x128xi32, #tpu.memory_space<vmem>> -> memref<128xi32, #tpu.memory_space<vmem>>
    %dma_start3A_226 = arith.constant 0 : i32
    %dma_start3A_227 = arith.constant 0 : i32
    %dma_start3A_228 = tpu.memref_slice %arg6[%dma_start3A_226, %dma_start3A_227] : memref<524288x16xf32, #tpu.memory_space<hbm>> -> memref<524288x16xf32, #tpu.memory_space<hbm>>
    tpu.enqueue_indirect_dma source(%dma_start3A_222 : memref<128x16xf32, #tpu.memory_space<vmem>>) target(%dma_start3A_228 : memref<524288x16xf32, #tpu.memory_space<hbm>>) offsets(%dma_start3A_225 : memref<128xi32, #tpu.memory_space<vmem>>) semaphore(%arg12 : memref<!tpu.dma_semaphore, #tpu.memory_space<semaphore_mem>>)
    %dma_start3A_229 = arith.constant 20 : i32
    %dma_start3A_230 = arith.constant 2560 : i32
    %dma_start3A_231 = arith.constant 0 : i32
    %dma_start3A_232 = tpu.memref_slice %arg10[%dma_start3A_230, %dma_start3A_231] : memref<3328x16xf32, #tpu.memory_space<vmem>> -> memref<128x16xf32, #tpu.memory_space<vmem>>
    %dma_start3A_233 = arith.constant 0 : i32
    %dma_start3A_234 = tpu.memref_slice %arg9[%dma_start3A_229, %dma_start3A_233] : memref<26x128xi32, #tpu.memory_space<vmem>> -> memref<1x128xi32, #tpu.memory_space<vmem>>
    %dma_start3A_235 = tpu.memref_squeeze %dma_start3A_234 : memref<1x128xi32, #tpu.memory_space<vmem>> -> memref<128xi32, #tpu.memory_space<vmem>>
    %dma_start3A_236 = arith.constant 0 : i32
    %dma_start3A_237 = arith.constant 0 : i32
    %dma_start3A_238 = tpu.memref_slice %arg6[%dma_start3A_236, %dma_start3A_237] : memref<524288x16xf32, #tpu.memory_space<hbm>> -> memref<524288x16xf32, #tpu.memory_space<hbm>>
    tpu.enqueue_indirect_dma source(%dma_start3A_232 : memref<128x16xf32, #tpu.memory_space<vmem>>) target(%dma_start3A_238 : memref<524288x16xf32, #tpu.memory_space<hbm>>) offsets(%dma_start3A_235 : memref<128xi32, #tpu.memory_space<vmem>>) semaphore(%arg12 : memref<!tpu.dma_semaphore, #tpu.memory_space<semaphore_mem>>)
    %dma_start3A_239 = arith.constant 21 : i32
    %dma_start3A_240 = arith.constant 2688 : i32
    %dma_start3A_241 = arith.constant 0 : i32
    %dma_start3A_242 = tpu.memref_slice %arg10[%dma_start3A_240, %dma_start3A_241] : memref<3328x16xf32, #tpu.memory_space<vmem>> -> memref<128x16xf32, #tpu.memory_space<vmem>>
    %dma_start3A_243 = arith.constant 0 : i32
    %dma_start3A_244 = tpu.memref_slice %arg9[%dma_start3A_239, %dma_start3A_243] : memref<26x128xi32, #tpu.memory_space<vmem>> -> memref<1x128xi32, #tpu.memory_space<vmem>>
    %dma_start3A_245 = tpu.memref_squeeze %dma_start3A_244 : memref<1x128xi32, #tpu.memory_space<vmem>> -> memref<128xi32, #tpu.memory_space<vmem>>
    %dma_start3A_246 = arith.constant 0 : i32
    %dma_start3A_247 = arith.constant 0 : i32
    %dma_start3A_248 = tpu.memref_slice %arg6[%dma_start3A_246, %dma_start3A_247] : memref<524288x16xf32, #tpu.memory_space<hbm>> -> memref<524288x16xf32, #tpu.memory_space<hbm>>
    tpu.enqueue_indirect_dma source(%dma_start3A_242 : memref<128x16xf32, #tpu.memory_space<vmem>>) target(%dma_start3A_248 : memref<524288x16xf32, #tpu.memory_space<hbm>>) offsets(%dma_start3A_245 : memref<128xi32, #tpu.memory_space<vmem>>) semaphore(%arg12 : memref<!tpu.dma_semaphore, #tpu.memory_space<semaphore_mem>>)
    %dma_start3A_249 = arith.constant 22 : i32
    %dma_start3A_250 = arith.constant 2816 : i32
    %dma_start3A_251 = arith.constant 0 : i32
    %dma_start3A_252 = tpu.memref_slice %arg10[%dma_start3A_250, %dma_start3A_251] : memref<3328x16xf32, #tpu.memory_space<vmem>> -> memref<128x16xf32, #tpu.memory_space<vmem>>
    %dma_start3A_253 = arith.constant 0 : i32
    %dma_start3A_254 = tpu.memref_slice %arg9[%dma_start3A_249, %dma_start3A_253] : memref<26x128xi32, #tpu.memory_space<vmem>> -> memref<1x128xi32, #tpu.memory_space<vmem>>
    %dma_start3A_255 = tpu.memref_squeeze %dma_start3A_254 : memref<1x128xi32, #tpu.memory_space<vmem>> -> memref<128xi32, #tpu.memory_space<vmem>>
    %dma_start3A_256 = arith.constant 0 : i32
    %dma_start3A_257 = arith.constant 0 : i32
    %dma_start3A_258 = tpu.memref_slice %arg6[%dma_start3A_256, %dma_start3A_257] : memref<524288x16xf32, #tpu.memory_space<hbm>> -> memref<524288x16xf32, #tpu.memory_space<hbm>>
    tpu.enqueue_indirect_dma source(%dma_start3A_252 : memref<128x16xf32, #tpu.memory_space<vmem>>) target(%dma_start3A_258 : memref<524288x16xf32, #tpu.memory_space<hbm>>) offsets(%dma_start3A_255 : memref<128xi32, #tpu.memory_space<vmem>>) semaphore(%arg12 : memref<!tpu.dma_semaphore, #tpu.memory_space<semaphore_mem>>)
    %dma_start3A_259 = arith.constant 23 : i32
    %dma_start3A_260 = arith.constant 2944 : i32
    %dma_start3A_261 = arith.constant 0 : i32
    %dma_start3A_262 = tpu.memref_slice %arg10[%dma_start3A_260, %dma_start3A_261] : memref<3328x16xf32, #tpu.memory_space<vmem>> -> memref<128x16xf32, #tpu.memory_space<vmem>>
    %dma_start3A_263 = arith.constant 0 : i32
    %dma_start3A_264 = tpu.memref_slice %arg9[%dma_start3A_259, %dma_start3A_263] : memref<26x128xi32, #tpu.memory_space<vmem>> -> memref<1x128xi32, #tpu.memory_space<vmem>>
    %dma_start3A_265 = tpu.memref_squeeze %dma_start3A_264 : memref<1x128xi32, #tpu.memory_space<vmem>> -> memref<128xi32, #tpu.memory_space<vmem>>
    %dma_start3A_266 = arith.constant 0 : i32
    %dma_start3A_267 = arith.constant 0 : i32
    %dma_start3A_268 = tpu.memref_slice %arg6[%dma_start3A_266, %dma_start3A_267] : memref<524288x16xf32, #tpu.memory_space<hbm>> -> memref<524288x16xf32, #tpu.memory_space<hbm>>
    tpu.enqueue_indirect_dma source(%dma_start3A_262 : memref<128x16xf32, #tpu.memory_space<vmem>>) target(%dma_start3A_268 : memref<524288x16xf32, #tpu.memory_space<hbm>>) offsets(%dma_start3A_265 : memref<128xi32, #tpu.memory_space<vmem>>) semaphore(%arg12 : memref<!tpu.dma_semaphore, #tpu.memory_space<semaphore_mem>>)
    %dma_start3A_269 = arith.constant 24 : i32
    %dma_start3A_270 = arith.constant 3072 : i32
    %dma_start3A_271 = arith.constant 0 : i32
    %dma_start3A_272 = tpu.memref_slice %arg10[%dma_start3A_270, %dma_start3A_271] : memref<3328x16xf32, #tpu.memory_space<vmem>> -> memref<128x16xf32, #tpu.memory_space<vmem>>
    %dma_start3A_273 = arith.constant 0 : i32
    %dma_start3A_274 = tpu.memref_slice %arg9[%dma_start3A_269, %dma_start3A_273] : memref<26x128xi32, #tpu.memory_space<vmem>> -> memref<1x128xi32, #tpu.memory_space<vmem>>
    %dma_start3A_275 = tpu.memref_squeeze %dma_start3A_274 : memref<1x128xi32, #tpu.memory_space<vmem>> -> memref<128xi32, #tpu.memory_space<vmem>>
    %dma_start3A_276 = arith.constant 0 : i32
    %dma_start3A_277 = arith.constant 0 : i32
    %dma_start3A_278 = tpu.memref_slice %arg6[%dma_start3A_276, %dma_start3A_277] : memref<524288x16xf32, #tpu.memory_space<hbm>> -> memref<524288x16xf32, #tpu.memory_space<hbm>>
    tpu.enqueue_indirect_dma source(%dma_start3A_272 : memref<128x16xf32, #tpu.memory_space<vmem>>) target(%dma_start3A_278 : memref<524288x16xf32, #tpu.memory_space<hbm>>) offsets(%dma_start3A_275 : memref<128xi32, #tpu.memory_space<vmem>>) semaphore(%arg12 : memref<!tpu.dma_semaphore, #tpu.memory_space<semaphore_mem>>)
    %dma_start3A_279 = arith.constant 25 : i32
    %dma_start3A_280 = arith.constant 3200 : i32
    %dma_start3A_281 = arith.constant 0 : i32
    %dma_start3A_282 = tpu.memref_slice %arg10[%dma_start3A_280, %dma_start3A_281] : memref<3328x16xf32, #tpu.memory_space<vmem>> -> memref<128x16xf32, #tpu.memory_space<vmem>>
    %dma_start3A_283 = arith.constant 0 : i32
    %dma_start3A_284 = tpu.memref_slice %arg9[%dma_start3A_279, %dma_start3A_283] : memref<26x128xi32, #tpu.memory_space<vmem>> -> memref<1x128xi32, #tpu.memory_space<vmem>>
    %dma_start3A_285 = tpu.memref_squeeze %dma_start3A_284 : memref<1x128xi32, #tpu.memory_space<vmem>> -> memref<128xi32, #tpu.memory_space<vmem>>
    %dma_start3A_286 = arith.constant 0 : i32
    %dma_start3A_287 = arith.constant 0 : i32
    %dma_start3A_288 = tpu.memref_slice %arg6[%dma_start3A_286, %dma_start3A_287] : memref<524288x16xf32, #tpu.memory_space<hbm>> -> memref<524288x16xf32, #tpu.memory_space<hbm>>
    tpu.enqueue_indirect_dma source(%dma_start3A_282 : memref<128x16xf32, #tpu.memory_space<vmem>>) target(%dma_start3A_288 : memref<524288x16xf32, #tpu.memory_space<hbm>>) offsets(%dma_start3A_285 : memref<128xi32, #tpu.memory_space<vmem>>) semaphore(%arg12 : memref<!tpu.dma_semaphore, #tpu.memory_space<semaphore_mem>>)
    %dma_wait3A_289 = arith.constant 0 : i32
    %dma_wait3A_290 = arith.constant 0 : i32
    %dma_wait3A_291 = arith.constant 0 : i32
    %dma_wait3A_292 = tpu.memref_slice %arg10[%dma_wait3A_290, %dma_wait3A_291] : memref<3328x16xf32, #tpu.memory_space<vmem>> -> memref<128x16xf32, #tpu.memory_space<vmem>>
    %dma_wait3A_293 = arith.constant 0 : i32
    %dma_wait3A_294 = tpu.memref_slice %arg9[%dma_wait3A_289, %dma_wait3A_293] : memref<26x128xi32, #tpu.memory_space<vmem>> -> memref<1x128xi32, #tpu.memory_space<vmem>>
    %dma_wait3A_295 = tpu.memref_squeeze %dma_wait3A_294 : memref<1x128xi32, #tpu.memory_space<vmem>> -> memref<128xi32, #tpu.memory_space<vmem>>
    %dma_wait3A_296 = arith.constant 0 : i32
    %dma_wait3A_297 = arith.constant 0 : i32
    %dma_wait3A_298 = tpu.memref_slice %arg6[%dma_wait3A_296, %dma_wait3A_297] : memref<524288x16xf32, #tpu.memory_space<hbm>> -> memref<524288x16xf32, #tpu.memory_space<hbm>>
    tpu.wait_indirect_dma semaphore(%arg12 : memref<!tpu.dma_semaphore, #tpu.memory_space<semaphore_mem>>) src(%dma_wait3A_292 : memref<128x16xf32, #tpu.memory_space<vmem>>) dst(%dma_wait3A_298 : memref<524288x16xf32, #tpu.memory_space<hbm>>)
    %dma_wait3A_299 = arith.constant 1 : i32
    %dma_wait3A_300 = arith.constant 128 : i32
    %dma_wait3A_301 = arith.constant 0 : i32
    %dma_wait3A_302 = tpu.memref_slice %arg10[%dma_wait3A_300, %dma_wait3A_301] : memref<3328x16xf32, #tpu.memory_space<vmem>> -> memref<128x16xf32, #tpu.memory_space<vmem>>
    %dma_wait3A_303 = arith.constant 0 : i32
    %dma_wait3A_304 = tpu.memref_slice %arg9[%dma_wait3A_299, %dma_wait3A_303] : memref<26x128xi32, #tpu.memory_space<vmem>> -> memref<1x128xi32, #tpu.memory_space<vmem>>
    %dma_wait3A_305 = tpu.memref_squeeze %dma_wait3A_304 : memref<1x128xi32, #tpu.memory_space<vmem>> -> memref<128xi32, #tpu.memory_space<vmem>>
    %dma_wait3A_306 = arith.constant 0 : i32
    %dma_wait3A_307 = arith.constant 0 : i32
    %dma_wait3A_308 = tpu.memref_slice %arg6[%dma_wait3A_306, %dma_wait3A_307] : memref<524288x16xf32, #tpu.memory_space<hbm>> -> memref<524288x16xf32, #tpu.memory_space<hbm>>
    tpu.wait_indirect_dma semaphore(%arg12 : memref<!tpu.dma_semaphore, #tpu.memory_space<semaphore_mem>>) src(%dma_wait3A_302 : memref<128x16xf32, #tpu.memory_space<vmem>>) dst(%dma_wait3A_308 : memref<524288x16xf32, #tpu.memory_space<hbm>>)
    %dma_wait3A_309 = arith.constant 2 : i32
    %dma_wait3A_310 = arith.constant 256 : i32
    %dma_wait3A_311 = arith.constant 0 : i32
    %dma_wait3A_312 = tpu.memref_slice %arg10[%dma_wait3A_310, %dma_wait3A_311] : memref<3328x16xf32, #tpu.memory_space<vmem>> -> memref<128x16xf32, #tpu.memory_space<vmem>>
    %dma_wait3A_313 = arith.constant 0 : i32
    %dma_wait3A_314 = tpu.memref_slice %arg9[%dma_wait3A_309, %dma_wait3A_313] : memref<26x128xi32, #tpu.memory_space<vmem>> -> memref<1x128xi32, #tpu.memory_space<vmem>>
    %dma_wait3A_315 = tpu.memref_squeeze %dma_wait3A_314 : memref<1x128xi32, #tpu.memory_space<vmem>> -> memref<128xi32, #tpu.memory_space<vmem>>
    %dma_wait3A_316 = arith.constant 0 : i32
    %dma_wait3A_317 = arith.constant 0 : i32
    %dma_wait3A_318 = tpu.memref_slice %arg6[%dma_wait3A_316, %dma_wait3A_317] : memref<524288x16xf32, #tpu.memory_space<hbm>> -> memref<524288x16xf32, #tpu.memory_space<hbm>>
    tpu.wait_indirect_dma semaphore(%arg12 : memref<!tpu.dma_semaphore, #tpu.memory_space<semaphore_mem>>) src(%dma_wait3A_312 : memref<128x16xf32, #tpu.memory_space<vmem>>) dst(%dma_wait3A_318 : memref<524288x16xf32, #tpu.memory_space<hbm>>)
    %dma_wait3A_319 = arith.constant 3 : i32
    %dma_wait3A_320 = arith.constant 384 : i32
    %dma_wait3A_321 = arith.constant 0 : i32
    %dma_wait3A_322 = tpu.memref_slice %arg10[%dma_wait3A_320, %dma_wait3A_321] : memref<3328x16xf32, #tpu.memory_space<vmem>> -> memref<128x16xf32, #tpu.memory_space<vmem>>
    %dma_wait3A_323 = arith.constant 0 : i32
    %dma_wait3A_324 = tpu.memref_slice %arg9[%dma_wait3A_319, %dma_wait3A_323] : memref<26x128xi32, #tpu.memory_space<vmem>> -> memref<1x128xi32, #tpu.memory_space<vmem>>
    %dma_wait3A_325 = tpu.memref_squeeze %dma_wait3A_324 : memref<1x128xi32, #tpu.memory_space<vmem>> -> memref<128xi32, #tpu.memory_space<vmem>>
    %dma_wait3A_326 = arith.constant 0 : i32
    %dma_wait3A_327 = arith.constant 0 : i32
    %dma_wait3A_328 = tpu.memref_slice %arg6[%dma_wait3A_326, %dma_wait3A_327] : memref<524288x16xf32, #tpu.memory_space<hbm>> -> memref<524288x16xf32, #tpu.memory_space<hbm>>
    tpu.wait_indirect_dma semaphore(%arg12 : memref<!tpu.dma_semaphore, #tpu.memory_space<semaphore_mem>>) src(%dma_wait3A_322 : memref<128x16xf32, #tpu.memory_space<vmem>>) dst(%dma_wait3A_328 : memref<524288x16xf32, #tpu.memory_space<hbm>>)
    %dma_wait3A_329 = arith.constant 4 : i32
    %dma_wait3A_330 = arith.constant 512 : i32
    %dma_wait3A_331 = arith.constant 0 : i32
    %dma_wait3A_332 = tpu.memref_slice %arg10[%dma_wait3A_330, %dma_wait3A_331] : memref<3328x16xf32, #tpu.memory_space<vmem>> -> memref<128x16xf32, #tpu.memory_space<vmem>>
    %dma_wait3A_333 = arith.constant 0 : i32
    %dma_wait3A_334 = tpu.memref_slice %arg9[%dma_wait3A_329, %dma_wait3A_333] : memref<26x128xi32, #tpu.memory_space<vmem>> -> memref<1x128xi32, #tpu.memory_space<vmem>>
    %dma_wait3A_335 = tpu.memref_squeeze %dma_wait3A_334 : memref<1x128xi32, #tpu.memory_space<vmem>> -> memref<128xi32, #tpu.memory_space<vmem>>
    %dma_wait3A_336 = arith.constant 0 : i32
    %dma_wait3A_337 = arith.constant 0 : i32
    %dma_wait3A_338 = tpu.memref_slice %arg6[%dma_wait3A_336, %dma_wait3A_337] : memref<524288x16xf32, #tpu.memory_space<hbm>> -> memref<524288x16xf32, #tpu.memory_space<hbm>>
    tpu.wait_indirect_dma semaphore(%arg12 : memref<!tpu.dma_semaphore, #tpu.memory_space<semaphore_mem>>) src(%dma_wait3A_332 : memref<128x16xf32, #tpu.memory_space<vmem>>) dst(%dma_wait3A_338 : memref<524288x16xf32, #tpu.memory_space<hbm>>)
    %dma_wait3A_339 = arith.constant 5 : i32
    %dma_wait3A_340 = arith.constant 640 : i32
    %dma_wait3A_341 = arith.constant 0 : i32
    %dma_wait3A_342 = tpu.memref_slice %arg10[%dma_wait3A_340, %dma_wait3A_341] : memref<3328x16xf32, #tpu.memory_space<vmem>> -> memref<128x16xf32, #tpu.memory_space<vmem>>
    %dma_wait3A_343 = arith.constant 0 : i32
    %dma_wait3A_344 = tpu.memref_slice %arg9[%dma_wait3A_339, %dma_wait3A_343] : memref<26x128xi32, #tpu.memory_space<vmem>> -> memref<1x128xi32, #tpu.memory_space<vmem>>
    %dma_wait3A_345 = tpu.memref_squeeze %dma_wait3A_344 : memref<1x128xi32, #tpu.memory_space<vmem>> -> memref<128xi32, #tpu.memory_space<vmem>>
    %dma_wait3A_346 = arith.constant 0 : i32
    %dma_wait3A_347 = arith.constant 0 : i32
    %dma_wait3A_348 = tpu.memref_slice %arg6[%dma_wait3A_346, %dma_wait3A_347] : memref<524288x16xf32, #tpu.memory_space<hbm>> -> memref<524288x16xf32, #tpu.memory_space<hbm>>
    tpu.wait_indirect_dma semaphore(%arg12 : memref<!tpu.dma_semaphore, #tpu.memory_space<semaphore_mem>>) src(%dma_wait3A_342 : memref<128x16xf32, #tpu.memory_space<vmem>>) dst(%dma_wait3A_348 : memref<524288x16xf32, #tpu.memory_space<hbm>>)
    %dma_wait3A_349 = arith.constant 6 : i32
    %dma_wait3A_350 = arith.constant 768 : i32
    %dma_wait3A_351 = arith.constant 0 : i32
    %dma_wait3A_352 = tpu.memref_slice %arg10[%dma_wait3A_350, %dma_wait3A_351] : memref<3328x16xf32, #tpu.memory_space<vmem>> -> memref<128x16xf32, #tpu.memory_space<vmem>>
    %dma_wait3A_353 = arith.constant 0 : i32
    %dma_wait3A_354 = tpu.memref_slice %arg9[%dma_wait3A_349, %dma_wait3A_353] : memref<26x128xi32, #tpu.memory_space<vmem>> -> memref<1x128xi32, #tpu.memory_space<vmem>>
    %dma_wait3A_355 = tpu.memref_squeeze %dma_wait3A_354 : memref<1x128xi32, #tpu.memory_space<vmem>> -> memref<128xi32, #tpu.memory_space<vmem>>
    %dma_wait3A_356 = arith.constant 0 : i32
    %dma_wait3A_357 = arith.constant 0 : i32
    %dma_wait3A_358 = tpu.memref_slice %arg6[%dma_wait3A_356, %dma_wait3A_357] : memref<524288x16xf32, #tpu.memory_space<hbm>> -> memref<524288x16xf32, #tpu.memory_space<hbm>>
    tpu.wait_indirect_dma semaphore(%arg12 : memref<!tpu.dma_semaphore, #tpu.memory_space<semaphore_mem>>) src(%dma_wait3A_352 : memref<128x16xf32, #tpu.memory_space<vmem>>) dst(%dma_wait3A_358 : memref<524288x16xf32, #tpu.memory_space<hbm>>)
    %dma_wait3A_359 = arith.constant 7 : i32
    %dma_wait3A_360 = arith.constant 896 : i32
    %dma_wait3A_361 = arith.constant 0 : i32
    %dma_wait3A_362 = tpu.memref_slice %arg10[%dma_wait3A_360, %dma_wait3A_361] : memref<3328x16xf32, #tpu.memory_space<vmem>> -> memref<128x16xf32, #tpu.memory_space<vmem>>
    %dma_wait3A_363 = arith.constant 0 : i32
    %dma_wait3A_364 = tpu.memref_slice %arg9[%dma_wait3A_359, %dma_wait3A_363] : memref<26x128xi32, #tpu.memory_space<vmem>> -> memref<1x128xi32, #tpu.memory_space<vmem>>
    %dma_wait3A_365 = tpu.memref_squeeze %dma_wait3A_364 : memref<1x128xi32, #tpu.memory_space<vmem>> -> memref<128xi32, #tpu.memory_space<vmem>>
    %dma_wait3A_366 = arith.constant 0 : i32
    %dma_wait3A_367 = arith.constant 0 : i32
    %dma_wait3A_368 = tpu.memref_slice %arg6[%dma_wait3A_366, %dma_wait3A_367] : memref<524288x16xf32, #tpu.memory_space<hbm>> -> memref<524288x16xf32, #tpu.memory_space<hbm>>
    tpu.wait_indirect_dma semaphore(%arg12 : memref<!tpu.dma_semaphore, #tpu.memory_space<semaphore_mem>>) src(%dma_wait3A_362 : memref<128x16xf32, #tpu.memory_space<vmem>>) dst(%dma_wait3A_368 : memref<524288x16xf32, #tpu.memory_space<hbm>>)
    %dma_wait3A_369 = arith.constant 8 : i32
    %dma_wait3A_370 = arith.constant 1024 : i32
    %dma_wait3A_371 = arith.constant 0 : i32
    %dma_wait3A_372 = tpu.memref_slice %arg10[%dma_wait3A_370, %dma_wait3A_371] : memref<3328x16xf32, #tpu.memory_space<vmem>> -> memref<128x16xf32, #tpu.memory_space<vmem>>
    %dma_wait3A_373 = arith.constant 0 : i32
    %dma_wait3A_374 = tpu.memref_slice %arg9[%dma_wait3A_369, %dma_wait3A_373] : memref<26x128xi32, #tpu.memory_space<vmem>> -> memref<1x128xi32, #tpu.memory_space<vmem>>
    %dma_wait3A_375 = tpu.memref_squeeze %dma_wait3A_374 : memref<1x128xi32, #tpu.memory_space<vmem>> -> memref<128xi32, #tpu.memory_space<vmem>>
    %dma_wait3A_376 = arith.constant 0 : i32
    %dma_wait3A_377 = arith.constant 0 : i32
    %dma_wait3A_378 = tpu.memref_slice %arg6[%dma_wait3A_376, %dma_wait3A_377] : memref<524288x16xf32, #tpu.memory_space<hbm>> -> memref<524288x16xf32, #tpu.memory_space<hbm>>
    tpu.wait_indirect_dma semaphore(%arg12 : memref<!tpu.dma_semaphore, #tpu.memory_space<semaphore_mem>>) src(%dma_wait3A_372 : memref<128x16xf32, #tpu.memory_space<vmem>>) dst(%dma_wait3A_378 : memref<524288x16xf32, #tpu.memory_space<hbm>>)
    %dma_wait3A_379 = arith.constant 9 : i32
    %dma_wait3A_380 = arith.constant 1152 : i32
    %dma_wait3A_381 = arith.constant 0 : i32
    %dma_wait3A_382 = tpu.memref_slice %arg10[%dma_wait3A_380, %dma_wait3A_381] : memref<3328x16xf32, #tpu.memory_space<vmem>> -> memref<128x16xf32, #tpu.memory_space<vmem>>
    %dma_wait3A_383 = arith.constant 0 : i32
    %dma_wait3A_384 = tpu.memref_slice %arg9[%dma_wait3A_379, %dma_wait3A_383] : memref<26x128xi32, #tpu.memory_space<vmem>> -> memref<1x128xi32, #tpu.memory_space<vmem>>
    %dma_wait3A_385 = tpu.memref_squeeze %dma_wait3A_384 : memref<1x128xi32, #tpu.memory_space<vmem>> -> memref<128xi32, #tpu.memory_space<vmem>>
    %dma_wait3A_386 = arith.constant 0 : i32
    %dma_wait3A_387 = arith.constant 0 : i32
    %dma_wait3A_388 = tpu.memref_slice %arg6[%dma_wait3A_386, %dma_wait3A_387] : memref<524288x16xf32, #tpu.memory_space<hbm>> -> memref<524288x16xf32, #tpu.memory_space<hbm>>
    tpu.wait_indirect_dma semaphore(%arg12 : memref<!tpu.dma_semaphore, #tpu.memory_space<semaphore_mem>>) src(%dma_wait3A_382 : memref<128x16xf32, #tpu.memory_space<vmem>>) dst(%dma_wait3A_388 : memref<524288x16xf32, #tpu.memory_space<hbm>>)
    %dma_wait3A_389 = arith.constant 10 : i32
    %dma_wait3A_390 = arith.constant 1280 : i32
    %dma_wait3A_391 = arith.constant 0 : i32
    %dma_wait3A_392 = tpu.memref_slice %arg10[%dma_wait3A_390, %dma_wait3A_391] : memref<3328x16xf32, #tpu.memory_space<vmem>> -> memref<128x16xf32, #tpu.memory_space<vmem>>
    %dma_wait3A_393 = arith.constant 0 : i32
    %dma_wait3A_394 = tpu.memref_slice %arg9[%dma_wait3A_389, %dma_wait3A_393] : memref<26x128xi32, #tpu.memory_space<vmem>> -> memref<1x128xi32, #tpu.memory_space<vmem>>
    %dma_wait3A_395 = tpu.memref_squeeze %dma_wait3A_394 : memref<1x128xi32, #tpu.memory_space<vmem>> -> memref<128xi32, #tpu.memory_space<vmem>>
    %dma_wait3A_396 = arith.constant 0 : i32
    %dma_wait3A_397 = arith.constant 0 : i32
    %dma_wait3A_398 = tpu.memref_slice %arg6[%dma_wait3A_396, %dma_wait3A_397] : memref<524288x16xf32, #tpu.memory_space<hbm>> -> memref<524288x16xf32, #tpu.memory_space<hbm>>
    tpu.wait_indirect_dma semaphore(%arg12 : memref<!tpu.dma_semaphore, #tpu.memory_space<semaphore_mem>>) src(%dma_wait3A_392 : memref<128x16xf32, #tpu.memory_space<vmem>>) dst(%dma_wait3A_398 : memref<524288x16xf32, #tpu.memory_space<hbm>>)
    %dma_wait3A_399 = arith.constant 11 : i32
    %dma_wait3A_400 = arith.constant 1408 : i32
    %dma_wait3A_401 = arith.constant 0 : i32
    %dma_wait3A_402 = tpu.memref_slice %arg10[%dma_wait3A_400, %dma_wait3A_401] : memref<3328x16xf32, #tpu.memory_space<vmem>> -> memref<128x16xf32, #tpu.memory_space<vmem>>
    %dma_wait3A_403 = arith.constant 0 : i32
    %dma_wait3A_404 = tpu.memref_slice %arg9[%dma_wait3A_399, %dma_wait3A_403] : memref<26x128xi32, #tpu.memory_space<vmem>> -> memref<1x128xi32, #tpu.memory_space<vmem>>
    %dma_wait3A_405 = tpu.memref_squeeze %dma_wait3A_404 : memref<1x128xi32, #tpu.memory_space<vmem>> -> memref<128xi32, #tpu.memory_space<vmem>>
    %dma_wait3A_406 = arith.constant 0 : i32
    %dma_wait3A_407 = arith.constant 0 : i32
    %dma_wait3A_408 = tpu.memref_slice %arg6[%dma_wait3A_406, %dma_wait3A_407] : memref<524288x16xf32, #tpu.memory_space<hbm>> -> memref<524288x16xf32, #tpu.memory_space<hbm>>
    tpu.wait_indirect_dma semaphore(%arg12 : memref<!tpu.dma_semaphore, #tpu.memory_space<semaphore_mem>>) src(%dma_wait3A_402 : memref<128x16xf32, #tpu.memory_space<vmem>>) dst(%dma_wait3A_408 : memref<524288x16xf32, #tpu.memory_space<hbm>>)
    %dma_wait3A_409 = arith.constant 12 : i32
    %dma_wait3A_410 = arith.constant 1536 : i32
    %dma_wait3A_411 = arith.constant 0 : i32
    %dma_wait3A_412 = tpu.memref_slice %arg10[%dma_wait3A_410, %dma_wait3A_411] : memref<3328x16xf32, #tpu.memory_space<vmem>> -> memref<128x16xf32, #tpu.memory_space<vmem>>
    %dma_wait3A_413 = arith.constant 0 : i32
    %dma_wait3A_414 = tpu.memref_slice %arg9[%dma_wait3A_409, %dma_wait3A_413] : memref<26x128xi32, #tpu.memory_space<vmem>> -> memref<1x128xi32, #tpu.memory_space<vmem>>
    %dma_wait3A_415 = tpu.memref_squeeze %dma_wait3A_414 : memref<1x128xi32, #tpu.memory_space<vmem>> -> memref<128xi32, #tpu.memory_space<vmem>>
    %dma_wait3A_416 = arith.constant 0 : i32
    %dma_wait3A_417 = arith.constant 0 : i32
    %dma_wait3A_418 = tpu.memref_slice %arg6[%dma_wait3A_416, %dma_wait3A_417] : memref<524288x16xf32, #tpu.memory_space<hbm>> -> memref<524288x16xf32, #tpu.memory_space<hbm>>
    tpu.wait_indirect_dma semaphore(%arg12 : memref<!tpu.dma_semaphore, #tpu.memory_space<semaphore_mem>>) src(%dma_wait3A_412 : memref<128x16xf32, #tpu.memory_space<vmem>>) dst(%dma_wait3A_418 : memref<524288x16xf32, #tpu.memory_space<hbm>>)
    %dma_wait3A_419 = arith.constant 13 : i32
    %dma_wait3A_420 = arith.constant 1664 : i32
    %dma_wait3A_421 = arith.constant 0 : i32
    %dma_wait3A_422 = tpu.memref_slice %arg10[%dma_wait3A_420, %dma_wait3A_421] : memref<3328x16xf32, #tpu.memory_space<vmem>> -> memref<128x16xf32, #tpu.memory_space<vmem>>
    %dma_wait3A_423 = arith.constant 0 : i32
    %dma_wait3A_424 = tpu.memref_slice %arg9[%dma_wait3A_419, %dma_wait3A_423] : memref<26x128xi32, #tpu.memory_space<vmem>> -> memref<1x128xi32, #tpu.memory_space<vmem>>
    %dma_wait3A_425 = tpu.memref_squeeze %dma_wait3A_424 : memref<1x128xi32, #tpu.memory_space<vmem>> -> memref<128xi32, #tpu.memory_space<vmem>>
    %dma_wait3A_426 = arith.constant 0 : i32
    %dma_wait3A_427 = arith.constant 0 : i32
    %dma_wait3A_428 = tpu.memref_slice %arg6[%dma_wait3A_426, %dma_wait3A_427] : memref<524288x16xf32, #tpu.memory_space<hbm>> -> memref<524288x16xf32, #tpu.memory_space<hbm>>
    tpu.wait_indirect_dma semaphore(%arg12 : memref<!tpu.dma_semaphore, #tpu.memory_space<semaphore_mem>>) src(%dma_wait3A_422 : memref<128x16xf32, #tpu.memory_space<vmem>>) dst(%dma_wait3A_428 : memref<524288x16xf32, #tpu.memory_space<hbm>>)
    %dma_wait3A_429 = arith.constant 14 : i32
    %dma_wait3A_430 = arith.constant 1792 : i32
    %dma_wait3A_431 = arith.constant 0 : i32
    %dma_wait3A_432 = tpu.memref_slice %arg10[%dma_wait3A_430, %dma_wait3A_431] : memref<3328x16xf32, #tpu.memory_space<vmem>> -> memref<128x16xf32, #tpu.memory_space<vmem>>
    %dma_wait3A_433 = arith.constant 0 : i32
    %dma_wait3A_434 = tpu.memref_slice %arg9[%dma_wait3A_429, %dma_wait3A_433] : memref<26x128xi32, #tpu.memory_space<vmem>> -> memref<1x128xi32, #tpu.memory_space<vmem>>
    %dma_wait3A_435 = tpu.memref_squeeze %dma_wait3A_434 : memref<1x128xi32, #tpu.memory_space<vmem>> -> memref<128xi32, #tpu.memory_space<vmem>>
    %dma_wait3A_436 = arith.constant 0 : i32
    %dma_wait3A_437 = arith.constant 0 : i32
    %dma_wait3A_438 = tpu.memref_slice %arg6[%dma_wait3A_436, %dma_wait3A_437] : memref<524288x16xf32, #tpu.memory_space<hbm>> -> memref<524288x16xf32, #tpu.memory_space<hbm>>
    tpu.wait_indirect_dma semaphore(%arg12 : memref<!tpu.dma_semaphore, #tpu.memory_space<semaphore_mem>>) src(%dma_wait3A_432 : memref<128x16xf32, #tpu.memory_space<vmem>>) dst(%dma_wait3A_438 : memref<524288x16xf32, #tpu.memory_space<hbm>>)
    %dma_wait3A_439 = arith.constant 15 : i32
    %dma_wait3A_440 = arith.constant 1920 : i32
    %dma_wait3A_441 = arith.constant 0 : i32
    %dma_wait3A_442 = tpu.memref_slice %arg10[%dma_wait3A_440, %dma_wait3A_441] : memref<3328x16xf32, #tpu.memory_space<vmem>> -> memref<128x16xf32, #tpu.memory_space<vmem>>
    %dma_wait3A_443 = arith.constant 0 : i32
    %dma_wait3A_444 = tpu.memref_slice %arg9[%dma_wait3A_439, %dma_wait3A_443] : memref<26x128xi32, #tpu.memory_space<vmem>> -> memref<1x128xi32, #tpu.memory_space<vmem>>
    %dma_wait3A_445 = tpu.memref_squeeze %dma_wait3A_444 : memref<1x128xi32, #tpu.memory_space<vmem>> -> memref<128xi32, #tpu.memory_space<vmem>>
    %dma_wait3A_446 = arith.constant 0 : i32
    %dma_wait3A_447 = arith.constant 0 : i32
    %dma_wait3A_448 = tpu.memref_slice %arg6[%dma_wait3A_446, %dma_wait3A_447] : memref<524288x16xf32, #tpu.memory_space<hbm>> -> memref<524288x16xf32, #tpu.memory_space<hbm>>
    tpu.wait_indirect_dma semaphore(%arg12 : memref<!tpu.dma_semaphore, #tpu.memory_space<semaphore_mem>>) src(%dma_wait3A_442 : memref<128x16xf32, #tpu.memory_space<vmem>>) dst(%dma_wait3A_448 : memref<524288x16xf32, #tpu.memory_space<hbm>>)
    %dma_wait3A_449 = arith.constant 16 : i32
    %dma_wait3A_450 = arith.constant 2048 : i32
    %dma_wait3A_451 = arith.constant 0 : i32
    %dma_wait3A_452 = tpu.memref_slice %arg10[%dma_wait3A_450, %dma_wait3A_451] : memref<3328x16xf32, #tpu.memory_space<vmem>> -> memref<128x16xf32, #tpu.memory_space<vmem>>
    %dma_wait3A_453 = arith.constant 0 : i32
    %dma_wait3A_454 = tpu.memref_slice %arg9[%dma_wait3A_449, %dma_wait3A_453] : memref<26x128xi32, #tpu.memory_space<vmem>> -> memref<1x128xi32, #tpu.memory_space<vmem>>
    %dma_wait3A_455 = tpu.memref_squeeze %dma_wait3A_454 : memref<1x128xi32, #tpu.memory_space<vmem>> -> memref<128xi32, #tpu.memory_space<vmem>>
    %dma_wait3A_456 = arith.constant 0 : i32
    %dma_wait3A_457 = arith.constant 0 : i32
    %dma_wait3A_458 = tpu.memref_slice %arg6[%dma_wait3A_456, %dma_wait3A_457] : memref<524288x16xf32, #tpu.memory_space<hbm>> -> memref<524288x16xf32, #tpu.memory_space<hbm>>
    tpu.wait_indirect_dma semaphore(%arg12 : memref<!tpu.dma_semaphore, #tpu.memory_space<semaphore_mem>>) src(%dma_wait3A_452 : memref<128x16xf32, #tpu.memory_space<vmem>>) dst(%dma_wait3A_458 : memref<524288x16xf32, #tpu.memory_space<hbm>>)
    %dma_wait3A_459 = arith.constant 17 : i32
    %dma_wait3A_460 = arith.constant 2176 : i32
    %dma_wait3A_461 = arith.constant 0 : i32
    %dma_wait3A_462 = tpu.memref_slice %arg10[%dma_wait3A_460, %dma_wait3A_461] : memref<3328x16xf32, #tpu.memory_space<vmem>> -> memref<128x16xf32, #tpu.memory_space<vmem>>
    %dma_wait3A_463 = arith.constant 0 : i32
    %dma_wait3A_464 = tpu.memref_slice %arg9[%dma_wait3A_459, %dma_wait3A_463] : memref<26x128xi32, #tpu.memory_space<vmem>> -> memref<1x128xi32, #tpu.memory_space<vmem>>
    %dma_wait3A_465 = tpu.memref_squeeze %dma_wait3A_464 : memref<1x128xi32, #tpu.memory_space<vmem>> -> memref<128xi32, #tpu.memory_space<vmem>>
    %dma_wait3A_466 = arith.constant 0 : i32
    %dma_wait3A_467 = arith.constant 0 : i32
    %dma_wait3A_468 = tpu.memref_slice %arg6[%dma_wait3A_466, %dma_wait3A_467] : memref<524288x16xf32, #tpu.memory_space<hbm>> -> memref<524288x16xf32, #tpu.memory_space<hbm>>
    tpu.wait_indirect_dma semaphore(%arg12 : memref<!tpu.dma_semaphore, #tpu.memory_space<semaphore_mem>>) src(%dma_wait3A_462 : memref<128x16xf32, #tpu.memory_space<vmem>>) dst(%dma_wait3A_468 : memref<524288x16xf32, #tpu.memory_space<hbm>>)
    %dma_wait3A_469 = arith.constant 18 : i32
    %dma_wait3A_470 = arith.constant 2304 : i32
    %dma_wait3A_471 = arith.constant 0 : i32
    %dma_wait3A_472 = tpu.memref_slice %arg10[%dma_wait3A_470, %dma_wait3A_471] : memref<3328x16xf32, #tpu.memory_space<vmem>> -> memref<128x16xf32, #tpu.memory_space<vmem>>
    %dma_wait3A_473 = arith.constant 0 : i32
    %dma_wait3A_474 = tpu.memref_slice %arg9[%dma_wait3A_469, %dma_wait3A_473] : memref<26x128xi32, #tpu.memory_space<vmem>> -> memref<1x128xi32, #tpu.memory_space<vmem>>
    %dma_wait3A_475 = tpu.memref_squeeze %dma_wait3A_474 : memref<1x128xi32, #tpu.memory_space<vmem>> -> memref<128xi32, #tpu.memory_space<vmem>>
    %dma_wait3A_476 = arith.constant 0 : i32
    %dma_wait3A_477 = arith.constant 0 : i32
    %dma_wait3A_478 = tpu.memref_slice %arg6[%dma_wait3A_476, %dma_wait3A_477] : memref<524288x16xf32, #tpu.memory_space<hbm>> -> memref<524288x16xf32, #tpu.memory_space<hbm>>
    tpu.wait_indirect_dma semaphore(%arg12 : memref<!tpu.dma_semaphore, #tpu.memory_space<semaphore_mem>>) src(%dma_wait3A_472 : memref<128x16xf32, #tpu.memory_space<vmem>>) dst(%dma_wait3A_478 : memref<524288x16xf32, #tpu.memory_space<hbm>>)
    %dma_wait3A_479 = arith.constant 19 : i32
    %dma_wait3A_480 = arith.constant 2432 : i32
    %dma_wait3A_481 = arith.constant 0 : i32
    %dma_wait3A_482 = tpu.memref_slice %arg10[%dma_wait3A_480, %dma_wait3A_481] : memref<3328x16xf32, #tpu.memory_space<vmem>> -> memref<128x16xf32, #tpu.memory_space<vmem>>
    %dma_wait3A_483 = arith.constant 0 : i32
    %dma_wait3A_484 = tpu.memref_slice %arg9[%dma_wait3A_479, %dma_wait3A_483] : memref<26x128xi32, #tpu.memory_space<vmem>> -> memref<1x128xi32, #tpu.memory_space<vmem>>
    %dma_wait3A_485 = tpu.memref_squeeze %dma_wait3A_484 : memref<1x128xi32, #tpu.memory_space<vmem>> -> memref<128xi32, #tpu.memory_space<vmem>>
    %dma_wait3A_486 = arith.constant 0 : i32
    %dma_wait3A_487 = arith.constant 0 : i32
    %dma_wait3A_488 = tpu.memref_slice %arg6[%dma_wait3A_486, %dma_wait3A_487] : memref<524288x16xf32, #tpu.memory_space<hbm>> -> memref<524288x16xf32, #tpu.memory_space<hbm>>
    tpu.wait_indirect_dma semaphore(%arg12 : memref<!tpu.dma_semaphore, #tpu.memory_space<semaphore_mem>>) src(%dma_wait3A_482 : memref<128x16xf32, #tpu.memory_space<vmem>>) dst(%dma_wait3A_488 : memref<524288x16xf32, #tpu.memory_space<hbm>>)
    %dma_wait3A_489 = arith.constant 20 : i32
    %dma_wait3A_490 = arith.constant 2560 : i32
    %dma_wait3A_491 = arith.constant 0 : i32
    %dma_wait3A_492 = tpu.memref_slice %arg10[%dma_wait3A_490, %dma_wait3A_491] : memref<3328x16xf32, #tpu.memory_space<vmem>> -> memref<128x16xf32, #tpu.memory_space<vmem>>
    %dma_wait3A_493 = arith.constant 0 : i32
    %dma_wait3A_494 = tpu.memref_slice %arg9[%dma_wait3A_489, %dma_wait3A_493] : memref<26x128xi32, #tpu.memory_space<vmem>> -> memref<1x128xi32, #tpu.memory_space<vmem>>
    %dma_wait3A_495 = tpu.memref_squeeze %dma_wait3A_494 : memref<1x128xi32, #tpu.memory_space<vmem>> -> memref<128xi32, #tpu.memory_space<vmem>>
    %dma_wait3A_496 = arith.constant 0 : i32
    %dma_wait3A_497 = arith.constant 0 : i32
    %dma_wait3A_498 = tpu.memref_slice %arg6[%dma_wait3A_496, %dma_wait3A_497] : memref<524288x16xf32, #tpu.memory_space<hbm>> -> memref<524288x16xf32, #tpu.memory_space<hbm>>
    tpu.wait_indirect_dma semaphore(%arg12 : memref<!tpu.dma_semaphore, #tpu.memory_space<semaphore_mem>>) src(%dma_wait3A_492 : memref<128x16xf32, #tpu.memory_space<vmem>>) dst(%dma_wait3A_498 : memref<524288x16xf32, #tpu.memory_space<hbm>>)
    %dma_wait3A_499 = arith.constant 21 : i32
    %dma_wait3A_500 = arith.constant 2688 : i32
    %dma_wait3A_501 = arith.constant 0 : i32
    %dma_wait3A_502 = tpu.memref_slice %arg10[%dma_wait3A_500, %dma_wait3A_501] : memref<3328x16xf32, #tpu.memory_space<vmem>> -> memref<128x16xf32, #tpu.memory_space<vmem>>
    %dma_wait3A_503 = arith.constant 0 : i32
    %dma_wait3A_504 = tpu.memref_slice %arg9[%dma_wait3A_499, %dma_wait3A_503] : memref<26x128xi32, #tpu.memory_space<vmem>> -> memref<1x128xi32, #tpu.memory_space<vmem>>
    %dma_wait3A_505 = tpu.memref_squeeze %dma_wait3A_504 : memref<1x128xi32, #tpu.memory_space<vmem>> -> memref<128xi32, #tpu.memory_space<vmem>>
    %dma_wait3A_506 = arith.constant 0 : i32
    %dma_wait3A_507 = arith.constant 0 : i32
    %dma_wait3A_508 = tpu.memref_slice %arg6[%dma_wait3A_506, %dma_wait3A_507] : memref<524288x16xf32, #tpu.memory_space<hbm>> -> memref<524288x16xf32, #tpu.memory_space<hbm>>
    tpu.wait_indirect_dma semaphore(%arg12 : memref<!tpu.dma_semaphore, #tpu.memory_space<semaphore_mem>>) src(%dma_wait3A_502 : memref<128x16xf32, #tpu.memory_space<vmem>>) dst(%dma_wait3A_508 : memref<524288x16xf32, #tpu.memory_space<hbm>>)
    %dma_wait3A_509 = arith.constant 22 : i32
    %dma_wait3A_510 = arith.constant 2816 : i32
    %dma_wait3A_511 = arith.constant 0 : i32
    %dma_wait3A_512 = tpu.memref_slice %arg10[%dma_wait3A_510, %dma_wait3A_511] : memref<3328x16xf32, #tpu.memory_space<vmem>> -> memref<128x16xf32, #tpu.memory_space<vmem>>
    %dma_wait3A_513 = arith.constant 0 : i32
    %dma_wait3A_514 = tpu.memref_slice %arg9[%dma_wait3A_509, %dma_wait3A_513] : memref<26x128xi32, #tpu.memory_space<vmem>> -> memref<1x128xi32, #tpu.memory_space<vmem>>
    %dma_wait3A_515 = tpu.memref_squeeze %dma_wait3A_514 : memref<1x128xi32, #tpu.memory_space<vmem>> -> memref<128xi32, #tpu.memory_space<vmem>>
    %dma_wait3A_516 = arith.constant 0 : i32
    %dma_wait3A_517 = arith.constant 0 : i32
    %dma_wait3A_518 = tpu.memref_slice %arg6[%dma_wait3A_516, %dma_wait3A_517] : memref<524288x16xf32, #tpu.memory_space<hbm>> -> memref<524288x16xf32, #tpu.memory_space<hbm>>
    tpu.wait_indirect_dma semaphore(%arg12 : memref<!tpu.dma_semaphore, #tpu.memory_space<semaphore_mem>>) src(%dma_wait3A_512 : memref<128x16xf32, #tpu.memory_space<vmem>>) dst(%dma_wait3A_518 : memref<524288x16xf32, #tpu.memory_space<hbm>>)
    %dma_wait3A_519 = arith.constant 23 : i32
    %dma_wait3A_520 = arith.constant 2944 : i32
    %dma_wait3A_521 = arith.constant 0 : i32
    %dma_wait3A_522 = tpu.memref_slice %arg10[%dma_wait3A_520, %dma_wait3A_521] : memref<3328x16xf32, #tpu.memory_space<vmem>> -> memref<128x16xf32, #tpu.memory_space<vmem>>
    %dma_wait3A_523 = arith.constant 0 : i32
    %dma_wait3A_524 = tpu.memref_slice %arg9[%dma_wait3A_519, %dma_wait3A_523] : memref<26x128xi32, #tpu.memory_space<vmem>> -> memref<1x128xi32, #tpu.memory_space<vmem>>
    %dma_wait3A_525 = tpu.memref_squeeze %dma_wait3A_524 : memref<1x128xi32, #tpu.memory_space<vmem>> -> memref<128xi32, #tpu.memory_space<vmem>>
    %dma_wait3A_526 = arith.constant 0 : i32
    %dma_wait3A_527 = arith.constant 0 : i32
    %dma_wait3A_528 = tpu.memref_slice %arg6[%dma_wait3A_526, %dma_wait3A_527] : memref<524288x16xf32, #tpu.memory_space<hbm>> -> memref<524288x16xf32, #tpu.memory_space<hbm>>
    tpu.wait_indirect_dma semaphore(%arg12 : memref<!tpu.dma_semaphore, #tpu.memory_space<semaphore_mem>>) src(%dma_wait3A_522 : memref<128x16xf32, #tpu.memory_space<vmem>>) dst(%dma_wait3A_528 : memref<524288x16xf32, #tpu.memory_space<hbm>>)
    %dma_wait3A_529 = arith.constant 24 : i32
    %dma_wait3A_530 = arith.constant 3072 : i32
    %dma_wait3A_531 = arith.constant 0 : i32
    %dma_wait3A_532 = tpu.memref_slice %arg10[%dma_wait3A_530, %dma_wait3A_531] : memref<3328x16xf32, #tpu.memory_space<vmem>> -> memref<128x16xf32, #tpu.memory_space<vmem>>
    %dma_wait3A_533 = arith.constant 0 : i32
    %dma_wait3A_534 = tpu.memref_slice %arg9[%dma_wait3A_529, %dma_wait3A_533] : memref<26x128xi32, #tpu.memory_space<vmem>> -> memref<1x128xi32, #tpu.memory_space<vmem>>
    %dma_wait3A_535 = tpu.memref_squeeze %dma_wait3A_534 : memref<1x128xi32, #tpu.memory_space<vmem>> -> memref<128xi32, #tpu.memory_space<vmem>>
    %dma_wait3A_536 = arith.constant 0 : i32
    %dma_wait3A_537 = arith.constant 0 : i32
    %dma_wait3A_538 = tpu.memref_slice %arg6[%dma_wait3A_536, %dma_wait3A_537] : memref<524288x16xf32, #tpu.memory_space<hbm>> -> memref<524288x16xf32, #tpu.memory_space<hbm>>
    tpu.wait_indirect_dma semaphore(%arg12 : memref<!tpu.dma_semaphore, #tpu.memory_space<semaphore_mem>>) src(%dma_wait3A_532 : memref<128x16xf32, #tpu.memory_space<vmem>>) dst(%dma_wait3A_538 : memref<524288x16xf32, #tpu.memory_space<hbm>>)
    %dma_wait3A_539 = arith.constant 25 : i32
    %dma_wait3A_540 = arith.constant 3200 : i32
    %dma_wait3A_541 = arith.constant 0 : i32
    %dma_wait3A_542 = tpu.memref_slice %arg10[%dma_wait3A_540, %dma_wait3A_541] : memref<3328x16xf32, #tpu.memory_space<vmem>> -> memref<128x16xf32, #tpu.memory_space<vmem>>
    %dma_wait3A_543 = arith.constant 0 : i32
    %dma_wait3A_544 = tpu.memref_slice %arg9[%dma_wait3A_539, %dma_wait3A_543] : memref<26x128xi32, #tpu.memory_space<vmem>> -> memref<1x128xi32, #tpu.memory_space<vmem>>
    %dma_wait3A_545 = tpu.memref_squeeze %dma_wait3A_544 : memref<1x128xi32, #tpu.memory_space<vmem>> -> memref<128xi32, #tpu.memory_space<vmem>>
    %dma_wait3A_546 = arith.constant 0 : i32
    %dma_wait3A_547 = arith.constant 0 : i32
    %dma_wait3A_548 = tpu.memref_slice %arg6[%dma_wait3A_546, %dma_wait3A_547] : memref<524288x16xf32, #tpu.memory_space<hbm>> -> memref<524288x16xf32, #tpu.memory_space<hbm>>
    tpu.wait_indirect_dma semaphore(%arg12 : memref<!tpu.dma_semaphore, #tpu.memory_space<semaphore_mem>>) src(%dma_wait3A_542 : memref<128x16xf32, #tpu.memory_space<vmem>>) dst(%dma_wait3A_548 : memref<524288x16xf32, #tpu.memory_space<hbm>>)
    "tpu.region"() ({
      %run_scoped3A = tpu.sem_alloc : memref<!tpu.dma_semaphore, #tpu.memory_space<semaphore_mem>>
      %dma_start3A_2223 = tpu.memref_slice %arg7[%add3A_4] : memref<425984xf32, #tpu.memory_space<hbm>> -> memref<3328xf32, #tpu.memory_space<hbm>>
      %dma_start3A_2224 = tpu.memref_slice %arg7[%add3A_4] : memref<425984xf32, #tpu.memory_space<hbm>> -> memref<3328xf32, #tpu.memory_space<hbm>>
      tpu.enqueue_dma source(%arg11 : memref<3328xf32, #tpu.memory_space<vmem>>) target(%dma_start3A_2224 : memref<3328xf32, #tpu.memory_space<hbm>>) target_semaphore(%run_scoped3A : memref<!tpu.dma_semaphore, #tpu.memory_space<semaphore_mem>>)
      %dma_wait3A_2225 = tpu.memref_slice %arg7[%add3A_4] : memref<425984xf32, #tpu.memory_space<hbm>> -> memref<3328xf32, #tpu.memory_space<hbm>>
      %dma_wait3A_2226 = tpu.memref_slice %arg7[%add3A_4] : memref<425984xf32, #tpu.memory_space<hbm>> -> memref<3328xf32, #tpu.memory_space<hbm>>
      tpu.wait_dma2 semaphore(%run_scoped3A : memref<!tpu.dma_semaphore, #tpu.memory_space<semaphore_mem>>) src(%arg11 : memref<3328xf32, #tpu.memory_space<vmem>>) dst(%dma_wait3A_2226 : memref<3328xf32, #tpu.memory_space<hbm>>)
      tpu.yield
    }) : () -> ()
    %mul3A_549 = arith.constant 13312 : i32
    %mul3A_550 = arith.muli %add3A, %mul3A_549 : i32
    %add3A_551 = arith.constant 3328 : i32
    %add3A_552 = arith.addi %mul3A_550, %add3A_551 : i32
    "tpu.region"() ({
      %run_scoped3A = tpu.sem_alloc : memref<!tpu.dma_semaphore, #tpu.memory_space<semaphore_mem>>
      %dma_start3A_2223 = tpu.memref_slice %arg2[%add3A_552] : memref<425984xi32, #tpu.memory_space<hbm>> -> memref<3328xi32, #tpu.memory_space<hbm>>
      %dma_start3A_2224 = tpu.memref_slice %arg2[%add3A_552] : memref<425984xi32, #tpu.memory_space<hbm>> -> memref<3328xi32, #tpu.memory_space<hbm>>
      tpu.enqueue_dma source(%dma_start3A_2224 : memref<3328xi32, #tpu.memory_space<hbm>>) target(%arg8 : memref<3328xi32, #tpu.memory_space<vmem>>) target_semaphore(%run_scoped3A : memref<!tpu.dma_semaphore, #tpu.memory_space<semaphore_mem>>)
      %dma_wait3A_2225 = tpu.memref_slice %arg2[%add3A_552] : memref<425984xi32, #tpu.memory_space<hbm>> -> memref<3328xi32, #tpu.memory_space<hbm>>
      %dma_wait3A_2226 = tpu.memref_slice %arg2[%add3A_552] : memref<425984xi32, #tpu.memory_space<hbm>> -> memref<3328xi32, #tpu.memory_space<hbm>>
      tpu.wait_dma2 semaphore(%run_scoped3A : memref<!tpu.dma_semaphore, #tpu.memory_space<semaphore_mem>>) src(%dma_wait3A_2226 : memref<3328xi32, #tpu.memory_space<hbm>>) dst(%arg8 : memref<3328xi32, #tpu.memory_space<vmem>>)
      tpu.yield
    }) : () -> ()
    %dma_start3A_553 = arith.constant 0 : i32
    %dma_start3A_554 = arith.constant 0 : i32
    %dma_start3A_555 = tpu.memref_slice %arg4[%dma_start3A_553, %dma_start3A_554] : memref<1000000x16xf32, #tpu.memory_space<hbm>> -> memref<1000000x16xf32, #tpu.memory_space<hbm>>
    tpu.enqueue_indirect_dma source(%dma_start3A_555 : memref<1000000x16xf32, #tpu.memory_space<hbm>>) target(%arg10 : memref<3328x16xf32, #tpu.memory_space<vmem>>) offsets(%arg8 : memref<3328xi32, #tpu.memory_space<vmem>>) semaphore(%arg12 : memref<!tpu.dma_semaphore, #tpu.memory_space<semaphore_mem>>)
    %dma_start3A_556 = arith.constant 0 : i32
    %dma_start3A_557 = tpu.memref_slice %arg5[%dma_start3A_556] : memref<1000000xf32, #tpu.memory_space<hbm>> -> memref<1000000xf32, #tpu.memory_space<hbm>>
    tpu.enqueue_indirect_dma source(%dma_start3A_557 : memref<1000000xf32, #tpu.memory_space<hbm>>) target(%arg11 : memref<3328xf32, #tpu.memory_space<vmem>>) offsets(%arg8 : memref<3328xi32, #tpu.memory_space<vmem>>) semaphore(%arg13 : memref<!tpu.dma_semaphore, #tpu.memory_space<semaphore_mem>>)
    %jit3A_558 = arith.constant 128 : i32
    %div3A_559 = arith.divsi %add3A_552, %jit3A_558 : i32
    %sign3A_560 = arith.constant 0 : i32
    %sign3A_561 = arith.cmpi sgt, %add3A_552, %sign3A_560 : i32
    %sign3A_562 = arith.extui %sign3A_561 : i1 to i32
    %sign3A_563 = arith.constant 0 : i32
    %sign3A_564 = arith.cmpi slt, %add3A_552, %sign3A_563 : i32
    %sign3A_565 = arith.extui %sign3A_564 : i1 to i32
    %sign3A_566 = arith.subi %sign3A_562, %sign3A_565 : i32
    %sign3A_567 = arith.constant 0 : i32
    %sign3A_568 = arith.cmpi sgt, %jit3A_558, %sign3A_567 : i32
    %sign3A_569 = arith.extui %sign3A_568 : i1 to i32
    %sign3A_570 = arith.constant 0 : i32
    %sign3A_571 = arith.cmpi slt, %jit3A_558, %sign3A_570 : i32
    %sign3A_572 = arith.extui %sign3A_571 : i1 to i32
    %sign3A_573 = arith.subi %sign3A_569, %sign3A_572 : i32
    %ne3A_574 = arith.cmpi ne, %sign3A_566, %sign3A_573 : i32
    %rem3A_575 = arith.remsi %add3A_552, %jit3A_558 : i32
    %ne3A_576 = arith.constant 0 : i32
    %ne3A_577 = arith.cmpi ne, %rem3A_575, %ne3A_576 : i32
    %and3A_578 = arith.andi %ne3A_574, %ne3A_577 : i1
    %sub3A_579 = arith.constant 1 : i32
    %sub3A_580 = arith.subi %div3A_559, %sub3A_579 : i32
    %select_n3A_581 = arith.select %and3A_578, %sub3A_580, %div3A_559 : i32
    "tpu.region"() ({
      %run_scoped3A = tpu.sem_alloc : memref<!tpu.dma_semaphore, #tpu.memory_space<semaphore_mem>>
      %dma_start3A_2223 = arith.constant 0 : i32
      %dma_start3A_2224 = tpu.memref_slice %arg3[%select_n3A_581, %dma_start3A_2223] : memref<3328x128xi32, #tpu.memory_space<hbm>> -> memref<26x128xi32, #tpu.memory_space<hbm>>
      %dma_start3A_2225 = arith.constant 0 : i32
      %dma_start3A_2226 = tpu.memref_slice %arg3[%select_n3A_581, %dma_start3A_2225] : memref<3328x128xi32, #tpu.memory_space<hbm>> -> memref<26x128xi32, #tpu.memory_space<hbm>>
      tpu.enqueue_dma source(%dma_start3A_2226 : memref<26x128xi32, #tpu.memory_space<hbm>>) target(%arg9 : memref<26x128xi32, #tpu.memory_space<vmem>>) target_semaphore(%run_scoped3A : memref<!tpu.dma_semaphore, #tpu.memory_space<semaphore_mem>>)
      %dma_wait3A_2227 = arith.constant 0 : i32
      %dma_wait3A_2228 = tpu.memref_slice %arg3[%select_n3A_581, %dma_wait3A_2227] : memref<3328x128xi32, #tpu.memory_space<hbm>> -> memref<26x128xi32, #tpu.memory_space<hbm>>
      %dma_wait3A_2229 = arith.constant 0 : i32
      %dma_wait3A_2230 = tpu.memref_slice %arg3[%select_n3A_581, %dma_wait3A_2229] : memref<3328x128xi32, #tpu.memory_space<hbm>> -> memref<26x128xi32, #tpu.memory_space<hbm>>
      tpu.wait_dma2 semaphore(%run_scoped3A : memref<!tpu.dma_semaphore, #tpu.memory_space<semaphore_mem>>) src(%dma_wait3A_2230 : memref<26x128xi32, #tpu.memory_space<hbm>>) dst(%arg9 : memref<26x128xi32, #tpu.memory_space<vmem>>)
      tpu.yield
    }) : () -> ()
    %dma_wait3A_582 = arith.constant 0 : i32
    %dma_wait3A_583 = arith.constant 0 : i32
    %dma_wait3A_584 = tpu.memref_slice %arg4[%dma_wait3A_582, %dma_wait3A_583] : memref<1000000x16xf32, #tpu.memory_space<hbm>> -> memref<1000000x16xf32, #tpu.memory_space<hbm>>
    tpu.wait_indirect_dma semaphore(%arg12 : memref<!tpu.dma_semaphore, #tpu.memory_space<semaphore_mem>>) src(%dma_wait3A_584 : memref<1000000x16xf32, #tpu.memory_space<hbm>>) dst(%arg10 : memref<3328x16xf32, #tpu.memory_space<vmem>>)
    %dma_wait3A_585 = arith.constant 0 : i32
    %dma_wait3A_586 = tpu.memref_slice %arg5[%dma_wait3A_585] : memref<1000000xf32, #tpu.memory_space<hbm>> -> memref<1000000xf32, #tpu.memory_space<hbm>>
    tpu.wait_indirect_dma semaphore(%arg13 : memref<!tpu.dma_semaphore, #tpu.memory_space<semaphore_mem>>) src(%dma_wait3A_586 : memref<1000000xf32, #tpu.memory_space<hbm>>) dst(%arg11 : memref<3328xf32, #tpu.memory_space<vmem>>)
    %dma_start3A_587 = arith.constant 0 : i32
    %dma_start3A_588 = arith.constant 0 : i32
    %dma_start3A_589 = arith.constant 0 : i32
    %dma_start3A_590 = tpu.memref_slice %arg10[%dma_start3A_588, %dma_start3A_589] : memref<3328x16xf32, #tpu.memory_space<vmem>> -> memref<128x16xf32, #tpu.memory_space<vmem>>
    %dma_start3A_591 = arith.constant 0 : i32
    %dma_start3A_592 = tpu.memref_slice %arg9[%dma_start3A_587, %dma_start3A_591] : memref<26x128xi32, #tpu.memory_space<vmem>> -> memref<1x128xi32, #tpu.memory_space<vmem>>
    %dma_start3A_593 = tpu.memref_squeeze %dma_start3A_592 : memref<1x128xi32, #tpu.memory_space<vmem>> -> memref<128xi32, #tpu.memory_space<vmem>>
    %dma_start3A_594 = arith.constant 0 : i32
    %dma_start3A_595 = arith.constant 0 : i32
    %dma_start3A_596 = tpu.memref_slice %arg6[%dma_start3A_594, %dma_start3A_595] : memref<524288x16xf32, #tpu.memory_space<hbm>> -> memref<524288x16xf32, #tpu.memory_space<hbm>>
    tpu.enqueue_indirect_dma source(%dma_start3A_590 : memref<128x16xf32, #tpu.memory_space<vmem>>) target(%dma_start3A_596 : memref<524288x16xf32, #tpu.memory_space<hbm>>) offsets(%dma_start3A_593 : memref<128xi32, #tpu.memory_space<vmem>>) semaphore(%arg12 : memref<!tpu.dma_semaphore, #tpu.memory_space<semaphore_mem>>)
    %dma_start3A_597 = arith.constant 1 : i32
    %dma_start3A_598 = arith.constant 128 : i32
    %dma_start3A_599 = arith.constant 0 : i32
    %dma_start3A_600 = tpu.memref_slice %arg10[%dma_start3A_598, %dma_start3A_599] : memref<3328x16xf32, #tpu.memory_space<vmem>> -> memref<128x16xf32, #tpu.memory_space<vmem>>
    %dma_start3A_601 = arith.constant 0 : i32
    %dma_start3A_602 = tpu.memref_slice %arg9[%dma_start3A_597, %dma_start3A_601] : memref<26x128xi32, #tpu.memory_space<vmem>> -> memref<1x128xi32, #tpu.memory_space<vmem>>
    %dma_start3A_603 = tpu.memref_squeeze %dma_start3A_602 : memref<1x128xi32, #tpu.memory_space<vmem>> -> memref<128xi32, #tpu.memory_space<vmem>>
    %dma_start3A_604 = arith.constant 0 : i32
    %dma_start3A_605 = arith.constant 0 : i32
    %dma_start3A_606 = tpu.memref_slice %arg6[%dma_start3A_604, %dma_start3A_605] : memref<524288x16xf32, #tpu.memory_space<hbm>> -> memref<524288x16xf32, #tpu.memory_space<hbm>>
    tpu.enqueue_indirect_dma source(%dma_start3A_600 : memref<128x16xf32, #tpu.memory_space<vmem>>) target(%dma_start3A_606 : memref<524288x16xf32, #tpu.memory_space<hbm>>) offsets(%dma_start3A_603 : memref<128xi32, #tpu.memory_space<vmem>>) semaphore(%arg12 : memref<!tpu.dma_semaphore, #tpu.memory_space<semaphore_mem>>)
    %dma_start3A_607 = arith.constant 2 : i32
    %dma_start3A_608 = arith.constant 256 : i32
    %dma_start3A_609 = arith.constant 0 : i32
    %dma_start3A_610 = tpu.memref_slice %arg10[%dma_start3A_608, %dma_start3A_609] : memref<3328x16xf32, #tpu.memory_space<vmem>> -> memref<128x16xf32, #tpu.memory_space<vmem>>
    %dma_start3A_611 = arith.constant 0 : i32
    %dma_start3A_612 = tpu.memref_slice %arg9[%dma_start3A_607, %dma_start3A_611] : memref<26x128xi32, #tpu.memory_space<vmem>> -> memref<1x128xi32, #tpu.memory_space<vmem>>
    %dma_start3A_613 = tpu.memref_squeeze %dma_start3A_612 : memref<1x128xi32, #tpu.memory_space<vmem>> -> memref<128xi32, #tpu.memory_space<vmem>>
    %dma_start3A_614 = arith.constant 0 : i32
    %dma_start3A_615 = arith.constant 0 : i32
    %dma_start3A_616 = tpu.memref_slice %arg6[%dma_start3A_614, %dma_start3A_615] : memref<524288x16xf32, #tpu.memory_space<hbm>> -> memref<524288x16xf32, #tpu.memory_space<hbm>>
    tpu.enqueue_indirect_dma source(%dma_start3A_610 : memref<128x16xf32, #tpu.memory_space<vmem>>) target(%dma_start3A_616 : memref<524288x16xf32, #tpu.memory_space<hbm>>) offsets(%dma_start3A_613 : memref<128xi32, #tpu.memory_space<vmem>>) semaphore(%arg12 : memref<!tpu.dma_semaphore, #tpu.memory_space<semaphore_mem>>)
    %dma_start3A_617 = arith.constant 3 : i32
    %dma_start3A_618 = arith.constant 384 : i32
    %dma_start3A_619 = arith.constant 0 : i32
    %dma_start3A_620 = tpu.memref_slice %arg10[%dma_start3A_618, %dma_start3A_619] : memref<3328x16xf32, #tpu.memory_space<vmem>> -> memref<128x16xf32, #tpu.memory_space<vmem>>
    %dma_start3A_621 = arith.constant 0 : i32
    %dma_start3A_622 = tpu.memref_slice %arg9[%dma_start3A_617, %dma_start3A_621] : memref<26x128xi32, #tpu.memory_space<vmem>> -> memref<1x128xi32, #tpu.memory_space<vmem>>
    %dma_start3A_623 = tpu.memref_squeeze %dma_start3A_622 : memref<1x128xi32, #tpu.memory_space<vmem>> -> memref<128xi32, #tpu.memory_space<vmem>>
    %dma_start3A_624 = arith.constant 0 : i32
    %dma_start3A_625 = arith.constant 0 : i32
    %dma_start3A_626 = tpu.memref_slice %arg6[%dma_start3A_624, %dma_start3A_625] : memref<524288x16xf32, #tpu.memory_space<hbm>> -> memref<524288x16xf32, #tpu.memory_space<hbm>>
    tpu.enqueue_indirect_dma source(%dma_start3A_620 : memref<128x16xf32, #tpu.memory_space<vmem>>) target(%dma_start3A_626 : memref<524288x16xf32, #tpu.memory_space<hbm>>) offsets(%dma_start3A_623 : memref<128xi32, #tpu.memory_space<vmem>>) semaphore(%arg12 : memref<!tpu.dma_semaphore, #tpu.memory_space<semaphore_mem>>)
    %dma_start3A_627 = arith.constant 4 : i32
    %dma_start3A_628 = arith.constant 512 : i32
    %dma_start3A_629 = arith.constant 0 : i32
    %dma_start3A_630 = tpu.memref_slice %arg10[%dma_start3A_628, %dma_start3A_629] : memref<3328x16xf32, #tpu.memory_space<vmem>> -> memref<128x16xf32, #tpu.memory_space<vmem>>
    %dma_start3A_631 = arith.constant 0 : i32
    %dma_start3A_632 = tpu.memref_slice %arg9[%dma_start3A_627, %dma_start3A_631] : memref<26x128xi32, #tpu.memory_space<vmem>> -> memref<1x128xi32, #tpu.memory_space<vmem>>
    %dma_start3A_633 = tpu.memref_squeeze %dma_start3A_632 : memref<1x128xi32, #tpu.memory_space<vmem>> -> memref<128xi32, #tpu.memory_space<vmem>>
    %dma_start3A_634 = arith.constant 0 : i32
    %dma_start3A_635 = arith.constant 0 : i32
    %dma_start3A_636 = tpu.memref_slice %arg6[%dma_start3A_634, %dma_start3A_635] : memref<524288x16xf32, #tpu.memory_space<hbm>> -> memref<524288x16xf32, #tpu.memory_space<hbm>>
    tpu.enqueue_indirect_dma source(%dma_start3A_630 : memref<128x16xf32, #tpu.memory_space<vmem>>) target(%dma_start3A_636 : memref<524288x16xf32, #tpu.memory_space<hbm>>) offsets(%dma_start3A_633 : memref<128xi32, #tpu.memory_space<vmem>>) semaphore(%arg12 : memref<!tpu.dma_semaphore, #tpu.memory_space<semaphore_mem>>)
    %dma_start3A_637 = arith.constant 5 : i32
    %dma_start3A_638 = arith.constant 640 : i32
    %dma_start3A_639 = arith.constant 0 : i32
    %dma_start3A_640 = tpu.memref_slice %arg10[%dma_start3A_638, %dma_start3A_639] : memref<3328x16xf32, #tpu.memory_space<vmem>> -> memref<128x16xf32, #tpu.memory_space<vmem>>
    %dma_start3A_641 = arith.constant 0 : i32
    %dma_start3A_642 = tpu.memref_slice %arg9[%dma_start3A_637, %dma_start3A_641] : memref<26x128xi32, #tpu.memory_space<vmem>> -> memref<1x128xi32, #tpu.memory_space<vmem>>
    %dma_start3A_643 = tpu.memref_squeeze %dma_start3A_642 : memref<1x128xi32, #tpu.memory_space<vmem>> -> memref<128xi32, #tpu.memory_space<vmem>>
    %dma_start3A_644 = arith.constant 0 : i32
    %dma_start3A_645 = arith.constant 0 : i32
    %dma_start3A_646 = tpu.memref_slice %arg6[%dma_start3A_644, %dma_start3A_645] : memref<524288x16xf32, #tpu.memory_space<hbm>> -> memref<524288x16xf32, #tpu.memory_space<hbm>>
    tpu.enqueue_indirect_dma source(%dma_start3A_640 : memref<128x16xf32, #tpu.memory_space<vmem>>) target(%dma_start3A_646 : memref<524288x16xf32, #tpu.memory_space<hbm>>) offsets(%dma_start3A_643 : memref<128xi32, #tpu.memory_space<vmem>>) semaphore(%arg12 : memref<!tpu.dma_semaphore, #tpu.memory_space<semaphore_mem>>)
    %dma_start3A_647 = arith.constant 6 : i32
    %dma_start3A_648 = arith.constant 768 : i32
    %dma_start3A_649 = arith.constant 0 : i32
    %dma_start3A_650 = tpu.memref_slice %arg10[%dma_start3A_648, %dma_start3A_649] : memref<3328x16xf32, #tpu.memory_space<vmem>> -> memref<128x16xf32, #tpu.memory_space<vmem>>
    %dma_start3A_651 = arith.constant 0 : i32
    %dma_start3A_652 = tpu.memref_slice %arg9[%dma_start3A_647, %dma_start3A_651] : memref<26x128xi32, #tpu.memory_space<vmem>> -> memref<1x128xi32, #tpu.memory_space<vmem>>
    %dma_start3A_653 = tpu.memref_squeeze %dma_start3A_652 : memref<1x128xi32, #tpu.memory_space<vmem>> -> memref<128xi32, #tpu.memory_space<vmem>>
    %dma_start3A_654 = arith.constant 0 : i32
    %dma_start3A_655 = arith.constant 0 : i32
    %dma_start3A_656 = tpu.memref_slice %arg6[%dma_start3A_654, %dma_start3A_655] : memref<524288x16xf32, #tpu.memory_space<hbm>> -> memref<524288x16xf32, #tpu.memory_space<hbm>>
    tpu.enqueue_indirect_dma source(%dma_start3A_650 : memref<128x16xf32, #tpu.memory_space<vmem>>) target(%dma_start3A_656 : memref<524288x16xf32, #tpu.memory_space<hbm>>) offsets(%dma_start3A_653 : memref<128xi32, #tpu.memory_space<vmem>>) semaphore(%arg12 : memref<!tpu.dma_semaphore, #tpu.memory_space<semaphore_mem>>)
    %dma_start3A_657 = arith.constant 7 : i32
    %dma_start3A_658 = arith.constant 896 : i32
    %dma_start3A_659 = arith.constant 0 : i32
    %dma_start3A_660 = tpu.memref_slice %arg10[%dma_start3A_658, %dma_start3A_659] : memref<3328x16xf32, #tpu.memory_space<vmem>> -> memref<128x16xf32, #tpu.memory_space<vmem>>
    %dma_start3A_661 = arith.constant 0 : i32
    %dma_start3A_662 = tpu.memref_slice %arg9[%dma_start3A_657, %dma_start3A_661] : memref<26x128xi32, #tpu.memory_space<vmem>> -> memref<1x128xi32, #tpu.memory_space<vmem>>
    %dma_start3A_663 = tpu.memref_squeeze %dma_start3A_662 : memref<1x128xi32, #tpu.memory_space<vmem>> -> memref<128xi32, #tpu.memory_space<vmem>>
    %dma_start3A_664 = arith.constant 0 : i32
    %dma_start3A_665 = arith.constant 0 : i32
    %dma_start3A_666 = tpu.memref_slice %arg6[%dma_start3A_664, %dma_start3A_665] : memref<524288x16xf32, #tpu.memory_space<hbm>> -> memref<524288x16xf32, #tpu.memory_space<hbm>>
    tpu.enqueue_indirect_dma source(%dma_start3A_660 : memref<128x16xf32, #tpu.memory_space<vmem>>) target(%dma_start3A_666 : memref<524288x16xf32, #tpu.memory_space<hbm>>) offsets(%dma_start3A_663 : memref<128xi32, #tpu.memory_space<vmem>>) semaphore(%arg12 : memref<!tpu.dma_semaphore, #tpu.memory_space<semaphore_mem>>)
    %dma_start3A_667 = arith.constant 8 : i32
    %dma_start3A_668 = arith.constant 1024 : i32
    %dma_start3A_669 = arith.constant 0 : i32
    %dma_start3A_670 = tpu.memref_slice %arg10[%dma_start3A_668, %dma_start3A_669] : memref<3328x16xf32, #tpu.memory_space<vmem>> -> memref<128x16xf32, #tpu.memory_space<vmem>>
    %dma_start3A_671 = arith.constant 0 : i32
    %dma_start3A_672 = tpu.memref_slice %arg9[%dma_start3A_667, %dma_start3A_671] : memref<26x128xi32, #tpu.memory_space<vmem>> -> memref<1x128xi32, #tpu.memory_space<vmem>>
    %dma_start3A_673 = tpu.memref_squeeze %dma_start3A_672 : memref<1x128xi32, #tpu.memory_space<vmem>> -> memref<128xi32, #tpu.memory_space<vmem>>
    %dma_start3A_674 = arith.constant 0 : i32
    %dma_start3A_675 = arith.constant 0 : i32
    %dma_start3A_676 = tpu.memref_slice %arg6[%dma_start3A_674, %dma_start3A_675] : memref<524288x16xf32, #tpu.memory_space<hbm>> -> memref<524288x16xf32, #tpu.memory_space<hbm>>
    tpu.enqueue_indirect_dma source(%dma_start3A_670 : memref<128x16xf32, #tpu.memory_space<vmem>>) target(%dma_start3A_676 : memref<524288x16xf32, #tpu.memory_space<hbm>>) offsets(%dma_start3A_673 : memref<128xi32, #tpu.memory_space<vmem>>) semaphore(%arg12 : memref<!tpu.dma_semaphore, #tpu.memory_space<semaphore_mem>>)
    %dma_start3A_677 = arith.constant 9 : i32
    %dma_start3A_678 = arith.constant 1152 : i32
    %dma_start3A_679 = arith.constant 0 : i32
    %dma_start3A_680 = tpu.memref_slice %arg10[%dma_start3A_678, %dma_start3A_679] : memref<3328x16xf32, #tpu.memory_space<vmem>> -> memref<128x16xf32, #tpu.memory_space<vmem>>
    %dma_start3A_681 = arith.constant 0 : i32
    %dma_start3A_682 = tpu.memref_slice %arg9[%dma_start3A_677, %dma_start3A_681] : memref<26x128xi32, #tpu.memory_space<vmem>> -> memref<1x128xi32, #tpu.memory_space<vmem>>
    %dma_start3A_683 = tpu.memref_squeeze %dma_start3A_682 : memref<1x128xi32, #tpu.memory_space<vmem>> -> memref<128xi32, #tpu.memory_space<vmem>>
    %dma_start3A_684 = arith.constant 0 : i32
    %dma_start3A_685 = arith.constant 0 : i32
    %dma_start3A_686 = tpu.memref_slice %arg6[%dma_start3A_684, %dma_start3A_685] : memref<524288x16xf32, #tpu.memory_space<hbm>> -> memref<524288x16xf32, #tpu.memory_space<hbm>>
    tpu.enqueue_indirect_dma source(%dma_start3A_680 : memref<128x16xf32, #tpu.memory_space<vmem>>) target(%dma_start3A_686 : memref<524288x16xf32, #tpu.memory_space<hbm>>) offsets(%dma_start3A_683 : memref<128xi32, #tpu.memory_space<vmem>>) semaphore(%arg12 : memref<!tpu.dma_semaphore, #tpu.memory_space<semaphore_mem>>)
    %dma_start3A_687 = arith.constant 10 : i32
    %dma_start3A_688 = arith.constant 1280 : i32
    %dma_start3A_689 = arith.constant 0 : i32
    %dma_start3A_690 = tpu.memref_slice %arg10[%dma_start3A_688, %dma_start3A_689] : memref<3328x16xf32, #tpu.memory_space<vmem>> -> memref<128x16xf32, #tpu.memory_space<vmem>>
    %dma_start3A_691 = arith.constant 0 : i32
    %dma_start3A_692 = tpu.memref_slice %arg9[%dma_start3A_687, %dma_start3A_691] : memref<26x128xi32, #tpu.memory_space<vmem>> -> memref<1x128xi32, #tpu.memory_space<vmem>>
    %dma_start3A_693 = tpu.memref_squeeze %dma_start3A_692 : memref<1x128xi32, #tpu.memory_space<vmem>> -> memref<128xi32, #tpu.memory_space<vmem>>
    %dma_start3A_694 = arith.constant 0 : i32
    %dma_start3A_695 = arith.constant 0 : i32
    %dma_start3A_696 = tpu.memref_slice %arg6[%dma_start3A_694, %dma_start3A_695] : memref<524288x16xf32, #tpu.memory_space<hbm>> -> memref<524288x16xf32, #tpu.memory_space<hbm>>
    tpu.enqueue_indirect_dma source(%dma_start3A_690 : memref<128x16xf32, #tpu.memory_space<vmem>>) target(%dma_start3A_696 : memref<524288x16xf32, #tpu.memory_space<hbm>>) offsets(%dma_start3A_693 : memref<128xi32, #tpu.memory_space<vmem>>) semaphore(%arg12 : memref<!tpu.dma_semaphore, #tpu.memory_space<semaphore_mem>>)
    %dma_start3A_697 = arith.constant 11 : i32
    %dma_start3A_698 = arith.constant 1408 : i32
    %dma_start3A_699 = arith.constant 0 : i32
    %dma_start3A_700 = tpu.memref_slice %arg10[%dma_start3A_698, %dma_start3A_699] : memref<3328x16xf32, #tpu.memory_space<vmem>> -> memref<128x16xf32, #tpu.memory_space<vmem>>
    %dma_start3A_701 = arith.constant 0 : i32
    %dma_start3A_702 = tpu.memref_slice %arg9[%dma_start3A_697, %dma_start3A_701] : memref<26x128xi32, #tpu.memory_space<vmem>> -> memref<1x128xi32, #tpu.memory_space<vmem>>
    %dma_start3A_703 = tpu.memref_squeeze %dma_start3A_702 : memref<1x128xi32, #tpu.memory_space<vmem>> -> memref<128xi32, #tpu.memory_space<vmem>>
    %dma_start3A_704 = arith.constant 0 : i32
    %dma_start3A_705 = arith.constant 0 : i32
    %dma_start3A_706 = tpu.memref_slice %arg6[%dma_start3A_704, %dma_start3A_705] : memref<524288x16xf32, #tpu.memory_space<hbm>> -> memref<524288x16xf32, #tpu.memory_space<hbm>>
    tpu.enqueue_indirect_dma source(%dma_start3A_700 : memref<128x16xf32, #tpu.memory_space<vmem>>) target(%dma_start3A_706 : memref<524288x16xf32, #tpu.memory_space<hbm>>) offsets(%dma_start3A_703 : memref<128xi32, #tpu.memory_space<vmem>>) semaphore(%arg12 : memref<!tpu.dma_semaphore, #tpu.memory_space<semaphore_mem>>)
    %dma_start3A_707 = arith.constant 12 : i32
    %dma_start3A_708 = arith.constant 1536 : i32
    %dma_start3A_709 = arith.constant 0 : i32
    %dma_start3A_710 = tpu.memref_slice %arg10[%dma_start3A_708, %dma_start3A_709] : memref<3328x16xf32, #tpu.memory_space<vmem>> -> memref<128x16xf32, #tpu.memory_space<vmem>>
    %dma_start3A_711 = arith.constant 0 : i32
    %dma_start3A_712 = tpu.memref_slice %arg9[%dma_start3A_707, %dma_start3A_711] : memref<26x128xi32, #tpu.memory_space<vmem>> -> memref<1x128xi32, #tpu.memory_space<vmem>>
    %dma_start3A_713 = tpu.memref_squeeze %dma_start3A_712 : memref<1x128xi32, #tpu.memory_space<vmem>> -> memref<128xi32, #tpu.memory_space<vmem>>
    %dma_start3A_714 = arith.constant 0 : i32
    %dma_start3A_715 = arith.constant 0 : i32
    %dma_start3A_716 = tpu.memref_slice %arg6[%dma_start3A_714, %dma_start3A_715] : memref<524288x16xf32, #tpu.memory_space<hbm>> -> memref<524288x16xf32, #tpu.memory_space<hbm>>
    tpu.enqueue_indirect_dma source(%dma_start3A_710 : memref<128x16xf32, #tpu.memory_space<vmem>>) target(%dma_start3A_716 : memref<524288x16xf32, #tpu.memory_space<hbm>>) offsets(%dma_start3A_713 : memref<128xi32, #tpu.memory_space<vmem>>) semaphore(%arg12 : memref<!tpu.dma_semaphore, #tpu.memory_space<semaphore_mem>>)
    %dma_start3A_717 = arith.constant 13 : i32
    %dma_start3A_718 = arith.constant 1664 : i32
    %dma_start3A_719 = arith.constant 0 : i32
    %dma_start3A_720 = tpu.memref_slice %arg10[%dma_start3A_718, %dma_start3A_719] : memref<3328x16xf32, #tpu.memory_space<vmem>> -> memref<128x16xf32, #tpu.memory_space<vmem>>
    %dma_start3A_721 = arith.constant 0 : i32
    %dma_start3A_722 = tpu.memref_slice %arg9[%dma_start3A_717, %dma_start3A_721] : memref<26x128xi32, #tpu.memory_space<vmem>> -> memref<1x128xi32, #tpu.memory_space<vmem>>
    %dma_start3A_723 = tpu.memref_squeeze %dma_start3A_722 : memref<1x128xi32, #tpu.memory_space<vmem>> -> memref<128xi32, #tpu.memory_space<vmem>>
    %dma_start3A_724 = arith.constant 0 : i32
    %dma_start3A_725 = arith.constant 0 : i32
    %dma_start3A_726 = tpu.memref_slice %arg6[%dma_start3A_724, %dma_start3A_725] : memref<524288x16xf32, #tpu.memory_space<hbm>> -> memref<524288x16xf32, #tpu.memory_space<hbm>>
    tpu.enqueue_indirect_dma source(%dma_start3A_720 : memref<128x16xf32, #tpu.memory_space<vmem>>) target(%dma_start3A_726 : memref<524288x16xf32, #tpu.memory_space<hbm>>) offsets(%dma_start3A_723 : memref<128xi32, #tpu.memory_space<vmem>>) semaphore(%arg12 : memref<!tpu.dma_semaphore, #tpu.memory_space<semaphore_mem>>)
    %dma_start3A_727 = arith.constant 14 : i32
    %dma_start3A_728 = arith.constant 1792 : i32
    %dma_start3A_729 = arith.constant 0 : i32
    %dma_start3A_730 = tpu.memref_slice %arg10[%dma_start3A_728, %dma_start3A_729] : memref<3328x16xf32, #tpu.memory_space<vmem>> -> memref<128x16xf32, #tpu.memory_space<vmem>>
    %dma_start3A_731 = arith.constant 0 : i32
    %dma_start3A_732 = tpu.memref_slice %arg9[%dma_start3A_727, %dma_start3A_731] : memref<26x128xi32, #tpu.memory_space<vmem>> -> memref<1x128xi32, #tpu.memory_space<vmem>>
    %dma_start3A_733 = tpu.memref_squeeze %dma_start3A_732 : memref<1x128xi32, #tpu.memory_space<vmem>> -> memref<128xi32, #tpu.memory_space<vmem>>
    %dma_start3A_734 = arith.constant 0 : i32
    %dma_start3A_735 = arith.constant 0 : i32
    %dma_start3A_736 = tpu.memref_slice %arg6[%dma_start3A_734, %dma_start3A_735] : memref<524288x16xf32, #tpu.memory_space<hbm>> -> memref<524288x16xf32, #tpu.memory_space<hbm>>
    tpu.enqueue_indirect_dma source(%dma_start3A_730 : memref<128x16xf32, #tpu.memory_space<vmem>>) target(%dma_start3A_736 : memref<524288x16xf32, #tpu.memory_space<hbm>>) offsets(%dma_start3A_733 : memref<128xi32, #tpu.memory_space<vmem>>) semaphore(%arg12 : memref<!tpu.dma_semaphore, #tpu.memory_space<semaphore_mem>>)
    %dma_start3A_737 = arith.constant 15 : i32
    %dma_start3A_738 = arith.constant 1920 : i32
    %dma_start3A_739 = arith.constant 0 : i32
    %dma_start3A_740 = tpu.memref_slice %arg10[%dma_start3A_738, %dma_start3A_739] : memref<3328x16xf32, #tpu.memory_space<vmem>> -> memref<128x16xf32, #tpu.memory_space<vmem>>
    %dma_start3A_741 = arith.constant 0 : i32
    %dma_start3A_742 = tpu.memref_slice %arg9[%dma_start3A_737, %dma_start3A_741] : memref<26x128xi32, #tpu.memory_space<vmem>> -> memref<1x128xi32, #tpu.memory_space<vmem>>
    %dma_start3A_743 = tpu.memref_squeeze %dma_start3A_742 : memref<1x128xi32, #tpu.memory_space<vmem>> -> memref<128xi32, #tpu.memory_space<vmem>>
    %dma_start3A_744 = arith.constant 0 : i32
    %dma_start3A_745 = arith.constant 0 : i32
    %dma_start3A_746 = tpu.memref_slice %arg6[%dma_start3A_744, %dma_start3A_745] : memref<524288x16xf32, #tpu.memory_space<hbm>> -> memref<524288x16xf32, #tpu.memory_space<hbm>>
    tpu.enqueue_indirect_dma source(%dma_start3A_740 : memref<128x16xf32, #tpu.memory_space<vmem>>) target(%dma_start3A_746 : memref<524288x16xf32, #tpu.memory_space<hbm>>) offsets(%dma_start3A_743 : memref<128xi32, #tpu.memory_space<vmem>>) semaphore(%arg12 : memref<!tpu.dma_semaphore, #tpu.memory_space<semaphore_mem>>)
    %dma_start3A_747 = arith.constant 16 : i32
    %dma_start3A_748 = arith.constant 2048 : i32
    %dma_start3A_749 = arith.constant 0 : i32
    %dma_start3A_750 = tpu.memref_slice %arg10[%dma_start3A_748, %dma_start3A_749] : memref<3328x16xf32, #tpu.memory_space<vmem>> -> memref<128x16xf32, #tpu.memory_space<vmem>>
    %dma_start3A_751 = arith.constant 0 : i32
    %dma_start3A_752 = tpu.memref_slice %arg9[%dma_start3A_747, %dma_start3A_751] : memref<26x128xi32, #tpu.memory_space<vmem>> -> memref<1x128xi32, #tpu.memory_space<vmem>>
    %dma_start3A_753 = tpu.memref_squeeze %dma_start3A_752 : memref<1x128xi32, #tpu.memory_space<vmem>> -> memref<128xi32, #tpu.memory_space<vmem>>
    %dma_start3A_754 = arith.constant 0 : i32
    %dma_start3A_755 = arith.constant 0 : i32
    %dma_start3A_756 = tpu.memref_slice %arg6[%dma_start3A_754, %dma_start3A_755] : memref<524288x16xf32, #tpu.memory_space<hbm>> -> memref<524288x16xf32, #tpu.memory_space<hbm>>
    tpu.enqueue_indirect_dma source(%dma_start3A_750 : memref<128x16xf32, #tpu.memory_space<vmem>>) target(%dma_start3A_756 : memref<524288x16xf32, #tpu.memory_space<hbm>>) offsets(%dma_start3A_753 : memref<128xi32, #tpu.memory_space<vmem>>) semaphore(%arg12 : memref<!tpu.dma_semaphore, #tpu.memory_space<semaphore_mem>>)
    %dma_start3A_757 = arith.constant 17 : i32
    %dma_start3A_758 = arith.constant 2176 : i32
    %dma_start3A_759 = arith.constant 0 : i32
    %dma_start3A_760 = tpu.memref_slice %arg10[%dma_start3A_758, %dma_start3A_759] : memref<3328x16xf32, #tpu.memory_space<vmem>> -> memref<128x16xf32, #tpu.memory_space<vmem>>
    %dma_start3A_761 = arith.constant 0 : i32
    %dma_start3A_762 = tpu.memref_slice %arg9[%dma_start3A_757, %dma_start3A_761] : memref<26x128xi32, #tpu.memory_space<vmem>> -> memref<1x128xi32, #tpu.memory_space<vmem>>
    %dma_start3A_763 = tpu.memref_squeeze %dma_start3A_762 : memref<1x128xi32, #tpu.memory_space<vmem>> -> memref<128xi32, #tpu.memory_space<vmem>>
    %dma_start3A_764 = arith.constant 0 : i32
    %dma_start3A_765 = arith.constant 0 : i32
    %dma_start3A_766 = tpu.memref_slice %arg6[%dma_start3A_764, %dma_start3A_765] : memref<524288x16xf32, #tpu.memory_space<hbm>> -> memref<524288x16xf32, #tpu.memory_space<hbm>>
    tpu.enqueue_indirect_dma source(%dma_start3A_760 : memref<128x16xf32, #tpu.memory_space<vmem>>) target(%dma_start3A_766 : memref<524288x16xf32, #tpu.memory_space<hbm>>) offsets(%dma_start3A_763 : memref<128xi32, #tpu.memory_space<vmem>>) semaphore(%arg12 : memref<!tpu.dma_semaphore, #tpu.memory_space<semaphore_mem>>)
    %dma_start3A_767 = arith.constant 18 : i32
    %dma_start3A_768 = arith.constant 2304 : i32
    %dma_start3A_769 = arith.constant 0 : i32
    %dma_start3A_770 = tpu.memref_slice %arg10[%dma_start3A_768, %dma_start3A_769] : memref<3328x16xf32, #tpu.memory_space<vmem>> -> memref<128x16xf32, #tpu.memory_space<vmem>>
    %dma_start3A_771 = arith.constant 0 : i32
    %dma_start3A_772 = tpu.memref_slice %arg9[%dma_start3A_767, %dma_start3A_771] : memref<26x128xi32, #tpu.memory_space<vmem>> -> memref<1x128xi32, #tpu.memory_space<vmem>>
    %dma_start3A_773 = tpu.memref_squeeze %dma_start3A_772 : memref<1x128xi32, #tpu.memory_space<vmem>> -> memref<128xi32, #tpu.memory_space<vmem>>
    %dma_start3A_774 = arith.constant 0 : i32
    %dma_start3A_775 = arith.constant 0 : i32
    %dma_start3A_776 = tpu.memref_slice %arg6[%dma_start3A_774, %dma_start3A_775] : memref<524288x16xf32, #tpu.memory_space<hbm>> -> memref<524288x16xf32, #tpu.memory_space<hbm>>
    tpu.enqueue_indirect_dma source(%dma_start3A_770 : memref<128x16xf32, #tpu.memory_space<vmem>>) target(%dma_start3A_776 : memref<524288x16xf32, #tpu.memory_space<hbm>>) offsets(%dma_start3A_773 : memref<128xi32, #tpu.memory_space<vmem>>) semaphore(%arg12 : memref<!tpu.dma_semaphore, #tpu.memory_space<semaphore_mem>>)
    %dma_start3A_777 = arith.constant 19 : i32
    %dma_start3A_778 = arith.constant 2432 : i32
    %dma_start3A_779 = arith.constant 0 : i32
    %dma_start3A_780 = tpu.memref_slice %arg10[%dma_start3A_778, %dma_start3A_779] : memref<3328x16xf32, #tpu.memory_space<vmem>> -> memref<128x16xf32, #tpu.memory_space<vmem>>
    %dma_start3A_781 = arith.constant 0 : i32
    %dma_start3A_782 = tpu.memref_slice %arg9[%dma_start3A_777, %dma_start3A_781] : memref<26x128xi32, #tpu.memory_space<vmem>> -> memref<1x128xi32, #tpu.memory_space<vmem>>
    %dma_start3A_783 = tpu.memref_squeeze %dma_start3A_782 : memref<1x128xi32, #tpu.memory_space<vmem>> -> memref<128xi32, #tpu.memory_space<vmem>>
    %dma_start3A_784 = arith.constant 0 : i32
    %dma_start3A_785 = arith.constant 0 : i32
    %dma_start3A_786 = tpu.memref_slice %arg6[%dma_start3A_784, %dma_start3A_785] : memref<524288x16xf32, #tpu.memory_space<hbm>> -> memref<524288x16xf32, #tpu.memory_space<hbm>>
    tpu.enqueue_indirect_dma source(%dma_start3A_780 : memref<128x16xf32, #tpu.memory_space<vmem>>) target(%dma_start3A_786 : memref<524288x16xf32, #tpu.memory_space<hbm>>) offsets(%dma_start3A_783 : memref<128xi32, #tpu.memory_space<vmem>>) semaphore(%arg12 : memref<!tpu.dma_semaphore, #tpu.memory_space<semaphore_mem>>)
    %dma_start3A_787 = arith.constant 20 : i32
    %dma_start3A_788 = arith.constant 2560 : i32
    %dma_start3A_789 = arith.constant 0 : i32
    %dma_start3A_790 = tpu.memref_slice %arg10[%dma_start3A_788, %dma_start3A_789] : memref<3328x16xf32, #tpu.memory_space<vmem>> -> memref<128x16xf32, #tpu.memory_space<vmem>>
    %dma_start3A_791 = arith.constant 0 : i32
    %dma_start3A_792 = tpu.memref_slice %arg9[%dma_start3A_787, %dma_start3A_791] : memref<26x128xi32, #tpu.memory_space<vmem>> -> memref<1x128xi32, #tpu.memory_space<vmem>>
    %dma_start3A_793 = tpu.memref_squeeze %dma_start3A_792 : memref<1x128xi32, #tpu.memory_space<vmem>> -> memref<128xi32, #tpu.memory_space<vmem>>
    %dma_start3A_794 = arith.constant 0 : i32
    %dma_start3A_795 = arith.constant 0 : i32
    %dma_start3A_796 = tpu.memref_slice %arg6[%dma_start3A_794, %dma_start3A_795] : memref<524288x16xf32, #tpu.memory_space<hbm>> -> memref<524288x16xf32, #tpu.memory_space<hbm>>
    tpu.enqueue_indirect_dma source(%dma_start3A_790 : memref<128x16xf32, #tpu.memory_space<vmem>>) target(%dma_start3A_796 : memref<524288x16xf32, #tpu.memory_space<hbm>>) offsets(%dma_start3A_793 : memref<128xi32, #tpu.memory_space<vmem>>) semaphore(%arg12 : memref<!tpu.dma_semaphore, #tpu.memory_space<semaphore_mem>>)
    %dma_start3A_797 = arith.constant 21 : i32
    %dma_start3A_798 = arith.constant 2688 : i32
    %dma_start3A_799 = arith.constant 0 : i32
    %dma_start3A_800 = tpu.memref_slice %arg10[%dma_start3A_798, %dma_start3A_799] : memref<3328x16xf32, #tpu.memory_space<vmem>> -> memref<128x16xf32, #tpu.memory_space<vmem>>
    %dma_start3A_801 = arith.constant 0 : i32
    %dma_start3A_802 = tpu.memref_slice %arg9[%dma_start3A_797, %dma_start3A_801] : memref<26x128xi32, #tpu.memory_space<vmem>> -> memref<1x128xi32, #tpu.memory_space<vmem>>
    %dma_start3A_803 = tpu.memref_squeeze %dma_start3A_802 : memref<1x128xi32, #tpu.memory_space<vmem>> -> memref<128xi32, #tpu.memory_space<vmem>>
    %dma_start3A_804 = arith.constant 0 : i32
    %dma_start3A_805 = arith.constant 0 : i32
    %dma_start3A_806 = tpu.memref_slice %arg6[%dma_start3A_804, %dma_start3A_805] : memref<524288x16xf32, #tpu.memory_space<hbm>> -> memref<524288x16xf32, #tpu.memory_space<hbm>>
    tpu.enqueue_indirect_dma source(%dma_start3A_800 : memref<128x16xf32, #tpu.memory_space<vmem>>) target(%dma_start3A_806 : memref<524288x16xf32, #tpu.memory_space<hbm>>) offsets(%dma_start3A_803 : memref<128xi32, #tpu.memory_space<vmem>>) semaphore(%arg12 : memref<!tpu.dma_semaphore, #tpu.memory_space<semaphore_mem>>)
    %dma_start3A_807 = arith.constant 22 : i32
    %dma_start3A_808 = arith.constant 2816 : i32
    %dma_start3A_809 = arith.constant 0 : i32
    %dma_start3A_810 = tpu.memref_slice %arg10[%dma_start3A_808, %dma_start3A_809] : memref<3328x16xf32, #tpu.memory_space<vmem>> -> memref<128x16xf32, #tpu.memory_space<vmem>>
    %dma_start3A_811 = arith.constant 0 : i32
    %dma_start3A_812 = tpu.memref_slice %arg9[%dma_start3A_807, %dma_start3A_811] : memref<26x128xi32, #tpu.memory_space<vmem>> -> memref<1x128xi32, #tpu.memory_space<vmem>>
    %dma_start3A_813 = tpu.memref_squeeze %dma_start3A_812 : memref<1x128xi32, #tpu.memory_space<vmem>> -> memref<128xi32, #tpu.memory_space<vmem>>
    %dma_start3A_814 = arith.constant 0 : i32
    %dma_start3A_815 = arith.constant 0 : i32
    %dma_start3A_816 = tpu.memref_slice %arg6[%dma_start3A_814, %dma_start3A_815] : memref<524288x16xf32, #tpu.memory_space<hbm>> -> memref<524288x16xf32, #tpu.memory_space<hbm>>
    tpu.enqueue_indirect_dma source(%dma_start3A_810 : memref<128x16xf32, #tpu.memory_space<vmem>>) target(%dma_start3A_816 : memref<524288x16xf32, #tpu.memory_space<hbm>>) offsets(%dma_start3A_813 : memref<128xi32, #tpu.memory_space<vmem>>) semaphore(%arg12 : memref<!tpu.dma_semaphore, #tpu.memory_space<semaphore_mem>>)
    %dma_start3A_817 = arith.constant 23 : i32
    %dma_start3A_818 = arith.constant 2944 : i32
    %dma_start3A_819 = arith.constant 0 : i32
    %dma_start3A_820 = tpu.memref_slice %arg10[%dma_start3A_818, %dma_start3A_819] : memref<3328x16xf32, #tpu.memory_space<vmem>> -> memref<128x16xf32, #tpu.memory_space<vmem>>
    %dma_start3A_821 = arith.constant 0 : i32
    %dma_start3A_822 = tpu.memref_slice %arg9[%dma_start3A_817, %dma_start3A_821] : memref<26x128xi32, #tpu.memory_space<vmem>> -> memref<1x128xi32, #tpu.memory_space<vmem>>
    %dma_start3A_823 = tpu.memref_squeeze %dma_start3A_822 : memref<1x128xi32, #tpu.memory_space<vmem>> -> memref<128xi32, #tpu.memory_space<vmem>>
    %dma_start3A_824 = arith.constant 0 : i32
    %dma_start3A_825 = arith.constant 0 : i32
    %dma_start3A_826 = tpu.memref_slice %arg6[%dma_start3A_824, %dma_start3A_825] : memref<524288x16xf32, #tpu.memory_space<hbm>> -> memref<524288x16xf32, #tpu.memory_space<hbm>>
    tpu.enqueue_indirect_dma source(%dma_start3A_820 : memref<128x16xf32, #tpu.memory_space<vmem>>) target(%dma_start3A_826 : memref<524288x16xf32, #tpu.memory_space<hbm>>) offsets(%dma_start3A_823 : memref<128xi32, #tpu.memory_space<vmem>>) semaphore(%arg12 : memref<!tpu.dma_semaphore, #tpu.memory_space<semaphore_mem>>)
    %dma_start3A_827 = arith.constant 24 : i32
    %dma_start3A_828 = arith.constant 3072 : i32
    %dma_start3A_829 = arith.constant 0 : i32
    %dma_start3A_830 = tpu.memref_slice %arg10[%dma_start3A_828, %dma_start3A_829] : memref<3328x16xf32, #tpu.memory_space<vmem>> -> memref<128x16xf32, #tpu.memory_space<vmem>>
    %dma_start3A_831 = arith.constant 0 : i32
    %dma_start3A_832 = tpu.memref_slice %arg9[%dma_start3A_827, %dma_start3A_831] : memref<26x128xi32, #tpu.memory_space<vmem>> -> memref<1x128xi32, #tpu.memory_space<vmem>>
    %dma_start3A_833 = tpu.memref_squeeze %dma_start3A_832 : memref<1x128xi32, #tpu.memory_space<vmem>> -> memref<128xi32, #tpu.memory_space<vmem>>
    %dma_start3A_834 = arith.constant 0 : i32
    %dma_start3A_835 = arith.constant 0 : i32
    %dma_start3A_836 = tpu.memref_slice %arg6[%dma_start3A_834, %dma_start3A_835] : memref<524288x16xf32, #tpu.memory_space<hbm>> -> memref<524288x16xf32, #tpu.memory_space<hbm>>
    tpu.enqueue_indirect_dma source(%dma_start3A_830 : memref<128x16xf32, #tpu.memory_space<vmem>>) target(%dma_start3A_836 : memref<524288x16xf32, #tpu.memory_space<hbm>>) offsets(%dma_start3A_833 : memref<128xi32, #tpu.memory_space<vmem>>) semaphore(%arg12 : memref<!tpu.dma_semaphore, #tpu.memory_space<semaphore_mem>>)
    %dma_start3A_837 = arith.constant 25 : i32
    %dma_start3A_838 = arith.constant 3200 : i32
    %dma_start3A_839 = arith.constant 0 : i32
    %dma_start3A_840 = tpu.memref_slice %arg10[%dma_start3A_838, %dma_start3A_839] : memref<3328x16xf32, #tpu.memory_space<vmem>> -> memref<128x16xf32, #tpu.memory_space<vmem>>
    %dma_start3A_841 = arith.constant 0 : i32
    %dma_start3A_842 = tpu.memref_slice %arg9[%dma_start3A_837, %dma_start3A_841] : memref<26x128xi32, #tpu.memory_space<vmem>> -> memref<1x128xi32, #tpu.memory_space<vmem>>
    %dma_start3A_843 = tpu.memref_squeeze %dma_start3A_842 : memref<1x128xi32, #tpu.memory_space<vmem>> -> memref<128xi32, #tpu.memory_space<vmem>>
    %dma_start3A_844 = arith.constant 0 : i32
    %dma_start3A_845 = arith.constant 0 : i32
    %dma_start3A_846 = tpu.memref_slice %arg6[%dma_start3A_844, %dma_start3A_845] : memref<524288x16xf32, #tpu.memory_space<hbm>> -> memref<524288x16xf32, #tpu.memory_space<hbm>>
    tpu.enqueue_indirect_dma source(%dma_start3A_840 : memref<128x16xf32, #tpu.memory_space<vmem>>) target(%dma_start3A_846 : memref<524288x16xf32, #tpu.memory_space<hbm>>) offsets(%dma_start3A_843 : memref<128xi32, #tpu.memory_space<vmem>>) semaphore(%arg12 : memref<!tpu.dma_semaphore, #tpu.memory_space<semaphore_mem>>)
    %dma_wait3A_847 = arith.constant 0 : i32
    %dma_wait3A_848 = arith.constant 0 : i32
    %dma_wait3A_849 = arith.constant 0 : i32
    %dma_wait3A_850 = tpu.memref_slice %arg10[%dma_wait3A_848, %dma_wait3A_849] : memref<3328x16xf32, #tpu.memory_space<vmem>> -> memref<128x16xf32, #tpu.memory_space<vmem>>
    %dma_wait3A_851 = arith.constant 0 : i32
    %dma_wait3A_852 = tpu.memref_slice %arg9[%dma_wait3A_847, %dma_wait3A_851] : memref<26x128xi32, #tpu.memory_space<vmem>> -> memref<1x128xi32, #tpu.memory_space<vmem>>
    %dma_wait3A_853 = tpu.memref_squeeze %dma_wait3A_852 : memref<1x128xi32, #tpu.memory_space<vmem>> -> memref<128xi32, #tpu.memory_space<vmem>>
    %dma_wait3A_854 = arith.constant 0 : i32
    %dma_wait3A_855 = arith.constant 0 : i32
    %dma_wait3A_856 = tpu.memref_slice %arg6[%dma_wait3A_854, %dma_wait3A_855] : memref<524288x16xf32, #tpu.memory_space<hbm>> -> memref<524288x16xf32, #tpu.memory_space<hbm>>
    tpu.wait_indirect_dma semaphore(%arg12 : memref<!tpu.dma_semaphore, #tpu.memory_space<semaphore_mem>>) src(%dma_wait3A_850 : memref<128x16xf32, #tpu.memory_space<vmem>>) dst(%dma_wait3A_856 : memref<524288x16xf32, #tpu.memory_space<hbm>>)
    %dma_wait3A_857 = arith.constant 1 : i32
    %dma_wait3A_858 = arith.constant 128 : i32
    %dma_wait3A_859 = arith.constant 0 : i32
    %dma_wait3A_860 = tpu.memref_slice %arg10[%dma_wait3A_858, %dma_wait3A_859] : memref<3328x16xf32, #tpu.memory_space<vmem>> -> memref<128x16xf32, #tpu.memory_space<vmem>>
    %dma_wait3A_861 = arith.constant 0 : i32
    %dma_wait3A_862 = tpu.memref_slice %arg9[%dma_wait3A_857, %dma_wait3A_861] : memref<26x128xi32, #tpu.memory_space<vmem>> -> memref<1x128xi32, #tpu.memory_space<vmem>>
    %dma_wait3A_863 = tpu.memref_squeeze %dma_wait3A_862 : memref<1x128xi32, #tpu.memory_space<vmem>> -> memref<128xi32, #tpu.memory_space<vmem>>
    %dma_wait3A_864 = arith.constant 0 : i32
    %dma_wait3A_865 = arith.constant 0 : i32
    %dma_wait3A_866 = tpu.memref_slice %arg6[%dma_wait3A_864, %dma_wait3A_865] : memref<524288x16xf32, #tpu.memory_space<hbm>> -> memref<524288x16xf32, #tpu.memory_space<hbm>>
    tpu.wait_indirect_dma semaphore(%arg12 : memref<!tpu.dma_semaphore, #tpu.memory_space<semaphore_mem>>) src(%dma_wait3A_860 : memref<128x16xf32, #tpu.memory_space<vmem>>) dst(%dma_wait3A_866 : memref<524288x16xf32, #tpu.memory_space<hbm>>)
    %dma_wait3A_867 = arith.constant 2 : i32
    %dma_wait3A_868 = arith.constant 256 : i32
    %dma_wait3A_869 = arith.constant 0 : i32
    %dma_wait3A_870 = tpu.memref_slice %arg10[%dma_wait3A_868, %dma_wait3A_869] : memref<3328x16xf32, #tpu.memory_space<vmem>> -> memref<128x16xf32, #tpu.memory_space<vmem>>
    %dma_wait3A_871 = arith.constant 0 : i32
    %dma_wait3A_872 = tpu.memref_slice %arg9[%dma_wait3A_867, %dma_wait3A_871] : memref<26x128xi32, #tpu.memory_space<vmem>> -> memref<1x128xi32, #tpu.memory_space<vmem>>
    %dma_wait3A_873 = tpu.memref_squeeze %dma_wait3A_872 : memref<1x128xi32, #tpu.memory_space<vmem>> -> memref<128xi32, #tpu.memory_space<vmem>>
    %dma_wait3A_874 = arith.constant 0 : i32
    %dma_wait3A_875 = arith.constant 0 : i32
    %dma_wait3A_876 = tpu.memref_slice %arg6[%dma_wait3A_874, %dma_wait3A_875] : memref<524288x16xf32, #tpu.memory_space<hbm>> -> memref<524288x16xf32, #tpu.memory_space<hbm>>
    tpu.wait_indirect_dma semaphore(%arg12 : memref<!tpu.dma_semaphore, #tpu.memory_space<semaphore_mem>>) src(%dma_wait3A_870 : memref<128x16xf32, #tpu.memory_space<vmem>>) dst(%dma_wait3A_876 : memref<524288x16xf32, #tpu.memory_space<hbm>>)
    %dma_wait3A_877 = arith.constant 3 : i32
    %dma_wait3A_878 = arith.constant 384 : i32
    %dma_wait3A_879 = arith.constant 0 : i32
    %dma_wait3A_880 = tpu.memref_slice %arg10[%dma_wait3A_878, %dma_wait3A_879] : memref<3328x16xf32, #tpu.memory_space<vmem>> -> memref<128x16xf32, #tpu.memory_space<vmem>>
    %dma_wait3A_881 = arith.constant 0 : i32
    %dma_wait3A_882 = tpu.memref_slice %arg9[%dma_wait3A_877, %dma_wait3A_881] : memref<26x128xi32, #tpu.memory_space<vmem>> -> memref<1x128xi32, #tpu.memory_space<vmem>>
    %dma_wait3A_883 = tpu.memref_squeeze %dma_wait3A_882 : memref<1x128xi32, #tpu.memory_space<vmem>> -> memref<128xi32, #tpu.memory_space<vmem>>
    %dma_wait3A_884 = arith.constant 0 : i32
    %dma_wait3A_885 = arith.constant 0 : i32
    %dma_wait3A_886 = tpu.memref_slice %arg6[%dma_wait3A_884, %dma_wait3A_885] : memref<524288x16xf32, #tpu.memory_space<hbm>> -> memref<524288x16xf32, #tpu.memory_space<hbm>>
    tpu.wait_indirect_dma semaphore(%arg12 : memref<!tpu.dma_semaphore, #tpu.memory_space<semaphore_mem>>) src(%dma_wait3A_880 : memref<128x16xf32, #tpu.memory_space<vmem>>) dst(%dma_wait3A_886 : memref<524288x16xf32, #tpu.memory_space<hbm>>)
    %dma_wait3A_887 = arith.constant 4 : i32
    %dma_wait3A_888 = arith.constant 512 : i32
    %dma_wait3A_889 = arith.constant 0 : i32
    %dma_wait3A_890 = tpu.memref_slice %arg10[%dma_wait3A_888, %dma_wait3A_889] : memref<3328x16xf32, #tpu.memory_space<vmem>> -> memref<128x16xf32, #tpu.memory_space<vmem>>
    %dma_wait3A_891 = arith.constant 0 : i32
    %dma_wait3A_892 = tpu.memref_slice %arg9[%dma_wait3A_887, %dma_wait3A_891] : memref<26x128xi32, #tpu.memory_space<vmem>> -> memref<1x128xi32, #tpu.memory_space<vmem>>
    %dma_wait3A_893 = tpu.memref_squeeze %dma_wait3A_892 : memref<1x128xi32, #tpu.memory_space<vmem>> -> memref<128xi32, #tpu.memory_space<vmem>>
    %dma_wait3A_894 = arith.constant 0 : i32
    %dma_wait3A_895 = arith.constant 0 : i32
    %dma_wait3A_896 = tpu.memref_slice %arg6[%dma_wait3A_894, %dma_wait3A_895] : memref<524288x16xf32, #tpu.memory_space<hbm>> -> memref<524288x16xf32, #tpu.memory_space<hbm>>
    tpu.wait_indirect_dma semaphore(%arg12 : memref<!tpu.dma_semaphore, #tpu.memory_space<semaphore_mem>>) src(%dma_wait3A_890 : memref<128x16xf32, #tpu.memory_space<vmem>>) dst(%dma_wait3A_896 : memref<524288x16xf32, #tpu.memory_space<hbm>>)
    %dma_wait3A_897 = arith.constant 5 : i32
    %dma_wait3A_898 = arith.constant 640 : i32
    %dma_wait3A_899 = arith.constant 0 : i32
    %dma_wait3A_900 = tpu.memref_slice %arg10[%dma_wait3A_898, %dma_wait3A_899] : memref<3328x16xf32, #tpu.memory_space<vmem>> -> memref<128x16xf32, #tpu.memory_space<vmem>>
    %dma_wait3A_901 = arith.constant 0 : i32
    %dma_wait3A_902 = tpu.memref_slice %arg9[%dma_wait3A_897, %dma_wait3A_901] : memref<26x128xi32, #tpu.memory_space<vmem>> -> memref<1x128xi32, #tpu.memory_space<vmem>>
    %dma_wait3A_903 = tpu.memref_squeeze %dma_wait3A_902 : memref<1x128xi32, #tpu.memory_space<vmem>> -> memref<128xi32, #tpu.memory_space<vmem>>
    %dma_wait3A_904 = arith.constant 0 : i32
    %dma_wait3A_905 = arith.constant 0 : i32
    %dma_wait3A_906 = tpu.memref_slice %arg6[%dma_wait3A_904, %dma_wait3A_905] : memref<524288x16xf32, #tpu.memory_space<hbm>> -> memref<524288x16xf32, #tpu.memory_space<hbm>>
    tpu.wait_indirect_dma semaphore(%arg12 : memref<!tpu.dma_semaphore, #tpu.memory_space<semaphore_mem>>) src(%dma_wait3A_900 : memref<128x16xf32, #tpu.memory_space<vmem>>) dst(%dma_wait3A_906 : memref<524288x16xf32, #tpu.memory_space<hbm>>)
    %dma_wait3A_907 = arith.constant 6 : i32
    %dma_wait3A_908 = arith.constant 768 : i32
    %dma_wait3A_909 = arith.constant 0 : i32
    %dma_wait3A_910 = tpu.memref_slice %arg10[%dma_wait3A_908, %dma_wait3A_909] : memref<3328x16xf32, #tpu.memory_space<vmem>> -> memref<128x16xf32, #tpu.memory_space<vmem>>
    %dma_wait3A_911 = arith.constant 0 : i32
    %dma_wait3A_912 = tpu.memref_slice %arg9[%dma_wait3A_907, %dma_wait3A_911] : memref<26x128xi32, #tpu.memory_space<vmem>> -> memref<1x128xi32, #tpu.memory_space<vmem>>
    %dma_wait3A_913 = tpu.memref_squeeze %dma_wait3A_912 : memref<1x128xi32, #tpu.memory_space<vmem>> -> memref<128xi32, #tpu.memory_space<vmem>>
    %dma_wait3A_914 = arith.constant 0 : i32
    %dma_wait3A_915 = arith.constant 0 : i32
    %dma_wait3A_916 = tpu.memref_slice %arg6[%dma_wait3A_914, %dma_wait3A_915] : memref<524288x16xf32, #tpu.memory_space<hbm>> -> memref<524288x16xf32, #tpu.memory_space<hbm>>
    tpu.wait_indirect_dma semaphore(%arg12 : memref<!tpu.dma_semaphore, #tpu.memory_space<semaphore_mem>>) src(%dma_wait3A_910 : memref<128x16xf32, #tpu.memory_space<vmem>>) dst(%dma_wait3A_916 : memref<524288x16xf32, #tpu.memory_space<hbm>>)
    %dma_wait3A_917 = arith.constant 7 : i32
    %dma_wait3A_918 = arith.constant 896 : i32
    %dma_wait3A_919 = arith.constant 0 : i32
    %dma_wait3A_920 = tpu.memref_slice %arg10[%dma_wait3A_918, %dma_wait3A_919] : memref<3328x16xf32, #tpu.memory_space<vmem>> -> memref<128x16xf32, #tpu.memory_space<vmem>>
    %dma_wait3A_921 = arith.constant 0 : i32
    %dma_wait3A_922 = tpu.memref_slice %arg9[%dma_wait3A_917, %dma_wait3A_921] : memref<26x128xi32, #tpu.memory_space<vmem>> -> memref<1x128xi32, #tpu.memory_space<vmem>>
    %dma_wait3A_923 = tpu.memref_squeeze %dma_wait3A_922 : memref<1x128xi32, #tpu.memory_space<vmem>> -> memref<128xi32, #tpu.memory_space<vmem>>
    %dma_wait3A_924 = arith.constant 0 : i32
    %dma_wait3A_925 = arith.constant 0 : i32
    %dma_wait3A_926 = tpu.memref_slice %arg6[%dma_wait3A_924, %dma_wait3A_925] : memref<524288x16xf32, #tpu.memory_space<hbm>> -> memref<524288x16xf32, #tpu.memory_space<hbm>>
    tpu.wait_indirect_dma semaphore(%arg12 : memref<!tpu.dma_semaphore, #tpu.memory_space<semaphore_mem>>) src(%dma_wait3A_920 : memref<128x16xf32, #tpu.memory_space<vmem>>) dst(%dma_wait3A_926 : memref<524288x16xf32, #tpu.memory_space<hbm>>)
    %dma_wait3A_927 = arith.constant 8 : i32
    %dma_wait3A_928 = arith.constant 1024 : i32
    %dma_wait3A_929 = arith.constant 0 : i32
    %dma_wait3A_930 = tpu.memref_slice %arg10[%dma_wait3A_928, %dma_wait3A_929] : memref<3328x16xf32, #tpu.memory_space<vmem>> -> memref<128x16xf32, #tpu.memory_space<vmem>>
    %dma_wait3A_931 = arith.constant 0 : i32
    %dma_wait3A_932 = tpu.memref_slice %arg9[%dma_wait3A_927, %dma_wait3A_931] : memref<26x128xi32, #tpu.memory_space<vmem>> -> memref<1x128xi32, #tpu.memory_space<vmem>>
    %dma_wait3A_933 = tpu.memref_squeeze %dma_wait3A_932 : memref<1x128xi32, #tpu.memory_space<vmem>> -> memref<128xi32, #tpu.memory_space<vmem>>
    %dma_wait3A_934 = arith.constant 0 : i32
    %dma_wait3A_935 = arith.constant 0 : i32
    %dma_wait3A_936 = tpu.memref_slice %arg6[%dma_wait3A_934, %dma_wait3A_935] : memref<524288x16xf32, #tpu.memory_space<hbm>> -> memref<524288x16xf32, #tpu.memory_space<hbm>>
    tpu.wait_indirect_dma semaphore(%arg12 : memref<!tpu.dma_semaphore, #tpu.memory_space<semaphore_mem>>) src(%dma_wait3A_930 : memref<128x16xf32, #tpu.memory_space<vmem>>) dst(%dma_wait3A_936 : memref<524288x16xf32, #tpu.memory_space<hbm>>)
    %dma_wait3A_937 = arith.constant 9 : i32
    %dma_wait3A_938 = arith.constant 1152 : i32
    %dma_wait3A_939 = arith.constant 0 : i32
    %dma_wait3A_940 = tpu.memref_slice %arg10[%dma_wait3A_938, %dma_wait3A_939] : memref<3328x16xf32, #tpu.memory_space<vmem>> -> memref<128x16xf32, #tpu.memory_space<vmem>>
    %dma_wait3A_941 = arith.constant 0 : i32
    %dma_wait3A_942 = tpu.memref_slice %arg9[%dma_wait3A_937, %dma_wait3A_941] : memref<26x128xi32, #tpu.memory_space<vmem>> -> memref<1x128xi32, #tpu.memory_space<vmem>>
    %dma_wait3A_943 = tpu.memref_squeeze %dma_wait3A_942 : memref<1x128xi32, #tpu.memory_space<vmem>> -> memref<128xi32, #tpu.memory_space<vmem>>
    %dma_wait3A_944 = arith.constant 0 : i32
    %dma_wait3A_945 = arith.constant 0 : i32
    %dma_wait3A_946 = tpu.memref_slice %arg6[%dma_wait3A_944, %dma_wait3A_945] : memref<524288x16xf32, #tpu.memory_space<hbm>> -> memref<524288x16xf32, #tpu.memory_space<hbm>>
    tpu.wait_indirect_dma semaphore(%arg12 : memref<!tpu.dma_semaphore, #tpu.memory_space<semaphore_mem>>) src(%dma_wait3A_940 : memref<128x16xf32, #tpu.memory_space<vmem>>) dst(%dma_wait3A_946 : memref<524288x16xf32, #tpu.memory_space<hbm>>)
    %dma_wait3A_947 = arith.constant 10 : i32
    %dma_wait3A_948 = arith.constant 1280 : i32
    %dma_wait3A_949 = arith.constant 0 : i32
    %dma_wait3A_950 = tpu.memref_slice %arg10[%dma_wait3A_948, %dma_wait3A_949] : memref<3328x16xf32, #tpu.memory_space<vmem>> -> memref<128x16xf32, #tpu.memory_space<vmem>>
    %dma_wait3A_951 = arith.constant 0 : i32
    %dma_wait3A_952 = tpu.memref_slice %arg9[%dma_wait3A_947, %dma_wait3A_951] : memref<26x128xi32, #tpu.memory_space<vmem>> -> memref<1x128xi32, #tpu.memory_space<vmem>>
    %dma_wait3A_953 = tpu.memref_squeeze %dma_wait3A_952 : memref<1x128xi32, #tpu.memory_space<vmem>> -> memref<128xi32, #tpu.memory_space<vmem>>
    %dma_wait3A_954 = arith.constant 0 : i32
    %dma_wait3A_955 = arith.constant 0 : i32
    %dma_wait3A_956 = tpu.memref_slice %arg6[%dma_wait3A_954, %dma_wait3A_955] : memref<524288x16xf32, #tpu.memory_space<hbm>> -> memref<524288x16xf32, #tpu.memory_space<hbm>>
    tpu.wait_indirect_dma semaphore(%arg12 : memref<!tpu.dma_semaphore, #tpu.memory_space<semaphore_mem>>) src(%dma_wait3A_950 : memref<128x16xf32, #tpu.memory_space<vmem>>) dst(%dma_wait3A_956 : memref<524288x16xf32, #tpu.memory_space<hbm>>)
    %dma_wait3A_957 = arith.constant 11 : i32
    %dma_wait3A_958 = arith.constant 1408 : i32
    %dma_wait3A_959 = arith.constant 0 : i32
    %dma_wait3A_960 = tpu.memref_slice %arg10[%dma_wait3A_958, %dma_wait3A_959] : memref<3328x16xf32, #tpu.memory_space<vmem>> -> memref<128x16xf32, #tpu.memory_space<vmem>>
    %dma_wait3A_961 = arith.constant 0 : i32
    %dma_wait3A_962 = tpu.memref_slice %arg9[%dma_wait3A_957, %dma_wait3A_961] : memref<26x128xi32, #tpu.memory_space<vmem>> -> memref<1x128xi32, #tpu.memory_space<vmem>>
    %dma_wait3A_963 = tpu.memref_squeeze %dma_wait3A_962 : memref<1x128xi32, #tpu.memory_space<vmem>> -> memref<128xi32, #tpu.memory_space<vmem>>
    %dma_wait3A_964 = arith.constant 0 : i32
    %dma_wait3A_965 = arith.constant 0 : i32
    %dma_wait3A_966 = tpu.memref_slice %arg6[%dma_wait3A_964, %dma_wait3A_965] : memref<524288x16xf32, #tpu.memory_space<hbm>> -> memref<524288x16xf32, #tpu.memory_space<hbm>>
    tpu.wait_indirect_dma semaphore(%arg12 : memref<!tpu.dma_semaphore, #tpu.memory_space<semaphore_mem>>) src(%dma_wait3A_960 : memref<128x16xf32, #tpu.memory_space<vmem>>) dst(%dma_wait3A_966 : memref<524288x16xf32, #tpu.memory_space<hbm>>)
    %dma_wait3A_967 = arith.constant 12 : i32
    %dma_wait3A_968 = arith.constant 1536 : i32
    %dma_wait3A_969 = arith.constant 0 : i32
    %dma_wait3A_970 = tpu.memref_slice %arg10[%dma_wait3A_968, %dma_wait3A_969] : memref<3328x16xf32, #tpu.memory_space<vmem>> -> memref<128x16xf32, #tpu.memory_space<vmem>>
    %dma_wait3A_971 = arith.constant 0 : i32
    %dma_wait3A_972 = tpu.memref_slice %arg9[%dma_wait3A_967, %dma_wait3A_971] : memref<26x128xi32, #tpu.memory_space<vmem>> -> memref<1x128xi32, #tpu.memory_space<vmem>>
    %dma_wait3A_973 = tpu.memref_squeeze %dma_wait3A_972 : memref<1x128xi32, #tpu.memory_space<vmem>> -> memref<128xi32, #tpu.memory_space<vmem>>
    %dma_wait3A_974 = arith.constant 0 : i32
    %dma_wait3A_975 = arith.constant 0 : i32
    %dma_wait3A_976 = tpu.memref_slice %arg6[%dma_wait3A_974, %dma_wait3A_975] : memref<524288x16xf32, #tpu.memory_space<hbm>> -> memref<524288x16xf32, #tpu.memory_space<hbm>>
    tpu.wait_indirect_dma semaphore(%arg12 : memref<!tpu.dma_semaphore, #tpu.memory_space<semaphore_mem>>) src(%dma_wait3A_970 : memref<128x16xf32, #tpu.memory_space<vmem>>) dst(%dma_wait3A_976 : memref<524288x16xf32, #tpu.memory_space<hbm>>)
    %dma_wait3A_977 = arith.constant 13 : i32
    %dma_wait3A_978 = arith.constant 1664 : i32
    %dma_wait3A_979 = arith.constant 0 : i32
    %dma_wait3A_980 = tpu.memref_slice %arg10[%dma_wait3A_978, %dma_wait3A_979] : memref<3328x16xf32, #tpu.memory_space<vmem>> -> memref<128x16xf32, #tpu.memory_space<vmem>>
    %dma_wait3A_981 = arith.constant 0 : i32
    %dma_wait3A_982 = tpu.memref_slice %arg9[%dma_wait3A_977, %dma_wait3A_981] : memref<26x128xi32, #tpu.memory_space<vmem>> -> memref<1x128xi32, #tpu.memory_space<vmem>>
    %dma_wait3A_983 = tpu.memref_squeeze %dma_wait3A_982 : memref<1x128xi32, #tpu.memory_space<vmem>> -> memref<128xi32, #tpu.memory_space<vmem>>
    %dma_wait3A_984 = arith.constant 0 : i32
    %dma_wait3A_985 = arith.constant 0 : i32
    %dma_wait3A_986 = tpu.memref_slice %arg6[%dma_wait3A_984, %dma_wait3A_985] : memref<524288x16xf32, #tpu.memory_space<hbm>> -> memref<524288x16xf32, #tpu.memory_space<hbm>>
    tpu.wait_indirect_dma semaphore(%arg12 : memref<!tpu.dma_semaphore, #tpu.memory_space<semaphore_mem>>) src(%dma_wait3A_980 : memref<128x16xf32, #tpu.memory_space<vmem>>) dst(%dma_wait3A_986 : memref<524288x16xf32, #tpu.memory_space<hbm>>)
    %dma_wait3A_987 = arith.constant 14 : i32
    %dma_wait3A_988 = arith.constant 1792 : i32
    %dma_wait3A_989 = arith.constant 0 : i32
    %dma_wait3A_990 = tpu.memref_slice %arg10[%dma_wait3A_988, %dma_wait3A_989] : memref<3328x16xf32, #tpu.memory_space<vmem>> -> memref<128x16xf32, #tpu.memory_space<vmem>>
    %dma_wait3A_991 = arith.constant 0 : i32
    %dma_wait3A_992 = tpu.memref_slice %arg9[%dma_wait3A_987, %dma_wait3A_991] : memref<26x128xi32, #tpu.memory_space<vmem>> -> memref<1x128xi32, #tpu.memory_space<vmem>>
    %dma_wait3A_993 = tpu.memref_squeeze %dma_wait3A_992 : memref<1x128xi32, #tpu.memory_space<vmem>> -> memref<128xi32, #tpu.memory_space<vmem>>
    %dma_wait3A_994 = arith.constant 0 : i32
    %dma_wait3A_995 = arith.constant 0 : i32
    %dma_wait3A_996 = tpu.memref_slice %arg6[%dma_wait3A_994, %dma_wait3A_995] : memref<524288x16xf32, #tpu.memory_space<hbm>> -> memref<524288x16xf32, #tpu.memory_space<hbm>>
    tpu.wait_indirect_dma semaphore(%arg12 : memref<!tpu.dma_semaphore, #tpu.memory_space<semaphore_mem>>) src(%dma_wait3A_990 : memref<128x16xf32, #tpu.memory_space<vmem>>) dst(%dma_wait3A_996 : memref<524288x16xf32, #tpu.memory_space<hbm>>)
    %dma_wait3A_997 = arith.constant 15 : i32
    %dma_wait3A_998 = arith.constant 1920 : i32
    %dma_wait3A_999 = arith.constant 0 : i32
    %dma_wait3A_1000 = tpu.memref_slice %arg10[%dma_wait3A_998, %dma_wait3A_999] : memref<3328x16xf32, #tpu.memory_space<vmem>> -> memref<128x16xf32, #tpu.memory_space<vmem>>
    %dma_wait3A_1001 = arith.constant 0 : i32
    %dma_wait3A_1002 = tpu.memref_slice %arg9[%dma_wait3A_997, %dma_wait3A_1001] : memref<26x128xi32, #tpu.memory_space<vmem>> -> memref<1x128xi32, #tpu.memory_space<vmem>>
    %dma_wait3A_1003 = tpu.memref_squeeze %dma_wait3A_1002 : memref<1x128xi32, #tpu.memory_space<vmem>> -> memref<128xi32, #tpu.memory_space<vmem>>
    %dma_wait3A_1004 = arith.constant 0 : i32
    %dma_wait3A_1005 = arith.constant 0 : i32
    %dma_wait3A_1006 = tpu.memref_slice %arg6[%dma_wait3A_1004, %dma_wait3A_1005] : memref<524288x16xf32, #tpu.memory_space<hbm>> -> memref<524288x16xf32, #tpu.memory_space<hbm>>
    tpu.wait_indirect_dma semaphore(%arg12 : memref<!tpu.dma_semaphore, #tpu.memory_space<semaphore_mem>>) src(%dma_wait3A_1000 : memref<128x16xf32, #tpu.memory_space<vmem>>) dst(%dma_wait3A_1006 : memref<524288x16xf32, #tpu.memory_space<hbm>>)
    %dma_wait3A_1007 = arith.constant 16 : i32
    %dma_wait3A_1008 = arith.constant 2048 : i32
    %dma_wait3A_1009 = arith.constant 0 : i32
    %dma_wait3A_1010 = tpu.memref_slice %arg10[%dma_wait3A_1008, %dma_wait3A_1009] : memref<3328x16xf32, #tpu.memory_space<vmem>> -> memref<128x16xf32, #tpu.memory_space<vmem>>
    %dma_wait3A_1011 = arith.constant 0 : i32
    %dma_wait3A_1012 = tpu.memref_slice %arg9[%dma_wait3A_1007, %dma_wait3A_1011] : memref<26x128xi32, #tpu.memory_space<vmem>> -> memref<1x128xi32, #tpu.memory_space<vmem>>
    %dma_wait3A_1013 = tpu.memref_squeeze %dma_wait3A_1012 : memref<1x128xi32, #tpu.memory_space<vmem>> -> memref<128xi32, #tpu.memory_space<vmem>>
    %dma_wait3A_1014 = arith.constant 0 : i32
    %dma_wait3A_1015 = arith.constant 0 : i32
    %dma_wait3A_1016 = tpu.memref_slice %arg6[%dma_wait3A_1014, %dma_wait3A_1015] : memref<524288x16xf32, #tpu.memory_space<hbm>> -> memref<524288x16xf32, #tpu.memory_space<hbm>>
    tpu.wait_indirect_dma semaphore(%arg12 : memref<!tpu.dma_semaphore, #tpu.memory_space<semaphore_mem>>) src(%dma_wait3A_1010 : memref<128x16xf32, #tpu.memory_space<vmem>>) dst(%dma_wait3A_1016 : memref<524288x16xf32, #tpu.memory_space<hbm>>)
    %dma_wait3A_1017 = arith.constant 17 : i32
    %dma_wait3A_1018 = arith.constant 2176 : i32
    %dma_wait3A_1019 = arith.constant 0 : i32
    %dma_wait3A_1020 = tpu.memref_slice %arg10[%dma_wait3A_1018, %dma_wait3A_1019] : memref<3328x16xf32, #tpu.memory_space<vmem>> -> memref<128x16xf32, #tpu.memory_space<vmem>>
    %dma_wait3A_1021 = arith.constant 0 : i32
    %dma_wait3A_1022 = tpu.memref_slice %arg9[%dma_wait3A_1017, %dma_wait3A_1021] : memref<26x128xi32, #tpu.memory_space<vmem>> -> memref<1x128xi32, #tpu.memory_space<vmem>>
    %dma_wait3A_1023 = tpu.memref_squeeze %dma_wait3A_1022 : memref<1x128xi32, #tpu.memory_space<vmem>> -> memref<128xi32, #tpu.memory_space<vmem>>
    %dma_wait3A_1024 = arith.constant 0 : i32
    %dma_wait3A_1025 = arith.constant 0 : i32
    %dma_wait3A_1026 = tpu.memref_slice %arg6[%dma_wait3A_1024, %dma_wait3A_1025] : memref<524288x16xf32, #tpu.memory_space<hbm>> -> memref<524288x16xf32, #tpu.memory_space<hbm>>
    tpu.wait_indirect_dma semaphore(%arg12 : memref<!tpu.dma_semaphore, #tpu.memory_space<semaphore_mem>>) src(%dma_wait3A_1020 : memref<128x16xf32, #tpu.memory_space<vmem>>) dst(%dma_wait3A_1026 : memref<524288x16xf32, #tpu.memory_space<hbm>>)
    %dma_wait3A_1027 = arith.constant 18 : i32
    %dma_wait3A_1028 = arith.constant 2304 : i32
    %dma_wait3A_1029 = arith.constant 0 : i32
    %dma_wait3A_1030 = tpu.memref_slice %arg10[%dma_wait3A_1028, %dma_wait3A_1029] : memref<3328x16xf32, #tpu.memory_space<vmem>> -> memref<128x16xf32, #tpu.memory_space<vmem>>
    %dma_wait3A_1031 = arith.constant 0 : i32
    %dma_wait3A_1032 = tpu.memref_slice %arg9[%dma_wait3A_1027, %dma_wait3A_1031] : memref<26x128xi32, #tpu.memory_space<vmem>> -> memref<1x128xi32, #tpu.memory_space<vmem>>
    %dma_wait3A_1033 = tpu.memref_squeeze %dma_wait3A_1032 : memref<1x128xi32, #tpu.memory_space<vmem>> -> memref<128xi32, #tpu.memory_space<vmem>>
    %dma_wait3A_1034 = arith.constant 0 : i32
    %dma_wait3A_1035 = arith.constant 0 : i32
    %dma_wait3A_1036 = tpu.memref_slice %arg6[%dma_wait3A_1034, %dma_wait3A_1035] : memref<524288x16xf32, #tpu.memory_space<hbm>> -> memref<524288x16xf32, #tpu.memory_space<hbm>>
    tpu.wait_indirect_dma semaphore(%arg12 : memref<!tpu.dma_semaphore, #tpu.memory_space<semaphore_mem>>) src(%dma_wait3A_1030 : memref<128x16xf32, #tpu.memory_space<vmem>>) dst(%dma_wait3A_1036 : memref<524288x16xf32, #tpu.memory_space<hbm>>)
    %dma_wait3A_1037 = arith.constant 19 : i32
    %dma_wait3A_1038 = arith.constant 2432 : i32
    %dma_wait3A_1039 = arith.constant 0 : i32
    %dma_wait3A_1040 = tpu.memref_slice %arg10[%dma_wait3A_1038, %dma_wait3A_1039] : memref<3328x16xf32, #tpu.memory_space<vmem>> -> memref<128x16xf32, #tpu.memory_space<vmem>>
    %dma_wait3A_1041 = arith.constant 0 : i32
    %dma_wait3A_1042 = tpu.memref_slice %arg9[%dma_wait3A_1037, %dma_wait3A_1041] : memref<26x128xi32, #tpu.memory_space<vmem>> -> memref<1x128xi32, #tpu.memory_space<vmem>>
    %dma_wait3A_1043 = tpu.memref_squeeze %dma_wait3A_1042 : memref<1x128xi32, #tpu.memory_space<vmem>> -> memref<128xi32, #tpu.memory_space<vmem>>
    %dma_wait3A_1044 = arith.constant 0 : i32
    %dma_wait3A_1045 = arith.constant 0 : i32
    %dma_wait3A_1046 = tpu.memref_slice %arg6[%dma_wait3A_1044, %dma_wait3A_1045] : memref<524288x16xf32, #tpu.memory_space<hbm>> -> memref<524288x16xf32, #tpu.memory_space<hbm>>
    tpu.wait_indirect_dma semaphore(%arg12 : memref<!tpu.dma_semaphore, #tpu.memory_space<semaphore_mem>>) src(%dma_wait3A_1040 : memref<128x16xf32, #tpu.memory_space<vmem>>) dst(%dma_wait3A_1046 : memref<524288x16xf32, #tpu.memory_space<hbm>>)
    %dma_wait3A_1047 = arith.constant 20 : i32
    %dma_wait3A_1048 = arith.constant 2560 : i32
    %dma_wait3A_1049 = arith.constant 0 : i32
    %dma_wait3A_1050 = tpu.memref_slice %arg10[%dma_wait3A_1048, %dma_wait3A_1049] : memref<3328x16xf32, #tpu.memory_space<vmem>> -> memref<128x16xf32, #tpu.memory_space<vmem>>
    %dma_wait3A_1051 = arith.constant 0 : i32
    %dma_wait3A_1052 = tpu.memref_slice %arg9[%dma_wait3A_1047, %dma_wait3A_1051] : memref<26x128xi32, #tpu.memory_space<vmem>> -> memref<1x128xi32, #tpu.memory_space<vmem>>
    %dma_wait3A_1053 = tpu.memref_squeeze %dma_wait3A_1052 : memref<1x128xi32, #tpu.memory_space<vmem>> -> memref<128xi32, #tpu.memory_space<vmem>>
    %dma_wait3A_1054 = arith.constant 0 : i32
    %dma_wait3A_1055 = arith.constant 0 : i32
    %dma_wait3A_1056 = tpu.memref_slice %arg6[%dma_wait3A_1054, %dma_wait3A_1055] : memref<524288x16xf32, #tpu.memory_space<hbm>> -> memref<524288x16xf32, #tpu.memory_space<hbm>>
    tpu.wait_indirect_dma semaphore(%arg12 : memref<!tpu.dma_semaphore, #tpu.memory_space<semaphore_mem>>) src(%dma_wait3A_1050 : memref<128x16xf32, #tpu.memory_space<vmem>>) dst(%dma_wait3A_1056 : memref<524288x16xf32, #tpu.memory_space<hbm>>)
    %dma_wait3A_1057 = arith.constant 21 : i32
    %dma_wait3A_1058 = arith.constant 2688 : i32
    %dma_wait3A_1059 = arith.constant 0 : i32
    %dma_wait3A_1060 = tpu.memref_slice %arg10[%dma_wait3A_1058, %dma_wait3A_1059] : memref<3328x16xf32, #tpu.memory_space<vmem>> -> memref<128x16xf32, #tpu.memory_space<vmem>>
    %dma_wait3A_1061 = arith.constant 0 : i32
    %dma_wait3A_1062 = tpu.memref_slice %arg9[%dma_wait3A_1057, %dma_wait3A_1061] : memref<26x128xi32, #tpu.memory_space<vmem>> -> memref<1x128xi32, #tpu.memory_space<vmem>>
    %dma_wait3A_1063 = tpu.memref_squeeze %dma_wait3A_1062 : memref<1x128xi32, #tpu.memory_space<vmem>> -> memref<128xi32, #tpu.memory_space<vmem>>
    %dma_wait3A_1064 = arith.constant 0 : i32
    %dma_wait3A_1065 = arith.constant 0 : i32
    %dma_wait3A_1066 = tpu.memref_slice %arg6[%dma_wait3A_1064, %dma_wait3A_1065] : memref<524288x16xf32, #tpu.memory_space<hbm>> -> memref<524288x16xf32, #tpu.memory_space<hbm>>
    tpu.wait_indirect_dma semaphore(%arg12 : memref<!tpu.dma_semaphore, #tpu.memory_space<semaphore_mem>>) src(%dma_wait3A_1060 : memref<128x16xf32, #tpu.memory_space<vmem>>) dst(%dma_wait3A_1066 : memref<524288x16xf32, #tpu.memory_space<hbm>>)
    %dma_wait3A_1067 = arith.constant 22 : i32
    %dma_wait3A_1068 = arith.constant 2816 : i32
    %dma_wait3A_1069 = arith.constant 0 : i32
    %dma_wait3A_1070 = tpu.memref_slice %arg10[%dma_wait3A_1068, %dma_wait3A_1069] : memref<3328x16xf32, #tpu.memory_space<vmem>> -> memref<128x16xf32, #tpu.memory_space<vmem>>
    %dma_wait3A_1071 = arith.constant 0 : i32
    %dma_wait3A_1072 = tpu.memref_slice %arg9[%dma_wait3A_1067, %dma_wait3A_1071] : memref<26x128xi32, #tpu.memory_space<vmem>> -> memref<1x128xi32, #tpu.memory_space<vmem>>
    %dma_wait3A_1073 = tpu.memref_squeeze %dma_wait3A_1072 : memref<1x128xi32, #tpu.memory_space<vmem>> -> memref<128xi32, #tpu.memory_space<vmem>>
    %dma_wait3A_1074 = arith.constant 0 : i32
    %dma_wait3A_1075 = arith.constant 0 : i32
    %dma_wait3A_1076 = tpu.memref_slice %arg6[%dma_wait3A_1074, %dma_wait3A_1075] : memref<524288x16xf32, #tpu.memory_space<hbm>> -> memref<524288x16xf32, #tpu.memory_space<hbm>>
    tpu.wait_indirect_dma semaphore(%arg12 : memref<!tpu.dma_semaphore, #tpu.memory_space<semaphore_mem>>) src(%dma_wait3A_1070 : memref<128x16xf32, #tpu.memory_space<vmem>>) dst(%dma_wait3A_1076 : memref<524288x16xf32, #tpu.memory_space<hbm>>)
    %dma_wait3A_1077 = arith.constant 23 : i32
    %dma_wait3A_1078 = arith.constant 2944 : i32
    %dma_wait3A_1079 = arith.constant 0 : i32
    %dma_wait3A_1080 = tpu.memref_slice %arg10[%dma_wait3A_1078, %dma_wait3A_1079] : memref<3328x16xf32, #tpu.memory_space<vmem>> -> memref<128x16xf32, #tpu.memory_space<vmem>>
    %dma_wait3A_1081 = arith.constant 0 : i32
    %dma_wait3A_1082 = tpu.memref_slice %arg9[%dma_wait3A_1077, %dma_wait3A_1081] : memref<26x128xi32, #tpu.memory_space<vmem>> -> memref<1x128xi32, #tpu.memory_space<vmem>>
    %dma_wait3A_1083 = tpu.memref_squeeze %dma_wait3A_1082 : memref<1x128xi32, #tpu.memory_space<vmem>> -> memref<128xi32, #tpu.memory_space<vmem>>
    %dma_wait3A_1084 = arith.constant 0 : i32
    %dma_wait3A_1085 = arith.constant 0 : i32
    %dma_wait3A_1086 = tpu.memref_slice %arg6[%dma_wait3A_1084, %dma_wait3A_1085] : memref<524288x16xf32, #tpu.memory_space<hbm>> -> memref<524288x16xf32, #tpu.memory_space<hbm>>
    tpu.wait_indirect_dma semaphore(%arg12 : memref<!tpu.dma_semaphore, #tpu.memory_space<semaphore_mem>>) src(%dma_wait3A_1080 : memref<128x16xf32, #tpu.memory_space<vmem>>) dst(%dma_wait3A_1086 : memref<524288x16xf32, #tpu.memory_space<hbm>>)
    %dma_wait3A_1087 = arith.constant 24 : i32
    %dma_wait3A_1088 = arith.constant 3072 : i32
    %dma_wait3A_1089 = arith.constant 0 : i32
    %dma_wait3A_1090 = tpu.memref_slice %arg10[%dma_wait3A_1088, %dma_wait3A_1089] : memref<3328x16xf32, #tpu.memory_space<vmem>> -> memref<128x16xf32, #tpu.memory_space<vmem>>
    %dma_wait3A_1091 = arith.constant 0 : i32
    %dma_wait3A_1092 = tpu.memref_slice %arg9[%dma_wait3A_1087, %dma_wait3A_1091] : memref<26x128xi32, #tpu.memory_space<vmem>> -> memref<1x128xi32, #tpu.memory_space<vmem>>
    %dma_wait3A_1093 = tpu.memref_squeeze %dma_wait3A_1092 : memref<1x128xi32, #tpu.memory_space<vmem>> -> memref<128xi32, #tpu.memory_space<vmem>>
    %dma_wait3A_1094 = arith.constant 0 : i32
    %dma_wait3A_1095 = arith.constant 0 : i32
    %dma_wait3A_1096 = tpu.memref_slice %arg6[%dma_wait3A_1094, %dma_wait3A_1095] : memref<524288x16xf32, #tpu.memory_space<hbm>> -> memref<524288x16xf32, #tpu.memory_space<hbm>>
    tpu.wait_indirect_dma semaphore(%arg12 : memref<!tpu.dma_semaphore, #tpu.memory_space<semaphore_mem>>) src(%dma_wait3A_1090 : memref<128x16xf32, #tpu.memory_space<vmem>>) dst(%dma_wait3A_1096 : memref<524288x16xf32, #tpu.memory_space<hbm>>)
    %dma_wait3A_1097 = arith.constant 25 : i32
    %dma_wait3A_1098 = arith.constant 3200 : i32
    %dma_wait3A_1099 = arith.constant 0 : i32
    %dma_wait3A_1100 = tpu.memref_slice %arg10[%dma_wait3A_1098, %dma_wait3A_1099] : memref<3328x16xf32, #tpu.memory_space<vmem>> -> memref<128x16xf32, #tpu.memory_space<vmem>>
    %dma_wait3A_1101 = arith.constant 0 : i32
    %dma_wait3A_1102 = tpu.memref_slice %arg9[%dma_wait3A_1097, %dma_wait3A_1101] : memref<26x128xi32, #tpu.memory_space<vmem>> -> memref<1x128xi32, #tpu.memory_space<vmem>>
    %dma_wait3A_1103 = tpu.memref_squeeze %dma_wait3A_1102 : memref<1x128xi32, #tpu.memory_space<vmem>> -> memref<128xi32, #tpu.memory_space<vmem>>
    %dma_wait3A_1104 = arith.constant 0 : i32
    %dma_wait3A_1105 = arith.constant 0 : i32
    %dma_wait3A_1106 = tpu.memref_slice %arg6[%dma_wait3A_1104, %dma_wait3A_1105] : memref<524288x16xf32, #tpu.memory_space<hbm>> -> memref<524288x16xf32, #tpu.memory_space<hbm>>
    tpu.wait_indirect_dma semaphore(%arg12 : memref<!tpu.dma_semaphore, #tpu.memory_space<semaphore_mem>>) src(%dma_wait3A_1100 : memref<128x16xf32, #tpu.memory_space<vmem>>) dst(%dma_wait3A_1106 : memref<524288x16xf32, #tpu.memory_space<hbm>>)
    "tpu.region"() ({
      %run_scoped3A = tpu.sem_alloc : memref<!tpu.dma_semaphore, #tpu.memory_space<semaphore_mem>>
      %dma_start3A_2223 = tpu.memref_slice %arg7[%add3A_552] : memref<425984xf32, #tpu.memory_space<hbm>> -> memref<3328xf32, #tpu.memory_space<hbm>>
      %dma_start3A_2224 = tpu.memref_slice %arg7[%add3A_552] : memref<425984xf32, #tpu.memory_space<hbm>> -> memref<3328xf32, #tpu.memory_space<hbm>>
      tpu.enqueue_dma source(%arg11 : memref<3328xf32, #tpu.memory_space<vmem>>) target(%dma_start3A_2224 : memref<3328xf32, #tpu.memory_space<hbm>>) target_semaphore(%run_scoped3A : memref<!tpu.dma_semaphore, #tpu.memory_space<semaphore_mem>>)
      %dma_wait3A_2225 = tpu.memref_slice %arg7[%add3A_552] : memref<425984xf32, #tpu.memory_space<hbm>> -> memref<3328xf32, #tpu.memory_space<hbm>>
      %dma_wait3A_2226 = tpu.memref_slice %arg7[%add3A_552] : memref<425984xf32, #tpu.memory_space<hbm>> -> memref<3328xf32, #tpu.memory_space<hbm>>
      tpu.wait_dma2 semaphore(%run_scoped3A : memref<!tpu.dma_semaphore, #tpu.memory_space<semaphore_mem>>) src(%arg11 : memref<3328xf32, #tpu.memory_space<vmem>>) dst(%dma_wait3A_2226 : memref<3328xf32, #tpu.memory_space<hbm>>)
      tpu.yield
    }) : () -> ()
    %mul3A_1107 = arith.constant 13312 : i32
    %mul3A_1108 = arith.muli %add3A, %mul3A_1107 : i32
    %add3A_1109 = arith.constant 6656 : i32
    %add3A_1110 = arith.addi %mul3A_1108, %add3A_1109 : i32
    "tpu.region"() ({
      %run_scoped3A = tpu.sem_alloc : memref<!tpu.dma_semaphore, #tpu.memory_space<semaphore_mem>>
      %dma_start3A_2223 = tpu.memref_slice %arg2[%add3A_1110] : memref<425984xi32, #tpu.memory_space<hbm>> -> memref<3328xi32, #tpu.memory_space<hbm>>
      %dma_start3A_2224 = tpu.memref_slice %arg2[%add3A_1110] : memref<425984xi32, #tpu.memory_space<hbm>> -> memref<3328xi32, #tpu.memory_space<hbm>>
      tpu.enqueue_dma source(%dma_start3A_2224 : memref<3328xi32, #tpu.memory_space<hbm>>) target(%arg8 : memref<3328xi32, #tpu.memory_space<vmem>>) target_semaphore(%run_scoped3A : memref<!tpu.dma_semaphore, #tpu.memory_space<semaphore_mem>>)
      %dma_wait3A_2225 = tpu.memref_slice %arg2[%add3A_1110] : memref<425984xi32, #tpu.memory_space<hbm>> -> memref<3328xi32, #tpu.memory_space<hbm>>
      %dma_wait3A_2226 = tpu.memref_slice %arg2[%add3A_1110] : memref<425984xi32, #tpu.memory_space<hbm>> -> memref<3328xi32, #tpu.memory_space<hbm>>
      tpu.wait_dma2 semaphore(%run_scoped3A : memref<!tpu.dma_semaphore, #tpu.memory_space<semaphore_mem>>) src(%dma_wait3A_2226 : memref<3328xi32, #tpu.memory_space<hbm>>) dst(%arg8 : memref<3328xi32, #tpu.memory_space<vmem>>)
      tpu.yield
    }) : () -> ()
    %dma_start3A_1111 = arith.constant 0 : i32
    %dma_start3A_1112 = arith.constant 0 : i32
    %dma_start3A_1113 = tpu.memref_slice %arg4[%dma_start3A_1111, %dma_start3A_1112] : memref<1000000x16xf32, #tpu.memory_space<hbm>> -> memref<1000000x16xf32, #tpu.memory_space<hbm>>
    tpu.enqueue_indirect_dma source(%dma_start3A_1113 : memref<1000000x16xf32, #tpu.memory_space<hbm>>) target(%arg10 : memref<3328x16xf32, #tpu.memory_space<vmem>>) offsets(%arg8 : memref<3328xi32, #tpu.memory_space<vmem>>) semaphore(%arg12 : memref<!tpu.dma_semaphore, #tpu.memory_space<semaphore_mem>>)
    %dma_start3A_1114 = arith.constant 0 : i32
    %dma_start3A_1115 = tpu.memref_slice %arg5[%dma_start3A_1114] : memref<1000000xf32, #tpu.memory_space<hbm>> -> memref<1000000xf32, #tpu.memory_space<hbm>>
    tpu.enqueue_indirect_dma source(%dma_start3A_1115 : memref<1000000xf32, #tpu.memory_space<hbm>>) target(%arg11 : memref<3328xf32, #tpu.memory_space<vmem>>) offsets(%arg8 : memref<3328xi32, #tpu.memory_space<vmem>>) semaphore(%arg13 : memref<!tpu.dma_semaphore, #tpu.memory_space<semaphore_mem>>)
    %jit3A_1116 = arith.constant 128 : i32
    %div3A_1117 = arith.divsi %add3A_1110, %jit3A_1116 : i32
    %sign3A_1118 = arith.constant 0 : i32
    %sign3A_1119 = arith.cmpi sgt, %add3A_1110, %sign3A_1118 : i32
    %sign3A_1120 = arith.extui %sign3A_1119 : i1 to i32
    %sign3A_1121 = arith.constant 0 : i32
    %sign3A_1122 = arith.cmpi slt, %add3A_1110, %sign3A_1121 : i32
    %sign3A_1123 = arith.extui %sign3A_1122 : i1 to i32
    %sign3A_1124 = arith.subi %sign3A_1120, %sign3A_1123 : i32
    %sign3A_1125 = arith.constant 0 : i32
    %sign3A_1126 = arith.cmpi sgt, %jit3A_1116, %sign3A_1125 : i32
    %sign3A_1127 = arith.extui %sign3A_1126 : i1 to i32
    %sign3A_1128 = arith.constant 0 : i32
    %sign3A_1129 = arith.cmpi slt, %jit3A_1116, %sign3A_1128 : i32
    %sign3A_1130 = arith.extui %sign3A_1129 : i1 to i32
    %sign3A_1131 = arith.subi %sign3A_1127, %sign3A_1130 : i32
    %ne3A_1132 = arith.cmpi ne, %sign3A_1124, %sign3A_1131 : i32
    %rem3A_1133 = arith.remsi %add3A_1110, %jit3A_1116 : i32
    %ne3A_1134 = arith.constant 0 : i32
    %ne3A_1135 = arith.cmpi ne, %rem3A_1133, %ne3A_1134 : i32
    %and3A_1136 = arith.andi %ne3A_1132, %ne3A_1135 : i1
    %sub3A_1137 = arith.constant 1 : i32
    %sub3A_1138 = arith.subi %div3A_1117, %sub3A_1137 : i32
    %select_n3A_1139 = arith.select %and3A_1136, %sub3A_1138, %div3A_1117 : i32
    "tpu.region"() ({
      %run_scoped3A = tpu.sem_alloc : memref<!tpu.dma_semaphore, #tpu.memory_space<semaphore_mem>>
      %dma_start3A_2223 = arith.constant 0 : i32
      %dma_start3A_2224 = tpu.memref_slice %arg3[%select_n3A_1139, %dma_start3A_2223] : memref<3328x128xi32, #tpu.memory_space<hbm>> -> memref<26x128xi32, #tpu.memory_space<hbm>>
      %dma_start3A_2225 = arith.constant 0 : i32
      %dma_start3A_2226 = tpu.memref_slice %arg3[%select_n3A_1139, %dma_start3A_2225] : memref<3328x128xi32, #tpu.memory_space<hbm>> -> memref<26x128xi32, #tpu.memory_space<hbm>>
      tpu.enqueue_dma source(%dma_start3A_2226 : memref<26x128xi32, #tpu.memory_space<hbm>>) target(%arg9 : memref<26x128xi32, #tpu.memory_space<vmem>>) target_semaphore(%run_scoped3A : memref<!tpu.dma_semaphore, #tpu.memory_space<semaphore_mem>>)
      %dma_wait3A_2227 = arith.constant 0 : i32
      %dma_wait3A_2228 = tpu.memref_slice %arg3[%select_n3A_1139, %dma_wait3A_2227] : memref<3328x128xi32, #tpu.memory_space<hbm>> -> memref<26x128xi32, #tpu.memory_space<hbm>>
      %dma_wait3A_2229 = arith.constant 0 : i32
      %dma_wait3A_2230 = tpu.memref_slice %arg3[%select_n3A_1139, %dma_wait3A_2229] : memref<3328x128xi32, #tpu.memory_space<hbm>> -> memref<26x128xi32, #tpu.memory_space<hbm>>
      tpu.wait_dma2 semaphore(%run_scoped3A : memref<!tpu.dma_semaphore, #tpu.memory_space<semaphore_mem>>) src(%dma_wait3A_2230 : memref<26x128xi32, #tpu.memory_space<hbm>>) dst(%arg9 : memref<26x128xi32, #tpu.memory_space<vmem>>)
      tpu.yield
    }) : () -> ()
    %dma_wait3A_1140 = arith.constant 0 : i32
    %dma_wait3A_1141 = arith.constant 0 : i32
    %dma_wait3A_1142 = tpu.memref_slice %arg4[%dma_wait3A_1140, %dma_wait3A_1141] : memref<1000000x16xf32, #tpu.memory_space<hbm>> -> memref<1000000x16xf32, #tpu.memory_space<hbm>>
    tpu.wait_indirect_dma semaphore(%arg12 : memref<!tpu.dma_semaphore, #tpu.memory_space<semaphore_mem>>) src(%dma_wait3A_1142 : memref<1000000x16xf32, #tpu.memory_space<hbm>>) dst(%arg10 : memref<3328x16xf32, #tpu.memory_space<vmem>>)
    %dma_wait3A_1143 = arith.constant 0 : i32
    %dma_wait3A_1144 = tpu.memref_slice %arg5[%dma_wait3A_1143] : memref<1000000xf32, #tpu.memory_space<hbm>> -> memref<1000000xf32, #tpu.memory_space<hbm>>
    tpu.wait_indirect_dma semaphore(%arg13 : memref<!tpu.dma_semaphore, #tpu.memory_space<semaphore_mem>>) src(%dma_wait3A_1144 : memref<1000000xf32, #tpu.memory_space<hbm>>) dst(%arg11 : memref<3328xf32, #tpu.memory_space<vmem>>)
    %dma_start3A_1145 = arith.constant 0 : i32
    %dma_start3A_1146 = arith.constant 0 : i32
    %dma_start3A_1147 = arith.constant 0 : i32
    %dma_start3A_1148 = tpu.memref_slice %arg10[%dma_start3A_1146, %dma_start3A_1147] : memref<3328x16xf32, #tpu.memory_space<vmem>> -> memref<128x16xf32, #tpu.memory_space<vmem>>
    %dma_start3A_1149 = arith.constant 0 : i32
    %dma_start3A_1150 = tpu.memref_slice %arg9[%dma_start3A_1145, %dma_start3A_1149] : memref<26x128xi32, #tpu.memory_space<vmem>> -> memref<1x128xi32, #tpu.memory_space<vmem>>
    %dma_start3A_1151 = tpu.memref_squeeze %dma_start3A_1150 : memref<1x128xi32, #tpu.memory_space<vmem>> -> memref<128xi32, #tpu.memory_space<vmem>>
    %dma_start3A_1152 = arith.constant 0 : i32
    %dma_start3A_1153 = arith.constant 0 : i32
    %dma_start3A_1154 = tpu.memref_slice %arg6[%dma_start3A_1152, %dma_start3A_1153] : memref<524288x16xf32, #tpu.memory_space<hbm>> -> memref<524288x16xf32, #tpu.memory_space<hbm>>
    tpu.enqueue_indirect_dma source(%dma_start3A_1148 : memref<128x16xf32, #tpu.memory_space<vmem>>) target(%dma_start3A_1154 : memref<524288x16xf32, #tpu.memory_space<hbm>>) offsets(%dma_start3A_1151 : memref<128xi32, #tpu.memory_space<vmem>>) semaphore(%arg12 : memref<!tpu.dma_semaphore, #tpu.memory_space<semaphore_mem>>)
    %dma_start3A_1155 = arith.constant 1 : i32
    %dma_start3A_1156 = arith.constant 128 : i32
    %dma_start3A_1157 = arith.constant 0 : i32
    %dma_start3A_1158 = tpu.memref_slice %arg10[%dma_start3A_1156, %dma_start3A_1157] : memref<3328x16xf32, #tpu.memory_space<vmem>> -> memref<128x16xf32, #tpu.memory_space<vmem>>
    %dma_start3A_1159 = arith.constant 0 : i32
    %dma_start3A_1160 = tpu.memref_slice %arg9[%dma_start3A_1155, %dma_start3A_1159] : memref<26x128xi32, #tpu.memory_space<vmem>> -> memref<1x128xi32, #tpu.memory_space<vmem>>
    %dma_start3A_1161 = tpu.memref_squeeze %dma_start3A_1160 : memref<1x128xi32, #tpu.memory_space<vmem>> -> memref<128xi32, #tpu.memory_space<vmem>>
    %dma_start3A_1162 = arith.constant 0 : i32
    %dma_start3A_1163 = arith.constant 0 : i32
    %dma_start3A_1164 = tpu.memref_slice %arg6[%dma_start3A_1162, %dma_start3A_1163] : memref<524288x16xf32, #tpu.memory_space<hbm>> -> memref<524288x16xf32, #tpu.memory_space<hbm>>
    tpu.enqueue_indirect_dma source(%dma_start3A_1158 : memref<128x16xf32, #tpu.memory_space<vmem>>) target(%dma_start3A_1164 : memref<524288x16xf32, #tpu.memory_space<hbm>>) offsets(%dma_start3A_1161 : memref<128xi32, #tpu.memory_space<vmem>>) semaphore(%arg12 : memref<!tpu.dma_semaphore, #tpu.memory_space<semaphore_mem>>)
    %dma_start3A_1165 = arith.constant 2 : i32
    %dma_start3A_1166 = arith.constant 256 : i32
    %dma_start3A_1167 = arith.constant 0 : i32
    %dma_start3A_1168 = tpu.memref_slice %arg10[%dma_start3A_1166, %dma_start3A_1167] : memref<3328x16xf32, #tpu.memory_space<vmem>> -> memref<128x16xf32, #tpu.memory_space<vmem>>
    %dma_start3A_1169 = arith.constant 0 : i32
    %dma_start3A_1170 = tpu.memref_slice %arg9[%dma_start3A_1165, %dma_start3A_1169] : memref<26x128xi32, #tpu.memory_space<vmem>> -> memref<1x128xi32, #tpu.memory_space<vmem>>
    %dma_start3A_1171 = tpu.memref_squeeze %dma_start3A_1170 : memref<1x128xi32, #tpu.memory_space<vmem>> -> memref<128xi32, #tpu.memory_space<vmem>>
    %dma_start3A_1172 = arith.constant 0 : i32
    %dma_start3A_1173 = arith.constant 0 : i32
    %dma_start3A_1174 = tpu.memref_slice %arg6[%dma_start3A_1172, %dma_start3A_1173] : memref<524288x16xf32, #tpu.memory_space<hbm>> -> memref<524288x16xf32, #tpu.memory_space<hbm>>
    tpu.enqueue_indirect_dma source(%dma_start3A_1168 : memref<128x16xf32, #tpu.memory_space<vmem>>) target(%dma_start3A_1174 : memref<524288x16xf32, #tpu.memory_space<hbm>>) offsets(%dma_start3A_1171 : memref<128xi32, #tpu.memory_space<vmem>>) semaphore(%arg12 : memref<!tpu.dma_semaphore, #tpu.memory_space<semaphore_mem>>)
    %dma_start3A_1175 = arith.constant 3 : i32
    %dma_start3A_1176 = arith.constant 384 : i32
    %dma_start3A_1177 = arith.constant 0 : i32
    %dma_start3A_1178 = tpu.memref_slice %arg10[%dma_start3A_1176, %dma_start3A_1177] : memref<3328x16xf32, #tpu.memory_space<vmem>> -> memref<128x16xf32, #tpu.memory_space<vmem>>
    %dma_start3A_1179 = arith.constant 0 : i32
    %dma_start3A_1180 = tpu.memref_slice %arg9[%dma_start3A_1175, %dma_start3A_1179] : memref<26x128xi32, #tpu.memory_space<vmem>> -> memref<1x128xi32, #tpu.memory_space<vmem>>
    %dma_start3A_1181 = tpu.memref_squeeze %dma_start3A_1180 : memref<1x128xi32, #tpu.memory_space<vmem>> -> memref<128xi32, #tpu.memory_space<vmem>>
    %dma_start3A_1182 = arith.constant 0 : i32
    %dma_start3A_1183 = arith.constant 0 : i32
    %dma_start3A_1184 = tpu.memref_slice %arg6[%dma_start3A_1182, %dma_start3A_1183] : memref<524288x16xf32, #tpu.memory_space<hbm>> -> memref<524288x16xf32, #tpu.memory_space<hbm>>
    tpu.enqueue_indirect_dma source(%dma_start3A_1178 : memref<128x16xf32, #tpu.memory_space<vmem>>) target(%dma_start3A_1184 : memref<524288x16xf32, #tpu.memory_space<hbm>>) offsets(%dma_start3A_1181 : memref<128xi32, #tpu.memory_space<vmem>>) semaphore(%arg12 : memref<!tpu.dma_semaphore, #tpu.memory_space<semaphore_mem>>)
    %dma_start3A_1185 = arith.constant 4 : i32
    %dma_start3A_1186 = arith.constant 512 : i32
    %dma_start3A_1187 = arith.constant 0 : i32
    %dma_start3A_1188 = tpu.memref_slice %arg10[%dma_start3A_1186, %dma_start3A_1187] : memref<3328x16xf32, #tpu.memory_space<vmem>> -> memref<128x16xf32, #tpu.memory_space<vmem>>
    %dma_start3A_1189 = arith.constant 0 : i32
    %dma_start3A_1190 = tpu.memref_slice %arg9[%dma_start3A_1185, %dma_start3A_1189] : memref<26x128xi32, #tpu.memory_space<vmem>> -> memref<1x128xi32, #tpu.memory_space<vmem>>
    %dma_start3A_1191 = tpu.memref_squeeze %dma_start3A_1190 : memref<1x128xi32, #tpu.memory_space<vmem>> -> memref<128xi32, #tpu.memory_space<vmem>>
    %dma_start3A_1192 = arith.constant 0 : i32
    %dma_start3A_1193 = arith.constant 0 : i32
    %dma_start3A_1194 = tpu.memref_slice %arg6[%dma_start3A_1192, %dma_start3A_1193] : memref<524288x16xf32, #tpu.memory_space<hbm>> -> memref<524288x16xf32, #tpu.memory_space<hbm>>
    tpu.enqueue_indirect_dma source(%dma_start3A_1188 : memref<128x16xf32, #tpu.memory_space<vmem>>) target(%dma_start3A_1194 : memref<524288x16xf32, #tpu.memory_space<hbm>>) offsets(%dma_start3A_1191 : memref<128xi32, #tpu.memory_space<vmem>>) semaphore(%arg12 : memref<!tpu.dma_semaphore, #tpu.memory_space<semaphore_mem>>)
    %dma_start3A_1195 = arith.constant 5 : i32
    %dma_start3A_1196 = arith.constant 640 : i32
    %dma_start3A_1197 = arith.constant 0 : i32
    %dma_start3A_1198 = tpu.memref_slice %arg10[%dma_start3A_1196, %dma_start3A_1197] : memref<3328x16xf32, #tpu.memory_space<vmem>> -> memref<128x16xf32, #tpu.memory_space<vmem>>
    %dma_start3A_1199 = arith.constant 0 : i32
    %dma_start3A_1200 = tpu.memref_slice %arg9[%dma_start3A_1195, %dma_start3A_1199] : memref<26x128xi32, #tpu.memory_space<vmem>> -> memref<1x128xi32, #tpu.memory_space<vmem>>
    %dma_start3A_1201 = tpu.memref_squeeze %dma_start3A_1200 : memref<1x128xi32, #tpu.memory_space<vmem>> -> memref<128xi32, #tpu.memory_space<vmem>>
    %dma_start3A_1202 = arith.constant 0 : i32
    %dma_start3A_1203 = arith.constant 0 : i32
    %dma_start3A_1204 = tpu.memref_slice %arg6[%dma_start3A_1202, %dma_start3A_1203] : memref<524288x16xf32, #tpu.memory_space<hbm>> -> memref<524288x16xf32, #tpu.memory_space<hbm>>
    tpu.enqueue_indirect_dma source(%dma_start3A_1198 : memref<128x16xf32, #tpu.memory_space<vmem>>) target(%dma_start3A_1204 : memref<524288x16xf32, #tpu.memory_space<hbm>>) offsets(%dma_start3A_1201 : memref<128xi32, #tpu.memory_space<vmem>>) semaphore(%arg12 : memref<!tpu.dma_semaphore, #tpu.memory_space<semaphore_mem>>)
    %dma_start3A_1205 = arith.constant 6 : i32
    %dma_start3A_1206 = arith.constant 768 : i32
    %dma_start3A_1207 = arith.constant 0 : i32
    %dma_start3A_1208 = tpu.memref_slice %arg10[%dma_start3A_1206, %dma_start3A_1207] : memref<3328x16xf32, #tpu.memory_space<vmem>> -> memref<128x16xf32, #tpu.memory_space<vmem>>
    %dma_start3A_1209 = arith.constant 0 : i32
    %dma_start3A_1210 = tpu.memref_slice %arg9[%dma_start3A_1205, %dma_start3A_1209] : memref<26x128xi32, #tpu.memory_space<vmem>> -> memref<1x128xi32, #tpu.memory_space<vmem>>
    %dma_start3A_1211 = tpu.memref_squeeze %dma_start3A_1210 : memref<1x128xi32, #tpu.memory_space<vmem>> -> memref<128xi32, #tpu.memory_space<vmem>>
    %dma_start3A_1212 = arith.constant 0 : i32
    %dma_start3A_1213 = arith.constant 0 : i32
    %dma_start3A_1214 = tpu.memref_slice %arg6[%dma_start3A_1212, %dma_start3A_1213] : memref<524288x16xf32, #tpu.memory_space<hbm>> -> memref<524288x16xf32, #tpu.memory_space<hbm>>
    tpu.enqueue_indirect_dma source(%dma_start3A_1208 : memref<128x16xf32, #tpu.memory_space<vmem>>) target(%dma_start3A_1214 : memref<524288x16xf32, #tpu.memory_space<hbm>>) offsets(%dma_start3A_1211 : memref<128xi32, #tpu.memory_space<vmem>>) semaphore(%arg12 : memref<!tpu.dma_semaphore, #tpu.memory_space<semaphore_mem>>)
    %dma_start3A_1215 = arith.constant 7 : i32
    %dma_start3A_1216 = arith.constant 896 : i32
    %dma_start3A_1217 = arith.constant 0 : i32
    %dma_start3A_1218 = tpu.memref_slice %arg10[%dma_start3A_1216, %dma_start3A_1217] : memref<3328x16xf32, #tpu.memory_space<vmem>> -> memref<128x16xf32, #tpu.memory_space<vmem>>
    %dma_start3A_1219 = arith.constant 0 : i32
    %dma_start3A_1220 = tpu.memref_slice %arg9[%dma_start3A_1215, %dma_start3A_1219] : memref<26x128xi32, #tpu.memory_space<vmem>> -> memref<1x128xi32, #tpu.memory_space<vmem>>
    %dma_start3A_1221 = tpu.memref_squeeze %dma_start3A_1220 : memref<1x128xi32, #tpu.memory_space<vmem>> -> memref<128xi32, #tpu.memory_space<vmem>>
    %dma_start3A_1222 = arith.constant 0 : i32
    %dma_start3A_1223 = arith.constant 0 : i32
    %dma_start3A_1224 = tpu.memref_slice %arg6[%dma_start3A_1222, %dma_start3A_1223] : memref<524288x16xf32, #tpu.memory_space<hbm>> -> memref<524288x16xf32, #tpu.memory_space<hbm>>
    tpu.enqueue_indirect_dma source(%dma_start3A_1218 : memref<128x16xf32, #tpu.memory_space<vmem>>) target(%dma_start3A_1224 : memref<524288x16xf32, #tpu.memory_space<hbm>>) offsets(%dma_start3A_1221 : memref<128xi32, #tpu.memory_space<vmem>>) semaphore(%arg12 : memref<!tpu.dma_semaphore, #tpu.memory_space<semaphore_mem>>)
    %dma_start3A_1225 = arith.constant 8 : i32
    %dma_start3A_1226 = arith.constant 1024 : i32
    %dma_start3A_1227 = arith.constant 0 : i32
    %dma_start3A_1228 = tpu.memref_slice %arg10[%dma_start3A_1226, %dma_start3A_1227] : memref<3328x16xf32, #tpu.memory_space<vmem>> -> memref<128x16xf32, #tpu.memory_space<vmem>>
    %dma_start3A_1229 = arith.constant 0 : i32
    %dma_start3A_1230 = tpu.memref_slice %arg9[%dma_start3A_1225, %dma_start3A_1229] : memref<26x128xi32, #tpu.memory_space<vmem>> -> memref<1x128xi32, #tpu.memory_space<vmem>>
    %dma_start3A_1231 = tpu.memref_squeeze %dma_start3A_1230 : memref<1x128xi32, #tpu.memory_space<vmem>> -> memref<128xi32, #tpu.memory_space<vmem>>
    %dma_start3A_1232 = arith.constant 0 : i32
    %dma_start3A_1233 = arith.constant 0 : i32
    %dma_start3A_1234 = tpu.memref_slice %arg6[%dma_start3A_1232, %dma_start3A_1233] : memref<524288x16xf32, #tpu.memory_space<hbm>> -> memref<524288x16xf32, #tpu.memory_space<hbm>>
    tpu.enqueue_indirect_dma source(%dma_start3A_1228 : memref<128x16xf32, #tpu.memory_space<vmem>>) target(%dma_start3A_1234 : memref<524288x16xf32, #tpu.memory_space<hbm>>) offsets(%dma_start3A_1231 : memref<128xi32, #tpu.memory_space<vmem>>) semaphore(%arg12 : memref<!tpu.dma_semaphore, #tpu.memory_space<semaphore_mem>>)
    %dma_start3A_1235 = arith.constant 9 : i32
    %dma_start3A_1236 = arith.constant 1152 : i32
    %dma_start3A_1237 = arith.constant 0 : i32
    %dma_start3A_1238 = tpu.memref_slice %arg10[%dma_start3A_1236, %dma_start3A_1237] : memref<3328x16xf32, #tpu.memory_space<vmem>> -> memref<128x16xf32, #tpu.memory_space<vmem>>
    %dma_start3A_1239 = arith.constant 0 : i32
    %dma_start3A_1240 = tpu.memref_slice %arg9[%dma_start3A_1235, %dma_start3A_1239] : memref<26x128xi32, #tpu.memory_space<vmem>> -> memref<1x128xi32, #tpu.memory_space<vmem>>
    %dma_start3A_1241 = tpu.memref_squeeze %dma_start3A_1240 : memref<1x128xi32, #tpu.memory_space<vmem>> -> memref<128xi32, #tpu.memory_space<vmem>>
    %dma_start3A_1242 = arith.constant 0 : i32
    %dma_start3A_1243 = arith.constant 0 : i32
    %dma_start3A_1244 = tpu.memref_slice %arg6[%dma_start3A_1242, %dma_start3A_1243] : memref<524288x16xf32, #tpu.memory_space<hbm>> -> memref<524288x16xf32, #tpu.memory_space<hbm>>
    tpu.enqueue_indirect_dma source(%dma_start3A_1238 : memref<128x16xf32, #tpu.memory_space<vmem>>) target(%dma_start3A_1244 : memref<524288x16xf32, #tpu.memory_space<hbm>>) offsets(%dma_start3A_1241 : memref<128xi32, #tpu.memory_space<vmem>>) semaphore(%arg12 : memref<!tpu.dma_semaphore, #tpu.memory_space<semaphore_mem>>)
    %dma_start3A_1245 = arith.constant 10 : i32
    %dma_start3A_1246 = arith.constant 1280 : i32
    %dma_start3A_1247 = arith.constant 0 : i32
    %dma_start3A_1248 = tpu.memref_slice %arg10[%dma_start3A_1246, %dma_start3A_1247] : memref<3328x16xf32, #tpu.memory_space<vmem>> -> memref<128x16xf32, #tpu.memory_space<vmem>>
    %dma_start3A_1249 = arith.constant 0 : i32
    %dma_start3A_1250 = tpu.memref_slice %arg9[%dma_start3A_1245, %dma_start3A_1249] : memref<26x128xi32, #tpu.memory_space<vmem>> -> memref<1x128xi32, #tpu.memory_space<vmem>>
    %dma_start3A_1251 = tpu.memref_squeeze %dma_start3A_1250 : memref<1x128xi32, #tpu.memory_space<vmem>> -> memref<128xi32, #tpu.memory_space<vmem>>
    %dma_start3A_1252 = arith.constant 0 : i32
    %dma_start3A_1253 = arith.constant 0 : i32
    %dma_start3A_1254 = tpu.memref_slice %arg6[%dma_start3A_1252, %dma_start3A_1253] : memref<524288x16xf32, #tpu.memory_space<hbm>> -> memref<524288x16xf32, #tpu.memory_space<hbm>>
    tpu.enqueue_indirect_dma source(%dma_start3A_1248 : memref<128x16xf32, #tpu.memory_space<vmem>>) target(%dma_start3A_1254 : memref<524288x16xf32, #tpu.memory_space<hbm>>) offsets(%dma_start3A_1251 : memref<128xi32, #tpu.memory_space<vmem>>) semaphore(%arg12 : memref<!tpu.dma_semaphore, #tpu.memory_space<semaphore_mem>>)
    %dma_start3A_1255 = arith.constant 11 : i32
    %dma_start3A_1256 = arith.constant 1408 : i32
    %dma_start3A_1257 = arith.constant 0 : i32
    %dma_start3A_1258 = tpu.memref_slice %arg10[%dma_start3A_1256, %dma_start3A_1257] : memref<3328x16xf32, #tpu.memory_space<vmem>> -> memref<128x16xf32, #tpu.memory_space<vmem>>
    %dma_start3A_1259 = arith.constant 0 : i32
    %dma_start3A_1260 = tpu.memref_slice %arg9[%dma_start3A_1255, %dma_start3A_1259] : memref<26x128xi32, #tpu.memory_space<vmem>> -> memref<1x128xi32, #tpu.memory_space<vmem>>
    %dma_start3A_1261 = tpu.memref_squeeze %dma_start3A_1260 : memref<1x128xi32, #tpu.memory_space<vmem>> -> memref<128xi32, #tpu.memory_space<vmem>>
    %dma_start3A_1262 = arith.constant 0 : i32
    %dma_start3A_1263 = arith.constant 0 : i32
    %dma_start3A_1264 = tpu.memref_slice %arg6[%dma_start3A_1262, %dma_start3A_1263] : memref<524288x16xf32, #tpu.memory_space<hbm>> -> memref<524288x16xf32, #tpu.memory_space<hbm>>
    tpu.enqueue_indirect_dma source(%dma_start3A_1258 : memref<128x16xf32, #tpu.memory_space<vmem>>) target(%dma_start3A_1264 : memref<524288x16xf32, #tpu.memory_space<hbm>>) offsets(%dma_start3A_1261 : memref<128xi32, #tpu.memory_space<vmem>>) semaphore(%arg12 : memref<!tpu.dma_semaphore, #tpu.memory_space<semaphore_mem>>)
    %dma_start3A_1265 = arith.constant 12 : i32
    %dma_start3A_1266 = arith.constant 1536 : i32
    %dma_start3A_1267 = arith.constant 0 : i32
    %dma_start3A_1268 = tpu.memref_slice %arg10[%dma_start3A_1266, %dma_start3A_1267] : memref<3328x16xf32, #tpu.memory_space<vmem>> -> memref<128x16xf32, #tpu.memory_space<vmem>>
    %dma_start3A_1269 = arith.constant 0 : i32
    %dma_start3A_1270 = tpu.memref_slice %arg9[%dma_start3A_1265, %dma_start3A_1269] : memref<26x128xi32, #tpu.memory_space<vmem>> -> memref<1x128xi32, #tpu.memory_space<vmem>>
    %dma_start3A_1271 = tpu.memref_squeeze %dma_start3A_1270 : memref<1x128xi32, #tpu.memory_space<vmem>> -> memref<128xi32, #tpu.memory_space<vmem>>
    %dma_start3A_1272 = arith.constant 0 : i32
    %dma_start3A_1273 = arith.constant 0 : i32
    %dma_start3A_1274 = tpu.memref_slice %arg6[%dma_start3A_1272, %dma_start3A_1273] : memref<524288x16xf32, #tpu.memory_space<hbm>> -> memref<524288x16xf32, #tpu.memory_space<hbm>>
    tpu.enqueue_indirect_dma source(%dma_start3A_1268 : memref<128x16xf32, #tpu.memory_space<vmem>>) target(%dma_start3A_1274 : memref<524288x16xf32, #tpu.memory_space<hbm>>) offsets(%dma_start3A_1271 : memref<128xi32, #tpu.memory_space<vmem>>) semaphore(%arg12 : memref<!tpu.dma_semaphore, #tpu.memory_space<semaphore_mem>>)
    %dma_start3A_1275 = arith.constant 13 : i32
    %dma_start3A_1276 = arith.constant 1664 : i32
    %dma_start3A_1277 = arith.constant 0 : i32
    %dma_start3A_1278 = tpu.memref_slice %arg10[%dma_start3A_1276, %dma_start3A_1277] : memref<3328x16xf32, #tpu.memory_space<vmem>> -> memref<128x16xf32, #tpu.memory_space<vmem>>
    %dma_start3A_1279 = arith.constant 0 : i32
    %dma_start3A_1280 = tpu.memref_slice %arg9[%dma_start3A_1275, %dma_start3A_1279] : memref<26x128xi32, #tpu.memory_space<vmem>> -> memref<1x128xi32, #tpu.memory_space<vmem>>
    %dma_start3A_1281 = tpu.memref_squeeze %dma_start3A_1280 : memref<1x128xi32, #tpu.memory_space<vmem>> -> memref<128xi32, #tpu.memory_space<vmem>>
    %dma_start3A_1282 = arith.constant 0 : i32
    %dma_start3A_1283 = arith.constant 0 : i32
    %dma_start3A_1284 = tpu.memref_slice %arg6[%dma_start3A_1282, %dma_start3A_1283] : memref<524288x16xf32, #tpu.memory_space<hbm>> -> memref<524288x16xf32, #tpu.memory_space<hbm>>
    tpu.enqueue_indirect_dma source(%dma_start3A_1278 : memref<128x16xf32, #tpu.memory_space<vmem>>) target(%dma_start3A_1284 : memref<524288x16xf32, #tpu.memory_space<hbm>>) offsets(%dma_start3A_1281 : memref<128xi32, #tpu.memory_space<vmem>>) semaphore(%arg12 : memref<!tpu.dma_semaphore, #tpu.memory_space<semaphore_mem>>)
    %dma_start3A_1285 = arith.constant 14 : i32
    %dma_start3A_1286 = arith.constant 1792 : i32
    %dma_start3A_1287 = arith.constant 0 : i32
    %dma_start3A_1288 = tpu.memref_slice %arg10[%dma_start3A_1286, %dma_start3A_1287] : memref<3328x16xf32, #tpu.memory_space<vmem>> -> memref<128x16xf32, #tpu.memory_space<vmem>>
    %dma_start3A_1289 = arith.constant 0 : i32
    %dma_start3A_1290 = tpu.memref_slice %arg9[%dma_start3A_1285, %dma_start3A_1289] : memref<26x128xi32, #tpu.memory_space<vmem>> -> memref<1x128xi32, #tpu.memory_space<vmem>>
    %dma_start3A_1291 = tpu.memref_squeeze %dma_start3A_1290 : memref<1x128xi32, #tpu.memory_space<vmem>> -> memref<128xi32, #tpu.memory_space<vmem>>
    %dma_start3A_1292 = arith.constant 0 : i32
    %dma_start3A_1293 = arith.constant 0 : i32
    %dma_start3A_1294 = tpu.memref_slice %arg6[%dma_start3A_1292, %dma_start3A_1293] : memref<524288x16xf32, #tpu.memory_space<hbm>> -> memref<524288x16xf32, #tpu.memory_space<hbm>>
    tpu.enqueue_indirect_dma source(%dma_start3A_1288 : memref<128x16xf32, #tpu.memory_space<vmem>>) target(%dma_start3A_1294 : memref<524288x16xf32, #tpu.memory_space<hbm>>) offsets(%dma_start3A_1291 : memref<128xi32, #tpu.memory_space<vmem>>) semaphore(%arg12 : memref<!tpu.dma_semaphore, #tpu.memory_space<semaphore_mem>>)
    %dma_start3A_1295 = arith.constant 15 : i32
    %dma_start3A_1296 = arith.constant 1920 : i32
    %dma_start3A_1297 = arith.constant 0 : i32
    %dma_start3A_1298 = tpu.memref_slice %arg10[%dma_start3A_1296, %dma_start3A_1297] : memref<3328x16xf32, #tpu.memory_space<vmem>> -> memref<128x16xf32, #tpu.memory_space<vmem>>
    %dma_start3A_1299 = arith.constant 0 : i32
    %dma_start3A_1300 = tpu.memref_slice %arg9[%dma_start3A_1295, %dma_start3A_1299] : memref<26x128xi32, #tpu.memory_space<vmem>> -> memref<1x128xi32, #tpu.memory_space<vmem>>
    %dma_start3A_1301 = tpu.memref_squeeze %dma_start3A_1300 : memref<1x128xi32, #tpu.memory_space<vmem>> -> memref<128xi32, #tpu.memory_space<vmem>>
    %dma_start3A_1302 = arith.constant 0 : i32
    %dma_start3A_1303 = arith.constant 0 : i32
    %dma_start3A_1304 = tpu.memref_slice %arg6[%dma_start3A_1302, %dma_start3A_1303] : memref<524288x16xf32, #tpu.memory_space<hbm>> -> memref<524288x16xf32, #tpu.memory_space<hbm>>
    tpu.enqueue_indirect_dma source(%dma_start3A_1298 : memref<128x16xf32, #tpu.memory_space<vmem>>) target(%dma_start3A_1304 : memref<524288x16xf32, #tpu.memory_space<hbm>>) offsets(%dma_start3A_1301 : memref<128xi32, #tpu.memory_space<vmem>>) semaphore(%arg12 : memref<!tpu.dma_semaphore, #tpu.memory_space<semaphore_mem>>)
    %dma_start3A_1305 = arith.constant 16 : i32
    %dma_start3A_1306 = arith.constant 2048 : i32
    %dma_start3A_1307 = arith.constant 0 : i32
    %dma_start3A_1308 = tpu.memref_slice %arg10[%dma_start3A_1306, %dma_start3A_1307] : memref<3328x16xf32, #tpu.memory_space<vmem>> -> memref<128x16xf32, #tpu.memory_space<vmem>>
    %dma_start3A_1309 = arith.constant 0 : i32
    %dma_start3A_1310 = tpu.memref_slice %arg9[%dma_start3A_1305, %dma_start3A_1309] : memref<26x128xi32, #tpu.memory_space<vmem>> -> memref<1x128xi32, #tpu.memory_space<vmem>>
    %dma_start3A_1311 = tpu.memref_squeeze %dma_start3A_1310 : memref<1x128xi32, #tpu.memory_space<vmem>> -> memref<128xi32, #tpu.memory_space<vmem>>
    %dma_start3A_1312 = arith.constant 0 : i32
    %dma_start3A_1313 = arith.constant 0 : i32
    %dma_start3A_1314 = tpu.memref_slice %arg6[%dma_start3A_1312, %dma_start3A_1313] : memref<524288x16xf32, #tpu.memory_space<hbm>> -> memref<524288x16xf32, #tpu.memory_space<hbm>>
    tpu.enqueue_indirect_dma source(%dma_start3A_1308 : memref<128x16xf32, #tpu.memory_space<vmem>>) target(%dma_start3A_1314 : memref<524288x16xf32, #tpu.memory_space<hbm>>) offsets(%dma_start3A_1311 : memref<128xi32, #tpu.memory_space<vmem>>) semaphore(%arg12 : memref<!tpu.dma_semaphore, #tpu.memory_space<semaphore_mem>>)
    %dma_start3A_1315 = arith.constant 17 : i32
    %dma_start3A_1316 = arith.constant 2176 : i32
    %dma_start3A_1317 = arith.constant 0 : i32
    %dma_start3A_1318 = tpu.memref_slice %arg10[%dma_start3A_1316, %dma_start3A_1317] : memref<3328x16xf32, #tpu.memory_space<vmem>> -> memref<128x16xf32, #tpu.memory_space<vmem>>
    %dma_start3A_1319 = arith.constant 0 : i32
    %dma_start3A_1320 = tpu.memref_slice %arg9[%dma_start3A_1315, %dma_start3A_1319] : memref<26x128xi32, #tpu.memory_space<vmem>> -> memref<1x128xi32, #tpu.memory_space<vmem>>
    %dma_start3A_1321 = tpu.memref_squeeze %dma_start3A_1320 : memref<1x128xi32, #tpu.memory_space<vmem>> -> memref<128xi32, #tpu.memory_space<vmem>>
    %dma_start3A_1322 = arith.constant 0 : i32
    %dma_start3A_1323 = arith.constant 0 : i32
    %dma_start3A_1324 = tpu.memref_slice %arg6[%dma_start3A_1322, %dma_start3A_1323] : memref<524288x16xf32, #tpu.memory_space<hbm>> -> memref<524288x16xf32, #tpu.memory_space<hbm>>
    tpu.enqueue_indirect_dma source(%dma_start3A_1318 : memref<128x16xf32, #tpu.memory_space<vmem>>) target(%dma_start3A_1324 : memref<524288x16xf32, #tpu.memory_space<hbm>>) offsets(%dma_start3A_1321 : memref<128xi32, #tpu.memory_space<vmem>>) semaphore(%arg12 : memref<!tpu.dma_semaphore, #tpu.memory_space<semaphore_mem>>)
    %dma_start3A_1325 = arith.constant 18 : i32
    %dma_start3A_1326 = arith.constant 2304 : i32
    %dma_start3A_1327 = arith.constant 0 : i32
    %dma_start3A_1328 = tpu.memref_slice %arg10[%dma_start3A_1326, %dma_start3A_1327] : memref<3328x16xf32, #tpu.memory_space<vmem>> -> memref<128x16xf32, #tpu.memory_space<vmem>>
    %dma_start3A_1329 = arith.constant 0 : i32
    %dma_start3A_1330 = tpu.memref_slice %arg9[%dma_start3A_1325, %dma_start3A_1329] : memref<26x128xi32, #tpu.memory_space<vmem>> -> memref<1x128xi32, #tpu.memory_space<vmem>>
    %dma_start3A_1331 = tpu.memref_squeeze %dma_start3A_1330 : memref<1x128xi32, #tpu.memory_space<vmem>> -> memref<128xi32, #tpu.memory_space<vmem>>
    %dma_start3A_1332 = arith.constant 0 : i32
    %dma_start3A_1333 = arith.constant 0 : i32
    %dma_start3A_1334 = tpu.memref_slice %arg6[%dma_start3A_1332, %dma_start3A_1333] : memref<524288x16xf32, #tpu.memory_space<hbm>> -> memref<524288x16xf32, #tpu.memory_space<hbm>>
    tpu.enqueue_indirect_dma source(%dma_start3A_1328 : memref<128x16xf32, #tpu.memory_space<vmem>>) target(%dma_start3A_1334 : memref<524288x16xf32, #tpu.memory_space<hbm>>) offsets(%dma_start3A_1331 : memref<128xi32, #tpu.memory_space<vmem>>) semaphore(%arg12 : memref<!tpu.dma_semaphore, #tpu.memory_space<semaphore_mem>>)
    %dma_start3A_1335 = arith.constant 19 : i32
    %dma_start3A_1336 = arith.constant 2432 : i32
    %dma_start3A_1337 = arith.constant 0 : i32
    %dma_start3A_1338 = tpu.memref_slice %arg10[%dma_start3A_1336, %dma_start3A_1337] : memref<3328x16xf32, #tpu.memory_space<vmem>> -> memref<128x16xf32, #tpu.memory_space<vmem>>
    %dma_start3A_1339 = arith.constant 0 : i32
    %dma_start3A_1340 = tpu.memref_slice %arg9[%dma_start3A_1335, %dma_start3A_1339] : memref<26x128xi32, #tpu.memory_space<vmem>> -> memref<1x128xi32, #tpu.memory_space<vmem>>
    %dma_start3A_1341 = tpu.memref_squeeze %dma_start3A_1340 : memref<1x128xi32, #tpu.memory_space<vmem>> -> memref<128xi32, #tpu.memory_space<vmem>>
    %dma_start3A_1342 = arith.constant 0 : i32
    %dma_start3A_1343 = arith.constant 0 : i32
    %dma_start3A_1344 = tpu.memref_slice %arg6[%dma_start3A_1342, %dma_start3A_1343] : memref<524288x16xf32, #tpu.memory_space<hbm>> -> memref<524288x16xf32, #tpu.memory_space<hbm>>
    tpu.enqueue_indirect_dma source(%dma_start3A_1338 : memref<128x16xf32, #tpu.memory_space<vmem>>) target(%dma_start3A_1344 : memref<524288x16xf32, #tpu.memory_space<hbm>>) offsets(%dma_start3A_1341 : memref<128xi32, #tpu.memory_space<vmem>>) semaphore(%arg12 : memref<!tpu.dma_semaphore, #tpu.memory_space<semaphore_mem>>)
    %dma_start3A_1345 = arith.constant 20 : i32
    %dma_start3A_1346 = arith.constant 2560 : i32
    %dma_start3A_1347 = arith.constant 0 : i32
    %dma_start3A_1348 = tpu.memref_slice %arg10[%dma_start3A_1346, %dma_start3A_1347] : memref<3328x16xf32, #tpu.memory_space<vmem>> -> memref<128x16xf32, #tpu.memory_space<vmem>>
    %dma_start3A_1349 = arith.constant 0 : i32
    %dma_start3A_1350 = tpu.memref_slice %arg9[%dma_start3A_1345, %dma_start3A_1349] : memref<26x128xi32, #tpu.memory_space<vmem>> -> memref<1x128xi32, #tpu.memory_space<vmem>>
    %dma_start3A_1351 = tpu.memref_squeeze %dma_start3A_1350 : memref<1x128xi32, #tpu.memory_space<vmem>> -> memref<128xi32, #tpu.memory_space<vmem>>
    %dma_start3A_1352 = arith.constant 0 : i32
    %dma_start3A_1353 = arith.constant 0 : i32
    %dma_start3A_1354 = tpu.memref_slice %arg6[%dma_start3A_1352, %dma_start3A_1353] : memref<524288x16xf32, #tpu.memory_space<hbm>> -> memref<524288x16xf32, #tpu.memory_space<hbm>>
    tpu.enqueue_indirect_dma source(%dma_start3A_1348 : memref<128x16xf32, #tpu.memory_space<vmem>>) target(%dma_start3A_1354 : memref<524288x16xf32, #tpu.memory_space<hbm>>) offsets(%dma_start3A_1351 : memref<128xi32, #tpu.memory_space<vmem>>) semaphore(%arg12 : memref<!tpu.dma_semaphore, #tpu.memory_space<semaphore_mem>>)
    %dma_start3A_1355 = arith.constant 21 : i32
    %dma_start3A_1356 = arith.constant 2688 : i32
    %dma_start3A_1357 = arith.constant 0 : i32
    %dma_start3A_1358 = tpu.memref_slice %arg10[%dma_start3A_1356, %dma_start3A_1357] : memref<3328x16xf32, #tpu.memory_space<vmem>> -> memref<128x16xf32, #tpu.memory_space<vmem>>
    %dma_start3A_1359 = arith.constant 0 : i32
    %dma_start3A_1360 = tpu.memref_slice %arg9[%dma_start3A_1355, %dma_start3A_1359] : memref<26x128xi32, #tpu.memory_space<vmem>> -> memref<1x128xi32, #tpu.memory_space<vmem>>
    %dma_start3A_1361 = tpu.memref_squeeze %dma_start3A_1360 : memref<1x128xi32, #tpu.memory_space<vmem>> -> memref<128xi32, #tpu.memory_space<vmem>>
    %dma_start3A_1362 = arith.constant 0 : i32
    %dma_start3A_1363 = arith.constant 0 : i32
    %dma_start3A_1364 = tpu.memref_slice %arg6[%dma_start3A_1362, %dma_start3A_1363] : memref<524288x16xf32, #tpu.memory_space<hbm>> -> memref<524288x16xf32, #tpu.memory_space<hbm>>
    tpu.enqueue_indirect_dma source(%dma_start3A_1358 : memref<128x16xf32, #tpu.memory_space<vmem>>) target(%dma_start3A_1364 : memref<524288x16xf32, #tpu.memory_space<hbm>>) offsets(%dma_start3A_1361 : memref<128xi32, #tpu.memory_space<vmem>>) semaphore(%arg12 : memref<!tpu.dma_semaphore, #tpu.memory_space<semaphore_mem>>)
    %dma_start3A_1365 = arith.constant 22 : i32
    %dma_start3A_1366 = arith.constant 2816 : i32
    %dma_start3A_1367 = arith.constant 0 : i32
    %dma_start3A_1368 = tpu.memref_slice %arg10[%dma_start3A_1366, %dma_start3A_1367] : memref<3328x16xf32, #tpu.memory_space<vmem>> -> memref<128x16xf32, #tpu.memory_space<vmem>>
    %dma_start3A_1369 = arith.constant 0 : i32
    %dma_start3A_1370 = tpu.memref_slice %arg9[%dma_start3A_1365, %dma_start3A_1369] : memref<26x128xi32, #tpu.memory_space<vmem>> -> memref<1x128xi32, #tpu.memory_space<vmem>>
    %dma_start3A_1371 = tpu.memref_squeeze %dma_start3A_1370 : memref<1x128xi32, #tpu.memory_space<vmem>> -> memref<128xi32, #tpu.memory_space<vmem>>
    %dma_start3A_1372 = arith.constant 0 : i32
    %dma_start3A_1373 = arith.constant 0 : i32
    %dma_start3A_1374 = tpu.memref_slice %arg6[%dma_start3A_1372, %dma_start3A_1373] : memref<524288x16xf32, #tpu.memory_space<hbm>> -> memref<524288x16xf32, #tpu.memory_space<hbm>>
    tpu.enqueue_indirect_dma source(%dma_start3A_1368 : memref<128x16xf32, #tpu.memory_space<vmem>>) target(%dma_start3A_1374 : memref<524288x16xf32, #tpu.memory_space<hbm>>) offsets(%dma_start3A_1371 : memref<128xi32, #tpu.memory_space<vmem>>) semaphore(%arg12 : memref<!tpu.dma_semaphore, #tpu.memory_space<semaphore_mem>>)
    %dma_start3A_1375 = arith.constant 23 : i32
    %dma_start3A_1376 = arith.constant 2944 : i32
    %dma_start3A_1377 = arith.constant 0 : i32
    %dma_start3A_1378 = tpu.memref_slice %arg10[%dma_start3A_1376, %dma_start3A_1377] : memref<3328x16xf32, #tpu.memory_space<vmem>> -> memref<128x16xf32, #tpu.memory_space<vmem>>
    %dma_start3A_1379 = arith.constant 0 : i32
    %dma_start3A_1380 = tpu.memref_slice %arg9[%dma_start3A_1375, %dma_start3A_1379] : memref<26x128xi32, #tpu.memory_space<vmem>> -> memref<1x128xi32, #tpu.memory_space<vmem>>
    %dma_start3A_1381 = tpu.memref_squeeze %dma_start3A_1380 : memref<1x128xi32, #tpu.memory_space<vmem>> -> memref<128xi32, #tpu.memory_space<vmem>>
    %dma_start3A_1382 = arith.constant 0 : i32
    %dma_start3A_1383 = arith.constant 0 : i32
    %dma_start3A_1384 = tpu.memref_slice %arg6[%dma_start3A_1382, %dma_start3A_1383] : memref<524288x16xf32, #tpu.memory_space<hbm>> -> memref<524288x16xf32, #tpu.memory_space<hbm>>
    tpu.enqueue_indirect_dma source(%dma_start3A_1378 : memref<128x16xf32, #tpu.memory_space<vmem>>) target(%dma_start3A_1384 : memref<524288x16xf32, #tpu.memory_space<hbm>>) offsets(%dma_start3A_1381 : memref<128xi32, #tpu.memory_space<vmem>>) semaphore(%arg12 : memref<!tpu.dma_semaphore, #tpu.memory_space<semaphore_mem>>)
    %dma_start3A_1385 = arith.constant 24 : i32
    %dma_start3A_1386 = arith.constant 3072 : i32
    %dma_start3A_1387 = arith.constant 0 : i32
    %dma_start3A_1388 = tpu.memref_slice %arg10[%dma_start3A_1386, %dma_start3A_1387] : memref<3328x16xf32, #tpu.memory_space<vmem>> -> memref<128x16xf32, #tpu.memory_space<vmem>>
    %dma_start3A_1389 = arith.constant 0 : i32
    %dma_start3A_1390 = tpu.memref_slice %arg9[%dma_start3A_1385, %dma_start3A_1389] : memref<26x128xi32, #tpu.memory_space<vmem>> -> memref<1x128xi32, #tpu.memory_space<vmem>>
    %dma_start3A_1391 = tpu.memref_squeeze %dma_start3A_1390 : memref<1x128xi32, #tpu.memory_space<vmem>> -> memref<128xi32, #tpu.memory_space<vmem>>
    %dma_start3A_1392 = arith.constant 0 : i32
    %dma_start3A_1393 = arith.constant 0 : i32
    %dma_start3A_1394 = tpu.memref_slice %arg6[%dma_start3A_1392, %dma_start3A_1393] : memref<524288x16xf32, #tpu.memory_space<hbm>> -> memref<524288x16xf32, #tpu.memory_space<hbm>>
    tpu.enqueue_indirect_dma source(%dma_start3A_1388 : memref<128x16xf32, #tpu.memory_space<vmem>>) target(%dma_start3A_1394 : memref<524288x16xf32, #tpu.memory_space<hbm>>) offsets(%dma_start3A_1391 : memref<128xi32, #tpu.memory_space<vmem>>) semaphore(%arg12 : memref<!tpu.dma_semaphore, #tpu.memory_space<semaphore_mem>>)
    %dma_start3A_1395 = arith.constant 25 : i32
    %dma_start3A_1396 = arith.constant 3200 : i32
    %dma_start3A_1397 = arith.constant 0 : i32
    %dma_start3A_1398 = tpu.memref_slice %arg10[%dma_start3A_1396, %dma_start3A_1397] : memref<3328x16xf32, #tpu.memory_space<vmem>> -> memref<128x16xf32, #tpu.memory_space<vmem>>
    %dma_start3A_1399 = arith.constant 0 : i32
    %dma_start3A_1400 = tpu.memref_slice %arg9[%dma_start3A_1395, %dma_start3A_1399] : memref<26x128xi32, #tpu.memory_space<vmem>> -> memref<1x128xi32, #tpu.memory_space<vmem>>
    %dma_start3A_1401 = tpu.memref_squeeze %dma_start3A_1400 : memref<1x128xi32, #tpu.memory_space<vmem>> -> memref<128xi32, #tpu.memory_space<vmem>>
    %dma_start3A_1402 = arith.constant 0 : i32
    %dma_start3A_1403 = arith.constant 0 : i32
    %dma_start3A_1404 = tpu.memref_slice %arg6[%dma_start3A_1402, %dma_start3A_1403] : memref<524288x16xf32, #tpu.memory_space<hbm>> -> memref<524288x16xf32, #tpu.memory_space<hbm>>
    tpu.enqueue_indirect_dma source(%dma_start3A_1398 : memref<128x16xf32, #tpu.memory_space<vmem>>) target(%dma_start3A_1404 : memref<524288x16xf32, #tpu.memory_space<hbm>>) offsets(%dma_start3A_1401 : memref<128xi32, #tpu.memory_space<vmem>>) semaphore(%arg12 : memref<!tpu.dma_semaphore, #tpu.memory_space<semaphore_mem>>)
    %dma_wait3A_1405 = arith.constant 0 : i32
    %dma_wait3A_1406 = arith.constant 0 : i32
    %dma_wait3A_1407 = arith.constant 0 : i32
    %dma_wait3A_1408 = tpu.memref_slice %arg10[%dma_wait3A_1406, %dma_wait3A_1407] : memref<3328x16xf32, #tpu.memory_space<vmem>> -> memref<128x16xf32, #tpu.memory_space<vmem>>
    %dma_wait3A_1409 = arith.constant 0 : i32
    %dma_wait3A_1410 = tpu.memref_slice %arg9[%dma_wait3A_1405, %dma_wait3A_1409] : memref<26x128xi32, #tpu.memory_space<vmem>> -> memref<1x128xi32, #tpu.memory_space<vmem>>
    %dma_wait3A_1411 = tpu.memref_squeeze %dma_wait3A_1410 : memref<1x128xi32, #tpu.memory_space<vmem>> -> memref<128xi32, #tpu.memory_space<vmem>>
    %dma_wait3A_1412 = arith.constant 0 : i32
    %dma_wait3A_1413 = arith.constant 0 : i32
    %dma_wait3A_1414 = tpu.memref_slice %arg6[%dma_wait3A_1412, %dma_wait3A_1413] : memref<524288x16xf32, #tpu.memory_space<hbm>> -> memref<524288x16xf32, #tpu.memory_space<hbm>>
    tpu.wait_indirect_dma semaphore(%arg12 : memref<!tpu.dma_semaphore, #tpu.memory_space<semaphore_mem>>) src(%dma_wait3A_1408 : memref<128x16xf32, #tpu.memory_space<vmem>>) dst(%dma_wait3A_1414 : memref<524288x16xf32, #tpu.memory_space<hbm>>)
    %dma_wait3A_1415 = arith.constant 1 : i32
    %dma_wait3A_1416 = arith.constant 128 : i32
    %dma_wait3A_1417 = arith.constant 0 : i32
    %dma_wait3A_1418 = tpu.memref_slice %arg10[%dma_wait3A_1416, %dma_wait3A_1417] : memref<3328x16xf32, #tpu.memory_space<vmem>> -> memref<128x16xf32, #tpu.memory_space<vmem>>
    %dma_wait3A_1419 = arith.constant 0 : i32
    %dma_wait3A_1420 = tpu.memref_slice %arg9[%dma_wait3A_1415, %dma_wait3A_1419] : memref<26x128xi32, #tpu.memory_space<vmem>> -> memref<1x128xi32, #tpu.memory_space<vmem>>
    %dma_wait3A_1421 = tpu.memref_squeeze %dma_wait3A_1420 : memref<1x128xi32, #tpu.memory_space<vmem>> -> memref<128xi32, #tpu.memory_space<vmem>>
    %dma_wait3A_1422 = arith.constant 0 : i32
    %dma_wait3A_1423 = arith.constant 0 : i32
    %dma_wait3A_1424 = tpu.memref_slice %arg6[%dma_wait3A_1422, %dma_wait3A_1423] : memref<524288x16xf32, #tpu.memory_space<hbm>> -> memref<524288x16xf32, #tpu.memory_space<hbm>>
    tpu.wait_indirect_dma semaphore(%arg12 : memref<!tpu.dma_semaphore, #tpu.memory_space<semaphore_mem>>) src(%dma_wait3A_1418 : memref<128x16xf32, #tpu.memory_space<vmem>>) dst(%dma_wait3A_1424 : memref<524288x16xf32, #tpu.memory_space<hbm>>)
    %dma_wait3A_1425 = arith.constant 2 : i32
    %dma_wait3A_1426 = arith.constant 256 : i32
    %dma_wait3A_1427 = arith.constant 0 : i32
    %dma_wait3A_1428 = tpu.memref_slice %arg10[%dma_wait3A_1426, %dma_wait3A_1427] : memref<3328x16xf32, #tpu.memory_space<vmem>> -> memref<128x16xf32, #tpu.memory_space<vmem>>
    %dma_wait3A_1429 = arith.constant 0 : i32
    %dma_wait3A_1430 = tpu.memref_slice %arg9[%dma_wait3A_1425, %dma_wait3A_1429] : memref<26x128xi32, #tpu.memory_space<vmem>> -> memref<1x128xi32, #tpu.memory_space<vmem>>
    %dma_wait3A_1431 = tpu.memref_squeeze %dma_wait3A_1430 : memref<1x128xi32, #tpu.memory_space<vmem>> -> memref<128xi32, #tpu.memory_space<vmem>>
    %dma_wait3A_1432 = arith.constant 0 : i32
    %dma_wait3A_1433 = arith.constant 0 : i32
    %dma_wait3A_1434 = tpu.memref_slice %arg6[%dma_wait3A_1432, %dma_wait3A_1433] : memref<524288x16xf32, #tpu.memory_space<hbm>> -> memref<524288x16xf32, #tpu.memory_space<hbm>>
    tpu.wait_indirect_dma semaphore(%arg12 : memref<!tpu.dma_semaphore, #tpu.memory_space<semaphore_mem>>) src(%dma_wait3A_1428 : memref<128x16xf32, #tpu.memory_space<vmem>>) dst(%dma_wait3A_1434 : memref<524288x16xf32, #tpu.memory_space<hbm>>)
    %dma_wait3A_1435 = arith.constant 3 : i32
    %dma_wait3A_1436 = arith.constant 384 : i32
    %dma_wait3A_1437 = arith.constant 0 : i32
    %dma_wait3A_1438 = tpu.memref_slice %arg10[%dma_wait3A_1436, %dma_wait3A_1437] : memref<3328x16xf32, #tpu.memory_space<vmem>> -> memref<128x16xf32, #tpu.memory_space<vmem>>
    %dma_wait3A_1439 = arith.constant 0 : i32
    %dma_wait3A_1440 = tpu.memref_slice %arg9[%dma_wait3A_1435, %dma_wait3A_1439] : memref<26x128xi32, #tpu.memory_space<vmem>> -> memref<1x128xi32, #tpu.memory_space<vmem>>
    %dma_wait3A_1441 = tpu.memref_squeeze %dma_wait3A_1440 : memref<1x128xi32, #tpu.memory_space<vmem>> -> memref<128xi32, #tpu.memory_space<vmem>>
    %dma_wait3A_1442 = arith.constant 0 : i32
    %dma_wait3A_1443 = arith.constant 0 : i32
    %dma_wait3A_1444 = tpu.memref_slice %arg6[%dma_wait3A_1442, %dma_wait3A_1443] : memref<524288x16xf32, #tpu.memory_space<hbm>> -> memref<524288x16xf32, #tpu.memory_space<hbm>>
    tpu.wait_indirect_dma semaphore(%arg12 : memref<!tpu.dma_semaphore, #tpu.memory_space<semaphore_mem>>) src(%dma_wait3A_1438 : memref<128x16xf32, #tpu.memory_space<vmem>>) dst(%dma_wait3A_1444 : memref<524288x16xf32, #tpu.memory_space<hbm>>)
    %dma_wait3A_1445 = arith.constant 4 : i32
    %dma_wait3A_1446 = arith.constant 512 : i32
    %dma_wait3A_1447 = arith.constant 0 : i32
    %dma_wait3A_1448 = tpu.memref_slice %arg10[%dma_wait3A_1446, %dma_wait3A_1447] : memref<3328x16xf32, #tpu.memory_space<vmem>> -> memref<128x16xf32, #tpu.memory_space<vmem>>
    %dma_wait3A_1449 = arith.constant 0 : i32
    %dma_wait3A_1450 = tpu.memref_slice %arg9[%dma_wait3A_1445, %dma_wait3A_1449] : memref<26x128xi32, #tpu.memory_space<vmem>> -> memref<1x128xi32, #tpu.memory_space<vmem>>
    %dma_wait3A_1451 = tpu.memref_squeeze %dma_wait3A_1450 : memref<1x128xi32, #tpu.memory_space<vmem>> -> memref<128xi32, #tpu.memory_space<vmem>>
    %dma_wait3A_1452 = arith.constant 0 : i32
    %dma_wait3A_1453 = arith.constant 0 : i32
    %dma_wait3A_1454 = tpu.memref_slice %arg6[%dma_wait3A_1452, %dma_wait3A_1453] : memref<524288x16xf32, #tpu.memory_space<hbm>> -> memref<524288x16xf32, #tpu.memory_space<hbm>>
    tpu.wait_indirect_dma semaphore(%arg12 : memref<!tpu.dma_semaphore, #tpu.memory_space<semaphore_mem>>) src(%dma_wait3A_1448 : memref<128x16xf32, #tpu.memory_space<vmem>>) dst(%dma_wait3A_1454 : memref<524288x16xf32, #tpu.memory_space<hbm>>)
    %dma_wait3A_1455 = arith.constant 5 : i32
    %dma_wait3A_1456 = arith.constant 640 : i32
    %dma_wait3A_1457 = arith.constant 0 : i32
    %dma_wait3A_1458 = tpu.memref_slice %arg10[%dma_wait3A_1456, %dma_wait3A_1457] : memref<3328x16xf32, #tpu.memory_space<vmem>> -> memref<128x16xf32, #tpu.memory_space<vmem>>
    %dma_wait3A_1459 = arith.constant 0 : i32
    %dma_wait3A_1460 = tpu.memref_slice %arg9[%dma_wait3A_1455, %dma_wait3A_1459] : memref<26x128xi32, #tpu.memory_space<vmem>> -> memref<1x128xi32, #tpu.memory_space<vmem>>
    %dma_wait3A_1461 = tpu.memref_squeeze %dma_wait3A_1460 : memref<1x128xi32, #tpu.memory_space<vmem>> -> memref<128xi32, #tpu.memory_space<vmem>>
    %dma_wait3A_1462 = arith.constant 0 : i32
    %dma_wait3A_1463 = arith.constant 0 : i32
    %dma_wait3A_1464 = tpu.memref_slice %arg6[%dma_wait3A_1462, %dma_wait3A_1463] : memref<524288x16xf32, #tpu.memory_space<hbm>> -> memref<524288x16xf32, #tpu.memory_space<hbm>>
    tpu.wait_indirect_dma semaphore(%arg12 : memref<!tpu.dma_semaphore, #tpu.memory_space<semaphore_mem>>) src(%dma_wait3A_1458 : memref<128x16xf32, #tpu.memory_space<vmem>>) dst(%dma_wait3A_1464 : memref<524288x16xf32, #tpu.memory_space<hbm>>)
    %dma_wait3A_1465 = arith.constant 6 : i32
    %dma_wait3A_1466 = arith.constant 768 : i32
    %dma_wait3A_1467 = arith.constant 0 : i32
    %dma_wait3A_1468 = tpu.memref_slice %arg10[%dma_wait3A_1466, %dma_wait3A_1467] : memref<3328x16xf32, #tpu.memory_space<vmem>> -> memref<128x16xf32, #tpu.memory_space<vmem>>
    %dma_wait3A_1469 = arith.constant 0 : i32
    %dma_wait3A_1470 = tpu.memref_slice %arg9[%dma_wait3A_1465, %dma_wait3A_1469] : memref<26x128xi32, #tpu.memory_space<vmem>> -> memref<1x128xi32, #tpu.memory_space<vmem>>
    %dma_wait3A_1471 = tpu.memref_squeeze %dma_wait3A_1470 : memref<1x128xi32, #tpu.memory_space<vmem>> -> memref<128xi32, #tpu.memory_space<vmem>>
    %dma_wait3A_1472 = arith.constant 0 : i32
    %dma_wait3A_1473 = arith.constant 0 : i32
    %dma_wait3A_1474 = tpu.memref_slice %arg6[%dma_wait3A_1472, %dma_wait3A_1473] : memref<524288x16xf32, #tpu.memory_space<hbm>> -> memref<524288x16xf32, #tpu.memory_space<hbm>>
    tpu.wait_indirect_dma semaphore(%arg12 : memref<!tpu.dma_semaphore, #tpu.memory_space<semaphore_mem>>) src(%dma_wait3A_1468 : memref<128x16xf32, #tpu.memory_space<vmem>>) dst(%dma_wait3A_1474 : memref<524288x16xf32, #tpu.memory_space<hbm>>)
    %dma_wait3A_1475 = arith.constant 7 : i32
    %dma_wait3A_1476 = arith.constant 896 : i32
    %dma_wait3A_1477 = arith.constant 0 : i32
    %dma_wait3A_1478 = tpu.memref_slice %arg10[%dma_wait3A_1476, %dma_wait3A_1477] : memref<3328x16xf32, #tpu.memory_space<vmem>> -> memref<128x16xf32, #tpu.memory_space<vmem>>
    %dma_wait3A_1479 = arith.constant 0 : i32
    %dma_wait3A_1480 = tpu.memref_slice %arg9[%dma_wait3A_1475, %dma_wait3A_1479] : memref<26x128xi32, #tpu.memory_space<vmem>> -> memref<1x128xi32, #tpu.memory_space<vmem>>
    %dma_wait3A_1481 = tpu.memref_squeeze %dma_wait3A_1480 : memref<1x128xi32, #tpu.memory_space<vmem>> -> memref<128xi32, #tpu.memory_space<vmem>>
    %dma_wait3A_1482 = arith.constant 0 : i32
    %dma_wait3A_1483 = arith.constant 0 : i32
    %dma_wait3A_1484 = tpu.memref_slice %arg6[%dma_wait3A_1482, %dma_wait3A_1483] : memref<524288x16xf32, #tpu.memory_space<hbm>> -> memref<524288x16xf32, #tpu.memory_space<hbm>>
    tpu.wait_indirect_dma semaphore(%arg12 : memref<!tpu.dma_semaphore, #tpu.memory_space<semaphore_mem>>) src(%dma_wait3A_1478 : memref<128x16xf32, #tpu.memory_space<vmem>>) dst(%dma_wait3A_1484 : memref<524288x16xf32, #tpu.memory_space<hbm>>)
    %dma_wait3A_1485 = arith.constant 8 : i32
    %dma_wait3A_1486 = arith.constant 1024 : i32
    %dma_wait3A_1487 = arith.constant 0 : i32
    %dma_wait3A_1488 = tpu.memref_slice %arg10[%dma_wait3A_1486, %dma_wait3A_1487] : memref<3328x16xf32, #tpu.memory_space<vmem>> -> memref<128x16xf32, #tpu.memory_space<vmem>>
    %dma_wait3A_1489 = arith.constant 0 : i32
    %dma_wait3A_1490 = tpu.memref_slice %arg9[%dma_wait3A_1485, %dma_wait3A_1489] : memref<26x128xi32, #tpu.memory_space<vmem>> -> memref<1x128xi32, #tpu.memory_space<vmem>>
    %dma_wait3A_1491 = tpu.memref_squeeze %dma_wait3A_1490 : memref<1x128xi32, #tpu.memory_space<vmem>> -> memref<128xi32, #tpu.memory_space<vmem>>
    %dma_wait3A_1492 = arith.constant 0 : i32
    %dma_wait3A_1493 = arith.constant 0 : i32
    %dma_wait3A_1494 = tpu.memref_slice %arg6[%dma_wait3A_1492, %dma_wait3A_1493] : memref<524288x16xf32, #tpu.memory_space<hbm>> -> memref<524288x16xf32, #tpu.memory_space<hbm>>
    tpu.wait_indirect_dma semaphore(%arg12 : memref<!tpu.dma_semaphore, #tpu.memory_space<semaphore_mem>>) src(%dma_wait3A_1488 : memref<128x16xf32, #tpu.memory_space<vmem>>) dst(%dma_wait3A_1494 : memref<524288x16xf32, #tpu.memory_space<hbm>>)
    %dma_wait3A_1495 = arith.constant 9 : i32
    %dma_wait3A_1496 = arith.constant 1152 : i32
    %dma_wait3A_1497 = arith.constant 0 : i32
    %dma_wait3A_1498 = tpu.memref_slice %arg10[%dma_wait3A_1496, %dma_wait3A_1497] : memref<3328x16xf32, #tpu.memory_space<vmem>> -> memref<128x16xf32, #tpu.memory_space<vmem>>
    %dma_wait3A_1499 = arith.constant 0 : i32
    %dma_wait3A_1500 = tpu.memref_slice %arg9[%dma_wait3A_1495, %dma_wait3A_1499] : memref<26x128xi32, #tpu.memory_space<vmem>> -> memref<1x128xi32, #tpu.memory_space<vmem>>
    %dma_wait3A_1501 = tpu.memref_squeeze %dma_wait3A_1500 : memref<1x128xi32, #tpu.memory_space<vmem>> -> memref<128xi32, #tpu.memory_space<vmem>>
    %dma_wait3A_1502 = arith.constant 0 : i32
    %dma_wait3A_1503 = arith.constant 0 : i32
    %dma_wait3A_1504 = tpu.memref_slice %arg6[%dma_wait3A_1502, %dma_wait3A_1503] : memref<524288x16xf32, #tpu.memory_space<hbm>> -> memref<524288x16xf32, #tpu.memory_space<hbm>>
    tpu.wait_indirect_dma semaphore(%arg12 : memref<!tpu.dma_semaphore, #tpu.memory_space<semaphore_mem>>) src(%dma_wait3A_1498 : memref<128x16xf32, #tpu.memory_space<vmem>>) dst(%dma_wait3A_1504 : memref<524288x16xf32, #tpu.memory_space<hbm>>)
    %dma_wait3A_1505 = arith.constant 10 : i32
    %dma_wait3A_1506 = arith.constant 1280 : i32
    %dma_wait3A_1507 = arith.constant 0 : i32
    %dma_wait3A_1508 = tpu.memref_slice %arg10[%dma_wait3A_1506, %dma_wait3A_1507] : memref<3328x16xf32, #tpu.memory_space<vmem>> -> memref<128x16xf32, #tpu.memory_space<vmem>>
    %dma_wait3A_1509 = arith.constant 0 : i32
    %dma_wait3A_1510 = tpu.memref_slice %arg9[%dma_wait3A_1505, %dma_wait3A_1509] : memref<26x128xi32, #tpu.memory_space<vmem>> -> memref<1x128xi32, #tpu.memory_space<vmem>>
    %dma_wait3A_1511 = tpu.memref_squeeze %dma_wait3A_1510 : memref<1x128xi32, #tpu.memory_space<vmem>> -> memref<128xi32, #tpu.memory_space<vmem>>
    %dma_wait3A_1512 = arith.constant 0 : i32
    %dma_wait3A_1513 = arith.constant 0 : i32
    %dma_wait3A_1514 = tpu.memref_slice %arg6[%dma_wait3A_1512, %dma_wait3A_1513] : memref<524288x16xf32, #tpu.memory_space<hbm>> -> memref<524288x16xf32, #tpu.memory_space<hbm>>
    tpu.wait_indirect_dma semaphore(%arg12 : memref<!tpu.dma_semaphore, #tpu.memory_space<semaphore_mem>>) src(%dma_wait3A_1508 : memref<128x16xf32, #tpu.memory_space<vmem>>) dst(%dma_wait3A_1514 : memref<524288x16xf32, #tpu.memory_space<hbm>>)
    %dma_wait3A_1515 = arith.constant 11 : i32
    %dma_wait3A_1516 = arith.constant 1408 : i32
    %dma_wait3A_1517 = arith.constant 0 : i32
    %dma_wait3A_1518 = tpu.memref_slice %arg10[%dma_wait3A_1516, %dma_wait3A_1517] : memref<3328x16xf32, #tpu.memory_space<vmem>> -> memref<128x16xf32, #tpu.memory_space<vmem>>
    %dma_wait3A_1519 = arith.constant 0 : i32
    %dma_wait3A_1520 = tpu.memref_slice %arg9[%dma_wait3A_1515, %dma_wait3A_1519] : memref<26x128xi32, #tpu.memory_space<vmem>> -> memref<1x128xi32, #tpu.memory_space<vmem>>
    %dma_wait3A_1521 = tpu.memref_squeeze %dma_wait3A_1520 : memref<1x128xi32, #tpu.memory_space<vmem>> -> memref<128xi32, #tpu.memory_space<vmem>>
    %dma_wait3A_1522 = arith.constant 0 : i32
    %dma_wait3A_1523 = arith.constant 0 : i32
    %dma_wait3A_1524 = tpu.memref_slice %arg6[%dma_wait3A_1522, %dma_wait3A_1523] : memref<524288x16xf32, #tpu.memory_space<hbm>> -> memref<524288x16xf32, #tpu.memory_space<hbm>>
    tpu.wait_indirect_dma semaphore(%arg12 : memref<!tpu.dma_semaphore, #tpu.memory_space<semaphore_mem>>) src(%dma_wait3A_1518 : memref<128x16xf32, #tpu.memory_space<vmem>>) dst(%dma_wait3A_1524 : memref<524288x16xf32, #tpu.memory_space<hbm>>)
    %dma_wait3A_1525 = arith.constant 12 : i32
    %dma_wait3A_1526 = arith.constant 1536 : i32
    %dma_wait3A_1527 = arith.constant 0 : i32
    %dma_wait3A_1528 = tpu.memref_slice %arg10[%dma_wait3A_1526, %dma_wait3A_1527] : memref<3328x16xf32, #tpu.memory_space<vmem>> -> memref<128x16xf32, #tpu.memory_space<vmem>>
    %dma_wait3A_1529 = arith.constant 0 : i32
    %dma_wait3A_1530 = tpu.memref_slice %arg9[%dma_wait3A_1525, %dma_wait3A_1529] : memref<26x128xi32, #tpu.memory_space<vmem>> -> memref<1x128xi32, #tpu.memory_space<vmem>>
    %dma_wait3A_1531 = tpu.memref_squeeze %dma_wait3A_1530 : memref<1x128xi32, #tpu.memory_space<vmem>> -> memref<128xi32, #tpu.memory_space<vmem>>
    %dma_wait3A_1532 = arith.constant 0 : i32
    %dma_wait3A_1533 = arith.constant 0 : i32
    %dma_wait3A_1534 = tpu.memref_slice %arg6[%dma_wait3A_1532, %dma_wait3A_1533] : memref<524288x16xf32, #tpu.memory_space<hbm>> -> memref<524288x16xf32, #tpu.memory_space<hbm>>
    tpu.wait_indirect_dma semaphore(%arg12 : memref<!tpu.dma_semaphore, #tpu.memory_space<semaphore_mem>>) src(%dma_wait3A_1528 : memref<128x16xf32, #tpu.memory_space<vmem>>) dst(%dma_wait3A_1534 : memref<524288x16xf32, #tpu.memory_space<hbm>>)
    %dma_wait3A_1535 = arith.constant 13 : i32
    %dma_wait3A_1536 = arith.constant 1664 : i32
    %dma_wait3A_1537 = arith.constant 0 : i32
    %dma_wait3A_1538 = tpu.memref_slice %arg10[%dma_wait3A_1536, %dma_wait3A_1537] : memref<3328x16xf32, #tpu.memory_space<vmem>> -> memref<128x16xf32, #tpu.memory_space<vmem>>
    %dma_wait3A_1539 = arith.constant 0 : i32
    %dma_wait3A_1540 = tpu.memref_slice %arg9[%dma_wait3A_1535, %dma_wait3A_1539] : memref<26x128xi32, #tpu.memory_space<vmem>> -> memref<1x128xi32, #tpu.memory_space<vmem>>
    %dma_wait3A_1541 = tpu.memref_squeeze %dma_wait3A_1540 : memref<1x128xi32, #tpu.memory_space<vmem>> -> memref<128xi32, #tpu.memory_space<vmem>>
    %dma_wait3A_1542 = arith.constant 0 : i32
    %dma_wait3A_1543 = arith.constant 0 : i32
    %dma_wait3A_1544 = tpu.memref_slice %arg6[%dma_wait3A_1542, %dma_wait3A_1543] : memref<524288x16xf32, #tpu.memory_space<hbm>> -> memref<524288x16xf32, #tpu.memory_space<hbm>>
    tpu.wait_indirect_dma semaphore(%arg12 : memref<!tpu.dma_semaphore, #tpu.memory_space<semaphore_mem>>) src(%dma_wait3A_1538 : memref<128x16xf32, #tpu.memory_space<vmem>>) dst(%dma_wait3A_1544 : memref<524288x16xf32, #tpu.memory_space<hbm>>)
    %dma_wait3A_1545 = arith.constant 14 : i32
    %dma_wait3A_1546 = arith.constant 1792 : i32
    %dma_wait3A_1547 = arith.constant 0 : i32
    %dma_wait3A_1548 = tpu.memref_slice %arg10[%dma_wait3A_1546, %dma_wait3A_1547] : memref<3328x16xf32, #tpu.memory_space<vmem>> -> memref<128x16xf32, #tpu.memory_space<vmem>>
    %dma_wait3A_1549 = arith.constant 0 : i32
    %dma_wait3A_1550 = tpu.memref_slice %arg9[%dma_wait3A_1545, %dma_wait3A_1549] : memref<26x128xi32, #tpu.memory_space<vmem>> -> memref<1x128xi32, #tpu.memory_space<vmem>>
    %dma_wait3A_1551 = tpu.memref_squeeze %dma_wait3A_1550 : memref<1x128xi32, #tpu.memory_space<vmem>> -> memref<128xi32, #tpu.memory_space<vmem>>
    %dma_wait3A_1552 = arith.constant 0 : i32
    %dma_wait3A_1553 = arith.constant 0 : i32
    %dma_wait3A_1554 = tpu.memref_slice %arg6[%dma_wait3A_1552, %dma_wait3A_1553] : memref<524288x16xf32, #tpu.memory_space<hbm>> -> memref<524288x16xf32, #tpu.memory_space<hbm>>
    tpu.wait_indirect_dma semaphore(%arg12 : memref<!tpu.dma_semaphore, #tpu.memory_space<semaphore_mem>>) src(%dma_wait3A_1548 : memref<128x16xf32, #tpu.memory_space<vmem>>) dst(%dma_wait3A_1554 : memref<524288x16xf32, #tpu.memory_space<hbm>>)
    %dma_wait3A_1555 = arith.constant 15 : i32
    %dma_wait3A_1556 = arith.constant 1920 : i32
    %dma_wait3A_1557 = arith.constant 0 : i32
    %dma_wait3A_1558 = tpu.memref_slice %arg10[%dma_wait3A_1556, %dma_wait3A_1557] : memref<3328x16xf32, #tpu.memory_space<vmem>> -> memref<128x16xf32, #tpu.memory_space<vmem>>
    %dma_wait3A_1559 = arith.constant 0 : i32
    %dma_wait3A_1560 = tpu.memref_slice %arg9[%dma_wait3A_1555, %dma_wait3A_1559] : memref<26x128xi32, #tpu.memory_space<vmem>> -> memref<1x128xi32, #tpu.memory_space<vmem>>
    %dma_wait3A_1561 = tpu.memref_squeeze %dma_wait3A_1560 : memref<1x128xi32, #tpu.memory_space<vmem>> -> memref<128xi32, #tpu.memory_space<vmem>>
    %dma_wait3A_1562 = arith.constant 0 : i32
    %dma_wait3A_1563 = arith.constant 0 : i32
    %dma_wait3A_1564 = tpu.memref_slice %arg6[%dma_wait3A_1562, %dma_wait3A_1563] : memref<524288x16xf32, #tpu.memory_space<hbm>> -> memref<524288x16xf32, #tpu.memory_space<hbm>>
    tpu.wait_indirect_dma semaphore(%arg12 : memref<!tpu.dma_semaphore, #tpu.memory_space<semaphore_mem>>) src(%dma_wait3A_1558 : memref<128x16xf32, #tpu.memory_space<vmem>>) dst(%dma_wait3A_1564 : memref<524288x16xf32, #tpu.memory_space<hbm>>)
    %dma_wait3A_1565 = arith.constant 16 : i32
    %dma_wait3A_1566 = arith.constant 2048 : i32
    %dma_wait3A_1567 = arith.constant 0 : i32
    %dma_wait3A_1568 = tpu.memref_slice %arg10[%dma_wait3A_1566, %dma_wait3A_1567] : memref<3328x16xf32, #tpu.memory_space<vmem>> -> memref<128x16xf32, #tpu.memory_space<vmem>>
    %dma_wait3A_1569 = arith.constant 0 : i32
    %dma_wait3A_1570 = tpu.memref_slice %arg9[%dma_wait3A_1565, %dma_wait3A_1569] : memref<26x128xi32, #tpu.memory_space<vmem>> -> memref<1x128xi32, #tpu.memory_space<vmem>>
    %dma_wait3A_1571 = tpu.memref_squeeze %dma_wait3A_1570 : memref<1x128xi32, #tpu.memory_space<vmem>> -> memref<128xi32, #tpu.memory_space<vmem>>
    %dma_wait3A_1572 = arith.constant 0 : i32
    %dma_wait3A_1573 = arith.constant 0 : i32
    %dma_wait3A_1574 = tpu.memref_slice %arg6[%dma_wait3A_1572, %dma_wait3A_1573] : memref<524288x16xf32, #tpu.memory_space<hbm>> -> memref<524288x16xf32, #tpu.memory_space<hbm>>
    tpu.wait_indirect_dma semaphore(%arg12 : memref<!tpu.dma_semaphore, #tpu.memory_space<semaphore_mem>>) src(%dma_wait3A_1568 : memref<128x16xf32, #tpu.memory_space<vmem>>) dst(%dma_wait3A_1574 : memref<524288x16xf32, #tpu.memory_space<hbm>>)
    %dma_wait3A_1575 = arith.constant 17 : i32
    %dma_wait3A_1576 = arith.constant 2176 : i32
    %dma_wait3A_1577 = arith.constant 0 : i32
    %dma_wait3A_1578 = tpu.memref_slice %arg10[%dma_wait3A_1576, %dma_wait3A_1577] : memref<3328x16xf32, #tpu.memory_space<vmem>> -> memref<128x16xf32, #tpu.memory_space<vmem>>
    %dma_wait3A_1579 = arith.constant 0 : i32
    %dma_wait3A_1580 = tpu.memref_slice %arg9[%dma_wait3A_1575, %dma_wait3A_1579] : memref<26x128xi32, #tpu.memory_space<vmem>> -> memref<1x128xi32, #tpu.memory_space<vmem>>
    %dma_wait3A_1581 = tpu.memref_squeeze %dma_wait3A_1580 : memref<1x128xi32, #tpu.memory_space<vmem>> -> memref<128xi32, #tpu.memory_space<vmem>>
    %dma_wait3A_1582 = arith.constant 0 : i32
    %dma_wait3A_1583 = arith.constant 0 : i32
    %dma_wait3A_1584 = tpu.memref_slice %arg6[%dma_wait3A_1582, %dma_wait3A_1583] : memref<524288x16xf32, #tpu.memory_space<hbm>> -> memref<524288x16xf32, #tpu.memory_space<hbm>>
    tpu.wait_indirect_dma semaphore(%arg12 : memref<!tpu.dma_semaphore, #tpu.memory_space<semaphore_mem>>) src(%dma_wait3A_1578 : memref<128x16xf32, #tpu.memory_space<vmem>>) dst(%dma_wait3A_1584 : memref<524288x16xf32, #tpu.memory_space<hbm>>)
    %dma_wait3A_1585 = arith.constant 18 : i32
    %dma_wait3A_1586 = arith.constant 2304 : i32
    %dma_wait3A_1587 = arith.constant 0 : i32
    %dma_wait3A_1588 = tpu.memref_slice %arg10[%dma_wait3A_1586, %dma_wait3A_1587] : memref<3328x16xf32, #tpu.memory_space<vmem>> -> memref<128x16xf32, #tpu.memory_space<vmem>>
    %dma_wait3A_1589 = arith.constant 0 : i32
    %dma_wait3A_1590 = tpu.memref_slice %arg9[%dma_wait3A_1585, %dma_wait3A_1589] : memref<26x128xi32, #tpu.memory_space<vmem>> -> memref<1x128xi32, #tpu.memory_space<vmem>>
    %dma_wait3A_1591 = tpu.memref_squeeze %dma_wait3A_1590 : memref<1x128xi32, #tpu.memory_space<vmem>> -> memref<128xi32, #tpu.memory_space<vmem>>
    %dma_wait3A_1592 = arith.constant 0 : i32
    %dma_wait3A_1593 = arith.constant 0 : i32
    %dma_wait3A_1594 = tpu.memref_slice %arg6[%dma_wait3A_1592, %dma_wait3A_1593] : memref<524288x16xf32, #tpu.memory_space<hbm>> -> memref<524288x16xf32, #tpu.memory_space<hbm>>
    tpu.wait_indirect_dma semaphore(%arg12 : memref<!tpu.dma_semaphore, #tpu.memory_space<semaphore_mem>>) src(%dma_wait3A_1588 : memref<128x16xf32, #tpu.memory_space<vmem>>) dst(%dma_wait3A_1594 : memref<524288x16xf32, #tpu.memory_space<hbm>>)
    %dma_wait3A_1595 = arith.constant 19 : i32
    %dma_wait3A_1596 = arith.constant 2432 : i32
    %dma_wait3A_1597 = arith.constant 0 : i32
    %dma_wait3A_1598 = tpu.memref_slice %arg10[%dma_wait3A_1596, %dma_wait3A_1597] : memref<3328x16xf32, #tpu.memory_space<vmem>> -> memref<128x16xf32, #tpu.memory_space<vmem>>
    %dma_wait3A_1599 = arith.constant 0 : i32
    %dma_wait3A_1600 = tpu.memref_slice %arg9[%dma_wait3A_1595, %dma_wait3A_1599] : memref<26x128xi32, #tpu.memory_space<vmem>> -> memref<1x128xi32, #tpu.memory_space<vmem>>
    %dma_wait3A_1601 = tpu.memref_squeeze %dma_wait3A_1600 : memref<1x128xi32, #tpu.memory_space<vmem>> -> memref<128xi32, #tpu.memory_space<vmem>>
    %dma_wait3A_1602 = arith.constant 0 : i32
    %dma_wait3A_1603 = arith.constant 0 : i32
    %dma_wait3A_1604 = tpu.memref_slice %arg6[%dma_wait3A_1602, %dma_wait3A_1603] : memref<524288x16xf32, #tpu.memory_space<hbm>> -> memref<524288x16xf32, #tpu.memory_space<hbm>>
    tpu.wait_indirect_dma semaphore(%arg12 : memref<!tpu.dma_semaphore, #tpu.memory_space<semaphore_mem>>) src(%dma_wait3A_1598 : memref<128x16xf32, #tpu.memory_space<vmem>>) dst(%dma_wait3A_1604 : memref<524288x16xf32, #tpu.memory_space<hbm>>)
    %dma_wait3A_1605 = arith.constant 20 : i32
    %dma_wait3A_1606 = arith.constant 2560 : i32
    %dma_wait3A_1607 = arith.constant 0 : i32
    %dma_wait3A_1608 = tpu.memref_slice %arg10[%dma_wait3A_1606, %dma_wait3A_1607] : memref<3328x16xf32, #tpu.memory_space<vmem>> -> memref<128x16xf32, #tpu.memory_space<vmem>>
    %dma_wait3A_1609 = arith.constant 0 : i32
    %dma_wait3A_1610 = tpu.memref_slice %arg9[%dma_wait3A_1605, %dma_wait3A_1609] : memref<26x128xi32, #tpu.memory_space<vmem>> -> memref<1x128xi32, #tpu.memory_space<vmem>>
    %dma_wait3A_1611 = tpu.memref_squeeze %dma_wait3A_1610 : memref<1x128xi32, #tpu.memory_space<vmem>> -> memref<128xi32, #tpu.memory_space<vmem>>
    %dma_wait3A_1612 = arith.constant 0 : i32
    %dma_wait3A_1613 = arith.constant 0 : i32
    %dma_wait3A_1614 = tpu.memref_slice %arg6[%dma_wait3A_1612, %dma_wait3A_1613] : memref<524288x16xf32, #tpu.memory_space<hbm>> -> memref<524288x16xf32, #tpu.memory_space<hbm>>
    tpu.wait_indirect_dma semaphore(%arg12 : memref<!tpu.dma_semaphore, #tpu.memory_space<semaphore_mem>>) src(%dma_wait3A_1608 : memref<128x16xf32, #tpu.memory_space<vmem>>) dst(%dma_wait3A_1614 : memref<524288x16xf32, #tpu.memory_space<hbm>>)
    %dma_wait3A_1615 = arith.constant 21 : i32
    %dma_wait3A_1616 = arith.constant 2688 : i32
    %dma_wait3A_1617 = arith.constant 0 : i32
    %dma_wait3A_1618 = tpu.memref_slice %arg10[%dma_wait3A_1616, %dma_wait3A_1617] : memref<3328x16xf32, #tpu.memory_space<vmem>> -> memref<128x16xf32, #tpu.memory_space<vmem>>
    %dma_wait3A_1619 = arith.constant 0 : i32
    %dma_wait3A_1620 = tpu.memref_slice %arg9[%dma_wait3A_1615, %dma_wait3A_1619] : memref<26x128xi32, #tpu.memory_space<vmem>> -> memref<1x128xi32, #tpu.memory_space<vmem>>
    %dma_wait3A_1621 = tpu.memref_squeeze %dma_wait3A_1620 : memref<1x128xi32, #tpu.memory_space<vmem>> -> memref<128xi32, #tpu.memory_space<vmem>>
    %dma_wait3A_1622 = arith.constant 0 : i32
    %dma_wait3A_1623 = arith.constant 0 : i32
    %dma_wait3A_1624 = tpu.memref_slice %arg6[%dma_wait3A_1622, %dma_wait3A_1623] : memref<524288x16xf32, #tpu.memory_space<hbm>> -> memref<524288x16xf32, #tpu.memory_space<hbm>>
    tpu.wait_indirect_dma semaphore(%arg12 : memref<!tpu.dma_semaphore, #tpu.memory_space<semaphore_mem>>) src(%dma_wait3A_1618 : memref<128x16xf32, #tpu.memory_space<vmem>>) dst(%dma_wait3A_1624 : memref<524288x16xf32, #tpu.memory_space<hbm>>)
    %dma_wait3A_1625 = arith.constant 22 : i32
    %dma_wait3A_1626 = arith.constant 2816 : i32
    %dma_wait3A_1627 = arith.constant 0 : i32
    %dma_wait3A_1628 = tpu.memref_slice %arg10[%dma_wait3A_1626, %dma_wait3A_1627] : memref<3328x16xf32, #tpu.memory_space<vmem>> -> memref<128x16xf32, #tpu.memory_space<vmem>>
    %dma_wait3A_1629 = arith.constant 0 : i32
    %dma_wait3A_1630 = tpu.memref_slice %arg9[%dma_wait3A_1625, %dma_wait3A_1629] : memref<26x128xi32, #tpu.memory_space<vmem>> -> memref<1x128xi32, #tpu.memory_space<vmem>>
    %dma_wait3A_1631 = tpu.memref_squeeze %dma_wait3A_1630 : memref<1x128xi32, #tpu.memory_space<vmem>> -> memref<128xi32, #tpu.memory_space<vmem>>
    %dma_wait3A_1632 = arith.constant 0 : i32
    %dma_wait3A_1633 = arith.constant 0 : i32
    %dma_wait3A_1634 = tpu.memref_slice %arg6[%dma_wait3A_1632, %dma_wait3A_1633] : memref<524288x16xf32, #tpu.memory_space<hbm>> -> memref<524288x16xf32, #tpu.memory_space<hbm>>
    tpu.wait_indirect_dma semaphore(%arg12 : memref<!tpu.dma_semaphore, #tpu.memory_space<semaphore_mem>>) src(%dma_wait3A_1628 : memref<128x16xf32, #tpu.memory_space<vmem>>) dst(%dma_wait3A_1634 : memref<524288x16xf32, #tpu.memory_space<hbm>>)
    %dma_wait3A_1635 = arith.constant 23 : i32
    %dma_wait3A_1636 = arith.constant 2944 : i32
    %dma_wait3A_1637 = arith.constant 0 : i32
    %dma_wait3A_1638 = tpu.memref_slice %arg10[%dma_wait3A_1636, %dma_wait3A_1637] : memref<3328x16xf32, #tpu.memory_space<vmem>> -> memref<128x16xf32, #tpu.memory_space<vmem>>
    %dma_wait3A_1639 = arith.constant 0 : i32
    %dma_wait3A_1640 = tpu.memref_slice %arg9[%dma_wait3A_1635, %dma_wait3A_1639] : memref<26x128xi32, #tpu.memory_space<vmem>> -> memref<1x128xi32, #tpu.memory_space<vmem>>
    %dma_wait3A_1641 = tpu.memref_squeeze %dma_wait3A_1640 : memref<1x128xi32, #tpu.memory_space<vmem>> -> memref<128xi32, #tpu.memory_space<vmem>>
    %dma_wait3A_1642 = arith.constant 0 : i32
    %dma_wait3A_1643 = arith.constant 0 : i32
    %dma_wait3A_1644 = tpu.memref_slice %arg6[%dma_wait3A_1642, %dma_wait3A_1643] : memref<524288x16xf32, #tpu.memory_space<hbm>> -> memref<524288x16xf32, #tpu.memory_space<hbm>>
    tpu.wait_indirect_dma semaphore(%arg12 : memref<!tpu.dma_semaphore, #tpu.memory_space<semaphore_mem>>) src(%dma_wait3A_1638 : memref<128x16xf32, #tpu.memory_space<vmem>>) dst(%dma_wait3A_1644 : memref<524288x16xf32, #tpu.memory_space<hbm>>)
    %dma_wait3A_1645 = arith.constant 24 : i32
    %dma_wait3A_1646 = arith.constant 3072 : i32
    %dma_wait3A_1647 = arith.constant 0 : i32
    %dma_wait3A_1648 = tpu.memref_slice %arg10[%dma_wait3A_1646, %dma_wait3A_1647] : memref<3328x16xf32, #tpu.memory_space<vmem>> -> memref<128x16xf32, #tpu.memory_space<vmem>>
    %dma_wait3A_1649 = arith.constant 0 : i32
    %dma_wait3A_1650 = tpu.memref_slice %arg9[%dma_wait3A_1645, %dma_wait3A_1649] : memref<26x128xi32, #tpu.memory_space<vmem>> -> memref<1x128xi32, #tpu.memory_space<vmem>>
    %dma_wait3A_1651 = tpu.memref_squeeze %dma_wait3A_1650 : memref<1x128xi32, #tpu.memory_space<vmem>> -> memref<128xi32, #tpu.memory_space<vmem>>
    %dma_wait3A_1652 = arith.constant 0 : i32
    %dma_wait3A_1653 = arith.constant 0 : i32
    %dma_wait3A_1654 = tpu.memref_slice %arg6[%dma_wait3A_1652, %dma_wait3A_1653] : memref<524288x16xf32, #tpu.memory_space<hbm>> -> memref<524288x16xf32, #tpu.memory_space<hbm>>
    tpu.wait_indirect_dma semaphore(%arg12 : memref<!tpu.dma_semaphore, #tpu.memory_space<semaphore_mem>>) src(%dma_wait3A_1648 : memref<128x16xf32, #tpu.memory_space<vmem>>) dst(%dma_wait3A_1654 : memref<524288x16xf32, #tpu.memory_space<hbm>>)
    %dma_wait3A_1655 = arith.constant 25 : i32
    %dma_wait3A_1656 = arith.constant 3200 : i32
    %dma_wait3A_1657 = arith.constant 0 : i32
    %dma_wait3A_1658 = tpu.memref_slice %arg10[%dma_wait3A_1656, %dma_wait3A_1657] : memref<3328x16xf32, #tpu.memory_space<vmem>> -> memref<128x16xf32, #tpu.memory_space<vmem>>
    %dma_wait3A_1659 = arith.constant 0 : i32
    %dma_wait3A_1660 = tpu.memref_slice %arg9[%dma_wait3A_1655, %dma_wait3A_1659] : memref<26x128xi32, #tpu.memory_space<vmem>> -> memref<1x128xi32, #tpu.memory_space<vmem>>
    %dma_wait3A_1661 = tpu.memref_squeeze %dma_wait3A_1660 : memref<1x128xi32, #tpu.memory_space<vmem>> -> memref<128xi32, #tpu.memory_space<vmem>>
    %dma_wait3A_1662 = arith.constant 0 : i32
    %dma_wait3A_1663 = arith.constant 0 : i32
    %dma_wait3A_1664 = tpu.memref_slice %arg6[%dma_wait3A_1662, %dma_wait3A_1663] : memref<524288x16xf32, #tpu.memory_space<hbm>> -> memref<524288x16xf32, #tpu.memory_space<hbm>>
    tpu.wait_indirect_dma semaphore(%arg12 : memref<!tpu.dma_semaphore, #tpu.memory_space<semaphore_mem>>) src(%dma_wait3A_1658 : memref<128x16xf32, #tpu.memory_space<vmem>>) dst(%dma_wait3A_1664 : memref<524288x16xf32, #tpu.memory_space<hbm>>)
    "tpu.region"() ({
      %run_scoped3A = tpu.sem_alloc : memref<!tpu.dma_semaphore, #tpu.memory_space<semaphore_mem>>
      %dma_start3A_2223 = tpu.memref_slice %arg7[%add3A_1110] : memref<425984xf32, #tpu.memory_space<hbm>> -> memref<3328xf32, #tpu.memory_space<hbm>>
      %dma_start3A_2224 = tpu.memref_slice %arg7[%add3A_1110] : memref<425984xf32, #tpu.memory_space<hbm>> -> memref<3328xf32, #tpu.memory_space<hbm>>
      tpu.enqueue_dma source(%arg11 : memref<3328xf32, #tpu.memory_space<vmem>>) target(%dma_start3A_2224 : memref<3328xf32, #tpu.memory_space<hbm>>) target_semaphore(%run_scoped3A : memref<!tpu.dma_semaphore, #tpu.memory_space<semaphore_mem>>)
      %dma_wait3A_2225 = tpu.memref_slice %arg7[%add3A_1110] : memref<425984xf32, #tpu.memory_space<hbm>> -> memref<3328xf32, #tpu.memory_space<hbm>>
      %dma_wait3A_2226 = tpu.memref_slice %arg7[%add3A_1110] : memref<425984xf32, #tpu.memory_space<hbm>> -> memref<3328xf32, #tpu.memory_space<hbm>>
      tpu.wait_dma2 semaphore(%run_scoped3A : memref<!tpu.dma_semaphore, #tpu.memory_space<semaphore_mem>>) src(%arg11 : memref<3328xf32, #tpu.memory_space<vmem>>) dst(%dma_wait3A_2226 : memref<3328xf32, #tpu.memory_space<hbm>>)
      tpu.yield
    }) : () -> ()
    %mul3A_1665 = arith.constant 13312 : i32
    %mul3A_1666 = arith.muli %add3A, %mul3A_1665 : i32
    %add3A_1667 = arith.constant 9984 : i32
    %add3A_1668 = arith.addi %mul3A_1666, %add3A_1667 : i32
    "tpu.region"() ({
      %run_scoped3A = tpu.sem_alloc : memref<!tpu.dma_semaphore, #tpu.memory_space<semaphore_mem>>
      %dma_start3A_2223 = tpu.memref_slice %arg2[%add3A_1668] : memref<425984xi32, #tpu.memory_space<hbm>> -> memref<3328xi32, #tpu.memory_space<hbm>>
      %dma_start3A_2224 = tpu.memref_slice %arg2[%add3A_1668] : memref<425984xi32, #tpu.memory_space<hbm>> -> memref<3328xi32, #tpu.memory_space<hbm>>
      tpu.enqueue_dma source(%dma_start3A_2224 : memref<3328xi32, #tpu.memory_space<hbm>>) target(%arg8 : memref<3328xi32, #tpu.memory_space<vmem>>) target_semaphore(%run_scoped3A : memref<!tpu.dma_semaphore, #tpu.memory_space<semaphore_mem>>)
      %dma_wait3A_2225 = tpu.memref_slice %arg2[%add3A_1668] : memref<425984xi32, #tpu.memory_space<hbm>> -> memref<3328xi32, #tpu.memory_space<hbm>>
      %dma_wait3A_2226 = tpu.memref_slice %arg2[%add3A_1668] : memref<425984xi32, #tpu.memory_space<hbm>> -> memref<3328xi32, #tpu.memory_space<hbm>>
      tpu.wait_dma2 semaphore(%run_scoped3A : memref<!tpu.dma_semaphore, #tpu.memory_space<semaphore_mem>>) src(%dma_wait3A_2226 : memref<3328xi32, #tpu.memory_space<hbm>>) dst(%arg8 : memref<3328xi32, #tpu.memory_space<vmem>>)
      tpu.yield
    }) : () -> ()
    %dma_start3A_1669 = arith.constant 0 : i32
    %dma_start3A_1670 = arith.constant 0 : i32
    %dma_start3A_1671 = tpu.memref_slice %arg4[%dma_start3A_1669, %dma_start3A_1670] : memref<1000000x16xf32, #tpu.memory_space<hbm>> -> memref<1000000x16xf32, #tpu.memory_space<hbm>>
    tpu.enqueue_indirect_dma source(%dma_start3A_1671 : memref<1000000x16xf32, #tpu.memory_space<hbm>>) target(%arg10 : memref<3328x16xf32, #tpu.memory_space<vmem>>) offsets(%arg8 : memref<3328xi32, #tpu.memory_space<vmem>>) semaphore(%arg12 : memref<!tpu.dma_semaphore, #tpu.memory_space<semaphore_mem>>)
    %dma_start3A_1672 = arith.constant 0 : i32
    %dma_start3A_1673 = tpu.memref_slice %arg5[%dma_start3A_1672] : memref<1000000xf32, #tpu.memory_space<hbm>> -> memref<1000000xf32, #tpu.memory_space<hbm>>
    tpu.enqueue_indirect_dma source(%dma_start3A_1673 : memref<1000000xf32, #tpu.memory_space<hbm>>) target(%arg11 : memref<3328xf32, #tpu.memory_space<vmem>>) offsets(%arg8 : memref<3328xi32, #tpu.memory_space<vmem>>) semaphore(%arg13 : memref<!tpu.dma_semaphore, #tpu.memory_space<semaphore_mem>>)
    %jit3A_1674 = arith.constant 128 : i32
    %div3A_1675 = arith.divsi %add3A_1668, %jit3A_1674 : i32
    %sign3A_1676 = arith.constant 0 : i32
    %sign3A_1677 = arith.cmpi sgt, %add3A_1668, %sign3A_1676 : i32
    %sign3A_1678 = arith.extui %sign3A_1677 : i1 to i32
    %sign3A_1679 = arith.constant 0 : i32
    %sign3A_1680 = arith.cmpi slt, %add3A_1668, %sign3A_1679 : i32
    %sign3A_1681 = arith.extui %sign3A_1680 : i1 to i32
    %sign3A_1682 = arith.subi %sign3A_1678, %sign3A_1681 : i32
    %sign3A_1683 = arith.constant 0 : i32
    %sign3A_1684 = arith.cmpi sgt, %jit3A_1674, %sign3A_1683 : i32
    %sign3A_1685 = arith.extui %sign3A_1684 : i1 to i32
    %sign3A_1686 = arith.constant 0 : i32
    %sign3A_1687 = arith.cmpi slt, %jit3A_1674, %sign3A_1686 : i32
    %sign3A_1688 = arith.extui %sign3A_1687 : i1 to i32
    %sign3A_1689 = arith.subi %sign3A_1685, %sign3A_1688 : i32
    %ne3A_1690 = arith.cmpi ne, %sign3A_1682, %sign3A_1689 : i32
    %rem3A_1691 = arith.remsi %add3A_1668, %jit3A_1674 : i32
    %ne3A_1692 = arith.constant 0 : i32
    %ne3A_1693 = arith.cmpi ne, %rem3A_1691, %ne3A_1692 : i32
    %and3A_1694 = arith.andi %ne3A_1690, %ne3A_1693 : i1
    %sub3A_1695 = arith.constant 1 : i32
    %sub3A_1696 = arith.subi %div3A_1675, %sub3A_1695 : i32
    %select_n3A_1697 = arith.select %and3A_1694, %sub3A_1696, %div3A_1675 : i32
    "tpu.region"() ({
      %run_scoped3A = tpu.sem_alloc : memref<!tpu.dma_semaphore, #tpu.memory_space<semaphore_mem>>
      %dma_start3A_2223 = arith.constant 0 : i32
      %dma_start3A_2224 = tpu.memref_slice %arg3[%select_n3A_1697, %dma_start3A_2223] : memref<3328x128xi32, #tpu.memory_space<hbm>> -> memref<26x128xi32, #tpu.memory_space<hbm>>
      %dma_start3A_2225 = arith.constant 0 : i32
      %dma_start3A_2226 = tpu.memref_slice %arg3[%select_n3A_1697, %dma_start3A_2225] : memref<3328x128xi32, #tpu.memory_space<hbm>> -> memref<26x128xi32, #tpu.memory_space<hbm>>
      tpu.enqueue_dma source(%dma_start3A_2226 : memref<26x128xi32, #tpu.memory_space<hbm>>) target(%arg9 : memref<26x128xi32, #tpu.memory_space<vmem>>) target_semaphore(%run_scoped3A : memref<!tpu.dma_semaphore, #tpu.memory_space<semaphore_mem>>)
      %dma_wait3A_2227 = arith.constant 0 : i32
      %dma_wait3A_2228 = tpu.memref_slice %arg3[%select_n3A_1697, %dma_wait3A_2227] : memref<3328x128xi32, #tpu.memory_space<hbm>> -> memref<26x128xi32, #tpu.memory_space<hbm>>
      %dma_wait3A_2229 = arith.constant 0 : i32
      %dma_wait3A_2230 = tpu.memref_slice %arg3[%select_n3A_1697, %dma_wait3A_2229] : memref<3328x128xi32, #tpu.memory_space<hbm>> -> memref<26x128xi32, #tpu.memory_space<hbm>>
      tpu.wait_dma2 semaphore(%run_scoped3A : memref<!tpu.dma_semaphore, #tpu.memory_space<semaphore_mem>>) src(%dma_wait3A_2230 : memref<26x128xi32, #tpu.memory_space<hbm>>) dst(%arg9 : memref<26x128xi32, #tpu.memory_space<vmem>>)
      tpu.yield
    }) : () -> ()
    %dma_wait3A_1698 = arith.constant 0 : i32
    %dma_wait3A_1699 = arith.constant 0 : i32
    %dma_wait3A_1700 = tpu.memref_slice %arg4[%dma_wait3A_1698, %dma_wait3A_1699] : memref<1000000x16xf32, #tpu.memory_space<hbm>> -> memref<1000000x16xf32, #tpu.memory_space<hbm>>
    tpu.wait_indirect_dma semaphore(%arg12 : memref<!tpu.dma_semaphore, #tpu.memory_space<semaphore_mem>>) src(%dma_wait3A_1700 : memref<1000000x16xf32, #tpu.memory_space<hbm>>) dst(%arg10 : memref<3328x16xf32, #tpu.memory_space<vmem>>)
    %dma_wait3A_1701 = arith.constant 0 : i32
    %dma_wait3A_1702 = tpu.memref_slice %arg5[%dma_wait3A_1701] : memref<1000000xf32, #tpu.memory_space<hbm>> -> memref<1000000xf32, #tpu.memory_space<hbm>>
    tpu.wait_indirect_dma semaphore(%arg13 : memref<!tpu.dma_semaphore, #tpu.memory_space<semaphore_mem>>) src(%dma_wait3A_1702 : memref<1000000xf32, #tpu.memory_space<hbm>>) dst(%arg11 : memref<3328xf32, #tpu.memory_space<vmem>>)
    %dma_start3A_1703 = arith.constant 0 : i32
    %dma_start3A_1704 = arith.constant 0 : i32
    %dma_start3A_1705 = arith.constant 0 : i32
    %dma_start3A_1706 = tpu.memref_slice %arg10[%dma_start3A_1704, %dma_start3A_1705] : memref<3328x16xf32, #tpu.memory_space<vmem>> -> memref<128x16xf32, #tpu.memory_space<vmem>>
    %dma_start3A_1707 = arith.constant 0 : i32
    %dma_start3A_1708 = tpu.memref_slice %arg9[%dma_start3A_1703, %dma_start3A_1707] : memref<26x128xi32, #tpu.memory_space<vmem>> -> memref<1x128xi32, #tpu.memory_space<vmem>>
    %dma_start3A_1709 = tpu.memref_squeeze %dma_start3A_1708 : memref<1x128xi32, #tpu.memory_space<vmem>> -> memref<128xi32, #tpu.memory_space<vmem>>
    %dma_start3A_1710 = arith.constant 0 : i32
    %dma_start3A_1711 = arith.constant 0 : i32
    %dma_start3A_1712 = tpu.memref_slice %arg6[%dma_start3A_1710, %dma_start3A_1711] : memref<524288x16xf32, #tpu.memory_space<hbm>> -> memref<524288x16xf32, #tpu.memory_space<hbm>>
    tpu.enqueue_indirect_dma source(%dma_start3A_1706 : memref<128x16xf32, #tpu.memory_space<vmem>>) target(%dma_start3A_1712 : memref<524288x16xf32, #tpu.memory_space<hbm>>) offsets(%dma_start3A_1709 : memref<128xi32, #tpu.memory_space<vmem>>) semaphore(%arg12 : memref<!tpu.dma_semaphore, #tpu.memory_space<semaphore_mem>>)
    %dma_start3A_1713 = arith.constant 1 : i32
    %dma_start3A_1714 = arith.constant 128 : i32
    %dma_start3A_1715 = arith.constant 0 : i32
    %dma_start3A_1716 = tpu.memref_slice %arg10[%dma_start3A_1714, %dma_start3A_1715] : memref<3328x16xf32, #tpu.memory_space<vmem>> -> memref<128x16xf32, #tpu.memory_space<vmem>>
    %dma_start3A_1717 = arith.constant 0 : i32
    %dma_start3A_1718 = tpu.memref_slice %arg9[%dma_start3A_1713, %dma_start3A_1717] : memref<26x128xi32, #tpu.memory_space<vmem>> -> memref<1x128xi32, #tpu.memory_space<vmem>>
    %dma_start3A_1719 = tpu.memref_squeeze %dma_start3A_1718 : memref<1x128xi32, #tpu.memory_space<vmem>> -> memref<128xi32, #tpu.memory_space<vmem>>
    %dma_start3A_1720 = arith.constant 0 : i32
    %dma_start3A_1721 = arith.constant 0 : i32
    %dma_start3A_1722 = tpu.memref_slice %arg6[%dma_start3A_1720, %dma_start3A_1721] : memref<524288x16xf32, #tpu.memory_space<hbm>> -> memref<524288x16xf32, #tpu.memory_space<hbm>>
    tpu.enqueue_indirect_dma source(%dma_start3A_1716 : memref<128x16xf32, #tpu.memory_space<vmem>>) target(%dma_start3A_1722 : memref<524288x16xf32, #tpu.memory_space<hbm>>) offsets(%dma_start3A_1719 : memref<128xi32, #tpu.memory_space<vmem>>) semaphore(%arg12 : memref<!tpu.dma_semaphore, #tpu.memory_space<semaphore_mem>>)
    %dma_start3A_1723 = arith.constant 2 : i32
    %dma_start3A_1724 = arith.constant 256 : i32
    %dma_start3A_1725 = arith.constant 0 : i32
    %dma_start3A_1726 = tpu.memref_slice %arg10[%dma_start3A_1724, %dma_start3A_1725] : memref<3328x16xf32, #tpu.memory_space<vmem>> -> memref<128x16xf32, #tpu.memory_space<vmem>>
    %dma_start3A_1727 = arith.constant 0 : i32
    %dma_start3A_1728 = tpu.memref_slice %arg9[%dma_start3A_1723, %dma_start3A_1727] : memref<26x128xi32, #tpu.memory_space<vmem>> -> memref<1x128xi32, #tpu.memory_space<vmem>>
    %dma_start3A_1729 = tpu.memref_squeeze %dma_start3A_1728 : memref<1x128xi32, #tpu.memory_space<vmem>> -> memref<128xi32, #tpu.memory_space<vmem>>
    %dma_start3A_1730 = arith.constant 0 : i32
    %dma_start3A_1731 = arith.constant 0 : i32
    %dma_start3A_1732 = tpu.memref_slice %arg6[%dma_start3A_1730, %dma_start3A_1731] : memref<524288x16xf32, #tpu.memory_space<hbm>> -> memref<524288x16xf32, #tpu.memory_space<hbm>>
    tpu.enqueue_indirect_dma source(%dma_start3A_1726 : memref<128x16xf32, #tpu.memory_space<vmem>>) target(%dma_start3A_1732 : memref<524288x16xf32, #tpu.memory_space<hbm>>) offsets(%dma_start3A_1729 : memref<128xi32, #tpu.memory_space<vmem>>) semaphore(%arg12 : memref<!tpu.dma_semaphore, #tpu.memory_space<semaphore_mem>>)
    %dma_start3A_1733 = arith.constant 3 : i32
    %dma_start3A_1734 = arith.constant 384 : i32
    %dma_start3A_1735 = arith.constant 0 : i32
    %dma_start3A_1736 = tpu.memref_slice %arg10[%dma_start3A_1734, %dma_start3A_1735] : memref<3328x16xf32, #tpu.memory_space<vmem>> -> memref<128x16xf32, #tpu.memory_space<vmem>>
    %dma_start3A_1737 = arith.constant 0 : i32
    %dma_start3A_1738 = tpu.memref_slice %arg9[%dma_start3A_1733, %dma_start3A_1737] : memref<26x128xi32, #tpu.memory_space<vmem>> -> memref<1x128xi32, #tpu.memory_space<vmem>>
    %dma_start3A_1739 = tpu.memref_squeeze %dma_start3A_1738 : memref<1x128xi32, #tpu.memory_space<vmem>> -> memref<128xi32, #tpu.memory_space<vmem>>
    %dma_start3A_1740 = arith.constant 0 : i32
    %dma_start3A_1741 = arith.constant 0 : i32
    %dma_start3A_1742 = tpu.memref_slice %arg6[%dma_start3A_1740, %dma_start3A_1741] : memref<524288x16xf32, #tpu.memory_space<hbm>> -> memref<524288x16xf32, #tpu.memory_space<hbm>>
    tpu.enqueue_indirect_dma source(%dma_start3A_1736 : memref<128x16xf32, #tpu.memory_space<vmem>>) target(%dma_start3A_1742 : memref<524288x16xf32, #tpu.memory_space<hbm>>) offsets(%dma_start3A_1739 : memref<128xi32, #tpu.memory_space<vmem>>) semaphore(%arg12 : memref<!tpu.dma_semaphore, #tpu.memory_space<semaphore_mem>>)
    %dma_start3A_1743 = arith.constant 4 : i32
    %dma_start3A_1744 = arith.constant 512 : i32
    %dma_start3A_1745 = arith.constant 0 : i32
    %dma_start3A_1746 = tpu.memref_slice %arg10[%dma_start3A_1744, %dma_start3A_1745] : memref<3328x16xf32, #tpu.memory_space<vmem>> -> memref<128x16xf32, #tpu.memory_space<vmem>>
    %dma_start3A_1747 = arith.constant 0 : i32
    %dma_start3A_1748 = tpu.memref_slice %arg9[%dma_start3A_1743, %dma_start3A_1747] : memref<26x128xi32, #tpu.memory_space<vmem>> -> memref<1x128xi32, #tpu.memory_space<vmem>>
    %dma_start3A_1749 = tpu.memref_squeeze %dma_start3A_1748 : memref<1x128xi32, #tpu.memory_space<vmem>> -> memref<128xi32, #tpu.memory_space<vmem>>
    %dma_start3A_1750 = arith.constant 0 : i32
    %dma_start3A_1751 = arith.constant 0 : i32
    %dma_start3A_1752 = tpu.memref_slice %arg6[%dma_start3A_1750, %dma_start3A_1751] : memref<524288x16xf32, #tpu.memory_space<hbm>> -> memref<524288x16xf32, #tpu.memory_space<hbm>>
    tpu.enqueue_indirect_dma source(%dma_start3A_1746 : memref<128x16xf32, #tpu.memory_space<vmem>>) target(%dma_start3A_1752 : memref<524288x16xf32, #tpu.memory_space<hbm>>) offsets(%dma_start3A_1749 : memref<128xi32, #tpu.memory_space<vmem>>) semaphore(%arg12 : memref<!tpu.dma_semaphore, #tpu.memory_space<semaphore_mem>>)
    %dma_start3A_1753 = arith.constant 5 : i32
    %dma_start3A_1754 = arith.constant 640 : i32
    %dma_start3A_1755 = arith.constant 0 : i32
    %dma_start3A_1756 = tpu.memref_slice %arg10[%dma_start3A_1754, %dma_start3A_1755] : memref<3328x16xf32, #tpu.memory_space<vmem>> -> memref<128x16xf32, #tpu.memory_space<vmem>>
    %dma_start3A_1757 = arith.constant 0 : i32
    %dma_start3A_1758 = tpu.memref_slice %arg9[%dma_start3A_1753, %dma_start3A_1757] : memref<26x128xi32, #tpu.memory_space<vmem>> -> memref<1x128xi32, #tpu.memory_space<vmem>>
    %dma_start3A_1759 = tpu.memref_squeeze %dma_start3A_1758 : memref<1x128xi32, #tpu.memory_space<vmem>> -> memref<128xi32, #tpu.memory_space<vmem>>
    %dma_start3A_1760 = arith.constant 0 : i32
    %dma_start3A_1761 = arith.constant 0 : i32
    %dma_start3A_1762 = tpu.memref_slice %arg6[%dma_start3A_1760, %dma_start3A_1761] : memref<524288x16xf32, #tpu.memory_space<hbm>> -> memref<524288x16xf32, #tpu.memory_space<hbm>>
    tpu.enqueue_indirect_dma source(%dma_start3A_1756 : memref<128x16xf32, #tpu.memory_space<vmem>>) target(%dma_start3A_1762 : memref<524288x16xf32, #tpu.memory_space<hbm>>) offsets(%dma_start3A_1759 : memref<128xi32, #tpu.memory_space<vmem>>) semaphore(%arg12 : memref<!tpu.dma_semaphore, #tpu.memory_space<semaphore_mem>>)
    %dma_start3A_1763 = arith.constant 6 : i32
    %dma_start3A_1764 = arith.constant 768 : i32
    %dma_start3A_1765 = arith.constant 0 : i32
    %dma_start3A_1766 = tpu.memref_slice %arg10[%dma_start3A_1764, %dma_start3A_1765] : memref<3328x16xf32, #tpu.memory_space<vmem>> -> memref<128x16xf32, #tpu.memory_space<vmem>>
    %dma_start3A_1767 = arith.constant 0 : i32
    %dma_start3A_1768 = tpu.memref_slice %arg9[%dma_start3A_1763, %dma_start3A_1767] : memref<26x128xi32, #tpu.memory_space<vmem>> -> memref<1x128xi32, #tpu.memory_space<vmem>>
    %dma_start3A_1769 = tpu.memref_squeeze %dma_start3A_1768 : memref<1x128xi32, #tpu.memory_space<vmem>> -> memref<128xi32, #tpu.memory_space<vmem>>
    %dma_start3A_1770 = arith.constant 0 : i32
    %dma_start3A_1771 = arith.constant 0 : i32
    %dma_start3A_1772 = tpu.memref_slice %arg6[%dma_start3A_1770, %dma_start3A_1771] : memref<524288x16xf32, #tpu.memory_space<hbm>> -> memref<524288x16xf32, #tpu.memory_space<hbm>>
    tpu.enqueue_indirect_dma source(%dma_start3A_1766 : memref<128x16xf32, #tpu.memory_space<vmem>>) target(%dma_start3A_1772 : memref<524288x16xf32, #tpu.memory_space<hbm>>) offsets(%dma_start3A_1769 : memref<128xi32, #tpu.memory_space<vmem>>) semaphore(%arg12 : memref<!tpu.dma_semaphore, #tpu.memory_space<semaphore_mem>>)
    %dma_start3A_1773 = arith.constant 7 : i32
    %dma_start3A_1774 = arith.constant 896 : i32
    %dma_start3A_1775 = arith.constant 0 : i32
    %dma_start3A_1776 = tpu.memref_slice %arg10[%dma_start3A_1774, %dma_start3A_1775] : memref<3328x16xf32, #tpu.memory_space<vmem>> -> memref<128x16xf32, #tpu.memory_space<vmem>>
    %dma_start3A_1777 = arith.constant 0 : i32
    %dma_start3A_1778 = tpu.memref_slice %arg9[%dma_start3A_1773, %dma_start3A_1777] : memref<26x128xi32, #tpu.memory_space<vmem>> -> memref<1x128xi32, #tpu.memory_space<vmem>>
    %dma_start3A_1779 = tpu.memref_squeeze %dma_start3A_1778 : memref<1x128xi32, #tpu.memory_space<vmem>> -> memref<128xi32, #tpu.memory_space<vmem>>
    %dma_start3A_1780 = arith.constant 0 : i32
    %dma_start3A_1781 = arith.constant 0 : i32
    %dma_start3A_1782 = tpu.memref_slice %arg6[%dma_start3A_1780, %dma_start3A_1781] : memref<524288x16xf32, #tpu.memory_space<hbm>> -> memref<524288x16xf32, #tpu.memory_space<hbm>>
    tpu.enqueue_indirect_dma source(%dma_start3A_1776 : memref<128x16xf32, #tpu.memory_space<vmem>>) target(%dma_start3A_1782 : memref<524288x16xf32, #tpu.memory_space<hbm>>) offsets(%dma_start3A_1779 : memref<128xi32, #tpu.memory_space<vmem>>) semaphore(%arg12 : memref<!tpu.dma_semaphore, #tpu.memory_space<semaphore_mem>>)
    %dma_start3A_1783 = arith.constant 8 : i32
    %dma_start3A_1784 = arith.constant 1024 : i32
    %dma_start3A_1785 = arith.constant 0 : i32
    %dma_start3A_1786 = tpu.memref_slice %arg10[%dma_start3A_1784, %dma_start3A_1785] : memref<3328x16xf32, #tpu.memory_space<vmem>> -> memref<128x16xf32, #tpu.memory_space<vmem>>
    %dma_start3A_1787 = arith.constant 0 : i32
    %dma_start3A_1788 = tpu.memref_slice %arg9[%dma_start3A_1783, %dma_start3A_1787] : memref<26x128xi32, #tpu.memory_space<vmem>> -> memref<1x128xi32, #tpu.memory_space<vmem>>
    %dma_start3A_1789 = tpu.memref_squeeze %dma_start3A_1788 : memref<1x128xi32, #tpu.memory_space<vmem>> -> memref<128xi32, #tpu.memory_space<vmem>>
    %dma_start3A_1790 = arith.constant 0 : i32
    %dma_start3A_1791 = arith.constant 0 : i32
    %dma_start3A_1792 = tpu.memref_slice %arg6[%dma_start3A_1790, %dma_start3A_1791] : memref<524288x16xf32, #tpu.memory_space<hbm>> -> memref<524288x16xf32, #tpu.memory_space<hbm>>
    tpu.enqueue_indirect_dma source(%dma_start3A_1786 : memref<128x16xf32, #tpu.memory_space<vmem>>) target(%dma_start3A_1792 : memref<524288x16xf32, #tpu.memory_space<hbm>>) offsets(%dma_start3A_1789 : memref<128xi32, #tpu.memory_space<vmem>>) semaphore(%arg12 : memref<!tpu.dma_semaphore, #tpu.memory_space<semaphore_mem>>)
    %dma_start3A_1793 = arith.constant 9 : i32
    %dma_start3A_1794 = arith.constant 1152 : i32
    %dma_start3A_1795 = arith.constant 0 : i32
    %dma_start3A_1796 = tpu.memref_slice %arg10[%dma_start3A_1794, %dma_start3A_1795] : memref<3328x16xf32, #tpu.memory_space<vmem>> -> memref<128x16xf32, #tpu.memory_space<vmem>>
    %dma_start3A_1797 = arith.constant 0 : i32
    %dma_start3A_1798 = tpu.memref_slice %arg9[%dma_start3A_1793, %dma_start3A_1797] : memref<26x128xi32, #tpu.memory_space<vmem>> -> memref<1x128xi32, #tpu.memory_space<vmem>>
    %dma_start3A_1799 = tpu.memref_squeeze %dma_start3A_1798 : memref<1x128xi32, #tpu.memory_space<vmem>> -> memref<128xi32, #tpu.memory_space<vmem>>
    %dma_start3A_1800 = arith.constant 0 : i32
    %dma_start3A_1801 = arith.constant 0 : i32
    %dma_start3A_1802 = tpu.memref_slice %arg6[%dma_start3A_1800, %dma_start3A_1801] : memref<524288x16xf32, #tpu.memory_space<hbm>> -> memref<524288x16xf32, #tpu.memory_space<hbm>>
    tpu.enqueue_indirect_dma source(%dma_start3A_1796 : memref<128x16xf32, #tpu.memory_space<vmem>>) target(%dma_start3A_1802 : memref<524288x16xf32, #tpu.memory_space<hbm>>) offsets(%dma_start3A_1799 : memref<128xi32, #tpu.memory_space<vmem>>) semaphore(%arg12 : memref<!tpu.dma_semaphore, #tpu.memory_space<semaphore_mem>>)
    %dma_start3A_1803 = arith.constant 10 : i32
    %dma_start3A_1804 = arith.constant 1280 : i32
    %dma_start3A_1805 = arith.constant 0 : i32
    %dma_start3A_1806 = tpu.memref_slice %arg10[%dma_start3A_1804, %dma_start3A_1805] : memref<3328x16xf32, #tpu.memory_space<vmem>> -> memref<128x16xf32, #tpu.memory_space<vmem>>
    %dma_start3A_1807 = arith.constant 0 : i32
    %dma_start3A_1808 = tpu.memref_slice %arg9[%dma_start3A_1803, %dma_start3A_1807] : memref<26x128xi32, #tpu.memory_space<vmem>> -> memref<1x128xi32, #tpu.memory_space<vmem>>
    %dma_start3A_1809 = tpu.memref_squeeze %dma_start3A_1808 : memref<1x128xi32, #tpu.memory_space<vmem>> -> memref<128xi32, #tpu.memory_space<vmem>>
    %dma_start3A_1810 = arith.constant 0 : i32
    %dma_start3A_1811 = arith.constant 0 : i32
    %dma_start3A_1812 = tpu.memref_slice %arg6[%dma_start3A_1810, %dma_start3A_1811] : memref<524288x16xf32, #tpu.memory_space<hbm>> -> memref<524288x16xf32, #tpu.memory_space<hbm>>
    tpu.enqueue_indirect_dma source(%dma_start3A_1806 : memref<128x16xf32, #tpu.memory_space<vmem>>) target(%dma_start3A_1812 : memref<524288x16xf32, #tpu.memory_space<hbm>>) offsets(%dma_start3A_1809 : memref<128xi32, #tpu.memory_space<vmem>>) semaphore(%arg12 : memref<!tpu.dma_semaphore, #tpu.memory_space<semaphore_mem>>)
    %dma_start3A_1813 = arith.constant 11 : i32
    %dma_start3A_1814 = arith.constant 1408 : i32
    %dma_start3A_1815 = arith.constant 0 : i32
    %dma_start3A_1816 = tpu.memref_slice %arg10[%dma_start3A_1814, %dma_start3A_1815] : memref<3328x16xf32, #tpu.memory_space<vmem>> -> memref<128x16xf32, #tpu.memory_space<vmem>>
    %dma_start3A_1817 = arith.constant 0 : i32
    %dma_start3A_1818 = tpu.memref_slice %arg9[%dma_start3A_1813, %dma_start3A_1817] : memref<26x128xi32, #tpu.memory_space<vmem>> -> memref<1x128xi32, #tpu.memory_space<vmem>>
    %dma_start3A_1819 = tpu.memref_squeeze %dma_start3A_1818 : memref<1x128xi32, #tpu.memory_space<vmem>> -> memref<128xi32, #tpu.memory_space<vmem>>
    %dma_start3A_1820 = arith.constant 0 : i32
    %dma_start3A_1821 = arith.constant 0 : i32
    %dma_start3A_1822 = tpu.memref_slice %arg6[%dma_start3A_1820, %dma_start3A_1821] : memref<524288x16xf32, #tpu.memory_space<hbm>> -> memref<524288x16xf32, #tpu.memory_space<hbm>>
    tpu.enqueue_indirect_dma source(%dma_start3A_1816 : memref<128x16xf32, #tpu.memory_space<vmem>>) target(%dma_start3A_1822 : memref<524288x16xf32, #tpu.memory_space<hbm>>) offsets(%dma_start3A_1819 : memref<128xi32, #tpu.memory_space<vmem>>) semaphore(%arg12 : memref<!tpu.dma_semaphore, #tpu.memory_space<semaphore_mem>>)
    %dma_start3A_1823 = arith.constant 12 : i32
    %dma_start3A_1824 = arith.constant 1536 : i32
    %dma_start3A_1825 = arith.constant 0 : i32
    %dma_start3A_1826 = tpu.memref_slice %arg10[%dma_start3A_1824, %dma_start3A_1825] : memref<3328x16xf32, #tpu.memory_space<vmem>> -> memref<128x16xf32, #tpu.memory_space<vmem>>
    %dma_start3A_1827 = arith.constant 0 : i32
    %dma_start3A_1828 = tpu.memref_slice %arg9[%dma_start3A_1823, %dma_start3A_1827] : memref<26x128xi32, #tpu.memory_space<vmem>> -> memref<1x128xi32, #tpu.memory_space<vmem>>
    %dma_start3A_1829 = tpu.memref_squeeze %dma_start3A_1828 : memref<1x128xi32, #tpu.memory_space<vmem>> -> memref<128xi32, #tpu.memory_space<vmem>>
    %dma_start3A_1830 = arith.constant 0 : i32
    %dma_start3A_1831 = arith.constant 0 : i32
    %dma_start3A_1832 = tpu.memref_slice %arg6[%dma_start3A_1830, %dma_start3A_1831] : memref<524288x16xf32, #tpu.memory_space<hbm>> -> memref<524288x16xf32, #tpu.memory_space<hbm>>
    tpu.enqueue_indirect_dma source(%dma_start3A_1826 : memref<128x16xf32, #tpu.memory_space<vmem>>) target(%dma_start3A_1832 : memref<524288x16xf32, #tpu.memory_space<hbm>>) offsets(%dma_start3A_1829 : memref<128xi32, #tpu.memory_space<vmem>>) semaphore(%arg12 : memref<!tpu.dma_semaphore, #tpu.memory_space<semaphore_mem>>)
    %dma_start3A_1833 = arith.constant 13 : i32
    %dma_start3A_1834 = arith.constant 1664 : i32
    %dma_start3A_1835 = arith.constant 0 : i32
    %dma_start3A_1836 = tpu.memref_slice %arg10[%dma_start3A_1834, %dma_start3A_1835] : memref<3328x16xf32, #tpu.memory_space<vmem>> -> memref<128x16xf32, #tpu.memory_space<vmem>>
    %dma_start3A_1837 = arith.constant 0 : i32
    %dma_start3A_1838 = tpu.memref_slice %arg9[%dma_start3A_1833, %dma_start3A_1837] : memref<26x128xi32, #tpu.memory_space<vmem>> -> memref<1x128xi32, #tpu.memory_space<vmem>>
    %dma_start3A_1839 = tpu.memref_squeeze %dma_start3A_1838 : memref<1x128xi32, #tpu.memory_space<vmem>> -> memref<128xi32, #tpu.memory_space<vmem>>
    %dma_start3A_1840 = arith.constant 0 : i32
    %dma_start3A_1841 = arith.constant 0 : i32
    %dma_start3A_1842 = tpu.memref_slice %arg6[%dma_start3A_1840, %dma_start3A_1841] : memref<524288x16xf32, #tpu.memory_space<hbm>> -> memref<524288x16xf32, #tpu.memory_space<hbm>>
    tpu.enqueue_indirect_dma source(%dma_start3A_1836 : memref<128x16xf32, #tpu.memory_space<vmem>>) target(%dma_start3A_1842 : memref<524288x16xf32, #tpu.memory_space<hbm>>) offsets(%dma_start3A_1839 : memref<128xi32, #tpu.memory_space<vmem>>) semaphore(%arg12 : memref<!tpu.dma_semaphore, #tpu.memory_space<semaphore_mem>>)
    %dma_start3A_1843 = arith.constant 14 : i32
    %dma_start3A_1844 = arith.constant 1792 : i32
    %dma_start3A_1845 = arith.constant 0 : i32
    %dma_start3A_1846 = tpu.memref_slice %arg10[%dma_start3A_1844, %dma_start3A_1845] : memref<3328x16xf32, #tpu.memory_space<vmem>> -> memref<128x16xf32, #tpu.memory_space<vmem>>
    %dma_start3A_1847 = arith.constant 0 : i32
    %dma_start3A_1848 = tpu.memref_slice %arg9[%dma_start3A_1843, %dma_start3A_1847] : memref<26x128xi32, #tpu.memory_space<vmem>> -> memref<1x128xi32, #tpu.memory_space<vmem>>
    %dma_start3A_1849 = tpu.memref_squeeze %dma_start3A_1848 : memref<1x128xi32, #tpu.memory_space<vmem>> -> memref<128xi32, #tpu.memory_space<vmem>>
    %dma_start3A_1850 = arith.constant 0 : i32
    %dma_start3A_1851 = arith.constant 0 : i32
    %dma_start3A_1852 = tpu.memref_slice %arg6[%dma_start3A_1850, %dma_start3A_1851] : memref<524288x16xf32, #tpu.memory_space<hbm>> -> memref<524288x16xf32, #tpu.memory_space<hbm>>
    tpu.enqueue_indirect_dma source(%dma_start3A_1846 : memref<128x16xf32, #tpu.memory_space<vmem>>) target(%dma_start3A_1852 : memref<524288x16xf32, #tpu.memory_space<hbm>>) offsets(%dma_start3A_1849 : memref<128xi32, #tpu.memory_space<vmem>>) semaphore(%arg12 : memref<!tpu.dma_semaphore, #tpu.memory_space<semaphore_mem>>)
    %dma_start3A_1853 = arith.constant 15 : i32
    %dma_start3A_1854 = arith.constant 1920 : i32
    %dma_start3A_1855 = arith.constant 0 : i32
    %dma_start3A_1856 = tpu.memref_slice %arg10[%dma_start3A_1854, %dma_start3A_1855] : memref<3328x16xf32, #tpu.memory_space<vmem>> -> memref<128x16xf32, #tpu.memory_space<vmem>>
    %dma_start3A_1857 = arith.constant 0 : i32
    %dma_start3A_1858 = tpu.memref_slice %arg9[%dma_start3A_1853, %dma_start3A_1857] : memref<26x128xi32, #tpu.memory_space<vmem>> -> memref<1x128xi32, #tpu.memory_space<vmem>>
    %dma_start3A_1859 = tpu.memref_squeeze %dma_start3A_1858 : memref<1x128xi32, #tpu.memory_space<vmem>> -> memref<128xi32, #tpu.memory_space<vmem>>
    %dma_start3A_1860 = arith.constant 0 : i32
    %dma_start3A_1861 = arith.constant 0 : i32
    %dma_start3A_1862 = tpu.memref_slice %arg6[%dma_start3A_1860, %dma_start3A_1861] : memref<524288x16xf32, #tpu.memory_space<hbm>> -> memref<524288x16xf32, #tpu.memory_space<hbm>>
    tpu.enqueue_indirect_dma source(%dma_start3A_1856 : memref<128x16xf32, #tpu.memory_space<vmem>>) target(%dma_start3A_1862 : memref<524288x16xf32, #tpu.memory_space<hbm>>) offsets(%dma_start3A_1859 : memref<128xi32, #tpu.memory_space<vmem>>) semaphore(%arg12 : memref<!tpu.dma_semaphore, #tpu.memory_space<semaphore_mem>>)
    %dma_start3A_1863 = arith.constant 16 : i32
    %dma_start3A_1864 = arith.constant 2048 : i32
    %dma_start3A_1865 = arith.constant 0 : i32
    %dma_start3A_1866 = tpu.memref_slice %arg10[%dma_start3A_1864, %dma_start3A_1865] : memref<3328x16xf32, #tpu.memory_space<vmem>> -> memref<128x16xf32, #tpu.memory_space<vmem>>
    %dma_start3A_1867 = arith.constant 0 : i32
    %dma_start3A_1868 = tpu.memref_slice %arg9[%dma_start3A_1863, %dma_start3A_1867] : memref<26x128xi32, #tpu.memory_space<vmem>> -> memref<1x128xi32, #tpu.memory_space<vmem>>
    %dma_start3A_1869 = tpu.memref_squeeze %dma_start3A_1868 : memref<1x128xi32, #tpu.memory_space<vmem>> -> memref<128xi32, #tpu.memory_space<vmem>>
    %dma_start3A_1870 = arith.constant 0 : i32
    %dma_start3A_1871 = arith.constant 0 : i32
    %dma_start3A_1872 = tpu.memref_slice %arg6[%dma_start3A_1870, %dma_start3A_1871] : memref<524288x16xf32, #tpu.memory_space<hbm>> -> memref<524288x16xf32, #tpu.memory_space<hbm>>
    tpu.enqueue_indirect_dma source(%dma_start3A_1866 : memref<128x16xf32, #tpu.memory_space<vmem>>) target(%dma_start3A_1872 : memref<524288x16xf32, #tpu.memory_space<hbm>>) offsets(%dma_start3A_1869 : memref<128xi32, #tpu.memory_space<vmem>>) semaphore(%arg12 : memref<!tpu.dma_semaphore, #tpu.memory_space<semaphore_mem>>)
    %dma_start3A_1873 = arith.constant 17 : i32
    %dma_start3A_1874 = arith.constant 2176 : i32
    %dma_start3A_1875 = arith.constant 0 : i32
    %dma_start3A_1876 = tpu.memref_slice %arg10[%dma_start3A_1874, %dma_start3A_1875] : memref<3328x16xf32, #tpu.memory_space<vmem>> -> memref<128x16xf32, #tpu.memory_space<vmem>>
    %dma_start3A_1877 = arith.constant 0 : i32
    %dma_start3A_1878 = tpu.memref_slice %arg9[%dma_start3A_1873, %dma_start3A_1877] : memref<26x128xi32, #tpu.memory_space<vmem>> -> memref<1x128xi32, #tpu.memory_space<vmem>>
    %dma_start3A_1879 = tpu.memref_squeeze %dma_start3A_1878 : memref<1x128xi32, #tpu.memory_space<vmem>> -> memref<128xi32, #tpu.memory_space<vmem>>
    %dma_start3A_1880 = arith.constant 0 : i32
    %dma_start3A_1881 = arith.constant 0 : i32
    %dma_start3A_1882 = tpu.memref_slice %arg6[%dma_start3A_1880, %dma_start3A_1881] : memref<524288x16xf32, #tpu.memory_space<hbm>> -> memref<524288x16xf32, #tpu.memory_space<hbm>>
    tpu.enqueue_indirect_dma source(%dma_start3A_1876 : memref<128x16xf32, #tpu.memory_space<vmem>>) target(%dma_start3A_1882 : memref<524288x16xf32, #tpu.memory_space<hbm>>) offsets(%dma_start3A_1879 : memref<128xi32, #tpu.memory_space<vmem>>) semaphore(%arg12 : memref<!tpu.dma_semaphore, #tpu.memory_space<semaphore_mem>>)
    %dma_start3A_1883 = arith.constant 18 : i32
    %dma_start3A_1884 = arith.constant 2304 : i32
    %dma_start3A_1885 = arith.constant 0 : i32
    %dma_start3A_1886 = tpu.memref_slice %arg10[%dma_start3A_1884, %dma_start3A_1885] : memref<3328x16xf32, #tpu.memory_space<vmem>> -> memref<128x16xf32, #tpu.memory_space<vmem>>
    %dma_start3A_1887 = arith.constant 0 : i32
    %dma_start3A_1888 = tpu.memref_slice %arg9[%dma_start3A_1883, %dma_start3A_1887] : memref<26x128xi32, #tpu.memory_space<vmem>> -> memref<1x128xi32, #tpu.memory_space<vmem>>
    %dma_start3A_1889 = tpu.memref_squeeze %dma_start3A_1888 : memref<1x128xi32, #tpu.memory_space<vmem>> -> memref<128xi32, #tpu.memory_space<vmem>>
    %dma_start3A_1890 = arith.constant 0 : i32
    %dma_start3A_1891 = arith.constant 0 : i32
    %dma_start3A_1892 = tpu.memref_slice %arg6[%dma_start3A_1890, %dma_start3A_1891] : memref<524288x16xf32, #tpu.memory_space<hbm>> -> memref<524288x16xf32, #tpu.memory_space<hbm>>
    tpu.enqueue_indirect_dma source(%dma_start3A_1886 : memref<128x16xf32, #tpu.memory_space<vmem>>) target(%dma_start3A_1892 : memref<524288x16xf32, #tpu.memory_space<hbm>>) offsets(%dma_start3A_1889 : memref<128xi32, #tpu.memory_space<vmem>>) semaphore(%arg12 : memref<!tpu.dma_semaphore, #tpu.memory_space<semaphore_mem>>)
    %dma_start3A_1893 = arith.constant 19 : i32
    %dma_start3A_1894 = arith.constant 2432 : i32
    %dma_start3A_1895 = arith.constant 0 : i32
    %dma_start3A_1896 = tpu.memref_slice %arg10[%dma_start3A_1894, %dma_start3A_1895] : memref<3328x16xf32, #tpu.memory_space<vmem>> -> memref<128x16xf32, #tpu.memory_space<vmem>>
    %dma_start3A_1897 = arith.constant 0 : i32
    %dma_start3A_1898 = tpu.memref_slice %arg9[%dma_start3A_1893, %dma_start3A_1897] : memref<26x128xi32, #tpu.memory_space<vmem>> -> memref<1x128xi32, #tpu.memory_space<vmem>>
    %dma_start3A_1899 = tpu.memref_squeeze %dma_start3A_1898 : memref<1x128xi32, #tpu.memory_space<vmem>> -> memref<128xi32, #tpu.memory_space<vmem>>
    %dma_start3A_1900 = arith.constant 0 : i32
    %dma_start3A_1901 = arith.constant 0 : i32
    %dma_start3A_1902 = tpu.memref_slice %arg6[%dma_start3A_1900, %dma_start3A_1901] : memref<524288x16xf32, #tpu.memory_space<hbm>> -> memref<524288x16xf32, #tpu.memory_space<hbm>>
    tpu.enqueue_indirect_dma source(%dma_start3A_1896 : memref<128x16xf32, #tpu.memory_space<vmem>>) target(%dma_start3A_1902 : memref<524288x16xf32, #tpu.memory_space<hbm>>) offsets(%dma_start3A_1899 : memref<128xi32, #tpu.memory_space<vmem>>) semaphore(%arg12 : memref<!tpu.dma_semaphore, #tpu.memory_space<semaphore_mem>>)
    %dma_start3A_1903 = arith.constant 20 : i32
    %dma_start3A_1904 = arith.constant 2560 : i32
    %dma_start3A_1905 = arith.constant 0 : i32
    %dma_start3A_1906 = tpu.memref_slice %arg10[%dma_start3A_1904, %dma_start3A_1905] : memref<3328x16xf32, #tpu.memory_space<vmem>> -> memref<128x16xf32, #tpu.memory_space<vmem>>
    %dma_start3A_1907 = arith.constant 0 : i32
    %dma_start3A_1908 = tpu.memref_slice %arg9[%dma_start3A_1903, %dma_start3A_1907] : memref<26x128xi32, #tpu.memory_space<vmem>> -> memref<1x128xi32, #tpu.memory_space<vmem>>
    %dma_start3A_1909 = tpu.memref_squeeze %dma_start3A_1908 : memref<1x128xi32, #tpu.memory_space<vmem>> -> memref<128xi32, #tpu.memory_space<vmem>>
    %dma_start3A_1910 = arith.constant 0 : i32
    %dma_start3A_1911 = arith.constant 0 : i32
    %dma_start3A_1912 = tpu.memref_slice %arg6[%dma_start3A_1910, %dma_start3A_1911] : memref<524288x16xf32, #tpu.memory_space<hbm>> -> memref<524288x16xf32, #tpu.memory_space<hbm>>
    tpu.enqueue_indirect_dma source(%dma_start3A_1906 : memref<128x16xf32, #tpu.memory_space<vmem>>) target(%dma_start3A_1912 : memref<524288x16xf32, #tpu.memory_space<hbm>>) offsets(%dma_start3A_1909 : memref<128xi32, #tpu.memory_space<vmem>>) semaphore(%arg12 : memref<!tpu.dma_semaphore, #tpu.memory_space<semaphore_mem>>)
    %dma_start3A_1913 = arith.constant 21 : i32
    %dma_start3A_1914 = arith.constant 2688 : i32
    %dma_start3A_1915 = arith.constant 0 : i32
    %dma_start3A_1916 = tpu.memref_slice %arg10[%dma_start3A_1914, %dma_start3A_1915] : memref<3328x16xf32, #tpu.memory_space<vmem>> -> memref<128x16xf32, #tpu.memory_space<vmem>>
    %dma_start3A_1917 = arith.constant 0 : i32
    %dma_start3A_1918 = tpu.memref_slice %arg9[%dma_start3A_1913, %dma_start3A_1917] : memref<26x128xi32, #tpu.memory_space<vmem>> -> memref<1x128xi32, #tpu.memory_space<vmem>>
    %dma_start3A_1919 = tpu.memref_squeeze %dma_start3A_1918 : memref<1x128xi32, #tpu.memory_space<vmem>> -> memref<128xi32, #tpu.memory_space<vmem>>
    %dma_start3A_1920 = arith.constant 0 : i32
    %dma_start3A_1921 = arith.constant 0 : i32
    %dma_start3A_1922 = tpu.memref_slice %arg6[%dma_start3A_1920, %dma_start3A_1921] : memref<524288x16xf32, #tpu.memory_space<hbm>> -> memref<524288x16xf32, #tpu.memory_space<hbm>>
    tpu.enqueue_indirect_dma source(%dma_start3A_1916 : memref<128x16xf32, #tpu.memory_space<vmem>>) target(%dma_start3A_1922 : memref<524288x16xf32, #tpu.memory_space<hbm>>) offsets(%dma_start3A_1919 : memref<128xi32, #tpu.memory_space<vmem>>) semaphore(%arg12 : memref<!tpu.dma_semaphore, #tpu.memory_space<semaphore_mem>>)
    %dma_start3A_1923 = arith.constant 22 : i32
    %dma_start3A_1924 = arith.constant 2816 : i32
    %dma_start3A_1925 = arith.constant 0 : i32
    %dma_start3A_1926 = tpu.memref_slice %arg10[%dma_start3A_1924, %dma_start3A_1925] : memref<3328x16xf32, #tpu.memory_space<vmem>> -> memref<128x16xf32, #tpu.memory_space<vmem>>
    %dma_start3A_1927 = arith.constant 0 : i32
    %dma_start3A_1928 = tpu.memref_slice %arg9[%dma_start3A_1923, %dma_start3A_1927] : memref<26x128xi32, #tpu.memory_space<vmem>> -> memref<1x128xi32, #tpu.memory_space<vmem>>
    %dma_start3A_1929 = tpu.memref_squeeze %dma_start3A_1928 : memref<1x128xi32, #tpu.memory_space<vmem>> -> memref<128xi32, #tpu.memory_space<vmem>>
    %dma_start3A_1930 = arith.constant 0 : i32
    %dma_start3A_1931 = arith.constant 0 : i32
    %dma_start3A_1932 = tpu.memref_slice %arg6[%dma_start3A_1930, %dma_start3A_1931] : memref<524288x16xf32, #tpu.memory_space<hbm>> -> memref<524288x16xf32, #tpu.memory_space<hbm>>
    tpu.enqueue_indirect_dma source(%dma_start3A_1926 : memref<128x16xf32, #tpu.memory_space<vmem>>) target(%dma_start3A_1932 : memref<524288x16xf32, #tpu.memory_space<hbm>>) offsets(%dma_start3A_1929 : memref<128xi32, #tpu.memory_space<vmem>>) semaphore(%arg12 : memref<!tpu.dma_semaphore, #tpu.memory_space<semaphore_mem>>)
    %dma_start3A_1933 = arith.constant 23 : i32
    %dma_start3A_1934 = arith.constant 2944 : i32
    %dma_start3A_1935 = arith.constant 0 : i32
    %dma_start3A_1936 = tpu.memref_slice %arg10[%dma_start3A_1934, %dma_start3A_1935] : memref<3328x16xf32, #tpu.memory_space<vmem>> -> memref<128x16xf32, #tpu.memory_space<vmem>>
    %dma_start3A_1937 = arith.constant 0 : i32
    %dma_start3A_1938 = tpu.memref_slice %arg9[%dma_start3A_1933, %dma_start3A_1937] : memref<26x128xi32, #tpu.memory_space<vmem>> -> memref<1x128xi32, #tpu.memory_space<vmem>>
    %dma_start3A_1939 = tpu.memref_squeeze %dma_start3A_1938 : memref<1x128xi32, #tpu.memory_space<vmem>> -> memref<128xi32, #tpu.memory_space<vmem>>
    %dma_start3A_1940 = arith.constant 0 : i32
    %dma_start3A_1941 = arith.constant 0 : i32
    %dma_start3A_1942 = tpu.memref_slice %arg6[%dma_start3A_1940, %dma_start3A_1941] : memref<524288x16xf32, #tpu.memory_space<hbm>> -> memref<524288x16xf32, #tpu.memory_space<hbm>>
    tpu.enqueue_indirect_dma source(%dma_start3A_1936 : memref<128x16xf32, #tpu.memory_space<vmem>>) target(%dma_start3A_1942 : memref<524288x16xf32, #tpu.memory_space<hbm>>) offsets(%dma_start3A_1939 : memref<128xi32, #tpu.memory_space<vmem>>) semaphore(%arg12 : memref<!tpu.dma_semaphore, #tpu.memory_space<semaphore_mem>>)
    %dma_start3A_1943 = arith.constant 24 : i32
    %dma_start3A_1944 = arith.constant 3072 : i32
    %dma_start3A_1945 = arith.constant 0 : i32
    %dma_start3A_1946 = tpu.memref_slice %arg10[%dma_start3A_1944, %dma_start3A_1945] : memref<3328x16xf32, #tpu.memory_space<vmem>> -> memref<128x16xf32, #tpu.memory_space<vmem>>
    %dma_start3A_1947 = arith.constant 0 : i32
    %dma_start3A_1948 = tpu.memref_slice %arg9[%dma_start3A_1943, %dma_start3A_1947] : memref<26x128xi32, #tpu.memory_space<vmem>> -> memref<1x128xi32, #tpu.memory_space<vmem>>
    %dma_start3A_1949 = tpu.memref_squeeze %dma_start3A_1948 : memref<1x128xi32, #tpu.memory_space<vmem>> -> memref<128xi32, #tpu.memory_space<vmem>>
    %dma_start3A_1950 = arith.constant 0 : i32
    %dma_start3A_1951 = arith.constant 0 : i32
    %dma_start3A_1952 = tpu.memref_slice %arg6[%dma_start3A_1950, %dma_start3A_1951] : memref<524288x16xf32, #tpu.memory_space<hbm>> -> memref<524288x16xf32, #tpu.memory_space<hbm>>
    tpu.enqueue_indirect_dma source(%dma_start3A_1946 : memref<128x16xf32, #tpu.memory_space<vmem>>) target(%dma_start3A_1952 : memref<524288x16xf32, #tpu.memory_space<hbm>>) offsets(%dma_start3A_1949 : memref<128xi32, #tpu.memory_space<vmem>>) semaphore(%arg12 : memref<!tpu.dma_semaphore, #tpu.memory_space<semaphore_mem>>)
    %dma_start3A_1953 = arith.constant 25 : i32
    %dma_start3A_1954 = arith.constant 3200 : i32
    %dma_start3A_1955 = arith.constant 0 : i32
    %dma_start3A_1956 = tpu.memref_slice %arg10[%dma_start3A_1954, %dma_start3A_1955] : memref<3328x16xf32, #tpu.memory_space<vmem>> -> memref<128x16xf32, #tpu.memory_space<vmem>>
    %dma_start3A_1957 = arith.constant 0 : i32
    %dma_start3A_1958 = tpu.memref_slice %arg9[%dma_start3A_1953, %dma_start3A_1957] : memref<26x128xi32, #tpu.memory_space<vmem>> -> memref<1x128xi32, #tpu.memory_space<vmem>>
    %dma_start3A_1959 = tpu.memref_squeeze %dma_start3A_1958 : memref<1x128xi32, #tpu.memory_space<vmem>> -> memref<128xi32, #tpu.memory_space<vmem>>
    %dma_start3A_1960 = arith.constant 0 : i32
    %dma_start3A_1961 = arith.constant 0 : i32
    %dma_start3A_1962 = tpu.memref_slice %arg6[%dma_start3A_1960, %dma_start3A_1961] : memref<524288x16xf32, #tpu.memory_space<hbm>> -> memref<524288x16xf32, #tpu.memory_space<hbm>>
    tpu.enqueue_indirect_dma source(%dma_start3A_1956 : memref<128x16xf32, #tpu.memory_space<vmem>>) target(%dma_start3A_1962 : memref<524288x16xf32, #tpu.memory_space<hbm>>) offsets(%dma_start3A_1959 : memref<128xi32, #tpu.memory_space<vmem>>) semaphore(%arg12 : memref<!tpu.dma_semaphore, #tpu.memory_space<semaphore_mem>>)
    %dma_wait3A_1963 = arith.constant 0 : i32
    %dma_wait3A_1964 = arith.constant 0 : i32
    %dma_wait3A_1965 = arith.constant 0 : i32
    %dma_wait3A_1966 = tpu.memref_slice %arg10[%dma_wait3A_1964, %dma_wait3A_1965] : memref<3328x16xf32, #tpu.memory_space<vmem>> -> memref<128x16xf32, #tpu.memory_space<vmem>>
    %dma_wait3A_1967 = arith.constant 0 : i32
    %dma_wait3A_1968 = tpu.memref_slice %arg9[%dma_wait3A_1963, %dma_wait3A_1967] : memref<26x128xi32, #tpu.memory_space<vmem>> -> memref<1x128xi32, #tpu.memory_space<vmem>>
    %dma_wait3A_1969 = tpu.memref_squeeze %dma_wait3A_1968 : memref<1x128xi32, #tpu.memory_space<vmem>> -> memref<128xi32, #tpu.memory_space<vmem>>
    %dma_wait3A_1970 = arith.constant 0 : i32
    %dma_wait3A_1971 = arith.constant 0 : i32
    %dma_wait3A_1972 = tpu.memref_slice %arg6[%dma_wait3A_1970, %dma_wait3A_1971] : memref<524288x16xf32, #tpu.memory_space<hbm>> -> memref<524288x16xf32, #tpu.memory_space<hbm>>
    tpu.wait_indirect_dma semaphore(%arg12 : memref<!tpu.dma_semaphore, #tpu.memory_space<semaphore_mem>>) src(%dma_wait3A_1966 : memref<128x16xf32, #tpu.memory_space<vmem>>) dst(%dma_wait3A_1972 : memref<524288x16xf32, #tpu.memory_space<hbm>>)
    %dma_wait3A_1973 = arith.constant 1 : i32
    %dma_wait3A_1974 = arith.constant 128 : i32
    %dma_wait3A_1975 = arith.constant 0 : i32
    %dma_wait3A_1976 = tpu.memref_slice %arg10[%dma_wait3A_1974, %dma_wait3A_1975] : memref<3328x16xf32, #tpu.memory_space<vmem>> -> memref<128x16xf32, #tpu.memory_space<vmem>>
    %dma_wait3A_1977 = arith.constant 0 : i32
    %dma_wait3A_1978 = tpu.memref_slice %arg9[%dma_wait3A_1973, %dma_wait3A_1977] : memref<26x128xi32, #tpu.memory_space<vmem>> -> memref<1x128xi32, #tpu.memory_space<vmem>>
    %dma_wait3A_1979 = tpu.memref_squeeze %dma_wait3A_1978 : memref<1x128xi32, #tpu.memory_space<vmem>> -> memref<128xi32, #tpu.memory_space<vmem>>
    %dma_wait3A_1980 = arith.constant 0 : i32
    %dma_wait3A_1981 = arith.constant 0 : i32
    %dma_wait3A_1982 = tpu.memref_slice %arg6[%dma_wait3A_1980, %dma_wait3A_1981] : memref<524288x16xf32, #tpu.memory_space<hbm>> -> memref<524288x16xf32, #tpu.memory_space<hbm>>
    tpu.wait_indirect_dma semaphore(%arg12 : memref<!tpu.dma_semaphore, #tpu.memory_space<semaphore_mem>>) src(%dma_wait3A_1976 : memref<128x16xf32, #tpu.memory_space<vmem>>) dst(%dma_wait3A_1982 : memref<524288x16xf32, #tpu.memory_space<hbm>>)
    %dma_wait3A_1983 = arith.constant 2 : i32
    %dma_wait3A_1984 = arith.constant 256 : i32
    %dma_wait3A_1985 = arith.constant 0 : i32
    %dma_wait3A_1986 = tpu.memref_slice %arg10[%dma_wait3A_1984, %dma_wait3A_1985] : memref<3328x16xf32, #tpu.memory_space<vmem>> -> memref<128x16xf32, #tpu.memory_space<vmem>>
    %dma_wait3A_1987 = arith.constant 0 : i32
    %dma_wait3A_1988 = tpu.memref_slice %arg9[%dma_wait3A_1983, %dma_wait3A_1987] : memref<26x128xi32, #tpu.memory_space<vmem>> -> memref<1x128xi32, #tpu.memory_space<vmem>>
    %dma_wait3A_1989 = tpu.memref_squeeze %dma_wait3A_1988 : memref<1x128xi32, #tpu.memory_space<vmem>> -> memref<128xi32, #tpu.memory_space<vmem>>
    %dma_wait3A_1990 = arith.constant 0 : i32
    %dma_wait3A_1991 = arith.constant 0 : i32
    %dma_wait3A_1992 = tpu.memref_slice %arg6[%dma_wait3A_1990, %dma_wait3A_1991] : memref<524288x16xf32, #tpu.memory_space<hbm>> -> memref<524288x16xf32, #tpu.memory_space<hbm>>
    tpu.wait_indirect_dma semaphore(%arg12 : memref<!tpu.dma_semaphore, #tpu.memory_space<semaphore_mem>>) src(%dma_wait3A_1986 : memref<128x16xf32, #tpu.memory_space<vmem>>) dst(%dma_wait3A_1992 : memref<524288x16xf32, #tpu.memory_space<hbm>>)
    %dma_wait3A_1993 = arith.constant 3 : i32
    %dma_wait3A_1994 = arith.constant 384 : i32
    %dma_wait3A_1995 = arith.constant 0 : i32
    %dma_wait3A_1996 = tpu.memref_slice %arg10[%dma_wait3A_1994, %dma_wait3A_1995] : memref<3328x16xf32, #tpu.memory_space<vmem>> -> memref<128x16xf32, #tpu.memory_space<vmem>>
    %dma_wait3A_1997 = arith.constant 0 : i32
    %dma_wait3A_1998 = tpu.memref_slice %arg9[%dma_wait3A_1993, %dma_wait3A_1997] : memref<26x128xi32, #tpu.memory_space<vmem>> -> memref<1x128xi32, #tpu.memory_space<vmem>>
    %dma_wait3A_1999 = tpu.memref_squeeze %dma_wait3A_1998 : memref<1x128xi32, #tpu.memory_space<vmem>> -> memref<128xi32, #tpu.memory_space<vmem>>
    %dma_wait3A_2000 = arith.constant 0 : i32
    %dma_wait3A_2001 = arith.constant 0 : i32
    %dma_wait3A_2002 = tpu.memref_slice %arg6[%dma_wait3A_2000, %dma_wait3A_2001] : memref<524288x16xf32, #tpu.memory_space<hbm>> -> memref<524288x16xf32, #tpu.memory_space<hbm>>
    tpu.wait_indirect_dma semaphore(%arg12 : memref<!tpu.dma_semaphore, #tpu.memory_space<semaphore_mem>>) src(%dma_wait3A_1996 : memref<128x16xf32, #tpu.memory_space<vmem>>) dst(%dma_wait3A_2002 : memref<524288x16xf32, #tpu.memory_space<hbm>>)
    %dma_wait3A_2003 = arith.constant 4 : i32
    %dma_wait3A_2004 = arith.constant 512 : i32
    %dma_wait3A_2005 = arith.constant 0 : i32
    %dma_wait3A_2006 = tpu.memref_slice %arg10[%dma_wait3A_2004, %dma_wait3A_2005] : memref<3328x16xf32, #tpu.memory_space<vmem>> -> memref<128x16xf32, #tpu.memory_space<vmem>>
    %dma_wait3A_2007 = arith.constant 0 : i32
    %dma_wait3A_2008 = tpu.memref_slice %arg9[%dma_wait3A_2003, %dma_wait3A_2007] : memref<26x128xi32, #tpu.memory_space<vmem>> -> memref<1x128xi32, #tpu.memory_space<vmem>>
    %dma_wait3A_2009 = tpu.memref_squeeze %dma_wait3A_2008 : memref<1x128xi32, #tpu.memory_space<vmem>> -> memref<128xi32, #tpu.memory_space<vmem>>
    %dma_wait3A_2010 = arith.constant 0 : i32
    %dma_wait3A_2011 = arith.constant 0 : i32
    %dma_wait3A_2012 = tpu.memref_slice %arg6[%dma_wait3A_2010, %dma_wait3A_2011] : memref<524288x16xf32, #tpu.memory_space<hbm>> -> memref<524288x16xf32, #tpu.memory_space<hbm>>
    tpu.wait_indirect_dma semaphore(%arg12 : memref<!tpu.dma_semaphore, #tpu.memory_space<semaphore_mem>>) src(%dma_wait3A_2006 : memref<128x16xf32, #tpu.memory_space<vmem>>) dst(%dma_wait3A_2012 : memref<524288x16xf32, #tpu.memory_space<hbm>>)
    %dma_wait3A_2013 = arith.constant 5 : i32
    %dma_wait3A_2014 = arith.constant 640 : i32
    %dma_wait3A_2015 = arith.constant 0 : i32
    %dma_wait3A_2016 = tpu.memref_slice %arg10[%dma_wait3A_2014, %dma_wait3A_2015] : memref<3328x16xf32, #tpu.memory_space<vmem>> -> memref<128x16xf32, #tpu.memory_space<vmem>>
    %dma_wait3A_2017 = arith.constant 0 : i32
    %dma_wait3A_2018 = tpu.memref_slice %arg9[%dma_wait3A_2013, %dma_wait3A_2017] : memref<26x128xi32, #tpu.memory_space<vmem>> -> memref<1x128xi32, #tpu.memory_space<vmem>>
    %dma_wait3A_2019 = tpu.memref_squeeze %dma_wait3A_2018 : memref<1x128xi32, #tpu.memory_space<vmem>> -> memref<128xi32, #tpu.memory_space<vmem>>
    %dma_wait3A_2020 = arith.constant 0 : i32
    %dma_wait3A_2021 = arith.constant 0 : i32
    %dma_wait3A_2022 = tpu.memref_slice %arg6[%dma_wait3A_2020, %dma_wait3A_2021] : memref<524288x16xf32, #tpu.memory_space<hbm>> -> memref<524288x16xf32, #tpu.memory_space<hbm>>
    tpu.wait_indirect_dma semaphore(%arg12 : memref<!tpu.dma_semaphore, #tpu.memory_space<semaphore_mem>>) src(%dma_wait3A_2016 : memref<128x16xf32, #tpu.memory_space<vmem>>) dst(%dma_wait3A_2022 : memref<524288x16xf32, #tpu.memory_space<hbm>>)
    %dma_wait3A_2023 = arith.constant 6 : i32
    %dma_wait3A_2024 = arith.constant 768 : i32
    %dma_wait3A_2025 = arith.constant 0 : i32
    %dma_wait3A_2026 = tpu.memref_slice %arg10[%dma_wait3A_2024, %dma_wait3A_2025] : memref<3328x16xf32, #tpu.memory_space<vmem>> -> memref<128x16xf32, #tpu.memory_space<vmem>>
    %dma_wait3A_2027 = arith.constant 0 : i32
    %dma_wait3A_2028 = tpu.memref_slice %arg9[%dma_wait3A_2023, %dma_wait3A_2027] : memref<26x128xi32, #tpu.memory_space<vmem>> -> memref<1x128xi32, #tpu.memory_space<vmem>>
    %dma_wait3A_2029 = tpu.memref_squeeze %dma_wait3A_2028 : memref<1x128xi32, #tpu.memory_space<vmem>> -> memref<128xi32, #tpu.memory_space<vmem>>
    %dma_wait3A_2030 = arith.constant 0 : i32
    %dma_wait3A_2031 = arith.constant 0 : i32
    %dma_wait3A_2032 = tpu.memref_slice %arg6[%dma_wait3A_2030, %dma_wait3A_2031] : memref<524288x16xf32, #tpu.memory_space<hbm>> -> memref<524288x16xf32, #tpu.memory_space<hbm>>
    tpu.wait_indirect_dma semaphore(%arg12 : memref<!tpu.dma_semaphore, #tpu.memory_space<semaphore_mem>>) src(%dma_wait3A_2026 : memref<128x16xf32, #tpu.memory_space<vmem>>) dst(%dma_wait3A_2032 : memref<524288x16xf32, #tpu.memory_space<hbm>>)
    %dma_wait3A_2033 = arith.constant 7 : i32
    %dma_wait3A_2034 = arith.constant 896 : i32
    %dma_wait3A_2035 = arith.constant 0 : i32
    %dma_wait3A_2036 = tpu.memref_slice %arg10[%dma_wait3A_2034, %dma_wait3A_2035] : memref<3328x16xf32, #tpu.memory_space<vmem>> -> memref<128x16xf32, #tpu.memory_space<vmem>>
    %dma_wait3A_2037 = arith.constant 0 : i32
    %dma_wait3A_2038 = tpu.memref_slice %arg9[%dma_wait3A_2033, %dma_wait3A_2037] : memref<26x128xi32, #tpu.memory_space<vmem>> -> memref<1x128xi32, #tpu.memory_space<vmem>>
    %dma_wait3A_2039 = tpu.memref_squeeze %dma_wait3A_2038 : memref<1x128xi32, #tpu.memory_space<vmem>> -> memref<128xi32, #tpu.memory_space<vmem>>
    %dma_wait3A_2040 = arith.constant 0 : i32
    %dma_wait3A_2041 = arith.constant 0 : i32
    %dma_wait3A_2042 = tpu.memref_slice %arg6[%dma_wait3A_2040, %dma_wait3A_2041] : memref<524288x16xf32, #tpu.memory_space<hbm>> -> memref<524288x16xf32, #tpu.memory_space<hbm>>
    tpu.wait_indirect_dma semaphore(%arg12 : memref<!tpu.dma_semaphore, #tpu.memory_space<semaphore_mem>>) src(%dma_wait3A_2036 : memref<128x16xf32, #tpu.memory_space<vmem>>) dst(%dma_wait3A_2042 : memref<524288x16xf32, #tpu.memory_space<hbm>>)
    %dma_wait3A_2043 = arith.constant 8 : i32
    %dma_wait3A_2044 = arith.constant 1024 : i32
    %dma_wait3A_2045 = arith.constant 0 : i32
    %dma_wait3A_2046 = tpu.memref_slice %arg10[%dma_wait3A_2044, %dma_wait3A_2045] : memref<3328x16xf32, #tpu.memory_space<vmem>> -> memref<128x16xf32, #tpu.memory_space<vmem>>
    %dma_wait3A_2047 = arith.constant 0 : i32
    %dma_wait3A_2048 = tpu.memref_slice %arg9[%dma_wait3A_2043, %dma_wait3A_2047] : memref<26x128xi32, #tpu.memory_space<vmem>> -> memref<1x128xi32, #tpu.memory_space<vmem>>
    %dma_wait3A_2049 = tpu.memref_squeeze %dma_wait3A_2048 : memref<1x128xi32, #tpu.memory_space<vmem>> -> memref<128xi32, #tpu.memory_space<vmem>>
    %dma_wait3A_2050 = arith.constant 0 : i32
    %dma_wait3A_2051 = arith.constant 0 : i32
    %dma_wait3A_2052 = tpu.memref_slice %arg6[%dma_wait3A_2050, %dma_wait3A_2051] : memref<524288x16xf32, #tpu.memory_space<hbm>> -> memref<524288x16xf32, #tpu.memory_space<hbm>>
    tpu.wait_indirect_dma semaphore(%arg12 : memref<!tpu.dma_semaphore, #tpu.memory_space<semaphore_mem>>) src(%dma_wait3A_2046 : memref<128x16xf32, #tpu.memory_space<vmem>>) dst(%dma_wait3A_2052 : memref<524288x16xf32, #tpu.memory_space<hbm>>)
    %dma_wait3A_2053 = arith.constant 9 : i32
    %dma_wait3A_2054 = arith.constant 1152 : i32
    %dma_wait3A_2055 = arith.constant 0 : i32
    %dma_wait3A_2056 = tpu.memref_slice %arg10[%dma_wait3A_2054, %dma_wait3A_2055] : memref<3328x16xf32, #tpu.memory_space<vmem>> -> memref<128x16xf32, #tpu.memory_space<vmem>>
    %dma_wait3A_2057 = arith.constant 0 : i32
    %dma_wait3A_2058 = tpu.memref_slice %arg9[%dma_wait3A_2053, %dma_wait3A_2057] : memref<26x128xi32, #tpu.memory_space<vmem>> -> memref<1x128xi32, #tpu.memory_space<vmem>>
    %dma_wait3A_2059 = tpu.memref_squeeze %dma_wait3A_2058 : memref<1x128xi32, #tpu.memory_space<vmem>> -> memref<128xi32, #tpu.memory_space<vmem>>
    %dma_wait3A_2060 = arith.constant 0 : i32
    %dma_wait3A_2061 = arith.constant 0 : i32
    %dma_wait3A_2062 = tpu.memref_slice %arg6[%dma_wait3A_2060, %dma_wait3A_2061] : memref<524288x16xf32, #tpu.memory_space<hbm>> -> memref<524288x16xf32, #tpu.memory_space<hbm>>
    tpu.wait_indirect_dma semaphore(%arg12 : memref<!tpu.dma_semaphore, #tpu.memory_space<semaphore_mem>>) src(%dma_wait3A_2056 : memref<128x16xf32, #tpu.memory_space<vmem>>) dst(%dma_wait3A_2062 : memref<524288x16xf32, #tpu.memory_space<hbm>>)
    %dma_wait3A_2063 = arith.constant 10 : i32
    %dma_wait3A_2064 = arith.constant 1280 : i32
    %dma_wait3A_2065 = arith.constant 0 : i32
    %dma_wait3A_2066 = tpu.memref_slice %arg10[%dma_wait3A_2064, %dma_wait3A_2065] : memref<3328x16xf32, #tpu.memory_space<vmem>> -> memref<128x16xf32, #tpu.memory_space<vmem>>
    %dma_wait3A_2067 = arith.constant 0 : i32
    %dma_wait3A_2068 = tpu.memref_slice %arg9[%dma_wait3A_2063, %dma_wait3A_2067] : memref<26x128xi32, #tpu.memory_space<vmem>> -> memref<1x128xi32, #tpu.memory_space<vmem>>
    %dma_wait3A_2069 = tpu.memref_squeeze %dma_wait3A_2068 : memref<1x128xi32, #tpu.memory_space<vmem>> -> memref<128xi32, #tpu.memory_space<vmem>>
    %dma_wait3A_2070 = arith.constant 0 : i32
    %dma_wait3A_2071 = arith.constant 0 : i32
    %dma_wait3A_2072 = tpu.memref_slice %arg6[%dma_wait3A_2070, %dma_wait3A_2071] : memref<524288x16xf32, #tpu.memory_space<hbm>> -> memref<524288x16xf32, #tpu.memory_space<hbm>>
    tpu.wait_indirect_dma semaphore(%arg12 : memref<!tpu.dma_semaphore, #tpu.memory_space<semaphore_mem>>) src(%dma_wait3A_2066 : memref<128x16xf32, #tpu.memory_space<vmem>>) dst(%dma_wait3A_2072 : memref<524288x16xf32, #tpu.memory_space<hbm>>)
    %dma_wait3A_2073 = arith.constant 11 : i32
    %dma_wait3A_2074 = arith.constant 1408 : i32
    %dma_wait3A_2075 = arith.constant 0 : i32
    %dma_wait3A_2076 = tpu.memref_slice %arg10[%dma_wait3A_2074, %dma_wait3A_2075] : memref<3328x16xf32, #tpu.memory_space<vmem>> -> memref<128x16xf32, #tpu.memory_space<vmem>>
    %dma_wait3A_2077 = arith.constant 0 : i32
    %dma_wait3A_2078 = tpu.memref_slice %arg9[%dma_wait3A_2073, %dma_wait3A_2077] : memref<26x128xi32, #tpu.memory_space<vmem>> -> memref<1x128xi32, #tpu.memory_space<vmem>>
    %dma_wait3A_2079 = tpu.memref_squeeze %dma_wait3A_2078 : memref<1x128xi32, #tpu.memory_space<vmem>> -> memref<128xi32, #tpu.memory_space<vmem>>
    %dma_wait3A_2080 = arith.constant 0 : i32
    %dma_wait3A_2081 = arith.constant 0 : i32
    %dma_wait3A_2082 = tpu.memref_slice %arg6[%dma_wait3A_2080, %dma_wait3A_2081] : memref<524288x16xf32, #tpu.memory_space<hbm>> -> memref<524288x16xf32, #tpu.memory_space<hbm>>
    tpu.wait_indirect_dma semaphore(%arg12 : memref<!tpu.dma_semaphore, #tpu.memory_space<semaphore_mem>>) src(%dma_wait3A_2076 : memref<128x16xf32, #tpu.memory_space<vmem>>) dst(%dma_wait3A_2082 : memref<524288x16xf32, #tpu.memory_space<hbm>>)
    %dma_wait3A_2083 = arith.constant 12 : i32
    %dma_wait3A_2084 = arith.constant 1536 : i32
    %dma_wait3A_2085 = arith.constant 0 : i32
    %dma_wait3A_2086 = tpu.memref_slice %arg10[%dma_wait3A_2084, %dma_wait3A_2085] : memref<3328x16xf32, #tpu.memory_space<vmem>> -> memref<128x16xf32, #tpu.memory_space<vmem>>
    %dma_wait3A_2087 = arith.constant 0 : i32
    %dma_wait3A_2088 = tpu.memref_slice %arg9[%dma_wait3A_2083, %dma_wait3A_2087] : memref<26x128xi32, #tpu.memory_space<vmem>> -> memref<1x128xi32, #tpu.memory_space<vmem>>
    %dma_wait3A_2089 = tpu.memref_squeeze %dma_wait3A_2088 : memref<1x128xi32, #tpu.memory_space<vmem>> -> memref<128xi32, #tpu.memory_space<vmem>>
    %dma_wait3A_2090 = arith.constant 0 : i32
    %dma_wait3A_2091 = arith.constant 0 : i32
    %dma_wait3A_2092 = tpu.memref_slice %arg6[%dma_wait3A_2090, %dma_wait3A_2091] : memref<524288x16xf32, #tpu.memory_space<hbm>> -> memref<524288x16xf32, #tpu.memory_space<hbm>>
    tpu.wait_indirect_dma semaphore(%arg12 : memref<!tpu.dma_semaphore, #tpu.memory_space<semaphore_mem>>) src(%dma_wait3A_2086 : memref<128x16xf32, #tpu.memory_space<vmem>>) dst(%dma_wait3A_2092 : memref<524288x16xf32, #tpu.memory_space<hbm>>)
    %dma_wait3A_2093 = arith.constant 13 : i32
    %dma_wait3A_2094 = arith.constant 1664 : i32
    %dma_wait3A_2095 = arith.constant 0 : i32
    %dma_wait3A_2096 = tpu.memref_slice %arg10[%dma_wait3A_2094, %dma_wait3A_2095] : memref<3328x16xf32, #tpu.memory_space<vmem>> -> memref<128x16xf32, #tpu.memory_space<vmem>>
    %dma_wait3A_2097 = arith.constant 0 : i32
    %dma_wait3A_2098 = tpu.memref_slice %arg9[%dma_wait3A_2093, %dma_wait3A_2097] : memref<26x128xi32, #tpu.memory_space<vmem>> -> memref<1x128xi32, #tpu.memory_space<vmem>>
    %dma_wait3A_2099 = tpu.memref_squeeze %dma_wait3A_2098 : memref<1x128xi32, #tpu.memory_space<vmem>> -> memref<128xi32, #tpu.memory_space<vmem>>
    %dma_wait3A_2100 = arith.constant 0 : i32
    %dma_wait3A_2101 = arith.constant 0 : i32
    %dma_wait3A_2102 = tpu.memref_slice %arg6[%dma_wait3A_2100, %dma_wait3A_2101] : memref<524288x16xf32, #tpu.memory_space<hbm>> -> memref<524288x16xf32, #tpu.memory_space<hbm>>
    tpu.wait_indirect_dma semaphore(%arg12 : memref<!tpu.dma_semaphore, #tpu.memory_space<semaphore_mem>>) src(%dma_wait3A_2096 : memref<128x16xf32, #tpu.memory_space<vmem>>) dst(%dma_wait3A_2102 : memref<524288x16xf32, #tpu.memory_space<hbm>>)
    %dma_wait3A_2103 = arith.constant 14 : i32
    %dma_wait3A_2104 = arith.constant 1792 : i32
    %dma_wait3A_2105 = arith.constant 0 : i32
    %dma_wait3A_2106 = tpu.memref_slice %arg10[%dma_wait3A_2104, %dma_wait3A_2105] : memref<3328x16xf32, #tpu.memory_space<vmem>> -> memref<128x16xf32, #tpu.memory_space<vmem>>
    %dma_wait3A_2107 = arith.constant 0 : i32
    %dma_wait3A_2108 = tpu.memref_slice %arg9[%dma_wait3A_2103, %dma_wait3A_2107] : memref<26x128xi32, #tpu.memory_space<vmem>> -> memref<1x128xi32, #tpu.memory_space<vmem>>
    %dma_wait3A_2109 = tpu.memref_squeeze %dma_wait3A_2108 : memref<1x128xi32, #tpu.memory_space<vmem>> -> memref<128xi32, #tpu.memory_space<vmem>>
    %dma_wait3A_2110 = arith.constant 0 : i32
    %dma_wait3A_2111 = arith.constant 0 : i32
    %dma_wait3A_2112 = tpu.memref_slice %arg6[%dma_wait3A_2110, %dma_wait3A_2111] : memref<524288x16xf32, #tpu.memory_space<hbm>> -> memref<524288x16xf32, #tpu.memory_space<hbm>>
    tpu.wait_indirect_dma semaphore(%arg12 : memref<!tpu.dma_semaphore, #tpu.memory_space<semaphore_mem>>) src(%dma_wait3A_2106 : memref<128x16xf32, #tpu.memory_space<vmem>>) dst(%dma_wait3A_2112 : memref<524288x16xf32, #tpu.memory_space<hbm>>)
    %dma_wait3A_2113 = arith.constant 15 : i32
    %dma_wait3A_2114 = arith.constant 1920 : i32
    %dma_wait3A_2115 = arith.constant 0 : i32
    %dma_wait3A_2116 = tpu.memref_slice %arg10[%dma_wait3A_2114, %dma_wait3A_2115] : memref<3328x16xf32, #tpu.memory_space<vmem>> -> memref<128x16xf32, #tpu.memory_space<vmem>>
    %dma_wait3A_2117 = arith.constant 0 : i32
    %dma_wait3A_2118 = tpu.memref_slice %arg9[%dma_wait3A_2113, %dma_wait3A_2117] : memref<26x128xi32, #tpu.memory_space<vmem>> -> memref<1x128xi32, #tpu.memory_space<vmem>>
    %dma_wait3A_2119 = tpu.memref_squeeze %dma_wait3A_2118 : memref<1x128xi32, #tpu.memory_space<vmem>> -> memref<128xi32, #tpu.memory_space<vmem>>
    %dma_wait3A_2120 = arith.constant 0 : i32
    %dma_wait3A_2121 = arith.constant 0 : i32
    %dma_wait3A_2122 = tpu.memref_slice %arg6[%dma_wait3A_2120, %dma_wait3A_2121] : memref<524288x16xf32, #tpu.memory_space<hbm>> -> memref<524288x16xf32, #tpu.memory_space<hbm>>
    tpu.wait_indirect_dma semaphore(%arg12 : memref<!tpu.dma_semaphore, #tpu.memory_space<semaphore_mem>>) src(%dma_wait3A_2116 : memref<128x16xf32, #tpu.memory_space<vmem>>) dst(%dma_wait3A_2122 : memref<524288x16xf32, #tpu.memory_space<hbm>>)
    %dma_wait3A_2123 = arith.constant 16 : i32
    %dma_wait3A_2124 = arith.constant 2048 : i32
    %dma_wait3A_2125 = arith.constant 0 : i32
    %dma_wait3A_2126 = tpu.memref_slice %arg10[%dma_wait3A_2124, %dma_wait3A_2125] : memref<3328x16xf32, #tpu.memory_space<vmem>> -> memref<128x16xf32, #tpu.memory_space<vmem>>
    %dma_wait3A_2127 = arith.constant 0 : i32
    %dma_wait3A_2128 = tpu.memref_slice %arg9[%dma_wait3A_2123, %dma_wait3A_2127] : memref<26x128xi32, #tpu.memory_space<vmem>> -> memref<1x128xi32, #tpu.memory_space<vmem>>
    %dma_wait3A_2129 = tpu.memref_squeeze %dma_wait3A_2128 : memref<1x128xi32, #tpu.memory_space<vmem>> -> memref<128xi32, #tpu.memory_space<vmem>>
    %dma_wait3A_2130 = arith.constant 0 : i32
    %dma_wait3A_2131 = arith.constant 0 : i32
    %dma_wait3A_2132 = tpu.memref_slice %arg6[%dma_wait3A_2130, %dma_wait3A_2131] : memref<524288x16xf32, #tpu.memory_space<hbm>> -> memref<524288x16xf32, #tpu.memory_space<hbm>>
    tpu.wait_indirect_dma semaphore(%arg12 : memref<!tpu.dma_semaphore, #tpu.memory_space<semaphore_mem>>) src(%dma_wait3A_2126 : memref<128x16xf32, #tpu.memory_space<vmem>>) dst(%dma_wait3A_2132 : memref<524288x16xf32, #tpu.memory_space<hbm>>)
    %dma_wait3A_2133 = arith.constant 17 : i32
    %dma_wait3A_2134 = arith.constant 2176 : i32
    %dma_wait3A_2135 = arith.constant 0 : i32
    %dma_wait3A_2136 = tpu.memref_slice %arg10[%dma_wait3A_2134, %dma_wait3A_2135] : memref<3328x16xf32, #tpu.memory_space<vmem>> -> memref<128x16xf32, #tpu.memory_space<vmem>>
    %dma_wait3A_2137 = arith.constant 0 : i32
    %dma_wait3A_2138 = tpu.memref_slice %arg9[%dma_wait3A_2133, %dma_wait3A_2137] : memref<26x128xi32, #tpu.memory_space<vmem>> -> memref<1x128xi32, #tpu.memory_space<vmem>>
    %dma_wait3A_2139 = tpu.memref_squeeze %dma_wait3A_2138 : memref<1x128xi32, #tpu.memory_space<vmem>> -> memref<128xi32, #tpu.memory_space<vmem>>
    %dma_wait3A_2140 = arith.constant 0 : i32
    %dma_wait3A_2141 = arith.constant 0 : i32
    %dma_wait3A_2142 = tpu.memref_slice %arg6[%dma_wait3A_2140, %dma_wait3A_2141] : memref<524288x16xf32, #tpu.memory_space<hbm>> -> memref<524288x16xf32, #tpu.memory_space<hbm>>
    tpu.wait_indirect_dma semaphore(%arg12 : memref<!tpu.dma_semaphore, #tpu.memory_space<semaphore_mem>>) src(%dma_wait3A_2136 : memref<128x16xf32, #tpu.memory_space<vmem>>) dst(%dma_wait3A_2142 : memref<524288x16xf32, #tpu.memory_space<hbm>>)
    %dma_wait3A_2143 = arith.constant 18 : i32
    %dma_wait3A_2144 = arith.constant 2304 : i32
    %dma_wait3A_2145 = arith.constant 0 : i32
    %dma_wait3A_2146 = tpu.memref_slice %arg10[%dma_wait3A_2144, %dma_wait3A_2145] : memref<3328x16xf32, #tpu.memory_space<vmem>> -> memref<128x16xf32, #tpu.memory_space<vmem>>
    %dma_wait3A_2147 = arith.constant 0 : i32
    %dma_wait3A_2148 = tpu.memref_slice %arg9[%dma_wait3A_2143, %dma_wait3A_2147] : memref<26x128xi32, #tpu.memory_space<vmem>> -> memref<1x128xi32, #tpu.memory_space<vmem>>
    %dma_wait3A_2149 = tpu.memref_squeeze %dma_wait3A_2148 : memref<1x128xi32, #tpu.memory_space<vmem>> -> memref<128xi32, #tpu.memory_space<vmem>>
    %dma_wait3A_2150 = arith.constant 0 : i32
    %dma_wait3A_2151 = arith.constant 0 : i32
    %dma_wait3A_2152 = tpu.memref_slice %arg6[%dma_wait3A_2150, %dma_wait3A_2151] : memref<524288x16xf32, #tpu.memory_space<hbm>> -> memref<524288x16xf32, #tpu.memory_space<hbm>>
    tpu.wait_indirect_dma semaphore(%arg12 : memref<!tpu.dma_semaphore, #tpu.memory_space<semaphore_mem>>) src(%dma_wait3A_2146 : memref<128x16xf32, #tpu.memory_space<vmem>>) dst(%dma_wait3A_2152 : memref<524288x16xf32, #tpu.memory_space<hbm>>)
    %dma_wait3A_2153 = arith.constant 19 : i32
    %dma_wait3A_2154 = arith.constant 2432 : i32
    %dma_wait3A_2155 = arith.constant 0 : i32
    %dma_wait3A_2156 = tpu.memref_slice %arg10[%dma_wait3A_2154, %dma_wait3A_2155] : memref<3328x16xf32, #tpu.memory_space<vmem>> -> memref<128x16xf32, #tpu.memory_space<vmem>>
    %dma_wait3A_2157 = arith.constant 0 : i32
    %dma_wait3A_2158 = tpu.memref_slice %arg9[%dma_wait3A_2153, %dma_wait3A_2157] : memref<26x128xi32, #tpu.memory_space<vmem>> -> memref<1x128xi32, #tpu.memory_space<vmem>>
    %dma_wait3A_2159 = tpu.memref_squeeze %dma_wait3A_2158 : memref<1x128xi32, #tpu.memory_space<vmem>> -> memref<128xi32, #tpu.memory_space<vmem>>
    %dma_wait3A_2160 = arith.constant 0 : i32
    %dma_wait3A_2161 = arith.constant 0 : i32
    %dma_wait3A_2162 = tpu.memref_slice %arg6[%dma_wait3A_2160, %dma_wait3A_2161] : memref<524288x16xf32, #tpu.memory_space<hbm>> -> memref<524288x16xf32, #tpu.memory_space<hbm>>
    tpu.wait_indirect_dma semaphore(%arg12 : memref<!tpu.dma_semaphore, #tpu.memory_space<semaphore_mem>>) src(%dma_wait3A_2156 : memref<128x16xf32, #tpu.memory_space<vmem>>) dst(%dma_wait3A_2162 : memref<524288x16xf32, #tpu.memory_space<hbm>>)
    %dma_wait3A_2163 = arith.constant 20 : i32
    %dma_wait3A_2164 = arith.constant 2560 : i32
    %dma_wait3A_2165 = arith.constant 0 : i32
    %dma_wait3A_2166 = tpu.memref_slice %arg10[%dma_wait3A_2164, %dma_wait3A_2165] : memref<3328x16xf32, #tpu.memory_space<vmem>> -> memref<128x16xf32, #tpu.memory_space<vmem>>
    %dma_wait3A_2167 = arith.constant 0 : i32
    %dma_wait3A_2168 = tpu.memref_slice %arg9[%dma_wait3A_2163, %dma_wait3A_2167] : memref<26x128xi32, #tpu.memory_space<vmem>> -> memref<1x128xi32, #tpu.memory_space<vmem>>
    %dma_wait3A_2169 = tpu.memref_squeeze %dma_wait3A_2168 : memref<1x128xi32, #tpu.memory_space<vmem>> -> memref<128xi32, #tpu.memory_space<vmem>>
    %dma_wait3A_2170 = arith.constant 0 : i32
    %dma_wait3A_2171 = arith.constant 0 : i32
    %dma_wait3A_2172 = tpu.memref_slice %arg6[%dma_wait3A_2170, %dma_wait3A_2171] : memref<524288x16xf32, #tpu.memory_space<hbm>> -> memref<524288x16xf32, #tpu.memory_space<hbm>>
    tpu.wait_indirect_dma semaphore(%arg12 : memref<!tpu.dma_semaphore, #tpu.memory_space<semaphore_mem>>) src(%dma_wait3A_2166 : memref<128x16xf32, #tpu.memory_space<vmem>>) dst(%dma_wait3A_2172 : memref<524288x16xf32, #tpu.memory_space<hbm>>)
    %dma_wait3A_2173 = arith.constant 21 : i32
    %dma_wait3A_2174 = arith.constant 2688 : i32
    %dma_wait3A_2175 = arith.constant 0 : i32
    %dma_wait3A_2176 = tpu.memref_slice %arg10[%dma_wait3A_2174, %dma_wait3A_2175] : memref<3328x16xf32, #tpu.memory_space<vmem>> -> memref<128x16xf32, #tpu.memory_space<vmem>>
    %dma_wait3A_2177 = arith.constant 0 : i32
    %dma_wait3A_2178 = tpu.memref_slice %arg9[%dma_wait3A_2173, %dma_wait3A_2177] : memref<26x128xi32, #tpu.memory_space<vmem>> -> memref<1x128xi32, #tpu.memory_space<vmem>>
    %dma_wait3A_2179 = tpu.memref_squeeze %dma_wait3A_2178 : memref<1x128xi32, #tpu.memory_space<vmem>> -> memref<128xi32, #tpu.memory_space<vmem>>
    %dma_wait3A_2180 = arith.constant 0 : i32
    %dma_wait3A_2181 = arith.constant 0 : i32
    %dma_wait3A_2182 = tpu.memref_slice %arg6[%dma_wait3A_2180, %dma_wait3A_2181] : memref<524288x16xf32, #tpu.memory_space<hbm>> -> memref<524288x16xf32, #tpu.memory_space<hbm>>
    tpu.wait_indirect_dma semaphore(%arg12 : memref<!tpu.dma_semaphore, #tpu.memory_space<semaphore_mem>>) src(%dma_wait3A_2176 : memref<128x16xf32, #tpu.memory_space<vmem>>) dst(%dma_wait3A_2182 : memref<524288x16xf32, #tpu.memory_space<hbm>>)
    %dma_wait3A_2183 = arith.constant 22 : i32
    %dma_wait3A_2184 = arith.constant 2816 : i32
    %dma_wait3A_2185 = arith.constant 0 : i32
    %dma_wait3A_2186 = tpu.memref_slice %arg10[%dma_wait3A_2184, %dma_wait3A_2185] : memref<3328x16xf32, #tpu.memory_space<vmem>> -> memref<128x16xf32, #tpu.memory_space<vmem>>
    %dma_wait3A_2187 = arith.constant 0 : i32
    %dma_wait3A_2188 = tpu.memref_slice %arg9[%dma_wait3A_2183, %dma_wait3A_2187] : memref<26x128xi32, #tpu.memory_space<vmem>> -> memref<1x128xi32, #tpu.memory_space<vmem>>
    %dma_wait3A_2189 = tpu.memref_squeeze %dma_wait3A_2188 : memref<1x128xi32, #tpu.memory_space<vmem>> -> memref<128xi32, #tpu.memory_space<vmem>>
    %dma_wait3A_2190 = arith.constant 0 : i32
    %dma_wait3A_2191 = arith.constant 0 : i32
    %dma_wait3A_2192 = tpu.memref_slice %arg6[%dma_wait3A_2190, %dma_wait3A_2191] : memref<524288x16xf32, #tpu.memory_space<hbm>> -> memref<524288x16xf32, #tpu.memory_space<hbm>>
    tpu.wait_indirect_dma semaphore(%arg12 : memref<!tpu.dma_semaphore, #tpu.memory_space<semaphore_mem>>) src(%dma_wait3A_2186 : memref<128x16xf32, #tpu.memory_space<vmem>>) dst(%dma_wait3A_2192 : memref<524288x16xf32, #tpu.memory_space<hbm>>)
    %dma_wait3A_2193 = arith.constant 23 : i32
    %dma_wait3A_2194 = arith.constant 2944 : i32
    %dma_wait3A_2195 = arith.constant 0 : i32
    %dma_wait3A_2196 = tpu.memref_slice %arg10[%dma_wait3A_2194, %dma_wait3A_2195] : memref<3328x16xf32, #tpu.memory_space<vmem>> -> memref<128x16xf32, #tpu.memory_space<vmem>>
    %dma_wait3A_2197 = arith.constant 0 : i32
    %dma_wait3A_2198 = tpu.memref_slice %arg9[%dma_wait3A_2193, %dma_wait3A_2197] : memref<26x128xi32, #tpu.memory_space<vmem>> -> memref<1x128xi32, #tpu.memory_space<vmem>>
    %dma_wait3A_2199 = tpu.memref_squeeze %dma_wait3A_2198 : memref<1x128xi32, #tpu.memory_space<vmem>> -> memref<128xi32, #tpu.memory_space<vmem>>
    %dma_wait3A_2200 = arith.constant 0 : i32
    %dma_wait3A_2201 = arith.constant 0 : i32
    %dma_wait3A_2202 = tpu.memref_slice %arg6[%dma_wait3A_2200, %dma_wait3A_2201] : memref<524288x16xf32, #tpu.memory_space<hbm>> -> memref<524288x16xf32, #tpu.memory_space<hbm>>
    tpu.wait_indirect_dma semaphore(%arg12 : memref<!tpu.dma_semaphore, #tpu.memory_space<semaphore_mem>>) src(%dma_wait3A_2196 : memref<128x16xf32, #tpu.memory_space<vmem>>) dst(%dma_wait3A_2202 : memref<524288x16xf32, #tpu.memory_space<hbm>>)
    %dma_wait3A_2203 = arith.constant 24 : i32
    %dma_wait3A_2204 = arith.constant 3072 : i32
    %dma_wait3A_2205 = arith.constant 0 : i32
    %dma_wait3A_2206 = tpu.memref_slice %arg10[%dma_wait3A_2204, %dma_wait3A_2205] : memref<3328x16xf32, #tpu.memory_space<vmem>> -> memref<128x16xf32, #tpu.memory_space<vmem>>
    %dma_wait3A_2207 = arith.constant 0 : i32
    %dma_wait3A_2208 = tpu.memref_slice %arg9[%dma_wait3A_2203, %dma_wait3A_2207] : memref<26x128xi32, #tpu.memory_space<vmem>> -> memref<1x128xi32, #tpu.memory_space<vmem>>
    %dma_wait3A_2209 = tpu.memref_squeeze %dma_wait3A_2208 : memref<1x128xi32, #tpu.memory_space<vmem>> -> memref<128xi32, #tpu.memory_space<vmem>>
    %dma_wait3A_2210 = arith.constant 0 : i32
    %dma_wait3A_2211 = arith.constant 0 : i32
    %dma_wait3A_2212 = tpu.memref_slice %arg6[%dma_wait3A_2210, %dma_wait3A_2211] : memref<524288x16xf32, #tpu.memory_space<hbm>> -> memref<524288x16xf32, #tpu.memory_space<hbm>>
    tpu.wait_indirect_dma semaphore(%arg12 : memref<!tpu.dma_semaphore, #tpu.memory_space<semaphore_mem>>) src(%dma_wait3A_2206 : memref<128x16xf32, #tpu.memory_space<vmem>>) dst(%dma_wait3A_2212 : memref<524288x16xf32, #tpu.memory_space<hbm>>)
    %dma_wait3A_2213 = arith.constant 25 : i32
    %dma_wait3A_2214 = arith.constant 3200 : i32
    %dma_wait3A_2215 = arith.constant 0 : i32
    %dma_wait3A_2216 = tpu.memref_slice %arg10[%dma_wait3A_2214, %dma_wait3A_2215] : memref<3328x16xf32, #tpu.memory_space<vmem>> -> memref<128x16xf32, #tpu.memory_space<vmem>>
    %dma_wait3A_2217 = arith.constant 0 : i32
    %dma_wait3A_2218 = tpu.memref_slice %arg9[%dma_wait3A_2213, %dma_wait3A_2217] : memref<26x128xi32, #tpu.memory_space<vmem>> -> memref<1x128xi32, #tpu.memory_space<vmem>>
    %dma_wait3A_2219 = tpu.memref_squeeze %dma_wait3A_2218 : memref<1x128xi32, #tpu.memory_space<vmem>> -> memref<128xi32, #tpu.memory_space<vmem>>
    %dma_wait3A_2220 = arith.constant 0 : i32
    %dma_wait3A_2221 = arith.constant 0 : i32
    %dma_wait3A_2222 = tpu.memref_slice %arg6[%dma_wait3A_2220, %dma_wait3A_2221] : memref<524288x16xf32, #tpu.memory_space<hbm>> -> memref<524288x16xf32, #tpu.memory_space<hbm>>
    tpu.wait_indirect_dma semaphore(%arg12 : memref<!tpu.dma_semaphore, #tpu.memory_space<semaphore_mem>>) src(%dma_wait3A_2216 : memref<128x16xf32, #tpu.memory_space<vmem>>) dst(%dma_wait3A_2222 : memref<524288x16xf32, #tpu.memory_space<hbm>>)
    "tpu.region"() ({
      %run_scoped3A = tpu.sem_alloc : memref<!tpu.dma_semaphore, #tpu.memory_space<semaphore_mem>>
      %dma_start3A_2223 = tpu.memref_slice %arg7[%add3A_1668] : memref<425984xf32, #tpu.memory_space<hbm>> -> memref<3328xf32, #tpu.memory_space<hbm>>
      %dma_start3A_2224 = tpu.memref_slice %arg7[%add3A_1668] : memref<425984xf32, #tpu.memory_space<hbm>> -> memref<3328xf32, #tpu.memory_space<hbm>>
      tpu.enqueue_dma source(%arg11 : memref<3328xf32, #tpu.memory_space<vmem>>) target(%dma_start3A_2224 : memref<3328xf32, #tpu.memory_space<hbm>>) target_semaphore(%run_scoped3A : memref<!tpu.dma_semaphore, #tpu.memory_space<semaphore_mem>>)
      %dma_wait3A_2225 = tpu.memref_slice %arg7[%add3A_1668] : memref<425984xf32, #tpu.memory_space<hbm>> -> memref<3328xf32, #tpu.memory_space<hbm>>
      %dma_wait3A_2226 = tpu.memref_slice %arg7[%add3A_1668] : memref<425984xf32, #tpu.memory_space<hbm>> -> memref<3328xf32, #tpu.memory_space<hbm>>
      tpu.wait_dma2 semaphore(%run_scoped3A : memref<!tpu.dma_semaphore, #tpu.memory_space<semaphore_mem>>) src(%arg11 : memref<3328xf32, #tpu.memory_space<vmem>>) dst(%dma_wait3A_2226 : memref<3328xf32, #tpu.memory_space<hbm>>)
      tpu.yield
    }) : () -> ()
    return
  }
}

module attributes {stable_mosaic.version = 14 : i64} {
  func.func @_tc_body(%arg0: i32, %arg1: memref<4x512x128xf32, #tpu.memory_space<vmem>>, %arg2: memref<512x26xf32, #tpu.memory_space<vmem>>, %arg3: memref<512x26xf32, #tpu.memory_space<vmem>>, %arg4: memref<26x512xf32, #tpu.memory_space<vmem>>, %arg5: memref<512x16xf32, #tpu.memory_space<vmem>>, %arg6: memref<512x400xf32, #tpu.memory_space<vmem>>, %arg7: memref<1x400xf32, #tpu.memory_space<vmem>>, %arg8: memref<400x400xf32, #tpu.memory_space<vmem>>, %arg9: memref<1x400xf32, #tpu.memory_space<vmem>>, %arg10: memref<1x1xf32, #tpu.memory_space<vmem>>, %arg11: memref<512xf32, #tpu.memory_space<vmem>>) attributes {dimension_semantics = [#tpu.dimension_semantics<arbitrary>], iteration_bounds = array<i64: 32>, scalar_prefetch = 0 : i64, scratch_operands = 0 : i64, tpu.core_type = #tpu.core_type<tc>, window_params = [{transform_indices = @transform_0, window_bounds = array<i64: 4, 512, 128>}, {transform_indices = @transform_1, window_bounds = array<i64: 512, 26>}, {transform_indices = @transform_2, window_bounds = array<i64: 512, 26>}, {pipeline_mode = #tpu.pipeline_mode<synchronous>, transform_indices = @transform_3, window_bounds = array<i64: 26, 512>}, {pipeline_mode = #tpu.pipeline_mode<synchronous>, transform_indices = @transform_4, window_bounds = array<i64: 512, 16>}, {pipeline_mode = #tpu.pipeline_mode<synchronous>, transform_indices = @transform_5, window_bounds = array<i64: 512, 400>}, {pipeline_mode = #tpu.pipeline_mode<synchronous>, transform_indices = @transform_6, window_bounds = array<i64: 1, 400>}, {pipeline_mode = #tpu.pipeline_mode<synchronous>, transform_indices = @transform_7, window_bounds = array<i64: 400, 400>}, {pipeline_mode = #tpu.pipeline_mode<synchronous>, transform_indices = @transform_8, window_bounds = array<i64: 1, 400>}, {pipeline_mode = #tpu.pipeline_mode<synchronous>, transform_indices = @transform_9, window_bounds = array<i64: 1, 1>}, {transform_indices = @transform_10, window_bounds = array<i64: 512>}]} {
    %iota3A = tpu.iota {dimensions = array<i32: 1>} : vector<1x512xi32>
    %get3A = arith.constant 0 : index
    %get3A_0 = arith.constant 0 : index
    %get3A_1 = arith.constant 0 : index
    %get3A_2 = vector.load %arg1[%get3A, %get3A_0, %get3A_1] : memref<4x512x128xf32, #tpu.memory_space<vmem>>, vector<1x512x128xf32>
    %get3A_3 = vector.shape_cast %get3A_2 : vector<1x512x128xf32> to vector<512x128xf32>
    %get3A_4 = arith.constant 1 : index
    %get3A_5 = arith.constant 0 : index
    %get3A_6 = arith.constant 0 : index
    %get3A_7 = vector.load %arg1[%get3A_4, %get3A_5, %get3A_6] : memref<4x512x128xf32, #tpu.memory_space<vmem>>, vector<1x512x128xf32>
    %get3A_8 = vector.shape_cast %get3A_7 : vector<1x512x128xf32> to vector<512x128xf32>
    %get3A_9 = arith.constant 2 : index
    %get3A_10 = arith.constant 0 : index
    %get3A_11 = arith.constant 0 : index
    %get3A_12 = vector.load %arg1[%get3A_9, %get3A_10, %get3A_11] : memref<4x512x128xf32, #tpu.memory_space<vmem>>, vector<1x512x128xf32>
    %get3A_13 = vector.shape_cast %get3A_12 : vector<1x512x128xf32> to vector<512x128xf32>
    %get3A_14 = arith.constant 3 : index
    %get3A_15 = arith.constant 0 : index
    %get3A_16 = arith.constant 0 : index
    %get3A_17 = vector.load %arg1[%get3A_14, %get3A_15, %get3A_16] : memref<4x512x128xf32, #tpu.memory_space<vmem>>, vector<1x512x128xf32>
    %get3A_18 = vector.shape_cast %get3A_17 : vector<1x512x128xf32> to vector<512x128xf32>
    %concatenate3A = tpu.concatenate %get3A_3, %get3A_8, %get3A_13, %get3A_18 in 1 : vector<512x128xf32>, vector<512x128xf32>, vector<512x128xf32>, vector<512x128xf32> -> vector<512x512xf32>
    %get3A_19 = arith.constant 0 : index
    %get3A_20 = arith.constant 0 : index
    %get3A_21 = vector.load %arg3[%get3A_19, %get3A_20] : memref<512x26xf32, #tpu.memory_space<vmem>>, vector<512x26xf32>
    %get3A_22 = arith.constant 0 : index
    %get3A_23 = arith.constant 0 : index
    %get3A_24 = vector.load %arg4[%get3A_22, %get3A_23] : memref<26x512xf32, #tpu.memory_space<vmem>>, vector<26x512xf32>
    %dot_general3A = arith.constant dense<0.000000e+00> : vector<512x512xf32>
    %dot_general3A_25 = tpu.matmul %get3A_21, %get3A_24, %dot_general3A {dimension_numbers = #tpu.dot_dimension_numbers<[1], [0], [0], [1], [0, 0, 1, 1], [], []>, transpose_lhs_hint = false} : vector<512x26xf32>, vector<26x512xf32>, vector<512x512xf32> -> vector<512x512xf32>
    %lt3A = arith.constant 416 : i32
    %lt3A_26 = vector.broadcast %lt3A : i32 to vector<1x512xi32>
    %lt3A_27 = arith.cmpi slt, %iota3A, %lt3A_26 : vector<1x512xi32>
    %mul3A = arith.mulf %concatenate3A, %dot_general3A_25 : vector<512x512xf32>
    %jit3A = arith.constant 0.000000e+00 : f32
    %broadcast_in_dim3A = vector.shape_cast %lt3A_27 : vector<1x512xi1> to vector<1x512xi1>
    %broadcast_in_dim3A_28 = vector.broadcast %broadcast_in_dim3A : vector<1x512xi1> to vector<512x512xi1>
    %broadcast_in_dim3A_29 = vector.broadcast %jit3A : f32 to vector<512x512xf32>
    %select_n3A = arith.select %broadcast_in_dim3A_28, %mul3A, %broadcast_in_dim3A_29 : vector<512x512xi1>, vector<512x512xf32>
    %get3A_30 = arith.constant 0 : index
    %get3A_31 = arith.constant 0 : index
    %get3A_32 = vector.load %arg2[%get3A_30, %get3A_31] : memref<512x26xf32, #tpu.memory_space<vmem>>, vector<512x26xf32>
    %get3A_33 = arith.constant 0 : index
    %get3A_34 = arith.constant 0 : index
    %get3A_35 = vector.load %arg3[%get3A_33, %get3A_34] : memref<512x26xf32, #tpu.memory_space<vmem>>, vector<512x26xf32>
    %mul3A_36 = arith.mulf %get3A_32, %get3A_35 : vector<512x26xf32>
    %reduce_sum3A = arith.constant dense<0.000000e+00> : vector<512xf32>
    %reduce_sum3A_37 = vector.multi_reduction <add>, %mul3A_36, %reduce_sum3A [1] : vector<512x26xf32> to vector<512xf32>
    %get3A_38 = arith.constant 0 : index
    %get3A_39 = arith.constant 0 : index
    %get3A_40 = vector.load %arg5[%get3A_38, %get3A_39] : memref<512x16xf32, #tpu.memory_space<vmem>>, vector<512x16xf32>
    %dot_general3A_41 = arith.constant dense<0.000000e+00> : vector<512x16xf32>
    %dot_general3A_42 = tpu.matmul %select_n3A, %get3A_40, %dot_general3A_41 {dimension_numbers = #tpu.dot_dimension_numbers<[1], [0], [0], [1], [0, 0, 1, 1], [], []>, transpose_lhs_hint = false} : vector<512x512xf32>, vector<512x16xf32>, vector<512x16xf32> -> vector<512x16xf32>
    %mul3A_43 = arith.mulf %dot_general3A_42, %dot_general3A_42 : vector<512x16xf32>
    %reduce_sum3A_44 = arith.constant dense<0.000000e+00> : vector<512xf32>
    %reduce_sum3A_45 = vector.multi_reduction <add>, %mul3A_43, %reduce_sum3A_44 [1] : vector<512x16xf32> to vector<512xf32>
    %mul3A_46 = arith.mulf %select_n3A, %select_n3A : vector<512x512xf32>
    %reduce_sum3A_47 = arith.constant dense<0.000000e+00> : vector<512xf32>
    %reduce_sum3A_48 = vector.multi_reduction <add>, %mul3A_46, %reduce_sum3A_47 [1] : vector<512x512xf32> to vector<512xf32>
    %sub3A = arith.subf %reduce_sum3A_45, %reduce_sum3A_48 : vector<512xf32>
    %mul3A_49 = arith.constant 5.000000e-01 : f32
    %mul3A_50 = vector.broadcast %mul3A_49 : f32 to vector<512xf32>
    %mul3A_51 = arith.mulf %mul3A_50, %sub3A : vector<512xf32>
    %get3A_52 = arith.constant 0 : index
    %get3A_53 = arith.constant 0 : index
    %get3A_54 = vector.load %arg6[%get3A_52, %get3A_53] : memref<512x400xf32, #tpu.memory_space<vmem>>, vector<512x400xf32>
    %dot_general3A_55 = arith.constant dense<0.000000e+00> : vector<512x400xf32>
    %dot_general3A_56 = tpu.matmul %select_n3A, %get3A_54, %dot_general3A_55 {dimension_numbers = #tpu.dot_dimension_numbers<[1], [0], [0], [1], [0, 0, 1, 1], [], []>, transpose_lhs_hint = false} : vector<512x512xf32>, vector<512x400xf32>, vector<512x400xf32> -> vector<512x400xf32>
    %get3A_57 = arith.constant 0 : index
    %get3A_58 = arith.constant 0 : index
    %get3A_59 = vector.load %arg7[%get3A_57, %get3A_58] : memref<1x400xf32, #tpu.memory_space<vmem>>, vector<1x400xf32>
    %add3A = vector.broadcast %get3A_59 : vector<1x400xf32> to vector<512x400xf32>
    %add3A_60 = arith.addf %dot_general3A_56, %add3A : vector<512x400xf32>
    %max3A = arith.constant 0.000000e+00 : f32
    %max3A_61 = vector.broadcast %max3A : f32 to vector<512x400xf32>
    %max3A_62 = arith.maximumf %add3A_60, %max3A_61 : vector<512x400xf32>
    %get3A_63 = arith.constant 0 : index
    %get3A_64 = arith.constant 0 : index
    %get3A_65 = vector.load %arg8[%get3A_63, %get3A_64] : memref<400x400xf32, #tpu.memory_space<vmem>>, vector<400x400xf32>
    %dot_general3A_66 = arith.constant dense<0.000000e+00> : vector<512x400xf32>
    %dot_general3A_67 = tpu.matmul %max3A_62, %get3A_65, %dot_general3A_66 {dimension_numbers = #tpu.dot_dimension_numbers<[1], [0], [0], [1], [0, 0, 1, 1], [], []>, transpose_lhs_hint = false} : vector<512x400xf32>, vector<400x400xf32>, vector<512x400xf32> -> vector<512x400xf32>
    %get3A_68 = arith.constant 0 : index
    %get3A_69 = arith.constant 0 : index
    %get3A_70 = vector.load %arg9[%get3A_68, %get3A_69] : memref<1x400xf32, #tpu.memory_space<vmem>>, vector<1x400xf32>
    %add3A_71 = vector.broadcast %get3A_70 : vector<1x400xf32> to vector<512x400xf32>
    %add3A_72 = arith.addf %dot_general3A_67, %add3A_71 : vector<512x400xf32>
    %max3A_73 = arith.constant 0.000000e+00 : f32
    %max3A_74 = vector.broadcast %max3A_73 : f32 to vector<512x400xf32>
    %max3A_75 = arith.maximumf %add3A_72, %max3A_74 : vector<512x400xf32>
    %add3A_76 = arith.addf %reduce_sum3A_37, %mul3A_51 : vector<512xf32>
    %reduce_sum3A_77 = arith.constant dense<0.000000e+00> : vector<512xf32>
    %reduce_sum3A_78 = vector.multi_reduction <add>, %max3A_75, %reduce_sum3A_77 [1] : vector<512x400xf32> to vector<512xf32>
    %add3A_79 = arith.addf %add3A_76, %reduce_sum3A_78 : vector<512xf32>
    %get3A_80 = arith.constant 0 : index
    %get3A_81 = arith.constant 0 : index
    %get3A_82 = vector.load %arg10[%get3A_80, %get3A_81] : memref<1x1xf32, #tpu.memory_space<vmem>>, vector<1x1xf32>
    %get3A_83 = vector.extract %get3A_82[0, 0] : f32 from vector<1x1xf32>
    %add3A_84 = vector.broadcast %get3A_83 : f32 to vector<512xf32>
    %add3A_85 = arith.addf %add3A_79, %add3A_84 : vector<512xf32>
    %swap3A = arith.constant 0 : index
    %swap3A_86 = vector.load %arg11[%swap3A] : memref<512xf32, #tpu.memory_space<vmem>>, vector<512xf32>
    tpu.vector_store %arg11[%swap3A], %add3A_85 {strides = array<i32>} : memref<512xf32, #tpu.memory_space<vmem>>, vector<512xf32>,
    return
  }
  func.func @transform_0(%arg0: i32) -> (i32, i32, i32) {
    %c0_i32 = arith.constant 0 : i32
    %c0_i32_0 = arith.constant 0 : i32
    %c0_i32_1 = arith.constant 0 : i32
    return %c0_i32, %arg0, %c0_i32_0 : i32, i32, i32
  }
  func.func @transform_1(%arg0: i32) -> (i32, i32) {
    %c0_i32 = arith.constant 0 : i32
    %c0_i32_0 = arith.constant 0 : i32
    return %arg0, %c0_i32 : i32, i32
  }
  func.func @transform_2(%arg0: i32) -> (i32, i32) {
    %c0_i32 = arith.constant 0 : i32
    %c0_i32_0 = arith.constant 0 : i32
    return %arg0, %c0_i32 : i32, i32
  }
  func.func @transform_3(%arg0: i32) -> (i32, i32) {
    %c0_i32 = arith.constant 0 : i32
    %c0_i32_0 = arith.constant 0 : i32
    %c0_i32_1 = arith.constant 0 : i32
    return %c0_i32, %c0_i32_0 : i32, i32
  }
  func.func @transform_4(%arg0: i32) -> (i32, i32) {
    %c0_i32 = arith.constant 0 : i32
    %c0_i32_0 = arith.constant 0 : i32
    %c0_i32_1 = arith.constant 0 : i32
    return %c0_i32, %c0_i32_0 : i32, i32
  }
  func.func @transform_5(%arg0: i32) -> (i32, i32) {
    %c0_i32 = arith.constant 0 : i32
    %c0_i32_0 = arith.constant 0 : i32
    %c0_i32_1 = arith.constant 0 : i32
    return %c0_i32, %c0_i32_0 : i32, i32
  }
  func.func @transform_6(%arg0: i32) -> (i32, i32) {
    %c0_i32 = arith.constant 0 : i32
    %c0_i32_0 = arith.constant 0 : i32
    %c0_i32_1 = arith.constant 0 : i32
    return %c0_i32, %c0_i32_0 : i32, i32
  }
  func.func @transform_7(%arg0: i32) -> (i32, i32) {
    %c0_i32 = arith.constant 0 : i32
    %c0_i32_0 = arith.constant 0 : i32
    %c0_i32_1 = arith.constant 0 : i32
    return %c0_i32, %c0_i32_0 : i32, i32
  }
  func.func @transform_8(%arg0: i32) -> (i32, i32) {
    %c0_i32 = arith.constant 0 : i32
    %c0_i32_0 = arith.constant 0 : i32
    %c0_i32_1 = arith.constant 0 : i32
    return %c0_i32, %c0_i32_0 : i32, i32
  }
  func.func @transform_9(%arg0: i32) -> (i32, i32) {
    %c0_i32 = arith.constant 0 : i32
    %c0_i32_0 = arith.constant 0 : i32
    %c0_i32_1 = arith.constant 0 : i32
    return %c0_i32, %c0_i32_0 : i32, i32
  }
  func.func @transform_10(%arg0: i32) -> i32 {
    %c0_i32 = arith.constant 0 : i32
    return %arg0 : i32
  }
}

</mosaic_0001>

<sc_bundles>
// kernel: kernel.4.cloned.1.call-start
scs
__scs_entry_jumppad:
0x0: {  	(pc) =	sbr.rel $0x88, $3  }
0x1: {  	(tag) =	ssettag $0x0;
	lr =	simm.s32 $0x1  }
0x2: {  	[smem:$0x3F98] =	sst lr;
	_ =	strace $0xD0000000  }
0x3: {  	_ = 	snop  }
0x4: {  	_ = 	snop  }
0x5: {  	_ = 	snop  }
0x6: {  	_ = 	snop  }
0x7: {  	_ = 	snop  }
__scs_overlays_trampoline_lowered:
0x8: {  	[smem:$0x3FA7] =	sst s0  }
0x9: {  	[smem:$0x3FA8] =	sst s1  }
0xa: {  	[smem:$0x3FA9] =	sst s2  }
0xb: {  	[smem:$0x3FAA] =	sst s3  }
0xc: {  	[smem:$0x3FAB] =	sst s4  }
0xd: {  	[smem:$0x3FAC] =	sst s5  }
0xe: {  	[smem:$0x3FAD] =	sst s6  }
0xf: {  	[smem:$0x3FAE] =	sst s7  }
0x10: {  	[smem:$0x3FAF] =	sst s8  }
0x11: {  	[smem:$0x3FB0] =	sst s9;
	s0 =	simm.s32 @!p0 $0x0  }
0x12: {  	s1 =	sld [smem:$0x3F96];
	s0 =	simm.s32 @p0 $0x1  }
0x13: {  	[smem:$0x3FB1] =	sst s0;
	s0 =	simm.s32 @!p1 $0x0  }
0x14: {  	s2 =	sld [smem:$0x3F95];
	s0 =	simm.s32 @p1 $0x1  }
0x15: {  	[smem:$0x3FB2] =	sst s0;
	s0 =	simm.s32 @!p2 $0x0  }
0x16: {  	s3 =	sld [smem:$0x3FDB];
	s0 =	simm.s32 @p2 $0x1  }
0x17: {  	s4 =	simm.s32 $0x1BF5;
	[smem:$0x3FB4] =	sst s0  }
0x18: {  	s0 =	sld [smem:$0x3F97];
	_ =	swait.ge [sflag:s4], $0x0  }
0x19: {  	s7 =	sld [smem:$0x3F98]  }
0x1a: {  	s8 =	sadd.s32 $0xFFFFE003, lr  }
0x1b: {  	s9 =	sadd.s32 $0xFFFFFEF7, lr;
	s5 =	simm.s32 $0xFFFFFFFF;
	p2 =	slt.u32 s8, $0xFFFFF086  }
0x1c: {  	p1 =	slt.u32 s9, $0xF7A;
	s5 =	simm.s32 @!p2 $0x0  }
0x1d: {  	s5 =	simm.s32 @p1 $0x1;
	p0 =	seq.s32 s7, s2  }
0x1e: {  	s7 =	smul.u32 @!p0 $0xF7A, s2;
	p2 =	seq.s32 @!p0 s5, $0x0  }
0x1f: {  	s9 =	smul.u32 $0xF7A, s1;
	s8 =	simm.s32 @!p0 $0x1BF5;
	p2 =	por !p2, p0  }
0x20: {  	[sflag:s8] =	ssyncset.s32 @!p0 $0xFFFFF086;
	s6 =	sadd.s32 @!p0 s3, s7;
	s7 =	simm.s32 @!p0 $0x108  }
0x21: {  	s3 =	sadd.s32 s3, s9;
	s6 =	sadd.s32 @!p0 $0x88, s6;
	s7 =	simm.s32 @p2 $0x1082  }
0x22: {  	[simem:s7], [sflag:s8] =	dma.local @!p0 [hbm:s6], $0xF7A  }
0x23: {  	s9 =	sor.u32 $0xD0000000, s2;
	s6 =	simm.s32 $0x108;
	_ =	swait.ge @!p0 [sflag:s8], $0x0  }
0x24: {  	s3 =	sadd.s32 $0x88, s3;
	s6 =	simm.s32 @!p1 $0x1082;
	[sflag:s4] =	ssyncset.s32 $0xFFFFF086  }
0x25: {  	[simem:s6], [sflag:s4] =	dma.local [hbm:s3], $0xF7A  }
0x26: {  	[smem:$0x3F98] =	sst s1;
	(tag) =	ssettag s2;
	_ =	strace s9  }
0x27: {  	s1 =	sld [smem:$0x3FA8]  }
0x28: {  	s2 =	sld [smem:$0x3FA9]  }
0x29: {  	s4 =	sld [smem:$0x3FAB]  }
0x2a: {  	p0 =	seq.s32 s5, $0x0;
	s5 =	sld [smem:$0x3FAC]  }
0x2b: {  	s6 =	sld [smem:$0x3FAD]  }
0x2c: {  	s7 =	sld [smem:$0x3FAE]  }
0x2d: {  	s3 =	simm.s32 $0x108;
	s8 =	sld [smem:$0x3FAF]  }
0x2e: {  	s3 =	simm.s32 @!p0 $0x1082;
	s9 =	sld [smem:$0x3FB0]  }
0x2f: {  	lr =	sadd.s32 s0, s3;
	s0 =	sld [smem:$0x3FA7]  }
0x30: {  	s3 =	sld [smem:$0x3FAA]  }
0x31: {  	[smem:$0x3FB3] =	sst s10  }
0x32: {  	s10 =	sld [smem:$0x3FB1];
	_ =	sdelay $0x3  }
0x33: {  	p0 =	seq.s32 s10, $0x1;
	s10 =	sld [smem:$0x3FB3];
	_ =	sdelay $0x3  }
0x34: {  	[smem:$0x3FB3] =	sst s10  }
0x35: {  	s10 =	sld [smem:$0x3FB2];
	_ =	sdelay $0x3  }
0x36: {  	p1 =	seq.s32 s10, $0x1;
	s10 =	sld [smem:$0x3FB3];
	_ =	sdelay $0x3  }
0x37: {  	[smem:$0x3FB3] =	sst s10  }
0x38: {  	s10 =	sld [smem:$0x3FB4]  }
0x39: {  	_ = 	snop;
	(pc) =	sbr.ind lr, $3  }
0x3a: {  	_ = 	snop  }
0x3b: {  	_ = 	snop  }
0x3c: {  	p2 =	seq.s32 s10, $0x1;
	s10 =	sld [smem:$0x3FB3]  }
0x3d: {  	_ =	shalt  }
0x3e: {  	_ =	shalt  }
0x3f: {  	_ =	shalt  }
0x40: {  	_ =	shalt  }
0x41: {  	_ =	shalt  }
0x42: {  	_ =	shalt  }
0x43: {  	_ =	shalt  }
0x44: {  	_ =	shalt  }
0x45: {  	_ =	shalt  }
0x46: {  	_ =	shalt  }
0x47: {  	_ =	shalt  }
0x48: {  	_ =	shalt  }
0x49: {  	_ =	shalt  }
0x4a: {  	_ =	shalt  }
0x4b: {  	_ =	shalt  }
0x4c: {  	_ =	shalt  }
0x4d: {  	_ =	shalt  }
0x4e: {  	_ =	shalt  }
0x4f: {  	_ =	shalt  }
0x50: {  	_ =	shalt  }
0x51: {  	_ =	shalt  }
0x52: {  	_ =	shalt  }
0x53: {  	_ =	shalt  }
0x54: {  	_ =	shalt  }
0x55: {  	_ =	shalt  }
0x56: {  	_ =	shalt  }
0x57: {  	_ =	shalt  }
0x58: {  	_ =	shalt  }
0x59: {  	_ =	shalt  }
0x5a: {  	_ =	shalt  }
0x5b: {  	_ =	shalt  }
0x5c: {  	_ =	shalt  }
0x5d: {  	_ =	shalt  }
0x5e: {  	_ =	shalt  }
0x5f: {  	_ =	shalt  }
0x60: {  	_ =	shalt  }
0x61: {  	_ =	shalt  }
0x62: {  	_ =	shalt  }
0x63: {  	_ =	shalt  }
0x64: {  	_ =	shalt  }
0x65: {  	_ =	shalt  }
0x66: {  	_ =	shalt  }
0x67: {  	_ =	shalt  }
0x68: {  	_ =	shalt  }
0x69: {  	_ =	shalt  }
0x6a: {  	_ =	shalt  }
0x6b: {  	_ =	shalt  }
0x6c: {  	_ =	shalt  }
0x6d: {  	_ =	shalt  }
0x6e: {  	_ =	shalt  }
0x6f: {  	_ =	shalt  }
0x70: {  	_ =	shalt  }
0x71: {  	_ =	shalt  }
0x72: {  	_ =	shalt  }
0x73: {  	_ =	shalt  }
0x74: {  	_ =	shalt  }
0x75: {  	_ =	shalt  }
0x76: {  	_ =	shalt  }
0x77: {  	_ =	shalt  }
0x78: {  	_ =	shalt  }
0x79: {  	_ =	shalt  }
0x7a: {  	_ =	shalt  }
0x7b: {  	_ =	shalt  }
0x7c: {  	_ =	shalt  }
0x7d: {  	_ =	shalt  }
0x7e: {  	_ =	shalt  }
0x7f: {  	_ =	shalt  }
0x80: {  	_ =	shalt  }
0x81: {  	_ =	shalt  }
0x82: {  	_ =	shalt  }
0x83: {  	_ =	shalt  }
0x84: {  	_ =	shalt  }
0x85: {  	_ =	shalt  }
0x86: {  	_ =	shalt  }
0x87: {  	_ =	shalt  }
.Lfunc_end0:
.L_simem_size_0:
called_computation_lowered:
.L_overlay_start_0:
0x88: {  	s2 =	sld [smem:$0x3FD9]  }
0x89: {  	s3 =	sld [smem:$0x3FFE];
	_ =	sdelay $0x1  }
0x8a: {  	s1 =	srdreg.scid  }
0x8b: {  	s0 =	sand.u32 $0x1, s1  }
0x8c: {  	s16 =	sshll.u32 s0, $0xA;
	s2 =	sadd.s32 s3, s2  }
0x8d: {  	s2 =	sadd.s32 s2, s16  }
0x8e: {  	[smem:$0x3FBF] =	sst s2  }
0x8f: {  	_ = 	snop  }
0x90: {  	(tm) =	ssettm $0x1  }
0x91: {  	s17 =	sld [smem:$0x3FFB];
	_ =	sdelay $0x3  }
0x92: {  	_ =	strace s17  }
0x93: {  	s2 =	sld [smem:$0x3FFC];
	_ =	sdelay $0x3  }
0x94: {  	_ =	strace s2  }
0x95: {  	s2 =	sld [smem:$0x3FFD];
	_ =	sdelay $0x3  }
0x96: {  	_ =	strace s2  }
0x97: {  	_ =	strace $0x8FFFFFFF  }
0x98: {  	s18 =	sld [smem:$0x3FDB];
	_ =	sdelay $0x1  }
0x99: {  	s19 =	simm.s32 $_scs_section_size  }
0x9a: {  	s4 =	simm.s32 $_size__tile_overlayer_lowered;
	s5 =	simm.s32 $_tile_overlayer_lowered  }
0x9b: {  	s22 =	simm.s32 $0x1BFF;
	s21 =	sshll.u32 s5, $0x1;
	s2 =	sadd.s32 s19, s18  }
0x9c: {  	s6 =	simm.s32 $0x0;
	s20 =	sshll.u32 s4, $0x1;
	s4 =	sadd.s32 s21, s2  }
0x9d: {  	[timem:s6], [sflag:s22] =	dma.local [hbm:s4], s20  }
0x9e: {  	_ =	swait.ge [sflag:s22], s20  }
0x9f: {  	s3 =	ssub.s32 $0x0, s20;
	[sflag:s22] =	ssyncset.done $0x0  }
0xa0: {  	[sflag:s22] =	ssyncadd.s32 s3;
	_ =	sdelay $0x1  }
0xa1: {  	s23 =	simm.s32 $0x1B8B  }
0xa2: {  	_ =	swait.ge [sflag:s23], $0x1  }
0xa3: {  	[sflag:s23] =	ssyncset.done $0x0  }
0xa4: {  	s25 =	simm.s32 $0x1B8E;
	s24 =	sld [smem:$0x3FFE];
	[sflag:s23] =	ssyncadd.s32 $0xFFFFFFFF  }
0xa5: {  	s26 =	simm.s32 $execute0_lowered;
	[smem:$0x3FD2] =	sst s25  }
0xa6: {  	s4 =	sshll.u32 s26, $0x1;
	_ =	strace $0x80000046;
	[dreg:$0x1] =	wrdreg $0xFFFFFFFF  }
0xa7: {  	s28 =	simm.s32 $_size_execute0_lowered;
	s2 =	sadd.s32 s2, s4;
	[dreg:$0x0] =	wrdreg $0x0  }
0xa8: {  	s4 =	sshll.u32 s28, $0x1;
	[dreg:$0x2] =	wrdreg s2  }
0xa9: {  	[dreg:$0x3] =	wrdreg s4  }
0xaa: {  	[dreg:$0x4] =	wrdreg $0xC0  }
0xab: {  	_ =	task [dreg:s6], $0x5FFFF  }
0xac: {  	[dreg:$0x1] =	wrdreg $0xFFFFFFFF  }
0xad: {  	[dreg:$0x0] =	wrdreg $0x60  }
0xae: {  	[dreg:$0x2] =	wrdreg s24  }
0xaf: {  	[dreg:$0x3] =	wrdreg $0x9  }
0xb0: {  	_ =	task.clear_ibuf [dreg:s6], $0x4FFFF;
	_ =	strace $0x90000046  }
0xb1: {  	s29 =	simm.s32 $0x9;
	_ =	strace $0x80000048  }
0xb2: {  	_ =	swait.ge [sflag:s29], $0x1  }
0xb3: {  	[sflag:s29] =	ssyncadd.s32 $0xFFFFFFFF  }
0xb4: {  	_ =	strace $0x90000048  }
0xb5: {  	_ =	sfence  }
0xb6: {  	s30 =	sld [smem:$0x0];
	_ =	sdelay $0x2  }
0xb7: {  	s31 =	sshll.u32 s1, $0xD;
	s1 =	sshrl.u32 s1, $0x2  }
0xb8: {  	s3 =	sand.u32 $0x4000, s31;
	s1 =	sadd.s32 s1, s30  }
0xb9: {  	s0 =	sor.u32 s3, s0;
	s1 =	sshll.u32 s1, $0x11  }
0xba: {  	s0 =	sor.u32 s1, s0  }
0xbb: {  	s0 =	sadd.s32 $0x8F2B, s0  }
0xbc: {  	[sflag:s0] =	ssyncadd.remote.s32 $0x1  }
0xbd: {  	_ =	sfence.sel $0xFFFF  }
0xbe: {  	[dreg:$0x0] =	wrdreg $0xFFFFFFFF;
	(pc) =	sbr.abs _section_cstart, $3  }
0xbf: {  	[dreg:$0x1] =	wrdreg $0xFFFFFFFF  }
0xc0: {  	_ =	task.clear_ibuf [dreg:s6], $0x2FFFF;
	_ =	strace $0x9FFFFFFF  }
0xc1: {  	(tm) =	ssettm $0x7FFFFFFF  }
tec
execute0_lowered:
.L_overlay_start_1:
0x0: {  	(tag) =	ssettag $0x1  }
0x1: {  	s0 =	srdreg.scid  }
0x2: {  	s1 =	stileid.u32;
	s3 =	rddreg [dreg:$0x0]  }
0x3: {  	s30 =	simm.s32 $0x0;
	s0 =	sand.u32 $0x1, s0;
	s1 =	sshll.u32 s1, $0x1  }
0x4: {  	p0 =	por $0x0, $0x0;
	[smem:$0x7FF] =	sst s30;
	s1 =	sor.u32 s0, s1  }
0x5: {  	s4 =	sadd.s32 $0x1800, s3;
	s5 =	sadd.s32 $0x2D200, s3;
	s1 =	smul.u32 $0x3400, s1  }
0x6: {  	s7 =	sadd.s32 $0x3A200, s3;
	s8 =	sadd.s32 $0xF43C00, s3;
	s0 =	ssub.s32 $0x2, s0  }
0x7: {  	s31 =	sadd.s32 $0xE800, s3;
	s28 =	sshrl.u32 s0, $0x1;
	s1 =	sshrl.u32 s1, $0x3  }
0x8: {  	_ =	strace $0x80000047;
	s0 =	ssub.s32 s0, s28;
	s6 =	sadd.s32 s4, s1  }
0x9: {  	s17 =	smax.u32 s0, $0x1;
	s19 =	sadd.s32 s5, s1;
	[dreg:$0x2] =	wrdreg s6  }
0xa: {  	s20 =	sadd.s32 s7, s1;
	s9 =	sadd.s32 $0x1A0, s1;
	[dreg:$0x3] =	wrdreg s19  }
0xb: {  	s0 =	simm.s32 $0x2;
	[dreg:$0x4] =	wrdreg s20;
	s21 =	sadd.s32 s4, s9  }
0xc: {  	s10 =	sadd.s32 $0x340, s1;
	s22 =	sadd.s32 s5, s9;
	[dreg:$0x5] =	wrdreg s21  }
0xd: {  	s1 =	sadd.s32 $0x4E0, s1;
	s23 =	sadd.s32 s7, s9;
	[dreg:$0x6] =	wrdreg s22  }
0xe: {  	p1 =	sne.s32 s17, $0x1;
	s11 =	sadd.s32 s4, s10;
	[dreg:$0x7] =	wrdreg s23  }
0xf: {  	s6 =	sadd.s32 $0x47200, s3;
	s24 =	sadd.s32 s5, s10;
	[dreg:$0x8] =	wrdreg s11  }
0x10: {  	s25 =	sadd.s32 s7, s10;
	s26 =	sadd.s32 s4, s1;
	[dreg:$0x9] =	wrdreg s24  }
.Ltmp0:
0x11: {  	s29 =	sadd.s32 s5, s1;
	[dreg:$0xa] =	wrdreg s25;
	(pc) =	sbr.rel @!p1 .LBB2_5-.Ltmp0, $4  }
0x12: {  	s1 =	sadd.s32 s7, s1;
	s3 =	simm.s32 $0x3;
	[dreg:$0xb] =	wrdreg s26  }
0x13: {  	s10 =	simm.s32 $0xD00;
	s9 =	simm.s32 $0x1A00;
	[dreg:$0xc] =	wrdreg s29  }
0x14: {  	s4 =	simm.s32 $0xEA00;
	s5 =	simm.s32 $0x1;
	[dreg:$0xd] =	wrdreg s1  }
0x15: {  	s7 =	simm.s32 $0x80;
	s1 =	sadd.s32 $0xFFFFFFFF, s17;
	s24 =	rddreg [dreg:$0x2]  }
0x16: {  	[tilespmem:s30], [sflag:$0x3] =	stream.linear.gather [hbm4b:s24+s30], $0xD00, $0x38;
	[tilespmem:$0xF700] =	vst v63  }
0x17: {  	_ =	swait.ge [sflag:s3], $0xD00  }
0x18: {  	[sflag:s3] =	ssyncset.done $0x0  }
0x19: {  	[sflag:s3] =	ssyncadd.s32 $0xFFFFF300  }
0x1a: {  	[tilespmem:s9], [sflag:$0x1] =	stream.indirect.gather [hbm4b:s8+s10], $0x10, s30, s10, $0xb8;
	[tilespmem:$0xF700] =	vst v63  }
0x1b: {  	_ = 	snop  }
0x1c: {  	[tilespmem:s4], [sflag:$0x2] =	stream.indirect.gather [hbm4b:s31+s10], $0x1, s30, s10, $0xb8;
	[tilespmem:$0xF700] =	vst v63  }
0x1d: {  	s17 =	rddreg [dreg:$0x3]  }
0x1e: {  	[tilespmem:s10], [sflag:$0x3] =	stream.linear.gather [hbm4b:s17+s30], $0xD00, $0x38;
	[tilespmem:$0xF700] =	vst v63  }
0x1f: {  	_ =	swait.ge [sflag:s3], $0xD00  }
0x20: {  	[sflag:s3] =	ssyncset.done $0x0  }
0x21: {  	[sflag:s3] =	ssyncadd.s32 $0xFFFFF300  }
0x22: {  	_ =	swait.ge [sflag:s5], $0xD000  }
0x23: {  	[sflag:s5] =	ssyncset.done $0x0  }
0x24: {  	[sflag:s5] =	ssyncadd.s32 $0xFFFF3000  }
0x25: {  	_ =	swait.ge [sflag:s0], $0xD00  }
0x26: {  	[sflag:s0] =	ssyncset.done $0x0  }
0x27: {  	[sflag:s0] =	ssyncadd.s32 $0xFFFFF300  }
0x28: {  	[hbm4b:s6+s7] =	stream.indirect.scatter [tilespmem:s9], [sflag:$0x1], $0x10, s10, s7, $0xb8;
	[tilespmem:$0xF700] =	vst v63  }
0x29: {  	s18 =	simm.s32 $0xD80;
	s2 =	simm.s32 $0x2200  }
0x2a: {  	[hbm4b:s6+s7] =	stream.indirect.scatter [tilespmem:s2], [sflag:$0x1], $0x10, s18, s7, $0xb8;
	[tilespmem:$0xF700] =	vst v63  }
0x2b: {  	s19 =	simm.s32 $0xE00;
	s20 =	simm.s32 $0x2A00  }
0x2c: {  	[hbm4b:s6+s7] =	stream.indirect.scatter [tilespmem:s20], [sflag:$0x1], $0x10, s19, s7, $0xb8;
	[tilespmem:$0xF700] =	vst v63  }
0x2d: {  	s21 =	simm.s32 $0xE80;
	s22 =	simm.s32 $0x3200  }
0x2e: {  	[hbm4b:s6+s7] =	stream.indirect.scatter [tilespmem:s22], [sflag:$0x1], $0x10, s21, s7, $0xb8;
	[tilespmem:$0xF700] =	vst v63  }
0x2f: {  	s23 =	simm.s32 $0xF00;
	s24 =	simm.s32 $0x3A00  }
0x30: {  	[hbm4b:s6+s7] =	stream.indirect.scatter [tilespmem:s24], [sflag:$0x1], $0x10, s23, s7, $0xb8;
	[tilespmem:$0xF700] =	vst v63  }
0x31: {  	s25 =	simm.s32 $0xF80;
	s26 =	simm.s32 $0x4200  }
0x32: {  	[hbm4b:s6+s7] =	stream.indirect.scatter [tilespmem:s26], [sflag:$0x1], $0x10, s25, s7, $0xb8;
	[tilespmem:$0xF700] =	vst v63  }
0x33: {  	s28 =	simm.s32 $0x1000;
	s29 =	simm.s32 $0x4A00  }
0x34: {  	[hbm4b:s6+s7] =	stream.indirect.scatter [tilespmem:s29], [sflag:$0x1], $0x10, s28, s7, $0xb8;
	[tilespmem:$0xF700] =	vst v63  }
0x35: {  	s4 =	simm.s32 $0x1080;
	s9 =	simm.s32 $0x5200  }
0x36: {  	[hbm4b:s6+s7] =	stream.indirect.scatter [tilespmem:s9], [sflag:$0x1], $0x10, s4, s7, $0xb8;
	[tilespmem:$0xF700] =	vst v63  }
0x37: {  	s11 =	simm.s32 $0x1100;
	s12 =	simm.s32 $0x5A00  }
0x38: {  	[hbm4b:s6+s7] =	stream.indirect.scatter [tilespmem:s12], [sflag:$0x1], $0x10, s11, s7, $0xb8;
	[tilespmem:$0xF700] =	vst v63  }
0x39: {  	s13 =	simm.s32 $0x1180;
	s14 =	simm.s32 $0x6200  }
0x3a: {  	[hbm4b:s6+s7] =	stream.indirect.scatter [tilespmem:s14], [sflag:$0x1], $0x10, s13, s7, $0xb8;
	[tilespmem:$0xF700] =	vst v63  }
0x3b: {  	s15 =	simm.s32 $0x1200;
	s16 =	simm.s32 $0x6A00  }
0x3c: {  	[hbm4b:s6+s7] =	stream.indirect.scatter [tilespmem:s16], [sflag:$0x1], $0x10, s15, s7, $0xb8;
	[tilespmem:$0xF700] =	vst v63  }
0x3d: {  	s17 =	simm.s32 $0x1280;
	s19 =	simm.s32 $0x7200  }
0x3e: {  	[hbm4b:s6+s7] =	stream.indirect.scatter [tilespmem:s19], [sflag:$0x1], $0x10, s17, s7, $0xb8;
	[tilespmem:$0xF700] =	vst v63  }
0x3f: {  	s21 =	simm.s32 $0x1300;
	s22 =	simm.s32 $0x7A00  }
0x40: {  	[hbm4b:s6+s7] =	stream.indirect.scatter [tilespmem:s22], [sflag:$0x1], $0x10, s21, s7, $0xb8;
	[tilespmem:$0xF700] =	vst v63  }
0x41: {  	s23 =	simm.s32 $0x1380;
	s24 =	simm.s32 $0x8200  }
0x42: {  	[hbm4b:s6+s7] =	stream.indirect.scatter [tilespmem:s24], [sflag:$0x1], $0x10, s23, s7, $0xb8;
	[tilespmem:$0xF700] =	vst v63  }
0x43: {  	s25 =	simm.s32 $0x1400;
	s26 =	simm.s32 $0x8A00  }
0x44: {  	[hbm4b:s6+s7] =	stream.indirect.scatter [tilespmem:s26], [sflag:$0x1], $0x10, s25, s7, $0xb8;
	[tilespmem:$0xF700] =	vst v63  }
0x45: {  	s28 =	simm.s32 $0x1480;
	s29 =	simm.s32 $0x9200  }
0x46: {  	[hbm4b:s6+s7] =	stream.indirect.scatter [tilespmem:s29], [sflag:$0x1], $0x10, s28, s7, $0xb8;
	[tilespmem:$0xF700] =	vst v63  }
0x47: {  	s12 =	simm.s32 $0x1500;
	s15 =	simm.s32 $0x9A00  }
0x48: {  	[hbm4b:s6+s7] =	stream.indirect.scatter [tilespmem:s15], [sflag:$0x1], $0x10, s12, s7, $0xb8;
	[tilespmem:$0xF700] =	vst v63  }
0x49: {  	s19 =	simm.s32 $0x1580;
	s21 =	simm.s32 $0xA200  }
0x4a: {  	[hbm4b:s6+s7] =	stream.indirect.scatter [tilespmem:s21], [sflag:$0x1], $0x10, s19, s7, $0xb8;
	[tilespmem:$0xF700] =	vst v63  }
0x4b: {  	s22 =	simm.s32 $0x1600;
	s23 =	simm.s32 $0xAA00  }
0x4c: {  	[hbm4b:s6+s7] =	stream.indirect.scatter [tilespmem:s23], [sflag:$0x1], $0x10, s22, s7, $0xb8;
	[tilespmem:$0xF700] =	vst v63  }
0x4d: {  	s24 =	simm.s32 $0x1680;
	s25 =	simm.s32 $0xB200  }
0x4e: {  	[hbm4b:s6+s7] =	stream.indirect.scatter [tilespmem:s25], [sflag:$0x1], $0x10, s24, s7, $0xb8;
	[tilespmem:$0xF700] =	vst v63  }
0x4f: {  	s28 =	simm.s32 $0x1700;
	s29 =	simm.s32 $0xBA00  }
0x50: {  	[hbm4b:s6+s7] =	stream.indirect.scatter [tilespmem:s29], [sflag:$0x1], $0x10, s28, s7, $0xb8;
	[tilespmem:$0xF700] =	vst v63  }
0x51: {  	s0 =	simm.s32 $0x1780;
	s15 =	simm.s32 $0xC200  }
0x52: {  	[hbm4b:s6+s7] =	stream.indirect.scatter [tilespmem:s15], [sflag:$0x1], $0x10, s0, s7, $0xb8;
	[tilespmem:$0xF700] =	vst v63  }
0x53: {  	s19 =	simm.s32 $0x1800;
	s21 =	simm.s32 $0xCA00  }
0x54: {  	[hbm4b:s6+s7] =	stream.indirect.scatter [tilespmem:s21], [sflag:$0x1], $0x10, s19, s7, $0xb8;
	[tilespmem:$0xF700] =	vst v63  }
0x55: {  	s22 =	simm.s32 $0x1880;
	s23 =	simm.s32 $0xD200  }
0x56: {  	[hbm4b:s6+s7] =	stream.indirect.scatter [tilespmem:s23], [sflag:$0x1], $0x10, s22, s7, $0xb8;
	[tilespmem:$0xF700] =	vst v63  }
0x57: {  	s24 =	simm.s32 $0x1900;
	s25 =	simm.s32 $0xDA00  }
0x58: {  	[hbm4b:s6+s7] =	stream.indirect.scatter [tilespmem:s25], [sflag:$0x1], $0x10, s24, s7, $0xb8;
	[tilespmem:$0xF700] =	vst v63  }
0x59: {  	[dreg:$0x10] =	wrdreg s1;
	s28 =	simm.s32 $0x1980;
	s29 =	simm.s32 $0xE200  }
0x5a: {  	[hbm4b:s6+s7] =	stream.indirect.scatter [tilespmem:s29], [sflag:$0x1], $0x10, s28, s7, $0xb8;
	[tilespmem:$0xF700] =	vst v63  }
0x5b: {  	_ =	swait.ge [sflag:s5], $0x800  }
0x5c: {  	[sflag:s5] =	ssyncset.done $0x0  }
0x5d: {  	[sflag:s5] =	ssyncadd.s32 $0xFFFFF800  }
0x5e: {  	_ =	swait.ge [sflag:s5], $0x800  }
0x5f: {  	[sflag:s5] =	ssyncset.done $0x0  }
0x60: {  	[sflag:s5] =	ssyncadd.s32 $0xFFFFF800  }
0x61: {  	_ =	swait.ge [sflag:s5], $0x800  }
0x62: {  	[sflag:s5] =	ssyncset.done $0x0  }
0x63: {  	[sflag:s5] =	ssyncadd.s32 $0xFFFFF800  }
0x64: {  	_ =	swait.ge [sflag:s5], $0x800  }
0x65: {  	[sflag:s5] =	ssyncset.done $0x0  }
0x66: {  	[sflag:s5] =	ssyncadd.s32 $0xFFFFF800  }
0x67: {  	_ =	swait.ge [sflag:s5], $0x800  }
0x68: {  	[sflag:s5] =	ssyncset.done $0x0  }
0x69: {  	[sflag:s5] =	ssyncadd.s32 $0xFFFFF800  }
0x6a: {  	_ =	swait.ge [sflag:s5], $0x800  }
0x6b: {  	[sflag:s5] =	ssyncset.done $0x0  }
0x6c: {  	[sflag:s5] =	ssyncadd.s32 $0xFFFFF800  }
0x6d: {  	_ =	swait.ge [sflag:s5], $0x800  }
0x6e: {  	[sflag:s5] =	ssyncset.done $0x0  }
0x6f: {  	[sflag:s5] =	ssyncadd.s32 $0xFFFFF800  }
0x70: {  	_ =	swait.ge [sflag:s5], $0x800  }
0x71: {  	[sflag:s5] =	ssyncset.done $0x0  }
0x72: {  	[sflag:s5] =	ssyncadd.s32 $0xFFFFF800  }
0x73: {  	_ =	swait.ge [sflag:s5], $0x800  }
0x74: {  	[sflag:s5] =	ssyncset.done $0x0  }
0x75: {  	[sflag:s5] =	ssyncadd.s32 $0xFFFFF800  }
0x76: {  	_ =	swait.ge [sflag:s5], $0x800  }
0x77: {  	[sflag:s5] =	ssyncset.done $0x0  }
0x78: {  	[sflag:s5] =	ssyncadd.s32 $0xFFFFF800  }
0x79: {  	_ =	swait.ge [sflag:s5], $0x800  }
0x7a: {  	[sflag:s5] =	ssyncset.done $0x0  }
0x7b: {  	[sflag:s5] =	ssyncadd.s32 $0xFFFFF800  }
0x7c: {  	_ =	swait.ge [sflag:s5], $0x800  }
0x7d: {  	[sflag:s5] =	ssyncset.done $0x0  }
0x7e: {  	[sflag:s5] =	ssyncadd.s32 $0xFFFFF800  }
0x7f: {  	_ =	swait.ge [sflag:s5], $0x800  }
0x80: {  	[sflag:s5] =	ssyncset.done $0x0  }
0x81: {  	[sflag:s5] =	ssyncadd.s32 $0xFFFFF800  }
0x82: {  	_ =	swait.ge [sflag:s5], $0x800  }
0x83: {  	[sflag:s5] =	ssyncset.done $0x0  }
0x84: {  	[sflag:s5] =	ssyncadd.s32 $0xFFFFF800  }
0x85: {  	_ =	swait.ge [sflag:s5], $0x800  }
0x86: {  	[sflag:s5] =	ssyncset.done $0x0  }
0x87: {  	[sflag:s5] =	ssyncadd.s32 $0xFFFFF800  }
0x88: {  	_ =	swait.ge [sflag:s5], $0x800  }
0x89: {  	[sflag:s5] =	ssyncset.done $0x0  }
0x8a: {  	[sflag:s5] =	ssyncadd.s32 $0xFFFFF800  }
0x8b: {  	_ =	swait.ge [sflag:s5], $0x800  }
0x8c: {  	[sflag:s5] =	ssyncset.done $0x0  }
0x8d: {  	[sflag:s5] =	ssyncadd.s32 $0xFFFFF800  }
0x8e: {  	_ =	swait.ge [sflag:s5], $0x800  }
0x8f: {  	[sflag:s5] =	ssyncset.done $0x0  }
0x90: {  	[sflag:s5] =	ssyncadd.s32 $0xFFFFF800  }
0x91: {  	_ =	swait.ge [sflag:s5], $0x800  }
0x92: {  	[sflag:s5] =	ssyncset.done $0x0  }
0x93: {  	[sflag:s5] =	ssyncadd.s32 $0xFFFFF800  }
0x94: {  	_ =	swait.ge [sflag:s5], $0x800  }
0x95: {  	[sflag:s5] =	ssyncset.done $0x0  }
0x96: {  	[sflag:s5] =	ssyncadd.s32 $0xFFFFF800  }
0x97: {  	_ =	swait.ge [sflag:s5], $0x800  }
0x98: {  	[sflag:s5] =	ssyncset.done $0x0  }
0x99: {  	[sflag:s5] =	ssyncadd.s32 $0xFFFFF800  }
0x9a: {  	_ =	swait.ge [sflag:s5], $0x800  }
0x9b: {  	[sflag:s5] =	ssyncset.done $0x0  }
0x9c: {  	[sflag:s5] =	ssyncadd.s32 $0xFFFFF800  }
0x9d: {  	_ =	swait.ge [sflag:s5], $0x800  }
0x9e: {  	[sflag:s5] =	ssyncset.done $0x0  }
0x9f: {  	[sflag:s5] =	ssyncadd.s32 $0xFFFFF800  }
0xa0: {  	_ =	swait.ge [sflag:s5], $0x800  }
0xa1: {  	[sflag:s5] =	ssyncset.done $0x0  }
0xa2: {  	[sflag:s5] =	ssyncadd.s32 $0xFFFFF800  }
0xa3: {  	_ =	swait.ge [sflag:s5], $0x800  }
0xa4: {  	[sflag:s5] =	ssyncset.done $0x0  }
0xa5: {  	[sflag:s5] =	ssyncadd.s32 $0xFFFFF800  }
0xa6: {  	_ =	swait.ge [sflag:s5], $0x800  }
0xa7: {  	[sflag:s5] =	ssyncset.done $0x0  }
0xa8: {  	s15 =	simm.s32 $0xEA00;
	s1 =	rddreg [dreg:$0x4];
	[sflag:s5] =	ssyncadd.s32 $0xFFFFF800  }
0xa9: {  	[hbm4b:s1+s30] =	stream.linear.scatter [tilespmem:s15], [sflag:$0x3], $0xD00, $0x38;
	[tilespmem:$0xF700] =	vst v63  }
0xaa: {  	_ =	swait.ge [sflag:s3], $0xD00  }
0xab: {  	[sflag:s3] =	ssyncset.done $0x0  }
0xac: {  	s19 =	rddreg [dreg:$0x5];
	[sflag:s3] =	ssyncadd.s32 $0xFFFFF300  }
0xad: {  	[tilespmem:s30], [sflag:$0x3] =	stream.linear.gather [hbm4b:s19+s30], $0xD00, $0x38;
	[tilespmem:$0xF700] =	vst v63  }
0xae: {  	_ =	swait.ge [sflag:s3], $0xD00  }
0xaf: {  	[sflag:s3] =	ssyncset.done $0x0  }
0xb0: {  	s2 =	simm.s32 $0xD00;
	s21 =	simm.s32 $0x1A00;
	[sflag:s3] =	ssyncadd.s32 $0xFFFFF300  }
0xb1: {  	[tilespmem:s21], [sflag:$0x1] =	stream.indirect.gather [hbm4b:s8+s2], $0x10, s30, s2, $0xb8;
	[tilespmem:$0xF700] =	vst v63  }
0xb2: {  	s23 =	simm.s32 $0xEA00  }
0xb3: {  	[tilespmem:s23], [sflag:$0x2] =	stream.indirect.gather [hbm4b:s31+s2], $0x1, s30, s2, $0xb8;
	[tilespmem:$0xF700] =	vst v63  }
0xb4: {  	s22 =	rddreg [dreg:$0x6]  }
0xb5: {  	[tilespmem:s2], [sflag:$0x3] =	stream.linear.gather [hbm4b:s22+s30], $0xD00, $0x38;
	[tilespmem:$0xF700] =	vst v63  }
0xb6: {  	_ =	swait.ge [sflag:s3], $0xD00  }
0xb7: {  	[sflag:s3] =	ssyncset.done $0x0  }
0xb8: {  	[sflag:s3] =	ssyncadd.s32 $0xFFFFF300  }
0xb9: {  	_ =	swait.ge [sflag:s5], $0xD000  }
0xba: {  	[sflag:s5] =	ssyncset.done $0x0  }
0xbb: {  	s10 =	simm.s32 $0x2;
	[sflag:s5] =	ssyncadd.s32 $0xFFFF3000  }
0xbc: {  	_ =	swait.ge [sflag:s10], $0xD00  }
0xbd: {  	[sflag:s10] =	ssyncset.done $0x0  }
0xbe: {  	[sflag:s10] =	ssyncadd.s32 $0xFFFFF300  }
0xbf: {  	[hbm4b:s6+s7] =	stream.indirect.scatter [tilespmem:s21], [sflag:$0x1], $0x10, s2, s7, $0xb8;
	[tilespmem:$0xF700] =	vst v63  }
0xc0: {  	s24 =	simm.s32 $0xD80;
	s28 =	simm.s32 $0x2200  }
0xc1: {  	[hbm4b:s6+s7] =	stream.indirect.scatter [tilespmem:s28], [sflag:$0x1], $0x10, s24, s7, $0xb8;
	[tilespmem:$0xF700] =	vst v63  }
0xc2: {  	s25 =	simm.s32 $0xE00;
	s15 =	simm.s32 $0x2A00  }
0xc3: {  	[hbm4b:s6+s7] =	stream.indirect.scatter [tilespmem:s15], [sflag:$0x1], $0x10, s25, s7, $0xb8;
	[tilespmem:$0xF700] =	vst v63  }
0xc4: {  	s20 =	smov.u32 s31;
	s23 =	simm.s32 $0x3200;
	s31 =	simm.s32 $0xE80  }
0xc5: {  	[hbm4b:s6+s7] =	stream.indirect.scatter [tilespmem:s23], [sflag:$0x1], $0x10, s31, s7, $0xb8;
	[tilespmem:$0xF700] =	vst v63  }
0xc6: {  	s1 =	simm.s32 $0xF00;
	s31 =	simm.s32 $0x3A00  }
0xc7: {  	[hbm4b:s6+s7] =	stream.indirect.scatter [tilespmem:s31], [sflag:$0x1], $0x10, s1, s7, $0xb8;
	[tilespmem:$0xF700] =	vst v63  }
0xc8: {  	s19 =	simm.s32 $0xF80;
	s21 =	simm.s32 $0x4200  }
0xc9: {  	[hbm4b:s6+s7] =	stream.indirect.scatter [tilespmem:s21], [sflag:$0x1], $0x10, s19, s7, $0xb8;
	[tilespmem:$0xF700] =	vst v63  }
0xca: {  	s22 =	simm.s32 $0x1000;
	s19 =	simm.s32 $0x4A00  }
0xcb: {  	[hbm4b:s6+s7] =	stream.indirect.scatter [tilespmem:s19], [sflag:$0x1], $0x10, s22, s7, $0xb8;
	[tilespmem:$0xF700] =	vst v63  }
0xcc: {  	s24 =	simm.s32 $0x1080;
	s21 =	simm.s32 $0x5200  }
0xcd: {  	[hbm4b:s6+s7] =	stream.indirect.scatter [tilespmem:s21], [sflag:$0x1], $0x10, s24, s7, $0xb8;
	[tilespmem:$0xF700] =	vst v63  }
0xce: {  	s9 =	simm.s32 $0x1100;
	s25 =	simm.s32 $0x5A00  }
0xcf: {  	[hbm4b:s6+s7] =	stream.indirect.scatter [tilespmem:s25], [sflag:$0x1], $0x10, s9, s7, $0xb8;
	[tilespmem:$0xF700] =	vst v63  }
0xd0: {  	s18 =	simm.s32 $0x1180;
	s13 =	simm.s32 $0x6200  }
0xd1: {  	[hbm4b:s6+s7] =	stream.indirect.scatter [tilespmem:s13], [sflag:$0x1], $0x10, s18, s7, $0xb8;
	[tilespmem:$0xF700] =	vst v63  }
0xd2: {  	s4 =	simm.s32 $0x6A00;
	s22 =	simm.s32 $0x1200  }
0xd3: {  	[hbm4b:s6+s7] =	stream.indirect.scatter [tilespmem:s4], [sflag:$0x1], $0x10, s22, s7, $0xb8;
	[tilespmem:$0xF700] =	vst v63  }
0xd4: {  	s25 =	simm.s32 $0x1280;
	s18 =	simm.s32 $0x7200  }
0xd5: {  	[hbm4b:s6+s7] =	stream.indirect.scatter [tilespmem:s18], [sflag:$0x1], $0x10, s25, s7, $0xb8;
	[tilespmem:$0xF700] =	vst v63  }
0xd6: {  	s9 =	simm.s32 $0x7A00;
	s13 =	simm.s32 $0x1300  }
0xd7: {  	[hbm4b:s6+s7] =	stream.indirect.scatter [tilespmem:s9], [sflag:$0x1], $0x10, s13, s7, $0xb8;
	[tilespmem:$0xF700] =	vst v63  }
0xd8: {  	s11 =	simm.s32 $0x1380;
	s14 =	simm.s32 $0x8200  }
0xd9: {  	[hbm4b:s6+s7] =	stream.indirect.scatter [tilespmem:s14], [sflag:$0x1], $0x10, s11, s7, $0xb8;
	[tilespmem:$0xF700] =	vst v63  }
0xda: {  	s17 =	simm.s32 $0x1400;
	s14 =	simm.s32 $0x8A00  }
0xdb: {  	[hbm4b:s6+s7] =	stream.indirect.scatter [tilespmem:s14], [sflag:$0x1], $0x10, s17, s7, $0xb8;
	[tilespmem:$0xF700] =	vst v63  }
0xdc: {  	s16 =	simm.s32 $0x1480;
	s26 =	simm.s32 $0x9200  }
0xdd: {  	[hbm4b:s6+s7] =	stream.indirect.scatter [tilespmem:s26], [sflag:$0x1], $0x10, s16, s7, $0xb8;
	[tilespmem:$0xF700] =	vst v63  }
0xde: {  	s12 =	simm.s32 $0x9A00;
	s4 =	simm.s32 $0x1500  }
0xdf: {  	[hbm4b:s6+s7] =	stream.indirect.scatter [tilespmem:s12], [sflag:$0x1], $0x10, s4, s7, $0xb8;
	[tilespmem:$0xF700] =	vst v63  }
0xe0: {  	s16 =	simm.s32 $0xA200;
	s12 =	simm.s32 $0x1580  }
0xe1: {  	[hbm4b:s6+s7] =	stream.indirect.scatter [tilespmem:s16], [sflag:$0x1], $0x10, s12, s7, $0xb8;
	[tilespmem:$0xF700] =	vst v63  }
0xe2: {  	s11 =	simm.s32 $0x1600;
	s17 =	simm.s32 $0xAA00  }
0xe3: {  	[hbm4b:s6+s7] =	stream.indirect.scatter [tilespmem:s17], [sflag:$0x1], $0x10, s11, s7, $0xb8;
	[tilespmem:$0xF700] =	vst v63  }
0xe4: {  	s1 =	simm.s32 $0x1680;
	s26 =	simm.s32 $0xB200  }
0xe5: {  	[hbm4b:s6+s7] =	stream.indirect.scatter [tilespmem:s26], [sflag:$0x1], $0x10, s1, s7, $0xb8;
	[tilespmem:$0xF700] =	vst v63  }
0xe6: {  	s24 =	simm.s32 $0x1700;
	s26 =	simm.s32 $0xBA00  }
0xe7: {  	[hbm4b:s6+s7] =	stream.indirect.scatter [tilespmem:s26], [sflag:$0x1], $0x10, s24, s7, $0xb8;
	[tilespmem:$0xF700] =	vst v63  }
0xe8: {  	s0 =	simm.s32 $0x1780;
	s26 =	simm.s32 $0xC200  }
0xe9: {  	[hbm4b:s6+s7] =	stream.indirect.scatter [tilespmem:s26], [sflag:$0x1], $0x10, s0, s7, $0xb8;
	[tilespmem:$0xF700] =	vst v63  }
0xea: {  	s24 =	simm.s32 $0xCA00;
	s26 =	simm.s32 $0x1800  }
0xeb: {  	[hbm4b:s6+s7] =	stream.indirect.scatter [tilespmem:s24], [sflag:$0x1], $0x10, s26, s7, $0xb8;
	[tilespmem:$0xF700] =	vst v63  }
0xec: {  	s24 =	simm.s32 $0xD200;
	s26 =	simm.s32 $0x1880  }
0xed: {  	[hbm4b:s6+s7] =	stream.indirect.scatter [tilespmem:s24], [sflag:$0x1], $0x10, s26, s7, $0xb8;
	[tilespmem:$0xF700] =	vst v63  }
0xee: {  	s24 =	simm.s32 $0x1900;
	s26 =	simm.s32 $0xDA00  }
0xef: {  	[hbm4b:s6+s7] =	stream.indirect.scatter [tilespmem:s26], [sflag:$0x1], $0x10, s24, s7, $0xb8;
	[tilespmem:$0xF700] =	vst v63  }
0xf0: {  	s29 =	simm.s32 $0xE200;
	s26 =	simm.s32 $0x1980  }
0xf1: {  	[hbm4b:s6+s7] =	stream.indirect.scatter [tilespmem:s29], [sflag:$0x1], $0x10, s26, s7, $0xb8;
	[tilespmem:$0xF700] =	vst v63  }
0xf2: {  	_ =	swait.ge [sflag:s5], $0x800  }
0xf3: {  	[sflag:s5] =	ssyncset.done $0x0  }
0xf4: {  	[sflag:s5] =	ssyncadd.s32 $0xFFFFF800  }
0xf5: {  	_ =	swait.ge [sflag:s5], $0x800  }
0xf6: {  	[sflag:s5] =	ssyncset.done $0x0  }
0xf7: {  	[sflag:s5] =	ssyncadd.s32 $0xFFFFF800  }
0xf8: {  	_ =	swait.ge [sflag:s5], $0x800  }
0xf9: {  	[sflag:s5] =	ssyncset.done $0x0  }
0xfa: {  	[sflag:s5] =	ssyncadd.s32 $0xFFFFF800  }
0xfb: {  	_ =	swait.ge [sflag:s5], $0x800  }
0xfc: {  	[sflag:s5] =	ssyncset.done $0x0  }
0xfd: {  	[sflag:s5] =	ssyncadd.s32 $0xFFFFF800  }
0xfe: {  	_ =	swait.ge [sflag:s5], $0x800  }
0xff: {  	[sflag:s5] =	ssyncset.done $0x0  }
0x100: {  	[sflag:s5] =	ssyncadd.s32 $0xFFFFF800  }
0x101: {  	_ =	swait.ge [sflag:s5], $0x800  }
0x102: {  	[sflag:s5] =	ssyncset.done $0x0  }
0x103: {  	[sflag:s5] =	ssyncadd.s32 $0xFFFFF800  }
0x104: {  	_ =	swait.ge [sflag:s5], $0x800  }
0x105: {  	[sflag:s5] =	ssyncset.done $0x0  }
0x106: {  	[sflag:s5] =	ssyncadd.s32 $0xFFFFF800  }
0x107: {  	_ =	swait.ge [sflag:s5], $0x800  }
0x108: {  	[sflag:s5] =	ssyncset.done $0x0  }
0x109: {  	[sflag:s5] =	ssyncadd.s32 $0xFFFFF800  }
0x10a: {  	_ =	swait.ge [sflag:s5], $0x800  }
0x10b: {  	[sflag:s5] =	ssyncset.done $0x0  }
0x10c: {  	[sflag:s5] =	ssyncadd.s32 $0xFFFFF800  }
0x10d: {  	_ =	swait.ge [sflag:s5], $0x800  }
0x10e: {  	[sflag:s5] =	ssyncset.done $0x0  }
0x10f: {  	[sflag:s5] =	ssyncadd.s32 $0xFFFFF800  }
0x110: {  	_ =	swait.ge [sflag:s5], $0x800  }
0x111: {  	[sflag:s5] =	ssyncset.done $0x0  }
0x112: {  	[sflag:s5] =	ssyncadd.s32 $0xFFFFF800  }
0x113: {  	_ =	swait.ge [sflag:s5], $0x800  }
0x114: {  	[sflag:s5] =	ssyncset.done $0x0  }
0x115: {  	[sflag:s5] =	ssyncadd.s32 $0xFFFFF800  }
0x116: {  	_ =	swait.ge [sflag:s5], $0x800  }
0x117: {  	[sflag:s5] =	ssyncset.done $0x0  }
0x118: {  	[sflag:s5] =	ssyncadd.s32 $0xFFFFF800  }
0x119: {  	_ =	swait.ge [sflag:s5], $0x800  }
0x11a: {  	[sflag:s5] =	ssyncset.done $0x0  }
0x11b: {  	[sflag:s5] =	ssyncadd.s32 $0xFFFFF800  }
0x11c: {  	_ =	swait.ge [sflag:s5], $0x800  }
0x11d: {  	[sflag:s5] =	ssyncset.done $0x0  }
0x11e: {  	[sflag:s5] =	ssyncadd.s32 $0xFFFFF800  }
0x11f: {  	_ =	swait.ge [sflag:s5], $0x800  }
0x120: {  	[sflag:s5] =	ssyncset.done $0x0  }
0x121: {  	[sflag:s5] =	ssyncadd.s32 $0xFFFFF800  }
0x122: {  	_ =	swait.ge [sflag:s5], $0x800  }
0x123: {  	[sflag:s5] =	ssyncset.done $0x0  }
0x124: {  	[sflag:s5] =	ssyncadd.s32 $0xFFFFF800  }
0x125: {  	_ =	swait.ge [sflag:s5], $0x800  }
0x126: {  	[sflag:s5] =	ssyncset.done $0x0  }
0x127: {  	[sflag:s5] =	ssyncadd.s32 $0xFFFFF800  }
0x128: {  	_ =	swait.ge [sflag:s5], $0x800  }
0x129: {  	[sflag:s5] =	ssyncset.done $0x0  }
0x12a: {  	[sflag:s5] =	ssyncadd.s32 $0xFFFFF800  }
0x12b: {  	_ =	swait.ge [sflag:s5], $0x800  }
0x12c: {  	[sflag:s5] =	ssyncset.done $0x0  }
0x12d: {  	[sflag:s5] =	ssyncadd.s32 $0xFFFFF800  }
0x12e: {  	_ =	swait.ge [sflag:s5], $0x800  }
0x12f: {  	[sflag:s5] =	ssyncset.done $0x0  }
0x130: {  	[sflag:s5] =	ssyncadd.s32 $0xFFFFF800  }
0x131: {  	_ =	swait.ge [sflag:s5], $0x800  }
0x132: {  	[sflag:s5] =	ssyncset.done $0x0  }
0x133: {  	[sflag:s5] =	ssyncadd.s32 $0xFFFFF800  }
0x134: {  	_ =	swait.ge [sflag:s5], $0x800  }
0x135: {  	[sflag:s5] =	ssyncset.done $0x0  }
0x136: {  	[sflag:s5] =	ssyncadd.s32 $0xFFFFF800  }
0x137: {  	_ =	swait.ge [sflag:s5], $0x800  }
0x138: {  	[sflag:s5] =	ssyncset.done $0x0  }
0x139: {  	[sflag:s5] =	ssyncadd.s32 $0xFFFFF800  }
0x13a: {  	_ =	swait.ge [sflag:s5], $0x800  }
0x13b: {  	[sflag:s5] =	ssyncset.done $0x0  }
0x13c: {  	[sflag:s5] =	ssyncadd.s32 $0xFFFFF800  }
0x13d: {  	_ =	swait.ge [sflag:s5], $0x800  }
0x13e: {  	[sflag:s5] =	ssyncset.done $0x0  }
0x13f: {  	s26 =	simm.s32 $0xEA00;
	s24 =	rddreg [dreg:$0x7];
	[sflag:s5] =	ssyncadd.s32 $0xFFFFF800  }
0x140: {  	[hbm4b:s24+s30] =	stream.linear.scatter [tilespmem:s26], [sflag:$0x3], $0xD00, $0x38;
	[tilespmem:$0xF700] =	vst v63  }
0x141: {  	_ =	swait.ge [sflag:s3], $0xD00  }
0x142: {  	[sflag:s3] =	ssyncset.done $0x0  }
0x143: {  	s26 =	rddreg [dreg:$0x8];
	[sflag:s3] =	ssyncadd.s32 $0xFFFFF300  }
0x144: {  	[tilespmem:s30], [sflag:$0x3] =	stream.linear.gather [hbm4b:s26+s30], $0xD00, $0x38;
	[tilespmem:$0xF700] =	vst v63  }
0x145: {  	_ =	swait.ge [sflag:s3], $0xD00  }
0x146: {  	[sflag:s3] =	ssyncset.done $0x0  }
0x147: {  	s26 =	simm.s32 $0x1A00;
	[sflag:s3] =	ssyncadd.s32 $0xFFFFF300  }
0x148: {  	[tilespmem:s26], [sflag:$0x1] =	stream.indirect.gather [hbm4b:s8+s2], $0x10, s30, s2, $0xb8;
	[tilespmem:$0xF700] =	vst v63  }
0x149: {  	s29 =	simm.s32 $0xEA00  }
0x14a: {  	[tilespmem:s29], [sflag:$0x2] =	stream.indirect.gather [hbm4b:s20+s2], $0x1, s30, s2, $0xb8;
	[tilespmem:$0xF700] =	vst v63  }
0x14b: {  	s24 =	rddreg [dreg:$0x9]  }
0x14c: {  	[tilespmem:s2], [sflag:$0x3] =	stream.linear.gather [hbm4b:s24+s30], $0xD00, $0x38;
	[tilespmem:$0xF700] =	vst v63  }
0x14d: {  	_ =	swait.ge [sflag:s3], $0xD00  }
0x14e: {  	[sflag:s3] =	ssyncset.done $0x0  }
0x14f: {  	[sflag:s3] =	ssyncadd.s32 $0xFFFFF300  }
0x150: {  	_ =	swait.ge [sflag:s5], $0xD000  }
0x151: {  	[sflag:s5] =	ssyncset.done $0x0  }
0x152: {  	[sflag:s5] =	ssyncadd.s32 $0xFFFF3000  }
0x153: {  	_ =	swait.ge [sflag:s10], $0xD00  }
0x154: {  	[sflag:s10] =	ssyncset.done $0x0  }
0x155: {  	[sflag:s10] =	ssyncadd.s32 $0xFFFFF300  }
0x156: {  	[hbm4b:s6+s7] =	stream.indirect.scatter [tilespmem:s26], [sflag:$0x1], $0x10, s2, s7, $0xb8;
	[tilespmem:$0xF700] =	vst v63  }
0x157: {  	s29 =	simm.s32 $0xD80  }
0x158: {  	[hbm4b:s6+s7] =	stream.indirect.scatter [tilespmem:s28], [sflag:$0x1], $0x10, s29, s7, $0xb8;
	[tilespmem:$0xF700] =	vst v63  }
0x159: {  	s29 =	simm.s32 $0xE00  }
0x15a: {  	[hbm4b:s6+s7] =	stream.indirect.scatter [tilespmem:s15], [sflag:$0x1], $0x10, s29, s7, $0xb8;
	[tilespmem:$0xF700] =	vst v63  }
0x15b: {  	s28 =	simm.s32 $0xE80  }
0x15c: {  	[hbm4b:s6+s7] =	stream.indirect.scatter [tilespmem:s23], [sflag:$0x1], $0x10, s28, s7, $0xb8;
	[tilespmem:$0xF700] =	vst v63  }
0x15d: {  	s29 =	simm.s32 $0xF00  }
0x15e: {  	[hbm4b:s6+s7] =	stream.indirect.scatter [tilespmem:s31], [sflag:$0x1], $0x10, s29, s7, $0xb8;
	[tilespmem:$0xF700] =	vst v63  }
0x15f: {  	s24 =	simm.s32 $0x4200;
	s23 =	simm.s32 $0xF80  }
0x160: {  	[hbm4b:s6+s7] =	stream.indirect.scatter [tilespmem:s24], [sflag:$0x1], $0x10, s23, s7, $0xb8;
	[tilespmem:$0xF700] =	vst v63  }
0x161: {  	s28 =	simm.s32 $0x1000  }
0x162: {  	[hbm4b:s6+s7] =	stream.indirect.scatter [tilespmem:s19], [sflag:$0x1], $0x10, s28, s7, $0xb8;
	[tilespmem:$0xF700] =	vst v63  }
0x163: {  	s29 =	simm.s32 $0x1080  }
0x164: {  	[hbm4b:s6+s7] =	stream.indirect.scatter [tilespmem:s21], [sflag:$0x1], $0x10, s29, s7, $0xb8;
	[tilespmem:$0xF700] =	vst v63  }
0x165: {  	s31 =	simm.s32 $0x5A00;
	s23 =	simm.s32 $0x1100  }
0x166: {  	[hbm4b:s6+s7] =	stream.indirect.scatter [tilespmem:s31], [sflag:$0x1], $0x10, s23, s7, $0xb8;
	[tilespmem:$0xF700] =	vst v63  }
0x167: {  	s19 =	simm.s32 $0x1180;
	s21 =	simm.s32 $0x6200  }
0x168: {  	[hbm4b:s6+s7] =	stream.indirect.scatter [tilespmem:s21], [sflag:$0x1], $0x10, s19, s7, $0xb8;
	[tilespmem:$0xF700] =	vst v63  }
0x169: {  	s15 =	simm.s32 $0x6A00  }
0x16a: {  	[hbm4b:s6+s7] =	stream.indirect.scatter [tilespmem:s15], [sflag:$0x1], $0x10, s22, s7, $0xb8;
	[tilespmem:$0xF700] =	vst v63  }
0x16b: {  	_ = 	snop  }
0x16c: {  	[hbm4b:s6+s7] =	stream.indirect.scatter [tilespmem:s18], [sflag:$0x1], $0x10, s25, s7, $0xb8;
	[tilespmem:$0xF700] =	vst v63  }
0x16d: {  	_ = 	snop  }
0x16e: {  	[hbm4b:s6+s7] =	stream.indirect.scatter [tilespmem:s9], [sflag:$0x1], $0x10, s13, s7, $0xb8;
	[tilespmem:$0xF700] =	vst v63  }
0x16f: {  	s18 =	simm.s32 $0x8200;
	s13 =	simm.s32 $0x1380  }
0x170: {  	[hbm4b:s6+s7] =	stream.indirect.scatter [tilespmem:s18], [sflag:$0x1], $0x10, s13, s7, $0xb8;
	[tilespmem:$0xF700] =	vst v63  }
0x171: {  	s9 =	simm.s32 $0x1400  }
0x172: {  	[hbm4b:s6+s7] =	stream.indirect.scatter [tilespmem:s14], [sflag:$0x1], $0x10, s9, s7, $0xb8;
	[tilespmem:$0xF700] =	vst v63  }
0x173: {  	s22 =	simm.s32 $0x1480;
	s13 =	simm.s32 $0x9200  }
0x174: {  	[hbm4b:s6+s7] =	stream.indirect.scatter [tilespmem:s13], [sflag:$0x1], $0x10, s22, s7, $0xb8;
	[tilespmem:$0xF700] =	vst v63  }
0x175: {  	s14 =	simm.s32 $0x9A00  }
0x176: {  	[hbm4b:s6+s7] =	stream.indirect.scatter [tilespmem:s14], [sflag:$0x1], $0x10, s4, s7, $0xb8;
	[tilespmem:$0xF700] =	vst v63  }
0x177: {  	_ = 	snop  }
0x178: {  	[hbm4b:s6+s7] =	stream.indirect.scatter [tilespmem:s16], [sflag:$0x1], $0x10, s12, s7, $0xb8;
	[tilespmem:$0xF700] =	vst v63  }
0x179: {  	_ = 	snop  }
0x17a: {  	[hbm4b:s6+s7] =	stream.indirect.scatter [tilespmem:s17], [sflag:$0x1], $0x10, s11, s7, $0xb8;
	[tilespmem:$0xF700] =	vst v63  }
0x17b: {  	s11 =	simm.s32 $0xB200  }
0x17c: {  	[hbm4b:s6+s7] =	stream.indirect.scatter [tilespmem:s11], [sflag:$0x1], $0x10, s1, s7, $0xb8;
	[tilespmem:$0xF700] =	vst v63  }
0x17d: {  	s12 =	simm.s32 $0xBA00;
	s1 =	simm.s32 $0x1700  }
0x17e: {  	[hbm4b:s6+s7] =	stream.indirect.scatter [tilespmem:s12], [sflag:$0x1], $0x10, s1, s7, $0xb8;
	[tilespmem:$0xF700] =	vst v63  }
0x17f: {  	s16 =	simm.s32 $0xC200  }
0x180: {  	[hbm4b:s6+s7] =	stream.indirect.scatter [tilespmem:s16], [sflag:$0x1], $0x10, s0, s7, $0xb8;
	[tilespmem:$0xF700] =	vst v63  }
0x181: {  	s17 =	simm.s32 $0x1800;
	s0 =	simm.s32 $0xCA00  }
0x182: {  	[hbm4b:s6+s7] =	stream.indirect.scatter [tilespmem:s0], [sflag:$0x1], $0x10, s17, s7, $0xb8;
	[tilespmem:$0xF700] =	vst v63  }
0x183: {  	s18 =	simm.s32 $0xD200;
	s22 =	simm.s32 $0x1880  }
0x184: {  	[hbm4b:s6+s7] =	stream.indirect.scatter [tilespmem:s18], [sflag:$0x1], $0x10, s22, s7, $0xb8;
	[tilespmem:$0xF700] =	vst v63  }
0x185: {  	s28 =	simm.s32 $0x1900;
	s25 =	simm.s32 $0xDA00  }
0x186: {  	[hbm4b:s6+s7] =	stream.indirect.scatter [tilespmem:s25], [sflag:$0x1], $0x10, s28, s7, $0xb8;
	[tilespmem:$0xF700] =	vst v63  }
0x187: {  	s24 =	simm.s32 $0xE200;
	s29 =	simm.s32 $0x1980  }
0x188: {  	[hbm4b:s6+s7] =	stream.indirect.scatter [tilespmem:s24], [sflag:$0x1], $0x10, s29, s7, $0xb8;
	[tilespmem:$0xF700] =	vst v63  }
0x189: {  	_ =	swait.ge [sflag:s5], $0x800  }
0x18a: {  	[sflag:s5] =	ssyncset.done $0x0  }
0x18b: {  	[sflag:s5] =	ssyncadd.s32 $0xFFFFF800  }
0x18c: {  	_ =	swait.ge [sflag:s5], $0x800  }
0x18d: {  	[sflag:s5] =	ssyncset.done $0x0  }
0x18e: {  	[sflag:s5] =	ssyncadd.s32 $0xFFFFF800  }
0x18f: {  	_ =	swait.ge [sflag:s5], $0x800  }
0x190: {  	[sflag:s5] =	ssyncset.done $0x0  }
0x191: {  	[sflag:s5] =	ssyncadd.s32 $0xFFFFF800  }
0x192: {  	_ =	swait.ge [sflag:s5], $0x800  }
0x193: {  	[sflag:s5] =	ssyncset.done $0x0  }
0x194: {  	[sflag:s5] =	ssyncadd.s32 $0xFFFFF800  }
0x195: {  	_ =	swait.ge [sflag:s5], $0x800  }
0x196: {  	[sflag:s5] =	ssyncset.done $0x0  }
0x197: {  	[sflag:s5] =	ssyncadd.s32 $0xFFFFF800  }
0x198: {  	_ =	swait.ge [sflag:s5], $0x800  }
0x199: {  	[sflag:s5] =	ssyncset.done $0x0  }
0x19a: {  	[sflag:s5] =	ssyncadd.s32 $0xFFFFF800  }
0x19b: {  	_ =	swait.ge [sflag:s5], $0x800  }
0x19c: {  	[sflag:s5] =	ssyncset.done $0x0  }
0x19d: {  	[sflag:s5] =	ssyncadd.s32 $0xFFFFF800  }
0x19e: {  	_ =	swait.ge [sflag:s5], $0x800  }
0x19f: {  	[sflag:s5] =	ssyncset.done $0x0  }
0x1a0: {  	[sflag:s5] =	ssyncadd.s32 $0xFFFFF800  }
0x1a1: {  	_ =	swait.ge [sflag:s5], $0x800  }
0x1a2: {  	[sflag:s5] =	ssyncset.done $0x0  }
0x1a3: {  	[sflag:s5] =	ssyncadd.s32 $0xFFFFF800  }
0x1a4: {  	_ =	swait.ge [sflag:s5], $0x800  }
0x1a5: {  	[sflag:s5] =	ssyncset.done $0x0  }
0x1a6: {  	[sflag:s5] =	ssyncadd.s32 $0xFFFFF800  }
0x1a7: {  	_ =	swait.ge [sflag:s5], $0x800  }
0x1a8: {  	[sflag:s5] =	ssyncset.done $0x0  }
0x1a9: {  	[sflag:s5] =	ssyncadd.s32 $0xFFFFF800  }
0x1aa: {  	_ =	swait.ge [sflag:s5], $0x800  }
0x1ab: {  	[sflag:s5] =	ssyncset.done $0x0  }
0x1ac: {  	[sflag:s5] =	ssyncadd.s32 $0xFFFFF800  }
0x1ad: {  	_ =	swait.ge [sflag:s5], $0x800  }
0x1ae: {  	[sflag:s5] =	ssyncset.done $0x0  }
0x1af: {  	[sflag:s5] =	ssyncadd.s32 $0xFFFFF800  }
0x1b0: {  	_ =	swait.ge [sflag:s5], $0x800  }
0x1b1: {  	[sflag:s5] =	ssyncset.done $0x0  }
0x1b2: {  	[sflag:s5] =	ssyncadd.s32 $0xFFFFF800  }
0x1b3: {  	_ =	swait.ge [sflag:s5], $0x800  }
0x1b4: {  	[sflag:s5] =	ssyncset.done $0x0  }
0x1b5: {  	[sflag:s5] =	ssyncadd.s32 $0xFFFFF800  }
0x1b6: {  	_ =	swait.ge [sflag:s5], $0x800  }
0x1b7: {  	[sflag:s5] =	ssyncset.done $0x0  }
0x1b8: {  	[sflag:s5] =	ssyncadd.s32 $0xFFFFF800  }
0x1b9: {  	_ =	swait.ge [sflag:s5], $0x800  }
0x1ba: {  	[sflag:s5] =	ssyncset.done $0x0  }
0x1bb: {  	[sflag:s5] =	ssyncadd.s32 $0xFFFFF800  }
0x1bc: {  	_ =	swait.ge [sflag:s5], $0x800  }
0x1bd: {  	[sflag:s5] =	ssyncset.done $0x0  }
0x1be: {  	[sflag:s5] =	ssyncadd.s32 $0xFFFFF800  }
0x1bf: {  	_ =	swait.ge [sflag:s5], $0x800  }
0x1c0: {  	[sflag:s5] =	ssyncset.done $0x0  }
0x1c1: {  	[sflag:s5] =	ssyncadd.s32 $0xFFFFF800  }
0x1c2: {  	_ =	swait.ge [sflag:s5], $0x800  }
0x1c3: {  	[sflag:s5] =	ssyncset.done $0x0  }
0x1c4: {  	[sflag:s5] =	ssyncadd.s32 $0xFFFFF800  }
0x1c5: {  	_ =	swait.ge [sflag:s5], $0x800  }
0x1c6: {  	[sflag:s5] =	ssyncset.done $0x0  }
0x1c7: {  	[sflag:s5] =	ssyncadd.s32 $0xFFFFF800  }
0x1c8: {  	_ =	swait.ge [sflag:s5], $0x800  }
0x1c9: {  	[sflag:s5] =	ssyncset.done $0x0  }
0x1ca: {  	[sflag:s5] =	ssyncadd.s32 $0xFFFFF800  }
0x1cb: {  	_ =	swait.ge [sflag:s5], $0x800  }
0x1cc: {  	[sflag:s5] =	ssyncset.done $0x0  }
0x1cd: {  	[sflag:s5] =	ssyncadd.s32 $0xFFFFF800  }
0x1ce: {  	_ =	swait.ge [sflag:s5], $0x800  }
0x1cf: {  	[sflag:s5] =	ssyncset.done $0x0  }
0x1d0: {  	[sflag:s5] =	ssyncadd.s32 $0xFFFFF800  }
0x1d1: {  	_ =	swait.ge [sflag:s5], $0x800  }
0x1d2: {  	[sflag:s5] =	ssyncset.done $0x0  }
0x1d3: {  	[sflag:s5] =	ssyncadd.s32 $0xFFFFF800  }
0x1d4: {  	_ =	swait.ge [sflag:s5], $0x800  }
0x1d5: {  	[sflag:s5] =	ssyncset.done $0x0  }
0x1d6: {  	s4 =	simm.s32 $0xEA00;
	s24 =	rddreg [dreg:$0xa];
	[sflag:s5] =	ssyncadd.s32 $0xFFFFF800  }
0x1d7: {  	[hbm4b:s24+s30] =	stream.linear.scatter [tilespmem:s4], [sflag:$0x3], $0xD00, $0x38;
	[tilespmem:$0xF700] =	vst v63  }
0x1d8: {  	_ =	swait.ge [sflag:s3], $0xD00  }
0x1d9: {  	[sflag:s3] =	ssyncset.done $0x0  }
0x1da: {  	s4 =	rddreg [dreg:$0xb];
	[sflag:s3] =	ssyncadd.s32 $0xFFFFF300  }
0x1db: {  	[tilespmem:s30], [sflag:$0x3] =	stream.linear.gather [hbm4b:s4+s30], $0xD00, $0x38;
	[tilespmem:$0xF700] =	vst v63  }
0x1dc: {  	_ =	swait.ge [sflag:s3], $0xD00  }
0x1dd: {  	[sflag:s3] =	ssyncset.done $0x0  }
0x1de: {  	s26 =	simm.s32 $0x1A00;
	[dreg:$0xf] =	wrdreg s8;
	[sflag:s3] =	ssyncadd.s32 $0xFFFFF300  }
0x1df: {  	[tilespmem:s26], [sflag:$0x1] =	stream.indirect.gather [hbm4b:s8+s2], $0x10, s30, s2, $0xb8;
	[tilespmem:$0xF700] =	vst v63  }
0x1e0: {  	[dreg:$0xe] =	wrdreg s20;
	s8 =	simm.s32 $0xEA00  }
0x1e1: {  	[tilespmem:s8], [sflag:$0x2] =	stream.indirect.gather [hbm4b:s20+s2], $0x1, s30, s2, $0xb8;
	[tilespmem:$0xF700] =	vst v63  }
0x1e2: {  	s24 =	rddreg [dreg:$0xc]  }
0x1e3: {  	[tilespmem:s2], [sflag:$0x3] =	stream.linear.gather [hbm4b:s24+s30], $0xD00, $0x38;
	[tilespmem:$0xF700] =	vst v63  }
0x1e4: {  	_ =	swait.ge [sflag:s3], $0xD00  }
0x1e5: {  	[sflag:s3] =	ssyncset.done $0x0  }
0x1e6: {  	[sflag:s3] =	ssyncadd.s32 $0xFFFFF300  }
0x1e7: {  	_ =	swait.ge [sflag:s5], $0xD000  }
0x1e8: {  	[sflag:s5] =	ssyncset.done $0x0  }
0x1e9: {  	[sflag:s5] =	ssyncadd.s32 $0xFFFF3000  }
0x1ea: {  	_ =	swait.ge [sflag:s10], $0xD00  }
0x1eb: {  	[sflag:s10] =	ssyncset.done $0x0  }
0x1ec: {  	[sflag:s10] =	ssyncadd.s32 $0xFFFFF300;
	s10 =	simm.s32 $0xD00  }
0x1ed: {  	[hbm4b:s6+s7] =	stream.indirect.scatter [tilespmem:s26], [sflag:$0x1], $0x10, s10, s7, $0xb8;
	[tilespmem:$0xF700] =	vst v63  }
0x1ee: {  	s24 =	simm.s32 $0x2200;
	s26 =	simm.s32 $0xD80  }
0x1ef: {  	[hbm4b:s6+s7] =	stream.indirect.scatter [tilespmem:s24], [sflag:$0x1], $0x10, s26, s7, $0xb8;
	[tilespmem:$0xF700] =	vst v63  }
0x1f0: {  	s8 =	simm.s32 $0x2A00;
	s20 =	simm.s32 $0xE00  }
0x1f1: {  	[hbm4b:s6+s7] =	stream.indirect.scatter [tilespmem:s8], [sflag:$0x1], $0x10, s20, s7, $0xb8;
	[tilespmem:$0xF700] =	vst v63  }
0x1f2: {  	s24 =	simm.s32 $0x3200;
	s26 =	simm.s32 $0xE80  }
0x1f3: {  	[hbm4b:s6+s7] =	stream.indirect.scatter [tilespmem:s24], [sflag:$0x1], $0x10, s26, s7, $0xb8;
	[tilespmem:$0xF700] =	vst v63  }
0x1f4: {  	s8 =	simm.s32 $0x3A00;
	s20 =	simm.s32 $0xF00  }
0x1f5: {  	[hbm4b:s6+s7] =	stream.indirect.scatter [tilespmem:s8], [sflag:$0x1], $0x10, s20, s7, $0xb8;
	[tilespmem:$0xF700] =	vst v63  }
0x1f6: {  	s24 =	simm.s32 $0x4200;
	s26 =	simm.s32 $0xF80  }
0x1f7: {  	[hbm4b:s6+s7] =	stream.indirect.scatter [tilespmem:s24], [sflag:$0x1], $0x10, s26, s7, $0xb8;
	[tilespmem:$0xF700] =	vst v63  }
0x1f8: {  	s8 =	simm.s32 $0x4A00;
	s20 =	simm.s32 $0x1000  }
0x1f9: {  	[hbm4b:s6+s7] =	stream.indirect.scatter [tilespmem:s8], [sflag:$0x1], $0x10, s20, s7, $0xb8;
	[tilespmem:$0xF700] =	vst v63  }
0x1fa: {  	s24 =	simm.s32 $0x5200;
	s26 =	simm.s32 $0x1080  }
0x1fb: {  	[hbm4b:s6+s7] =	stream.indirect.scatter [tilespmem:s24], [sflag:$0x1], $0x10, s26, s7, $0xb8;
	[tilespmem:$0xF700] =	vst v63  }
0x1fc: {  	s8 =	simm.s32 $0x5A00  }
0x1fd: {  	[hbm4b:s6+s7] =	stream.indirect.scatter [tilespmem:s8], [sflag:$0x1], $0x10, s23, s7, $0xb8;
	[tilespmem:$0xF700] =	vst v63  }
0x1fe: {  	_ = 	snop  }
0x1ff: {  	[hbm4b:s6+s7] =	stream.indirect.scatter [tilespmem:s21], [sflag:$0x1], $0x10, s19, s7, $0xb8;
	[tilespmem:$0xF700] =	vst v63  }
0x200: {  	s19 =	simm.s32 $0x1200  }
0x201: {  	[hbm4b:s6+s7] =	stream.indirect.scatter [tilespmem:s15], [sflag:$0x1], $0x10, s19, s7, $0xb8;
	[tilespmem:$0xF700] =	vst v63  }
0x202: {  	s20 =	simm.s32 $0x7200;
	s21 =	simm.s32 $0x1280  }
0x203: {  	[hbm4b:s6+s7] =	stream.indirect.scatter [tilespmem:s20], [sflag:$0x1], $0x10, s21, s7, $0xb8;
	[tilespmem:$0xF700] =	vst v63  }
0x204: {  	s24 =	simm.s32 $0x1300;
	s23 =	simm.s32 $0x7A00  }
0x205: {  	[hbm4b:s6+s7] =	stream.indirect.scatter [tilespmem:s23], [sflag:$0x1], $0x10, s24, s7, $0xb8;
	[tilespmem:$0xF700] =	vst v63  }
0x206: {  	s31 =	simm.s32 $0x1380;
	s26 =	simm.s32 $0x8200  }
0x207: {  	[hbm4b:s6+s7] =	stream.indirect.scatter [tilespmem:s26], [sflag:$0x1], $0x10, s31, s7, $0xb8;
	[tilespmem:$0xF700] =	vst v63  }
0x208: {  	s8 =	simm.s32 $0x8A00  }
0x209: {  	[hbm4b:s6+s7] =	stream.indirect.scatter [tilespmem:s8], [sflag:$0x1], $0x10, s9, s7, $0xb8;
	[tilespmem:$0xF700] =	vst v63  }
0x20a: {  	s9 =	simm.s32 $0x1480  }
0x20b: {  	[hbm4b:s6+s7] =	stream.indirect.scatter [tilespmem:s13], [sflag:$0x1], $0x10, s9, s7, $0xb8;
	[tilespmem:$0xF700] =	vst v63  }
0x20c: {  	s15 =	simm.s32 $0x1500  }
0x20d: {  	[hbm4b:s6+s7] =	stream.indirect.scatter [tilespmem:s14], [sflag:$0x1], $0x10, s15, s7, $0xb8;
	[tilespmem:$0xF700] =	vst v63  }
0x20e: {  	s19 =	simm.s32 $0x1580;
	s20 =	simm.s32 $0xA200  }
0x20f: {  	[hbm4b:s6+s7] =	stream.indirect.scatter [tilespmem:s20], [sflag:$0x1], $0x10, s19, s7, $0xb8;
	[tilespmem:$0xF700] =	vst v63  }
0x210: {  	s21 =	simm.s32 $0x1600;
	s23 =	simm.s32 $0xAA00  }
0x211: {  	[hbm4b:s6+s7] =	stream.indirect.scatter [tilespmem:s23], [sflag:$0x1], $0x10, s21, s7, $0xb8;
	[tilespmem:$0xF700] =	vst v63  }
0x212: {  	s24 =	simm.s32 $0x1680  }
0x213: {  	[hbm4b:s6+s7] =	stream.indirect.scatter [tilespmem:s11], [sflag:$0x1], $0x10, s24, s7, $0xb8;
	[tilespmem:$0xF700] =	vst v63  }
0x214: {  	_ = 	snop  }
0x215: {  	[hbm4b:s6+s7] =	stream.indirect.scatter [tilespmem:s12], [sflag:$0x1], $0x10, s1, s7, $0xb8;
	[tilespmem:$0xF700] =	vst v63  }
0x216: {  	s26 =	simm.s32 $0x1780  }
0x217: {  	[hbm4b:s6+s7] =	stream.indirect.scatter [tilespmem:s16], [sflag:$0x1], $0x10, s26, s7, $0xb8;
	[tilespmem:$0xF700] =	vst v63  }
0x218: {  	_ = 	snop  }
0x219: {  	[hbm4b:s6+s7] =	stream.indirect.scatter [tilespmem:s0], [sflag:$0x1], $0x10, s17, s7, $0xb8;
	[tilespmem:$0xF700] =	vst v63  }
0x21a: {  	_ = 	snop  }
0x21b: {  	[hbm4b:s6+s7] =	stream.indirect.scatter [tilespmem:s18], [sflag:$0x1], $0x10, s22, s7, $0xb8;
	[tilespmem:$0xF700] =	vst v63  }
0x21c: {  	_ = 	snop  }
0x21d: {  	[hbm4b:s6+s7] =	stream.indirect.scatter [tilespmem:s25], [sflag:$0x1], $0x10, s28, s7, $0xb8;
	[tilespmem:$0xF700] =	vst v63  }
0x21e: {  	s28 =	simm.s32 $0xE200  }
0x21f: {  	[hbm4b:s6+s7] =	stream.indirect.scatter [tilespmem:s28], [sflag:$0x1], $0x10, s29, s7, $0xb8;
	[tilespmem:$0xF700] =	vst v63  }
0x220: {  	_ =	swait.ge [sflag:s5], $0x800  }
0x221: {  	[sflag:s5] =	ssyncset.done $0x0  }
0x222: {  	[sflag:s5] =	ssyncadd.s32 $0xFFFFF800  }
0x223: {  	_ =	swait.ge [sflag:s5], $0x800  }
0x224: {  	[sflag:s5] =	ssyncset.done $0x0  }
0x225: {  	[sflag:s5] =	ssyncadd.s32 $0xFFFFF800  }
0x226: {  	_ =	swait.ge [sflag:s5], $0x800  }
0x227: {  	[sflag:s5] =	ssyncset.done $0x0  }
0x228: {  	[sflag:s5] =	ssyncadd.s32 $0xFFFFF800  }
0x229: {  	_ =	swait.ge [sflag:s5], $0x800  }
0x22a: {  	[sflag:s5] =	ssyncset.done $0x0  }
0x22b: {  	[sflag:s5] =	ssyncadd.s32 $0xFFFFF800  }
0x22c: {  	_ =	swait.ge [sflag:s5], $0x800  }
0x22d: {  	[sflag:s5] =	ssyncset.done $0x0  }
0x22e: {  	[sflag:s5] =	ssyncadd.s32 $0xFFFFF800  }
0x22f: {  	_ =	swait.ge [sflag:s5], $0x800  }
0x230: {  	[sflag:s5] =	ssyncset.done $0x0  }
0x231: {  	[sflag:s5] =	ssyncadd.s32 $0xFFFFF800  }
0x232: {  	_ =	swait.ge [sflag:s5], $0x800  }
0x233: {  	[sflag:s5] =	ssyncset.done $0x0  }
0x234: {  	[sflag:s5] =	ssyncadd.s32 $0xFFFFF800  }
0x235: {  	_ =	swait.ge [sflag:s5], $0x800  }
0x236: {  	[sflag:s5] =	ssyncset.done $0x0  }
0x237: {  	[sflag:s5] =	ssyncadd.s32 $0xFFFFF800  }
0x238: {  	_ =	swait.ge [sflag:s5], $0x800  }
0x239: {  	[sflag:s5] =	ssyncset.done $0x0  }
0x23a: {  	[sflag:s5] =	ssyncadd.s32 $0xFFFFF800  }
0x23b: {  	_ =	swait.ge [sflag:s5], $0x800  }
0x23c: {  	[sflag:s5] =	ssyncset.done $0x0  }
0x23d: {  	[sflag:s5] =	ssyncadd.s32 $0xFFFFF800  }
0x23e: {  	_ =	swait.ge [sflag:s5], $0x800  }
0x23f: {  	[sflag:s5] =	ssyncset.done $0x0  }
0x240: {  	[sflag:s5] =	ssyncadd.s32 $0xFFFFF800  }
0x241: {  	_ =	swait.ge [sflag:s5], $0x800  }
0x242: {  	[sflag:s5] =	ssyncset.done $0x0  }
0x243: {  	[sflag:s5] =	ssyncadd.s32 $0xFFFFF800  }
0x244: {  	_ =	swait.ge [sflag:s5], $0x800  }
0x245: {  	[sflag:s5] =	ssyncset.done $0x0  }
0x246: {  	[sflag:s5] =	ssyncadd.s32 $0xFFFFF800  }
0x247: {  	_ =	swait.ge [sflag:s5], $0x800  }
0x248: {  	[sflag:s5] =	ssyncset.done $0x0  }
0x249: {  	[sflag:s5] =	ssyncadd.s32 $0xFFFFF800  }
0x24a: {  	_ =	swait.ge [sflag:s5], $0x800  }
0x24b: {  	[sflag:s5] =	ssyncset.done $0x0  }
0x24c: {  	[sflag:s5] =	ssyncadd.s32 $0xFFFFF800  }
0x24d: {  	_ =	swait.ge [sflag:s5], $0x800  }
0x24e: {  	[sflag:s5] =	ssyncset.done $0x0  }
0x24f: {  	[sflag:s5] =	ssyncadd.s32 $0xFFFFF800  }
0x250: {  	_ =	swait.ge [sflag:s5], $0x800  }
0x251: {  	[sflag:s5] =	ssyncset.done $0x0  }
0x252: {  	[sflag:s5] =	ssyncadd.s32 $0xFFFFF800  }
0x253: {  	_ =	swait.ge [sflag:s5], $0x800  }
0x254: {  	[sflag:s5] =	ssyncset.done $0x0  }
0x255: {  	[sflag:s5] =	ssyncadd.s32 $0xFFFFF800  }
0x256: {  	_ =	swait.ge [sflag:s5], $0x800  }
0x257: {  	[sflag:s5] =	ssyncset.done $0x0  }
0x258: {  	[sflag:s5] =	ssyncadd.s32 $0xFFFFF800  }
0x259: {  	_ =	swait.ge [sflag:s5], $0x800  }
0x25a: {  	[sflag:s5] =	ssyncset.done $0x0  }
0x25b: {  	[sflag:s5] =	ssyncadd.s32 $0xFFFFF800  }
0x25c: {  	_ =	swait.ge [sflag:s5], $0x800  }
0x25d: {  	[sflag:s5] =	ssyncset.done $0x0  }
0x25e: {  	[sflag:s5] =	ssyncadd.s32 $0xFFFFF800  }
0x25f: {  	_ =	swait.ge [sflag:s5], $0x800  }
0x260: {  	[sflag:s5] =	ssyncset.done $0x0  }
0x261: {  	[sflag:s5] =	ssyncadd.s32 $0xFFFFF800  }
0x262: {  	_ =	swait.ge [sflag:s5], $0x800  }
0x263: {  	[sflag:s5] =	ssyncset.done $0x0  }
0x264: {  	[sflag:s5] =	ssyncadd.s32 $0xFFFFF800  }
0x265: {  	_ =	swait.ge [sflag:s5], $0x800  }
0x266: {  	[sflag:s5] =	ssyncset.done $0x0  }
0x267: {  	[sflag:s5] =	ssyncadd.s32 $0xFFFFF800  }
0x268: {  	_ =	swait.ge [sflag:s5], $0x800  }
0x269: {  	[sflag:s5] =	ssyncset.done $0x0  }
0x26a: {  	[sflag:s5] =	ssyncadd.s32 $0xFFFFF800  }
0x26b: {  	_ =	swait.ge [sflag:s5], $0x800  }
0x26c: {  	s31 =	rddreg [dreg:$0x10]  }
0x26d: {  	p1 =	sne.s32 s31, $0x1  }
.Ltmp1:
0x26e: {  	[sflag:s5] =	ssyncset.done $0x0;
	(pc) =	sbr.rel @!p1 .LBB2_6-.Ltmp1, $4  }
0x26f: {  	s4 =	simm.s32 $0xEA00;
	s29 =	rddreg [dreg:$0xd];
	[sflag:s5] =	ssyncadd.s32 $0xFFFFF800  }
0x270: {  	[hbm4b:s29+s30] =	stream.linear.scatter [tilespmem:s4], [sflag:$0x3], $0xD00, $0x38;
	[tilespmem:$0xF700] =	vst v63  }
0x271: {  	p0 =	por $0x1, $0x1;
	_ =	swait.ge [sflag:s3], $0xD00  }
0x272: {  	s23 =	sadd.s32 $0xFFFFFFFF, s31;
	s24 =	rddreg [dreg:$0x2];
	[sflag:s3] =	ssyncset.done $0x0  }
0x273: {  	s11 =	simm.s32 $0x1A00;
	s2 =	simm.s32 $0xD00  }
.LBB2_3:
0x274: {  	[sflag:s3] =	ssyncadd.s32 $0xFFFFF300  }
0x275: {  	[tilespmem:s30], [sflag:$0x3] =	stream.linear.gather [hbm4b:s24+s30], $0xD00, $0x38;
	[tilespmem:$0xF700] =	vst v63  }
0x276: {  	_ =	swait.ge [sflag:s3], $0xD00  }
0x277: {  	[sflag:s3] =	ssyncset.done $0x0  }
0x278: {  	s9 =	rddreg [dreg:$0xf];
	[sflag:s3] =	ssyncadd.s32 $0xFFFFF300  }
0x279: {  	[tilespmem:s11], [sflag:$0x1] =	stream.indirect.gather [hbm4b:s9+s10], $0x10, s30, s10, $0xb8;
	[tilespmem:$0xF700] =	vst v63  }
0x27a: {  	s1 =	rddreg [dreg:$0xe]  }
0x27b: {  	[tilespmem:s4], [sflag:$0x2] =	stream.indirect.gather [hbm4b:s1+s10], $0x1, s30, s10, $0xb8;
	[tilespmem:$0xF700] =	vst v63  }
0x27c: {  	s26 =	rddreg [dreg:$0x3]  }
0x27d: {  	[tilespmem:s10], [sflag:$0x3] =	stream.linear.gather [hbm4b:s26+s30], $0xD00, $0x38;
	[tilespmem:$0xF700] =	vst v63  }
0x27e: {  	_ =	swait.ge [sflag:s3], $0xD00  }
0x27f: {  	[sflag:s3] =	ssyncset.done $0x0  }
0x280: {  	[sflag:s3] =	ssyncadd.s32 $0xFFFFF300  }
0x281: {  	_ =	swait.ge [sflag:s5], $0xD000  }
0x282: {  	[sflag:s5] =	ssyncset.done $0x0  }
0x283: {  	s10 =	simm.s32 $0x2;
	[sflag:s5] =	ssyncadd.s32 $0xFFFF3000  }
0x284: {  	_ =	swait.ge [sflag:s10], $0xD00  }
0x285: {  	[sflag:s10] =	ssyncset.done $0x0  }
0x286: {  	[sflag:s10] =	ssyncadd.s32 $0xFFFFF300  }
0x287: {  	[hbm4b:s6+s7] =	stream.indirect.scatter [tilespmem:s11], [sflag:$0x1], $0x10, s2, s7, $0xb8;
	[tilespmem:$0xF700] =	vst v63  }
0x288: {  	s0 =	simm.s32 $0xD80;
	s28 =	simm.s32 $0x2200  }
0x289: {  	[hbm4b:s6+s7] =	stream.indirect.scatter [tilespmem:s28], [sflag:$0x1], $0x10, s0, s7, $0xb8;
	[tilespmem:$0xF700] =	vst v63  }
0x28a: {  	s29 =	simm.s32 $0xE00;
	s31 =	simm.s32 $0x2A00  }
0x28b: {  	[hbm4b:s6+s7] =	stream.indirect.scatter [tilespmem:s31], [sflag:$0x1], $0x10, s29, s7, $0xb8;
	[tilespmem:$0xF700] =	vst v63  }
0x28c: {  	s8 =	simm.s32 $0x3200;
	s4 =	simm.s32 $0xE80  }
0x28d: {  	[hbm4b:s6+s7] =	stream.indirect.scatter [tilespmem:s8], [sflag:$0x1], $0x10, s4, s7, $0xb8;
	[tilespmem:$0xF700] =	vst v63  }
0x28e: {  	s12 =	simm.s32 $0xF00;
	s13 =	simm.s32 $0x3A00  }
0x28f: {  	[hbm4b:s6+s7] =	stream.indirect.scatter [tilespmem:s13], [sflag:$0x1], $0x10, s12, s7, $0xb8;
	[tilespmem:$0xF700] =	vst v63  }
0x290: {  	s15 =	simm.s32 $0xF80;
	s16 =	simm.s32 $0x4200  }
0x291: {  	[hbm4b:s6+s7] =	stream.indirect.scatter [tilespmem:s16], [sflag:$0x1], $0x10, s15, s7, $0xb8;
	[tilespmem:$0xF700] =	vst v63  }
0x292: {  	s17 =	simm.s32 $0x1000;
	s18 =	simm.s32 $0x4A00  }
0x293: {  	[hbm4b:s6+s7] =	stream.indirect.scatter [tilespmem:s18], [sflag:$0x1], $0x10, s17, s7, $0xb8;
	[tilespmem:$0xF700] =	vst v63  }
0x294: {  	s19 =	simm.s32 $0x1080;
	s20 =	simm.s32 $0x5200  }
0x295: {  	[hbm4b:s6+s7] =	stream.indirect.scatter [tilespmem:s20], [sflag:$0x1], $0x10, s19, s7, $0xb8;
	[tilespmem:$0xF700] =	vst v63  }
0x296: {  	s21 =	simm.s32 $0x1100;
	s24 =	simm.s32 $0x5A00  }
0x297: {  	[hbm4b:s6+s7] =	stream.indirect.scatter [tilespmem:s24], [sflag:$0x1], $0x10, s21, s7, $0xb8;
	[tilespmem:$0xF700] =	vst v63  }
0x298: {  	s25 =	simm.s32 $0x6200;
	s8 =	simm.s32 $0x1180  }
0x299: {  	[hbm4b:s6+s7] =	stream.indirect.scatter [tilespmem:s25], [sflag:$0x1], $0x10, s8, s7, $0xb8;
	[tilespmem:$0xF700] =	vst v63  }
0x29a: {  	s26 =	simm.s32 $0x6A00;
	s12 =	simm.s32 $0x1200  }
0x29b: {  	[hbm4b:s6+s7] =	stream.indirect.scatter [tilespmem:s26], [sflag:$0x1], $0x10, s12, s7, $0xb8;
	[tilespmem:$0xF700] =	vst v63  }
0x29c: {  	s29 =	simm.s32 $0x7200;
	s13 =	simm.s32 $0x1280  }
0x29d: {  	[hbm4b:s6+s7] =	stream.indirect.scatter [tilespmem:s29], [sflag:$0x1], $0x10, s13, s7, $0xb8;
	[tilespmem:$0xF700] =	vst v63  }
0x29e: {  	s4 =	simm.s32 $0x7A00;
	s15 =	simm.s32 $0x1300  }
0x29f: {  	[hbm4b:s6+s7] =	stream.indirect.scatter [tilespmem:s4], [sflag:$0x1], $0x10, s15, s7, $0xb8;
	[tilespmem:$0xF700] =	vst v63  }
0x2a0: {  	s17 =	simm.s32 $0x1380;
	s8 =	simm.s32 $0x8200  }
0x2a1: {  	[hbm4b:s6+s7] =	stream.indirect.scatter [tilespmem:s8], [sflag:$0x1], $0x10, s17, s7, $0xb8;
	[tilespmem:$0xF700] =	vst v63  }
0x2a2: {  	s13 =	simm.s32 $0x1400;
	s15 =	simm.s32 $0x8A00  }
0x2a3: {  	[hbm4b:s6+s7] =	stream.indirect.scatter [tilespmem:s15], [sflag:$0x1], $0x10, s13, s7, $0xb8;
	[tilespmem:$0xF700] =	vst v63  }
0x2a4: {  	s26 =	simm.s32 $0x9200;
	s17 =	simm.s32 $0x1480  }
0x2a5: {  	[hbm4b:s6+s7] =	stream.indirect.scatter [tilespmem:s26], [sflag:$0x1], $0x10, s17, s7, $0xb8;
	[tilespmem:$0xF700] =	vst v63  }
0x2a6: {  	s0 =	simm.s32 $0x9A00;
	s29 =	simm.s32 $0x1500  }
0x2a7: {  	[hbm4b:s6+s7] =	stream.indirect.scatter [tilespmem:s0], [sflag:$0x1], $0x10, s29, s7, $0xb8;
	[tilespmem:$0xF700] =	vst v63  }
0x2a8: {  	s4 =	simm.s32 $0x1580;
	s8 =	simm.s32 $0xA200  }
0x2a9: {  	[hbm4b:s6+s7] =	stream.indirect.scatter [tilespmem:s8], [sflag:$0x1], $0x10, s4, s7, $0xb8;
	[tilespmem:$0xF700] =	vst v63  }
0x2aa: {  	s13 =	simm.s32 $0x1600;
	s15 =	simm.s32 $0xAA00  }
0x2ab: {  	[hbm4b:s6+s7] =	stream.indirect.scatter [tilespmem:s15], [sflag:$0x1], $0x10, s13, s7, $0xb8;
	[tilespmem:$0xF700] =	vst v63  }
0x2ac: {  	s17 =	simm.s32 $0x1680;
	s0 =	simm.s32 $0xB200  }
0x2ad: {  	[hbm4b:s6+s7] =	stream.indirect.scatter [tilespmem:s0], [sflag:$0x1], $0x10, s17, s7, $0xb8;
	[tilespmem:$0xF700] =	vst v63  }
0x2ae: {  	s8 =	simm.s32 $0x1700;
	s13 =	simm.s32 $0xBA00  }
0x2af: {  	[hbm4b:s6+s7] =	stream.indirect.scatter [tilespmem:s13], [sflag:$0x1], $0x10, s8, s7, $0xb8;
	[tilespmem:$0xF700] =	vst v63  }
0x2b0: {  	s15 =	simm.s32 $0x1780;
	s0 =	simm.s32 $0xC200  }
0x2b1: {  	[hbm4b:s6+s7] =	stream.indirect.scatter [tilespmem:s0], [sflag:$0x1], $0x10, s15, s7, $0xb8;
	[tilespmem:$0xF700] =	vst v63  }
0x2b2: {  	s8 =	simm.s32 $0x1800;
	s13 =	simm.s32 $0xCA00  }
0x2b3: {  	[hbm4b:s6+s7] =	stream.indirect.scatter [tilespmem:s13], [sflag:$0x1], $0x10, s8, s7, $0xb8;
	[tilespmem:$0xF700] =	vst v63  }
0x2b4: {  	s15 =	simm.s32 $0x1880;
	s0 =	simm.s32 $0xD200  }
0x2b5: {  	[hbm4b:s6+s7] =	stream.indirect.scatter [tilespmem:s0], [sflag:$0x1], $0x10, s15, s7, $0xb8;
	[tilespmem:$0xF700] =	vst v63  }
0x2b6: {  	s4 =	simm.s32 $0x1900;
	s8 =	simm.s32 $0xDA00  }
0x2b7: {  	[hbm4b:s6+s7] =	stream.indirect.scatter [tilespmem:s8], [sflag:$0x1], $0x10, s4, s7, $0xb8;
	[tilespmem:$0xF700] =	vst v63  }
0x2b8: {  	s13 =	simm.s32 $0x1980;
	s15 =	simm.s32 $0xE200  }
0x2b9: {  	[hbm4b:s6+s7] =	stream.indirect.scatter [tilespmem:s15], [sflag:$0x1], $0x10, s13, s7, $0xb8;
	[tilespmem:$0xF700] =	vst v63  }
0x2ba: {  	_ =	swait.ge [sflag:s5], $0x800  }
0x2bb: {  	[sflag:s5] =	ssyncset.done $0x0  }
0x2bc: {  	[sflag:s5] =	ssyncadd.s32 $0xFFFFF800  }
0x2bd: {  	_ =	swait.ge [sflag:s5], $0x800  }
0x2be: {  	[sflag:s5] =	ssyncset.done $0x0  }
0x2bf: {  	[sflag:s5] =	ssyncadd.s32 $0xFFFFF800  }
0x2c0: {  	_ =	swait.ge [sflag:s5], $0x800  }
0x2c1: {  	[sflag:s5] =	ssyncset.done $0x0  }
0x2c2: {  	[sflag:s5] =	ssyncadd.s32 $0xFFFFF800  }
0x2c3: {  	_ =	swait.ge [sflag:s5], $0x800  }
0x2c4: {  	[sflag:s5] =	ssyncset.done $0x0  }
0x2c5: {  	[sflag:s5] =	ssyncadd.s32 $0xFFFFF800  }
0x2c6: {  	_ =	swait.ge [sflag:s5], $0x800  }
0x2c7: {  	[sflag:s5] =	ssyncset.done $0x0  }
0x2c8: {  	[sflag:s5] =	ssyncadd.s32 $0xFFFFF800  }
0x2c9: {  	_ =	swait.ge [sflag:s5], $0x800  }
0x2ca: {  	[sflag:s5] =	ssyncset.done $0x0  }
0x2cb: {  	[sflag:s5] =	ssyncadd.s32 $0xFFFFF800  }
0x2cc: {  	_ =	swait.ge [sflag:s5], $0x800  }
0x2cd: {  	[sflag:s5] =	ssyncset.done $0x0  }
0x2ce: {  	[sflag:s5] =	ssyncadd.s32 $0xFFFFF800  }
0x2cf: {  	_ =	swait.ge [sflag:s5], $0x800  }
0x2d0: {  	[sflag:s5] =	ssyncset.done $0x0  }
0x2d1: {  	[sflag:s5] =	ssyncadd.s32 $0xFFFFF800  }
0x2d2: {  	_ =	swait.ge [sflag:s5], $0x800  }
0x2d3: {  	[sflag:s5] =	ssyncset.done $0x0  }
0x2d4: {  	[sflag:s5] =	ssyncadd.s32 $0xFFFFF800  }
0x2d5: {  	_ =	swait.ge [sflag:s5], $0x800  }
0x2d6: {  	[sflag:s5] =	ssyncset.done $0x0  }
0x2d7: {  	[sflag:s5] =	ssyncadd.s32 $0xFFFFF800  }
0x2d8: {  	_ =	swait.ge [sflag:s5], $0x800  }
0x2d9: {  	[sflag:s5] =	ssyncset.done $0x0  }
0x2da: {  	[sflag:s5] =	ssyncadd.s32 $0xFFFFF800  }
0x2db: {  	_ =	swait.ge [sflag:s5], $0x800  }
0x2dc: {  	[sflag:s5] =	ssyncset.done $0x0  }
0x2dd: {  	[sflag:s5] =	ssyncadd.s32 $0xFFFFF800  }
0x2de: {  	_ =	swait.ge [sflag:s5], $0x800  }
0x2df: {  	[sflag:s5] =	ssyncset.done $0x0  }
0x2e0: {  	[sflag:s5] =	ssyncadd.s32 $0xFFFFF800  }
0x2e1: {  	_ =	swait.ge [sflag:s5], $0x800  }
0x2e2: {  	[sflag:s5] =	ssyncset.done $0x0  }
0x2e3: {  	[sflag:s5] =	ssyncadd.s32 $0xFFFFF800  }
0x2e4: {  	_ =	swait.ge [sflag:s5], $0x800  }
0x2e5: {  	[sflag:s5] =	ssyncset.done $0x0  }
0x2e6: {  	[sflag:s5] =	ssyncadd.s32 $0xFFFFF800  }
0x2e7: {  	_ =	swait.ge [sflag:s5], $0x800  }
0x2e8: {  	[sflag:s5] =	ssyncset.done $0x0  }
0x2e9: {  	[sflag:s5] =	ssyncadd.s32 $0xFFFFF800  }
0x2ea: {  	_ =	swait.ge [sflag:s5], $0x800  }
0x2eb: {  	[sflag:s5] =	ssyncset.done $0x0  }
0x2ec: {  	[sflag:s5] =	ssyncadd.s32 $0xFFFFF800  }
0x2ed: {  	_ =	swait.ge [sflag:s5], $0x800  }
0x2ee: {  	[sflag:s5] =	ssyncset.done $0x0  }
0x2ef: {  	[sflag:s5] =	ssyncadd.s32 $0xFFFFF800  }
0x2f0: {  	_ =	swait.ge [sflag:s5], $0x800  }
0x2f1: {  	[sflag:s5] =	ssyncset.done $0x0  }
0x2f2: {  	[sflag:s5] =	ssyncadd.s32 $0xFFFFF800  }
0x2f3: {  	_ =	swait.ge [sflag:s5], $0x800  }
0x2f4: {  	[sflag:s5] =	ssyncset.done $0x0  }
0x2f5: {  	[sflag:s5] =	ssyncadd.s32 $0xFFFFF800  }
0x2f6: {  	_ =	swait.ge [sflag:s5], $0x800  }
0x2f7: {  	[sflag:s5] =	ssyncset.done $0x0  }
0x2f8: {  	[sflag:s5] =	ssyncadd.s32 $0xFFFFF800  }
0x2f9: {  	_ =	swait.ge [sflag:s5], $0x800  }
0x2fa: {  	[sflag:s5] =	ssyncset.done $0x0  }
0x2fb: {  	[sflag:s5] =	ssyncadd.s32 $0xFFFFF800  }
0x2fc: {  	_ =	swait.ge [sflag:s5], $0x800  }
0x2fd: {  	[sflag:s5] =	ssyncset.done $0x0  }
0x2fe: {  	[sflag:s5] =	ssyncadd.s32 $0xFFFFF800  }
0x2ff: {  	_ =	swait.ge [sflag:s5], $0x800  }
0x300: {  	[sflag:s5] =	ssyncset.done $0x0  }
0x301: {  	[sflag:s5] =	ssyncadd.s32 $0xFFFFF800  }
0x302: {  	_ =	swait.ge [sflag:s5], $0x800  }
0x303: {  	[sflag:s5] =	ssyncset.done $0x0  }
0x304: {  	[sflag:s5] =	ssyncadd.s32 $0xFFFFF800  }
0x305: {  	_ =	swait.ge [sflag:s5], $0x800  }
0x306: {  	[sflag:s5] =	ssyncset.done $0x0  }
0x307: {  	s4 =	simm.s32 $0xEA00;
	s0 =	rddreg [dreg:$0x4];
	[sflag:s5] =	ssyncadd.s32 $0xFFFFF800  }
0x308: {  	[hbm4b:s0+s30] =	stream.linear.scatter [tilespmem:s4], [sflag:$0x3], $0xD00, $0x38;
	[tilespmem:$0xF700] =	vst v63  }
0x309: {  	_ =	swait.ge [sflag:s3], $0xD00  }
0x30a: {  	[sflag:s3] =	ssyncset.done $0x0  }
0x30b: {  	s8 =	rddreg [dreg:$0x5];
	[sflag:s3] =	ssyncadd.s32 $0xFFFFF300  }
0x30c: {  	[tilespmem:s30], [sflag:$0x3] =	stream.linear.gather [hbm4b:s8+s30], $0xD00, $0x38;
	[tilespmem:$0xF700] =	vst v63  }
0x30d: {  	_ =	swait.ge [sflag:s3], $0xD00  }
0x30e: {  	[sflag:s3] =	ssyncset.done $0x0  }
0x30f: {  	[sflag:s3] =	ssyncadd.s32 $0xFFFFF300  }
0x310: {  	[tilespmem:s11], [sflag:$0x1] =	stream.indirect.gather [hbm4b:s9+s2], $0x10, s30, s2, $0xb8;
	[tilespmem:$0xF700] =	vst v63  }
0x311: {  	s15 =	simm.s32 $0xEA00  }
0x312: {  	[tilespmem:s15], [sflag:$0x2] =	stream.indirect.gather [hbm4b:s1+s2], $0x1, s30, s2, $0xb8;
	[tilespmem:$0xF700] =	vst v63  }
0x313: {  	s13 =	rddreg [dreg:$0x6]  }
0x314: {  	[tilespmem:s2], [sflag:$0x3] =	stream.linear.gather [hbm4b:s13+s30], $0xD00, $0x38;
	[tilespmem:$0xF700] =	vst v63  }
0x315: {  	_ =	swait.ge [sflag:s3], $0xD00  }
0x316: {  	[sflag:s3] =	ssyncset.done $0x0  }
0x317: {  	[sflag:s3] =	ssyncadd.s32 $0xFFFFF300  }
0x318: {  	_ =	swait.ge [sflag:s5], $0xD000  }
0x319: {  	[sflag:s5] =	ssyncset.done $0x0  }
0x31a: {  	[sflag:s5] =	ssyncadd.s32 $0xFFFF3000  }
0x31b: {  	_ =	swait.ge [sflag:s10], $0xD00  }
0x31c: {  	[sflag:s10] =	ssyncset.done $0x0  }
0x31d: {  	[sflag:s10] =	ssyncadd.s32 $0xFFFFF300  }
0x31e: {  	[hbm4b:s6+s7] =	stream.indirect.scatter [tilespmem:s11], [sflag:$0x1], $0x10, s2, s7, $0xb8;
	[tilespmem:$0xF700] =	vst v63  }
0x31f: {  	s4 =	simm.s32 $0xD80;
	s15 =	simm.s32 $0x2200  }
0x320: {  	[hbm4b:s6+s7] =	stream.indirect.scatter [tilespmem:s15], [sflag:$0x1], $0x10, s4, s7, $0xb8;
	[tilespmem:$0xF700] =	vst v63  }
0x321: {  	s14 =	simm.s32 $0xE00;
	s8 =	simm.s32 $0x2A00  }
0x322: {  	[hbm4b:s6+s7] =	stream.indirect.scatter [tilespmem:s8], [sflag:$0x1], $0x10, s14, s7, $0xb8;
	[tilespmem:$0xF700] =	vst v63  }
0x323: {  	s13 =	simm.s32 $0xE80;
	s14 =	simm.s32 $0x3200  }
0x324: {  	[hbm4b:s6+s7] =	stream.indirect.scatter [tilespmem:s14], [sflag:$0x1], $0x10, s13, s7, $0xb8;
	[tilespmem:$0xF700] =	vst v63  }
0x325: {  	s24 =	simm.s32 $0xF00;
	s13 =	simm.s32 $0x3A00  }
0x326: {  	[hbm4b:s6+s7] =	stream.indirect.scatter [tilespmem:s13], [sflag:$0x1], $0x10, s24, s7, $0xb8;
	[tilespmem:$0xF700] =	vst v63  }
0x327: {  	s4 =	simm.s32 $0xF80;
	s8 =	simm.s32 $0x4200  }
0x328: {  	[hbm4b:s6+s7] =	stream.indirect.scatter [tilespmem:s8], [sflag:$0x1], $0x10, s4, s7, $0xb8;
	[tilespmem:$0xF700] =	vst v63  }
0x329: {  	s24 =	simm.s32 $0x1000;
	s4 =	simm.s32 $0x4A00  }
0x32a: {  	[hbm4b:s6+s7] =	stream.indirect.scatter [tilespmem:s4], [sflag:$0x1], $0x10, s24, s7, $0xb8;
	[tilespmem:$0xF700] =	vst v63  }
0x32b: {  	s22 =	simm.s32 $0x1080;
	s24 =	simm.s32 $0x5200  }
0x32c: {  	[hbm4b:s6+s7] =	stream.indirect.scatter [tilespmem:s24], [sflag:$0x1], $0x10, s22, s7, $0xb8;
	[tilespmem:$0xF700] =	vst v63  }
0x32d: {  	s31 =	simm.s32 $0x5A00;
	s21 =	simm.s32 $0x1100  }
0x32e: {  	[hbm4b:s6+s7] =	stream.indirect.scatter [tilespmem:s31], [sflag:$0x1], $0x10, s21, s7, $0xb8;
	[tilespmem:$0xF700] =	vst v63  }
0x32f: {  	s28 =	simm.s32 $0x6200;
	s19 =	simm.s32 $0x1180  }
0x330: {  	[hbm4b:s6+s7] =	stream.indirect.scatter [tilespmem:s28], [sflag:$0x1], $0x10, s19, s7, $0xb8;
	[tilespmem:$0xF700] =	vst v63  }
0x331: {  	s20 =	simm.s32 $0x1200;
	s21 =	simm.s32 $0x6A00  }
0x332: {  	[hbm4b:s6+s7] =	stream.indirect.scatter [tilespmem:s21], [sflag:$0x1], $0x10, s20, s7, $0xb8;
	[tilespmem:$0xF700] =	vst v63  }
0x333: {  	s16 =	simm.s32 $0x7200;
	s12 =	simm.s32 $0x1280  }
0x334: {  	[hbm4b:s6+s7] =	stream.indirect.scatter [tilespmem:s16], [sflag:$0x1], $0x10, s12, s7, $0xb8;
	[tilespmem:$0xF700] =	vst v63  }
0x335: {  	s22 =	simm.s32 $0x1300;
	s16 =	simm.s32 $0x7A00  }
0x336: {  	[hbm4b:s6+s7] =	stream.indirect.scatter [tilespmem:s16], [sflag:$0x1], $0x10, s22, s7, $0xb8;
	[tilespmem:$0xF700] =	vst v63  }
0x337: {  	s18 =	simm.s32 $0x1380;
	s24 =	simm.s32 $0x8200  }
0x338: {  	[hbm4b:s6+s7] =	stream.indirect.scatter [tilespmem:s24], [sflag:$0x1], $0x10, s18, s7, $0xb8;
	[tilespmem:$0xF700] =	vst v63  }
0x339: {  	s25 =	simm.s32 $0x1400;
	s28 =	simm.s32 $0x8A00  }
0x33a: {  	[hbm4b:s6+s7] =	stream.indirect.scatter [tilespmem:s28], [sflag:$0x1], $0x10, s25, s7, $0xb8;
	[tilespmem:$0xF700] =	vst v63  }
0x33b: {  	s26 =	simm.s32 $0x1480;
	s31 =	simm.s32 $0x9200  }
0x33c: {  	[hbm4b:s6+s7] =	stream.indirect.scatter [tilespmem:s31], [sflag:$0x1], $0x10, s26, s7, $0xb8;
	[tilespmem:$0xF700] =	vst v63  }
0x33d: {  	s29 =	simm.s32 $0x9A00;
	s28 =	simm.s32 $0x1500  }
0x33e: {  	[hbm4b:s6+s7] =	stream.indirect.scatter [tilespmem:s29], [sflag:$0x1], $0x10, s28, s7, $0xb8;
	[tilespmem:$0xF700] =	vst v63  }
0x33f: {  	s31 =	simm.s32 $0xA200;
	s29 =	simm.s32 $0x1580  }
0x340: {  	[hbm4b:s6+s7] =	stream.indirect.scatter [tilespmem:s31], [sflag:$0x1], $0x10, s29, s7, $0xb8;
	[tilespmem:$0xF700] =	vst v63  }
0x341: {  	s21 =	simm.s32 $0x1600;
	s12 =	simm.s32 $0xAA00  }
0x342: {  	[hbm4b:s6+s7] =	stream.indirect.scatter [tilespmem:s12], [sflag:$0x1], $0x10, s21, s7, $0xb8;
	[tilespmem:$0xF700] =	vst v63  }
0x343: {  	s17 =	simm.s32 $0xB200;
	s22 =	simm.s32 $0x1680  }
0x344: {  	[hbm4b:s6+s7] =	stream.indirect.scatter [tilespmem:s17], [sflag:$0x1], $0x10, s22, s7, $0xb8;
	[tilespmem:$0xF700] =	vst v63  }
0x345: {  	s19 =	simm.s32 $0x1700;
	s25 =	simm.s32 $0xBA00  }
0x346: {  	[hbm4b:s6+s7] =	stream.indirect.scatter [tilespmem:s25], [sflag:$0x1], $0x10, s19, s7, $0xb8;
	[tilespmem:$0xF700] =	vst v63  }
0x347: {  	s20 =	simm.s32 $0x1780;
	s18 =	simm.s32 $0xC200  }
0x348: {  	[hbm4b:s6+s7] =	stream.indirect.scatter [tilespmem:s18], [sflag:$0x1], $0x10, s20, s7, $0xb8;
	[tilespmem:$0xF700] =	vst v63  }
0x349: {  	s30 =	simm.s32 $0x1800;
	s24 =	simm.s32 $0xCA00  }
0x34a: {  	[hbm4b:s6+s7] =	stream.indirect.scatter [tilespmem:s24], [sflag:$0x1], $0x10, s30, s7, $0xb8;
	[tilespmem:$0xF700] =	vst v63  }
0x34b: {  	s26 =	simm.s32 $0xD200;
	s17 =	simm.s32 $0x1880  }
0x34c: {  	[hbm4b:s6+s7] =	stream.indirect.scatter [tilespmem:s26], [sflag:$0x1], $0x10, s17, s7, $0xb8;
	[tilespmem:$0xF700] =	vst v63  }
0x34d: {  	s18 =	simm.s32 $0x1900;
	s26 =	simm.s32 $0xDA00  }
0x34e: {  	[hbm4b:s6+s7] =	stream.indirect.scatter [tilespmem:s26], [sflag:$0x1], $0x10, s18, s7, $0xb8;
	[tilespmem:$0xF700] =	vst v63  }
0x34f: {  	s12 =	simm.s32 $0x1980;
	s24 =	simm.s32 $0xE200  }
0x350: {  	[hbm4b:s6+s7] =	stream.indirect.scatter [tilespmem:s24], [sflag:$0x1], $0x10, s12, s7, $0xb8;
	[tilespmem:$0xF700] =	vst v63  }
0x351: {  	_ =	swait.ge [sflag:s5], $0x800  }
0x352: {  	[sflag:s5] =	ssyncset.done $0x0  }
0x353: {  	[sflag:s5] =	ssyncadd.s32 $0xFFFFF800  }
0x354: {  	_ =	swait.ge [sflag:s5], $0x800  }
0x355: {  	[sflag:s5] =	ssyncset.done $0x0  }
0x356: {  	[sflag:s5] =	ssyncadd.s32 $0xFFFFF800  }
0x357: {  	_ =	swait.ge [sflag:s5], $0x800  }
0x358: {  	[sflag:s5] =	ssyncset.done $0x0  }
0x359: {  	[sflag:s5] =	ssyncadd.s32 $0xFFFFF800  }
0x35a: {  	_ =	swait.ge [sflag:s5], $0x800  }
0x35b: {  	[sflag:s5] =	ssyncset.done $0x0  }
0x35c: {  	[sflag:s5] =	ssyncadd.s32 $0xFFFFF800  }
0x35d: {  	_ =	swait.ge [sflag:s5], $0x800  }
0x35e: {  	[sflag:s5] =	ssyncset.done $0x0  }
0x35f: {  	[sflag:s5] =	ssyncadd.s32 $0xFFFFF800  }
0x360: {  	_ =	swait.ge [sflag:s5], $0x800  }
0x361: {  	[sflag:s5] =	ssyncset.done $0x0  }
0x362: {  	[sflag:s5] =	ssyncadd.s32 $0xFFFFF800  }
0x363: {  	_ =	swait.ge [sflag:s5], $0x800  }
0x364: {  	[sflag:s5] =	ssyncset.done $0x0  }
0x365: {  	[sflag:s5] =	ssyncadd.s32 $0xFFFFF800  }
0x366: {  	_ =	swait.ge [sflag:s5], $0x800  }
0x367: {  	[sflag:s5] =	ssyncset.done $0x0  }
0x368: {  	[sflag:s5] =	ssyncadd.s32 $0xFFFFF800  }
0x369: {  	_ =	swait.ge [sflag:s5], $0x800  }
0x36a: {  	[sflag:s5] =	ssyncset.done $0x0  }
0x36b: {  	[sflag:s5] =	ssyncadd.s32 $0xFFFFF800  }
0x36c: {  	_ =	swait.ge [sflag:s5], $0x800  }
0x36d: {  	[sflag:s5] =	ssyncset.done $0x0  }
0x36e: {  	[sflag:s5] =	ssyncadd.s32 $0xFFFFF800  }
0x36f: {  	_ =	swait.ge [sflag:s5], $0x800  }
0x370: {  	[sflag:s5] =	ssyncset.done $0x0  }
0x371: {  	[sflag:s5] =	ssyncadd.s32 $0xFFFFF800  }
0x372: {  	_ =	swait.ge [sflag:s5], $0x800  }
0x373: {  	[sflag:s5] =	ssyncset.done $0x0  }
0x374: {  	[sflag:s5] =	ssyncadd.s32 $0xFFFFF800  }
0x375: {  	_ =	swait.ge [sflag:s5], $0x800  }
0x376: {  	[sflag:s5] =	ssyncset.done $0x0  }
0x377: {  	[sflag:s5] =	ssyncadd.s32 $0xFFFFF800  }
0x378: {  	_ =	swait.ge [sflag:s5], $0x800  }
0x379: {  	[sflag:s5] =	ssyncset.done $0x0  }
0x37a: {  	[sflag:s5] =	ssyncadd.s32 $0xFFFFF800  }
0x37b: {  	_ =	swait.ge [sflag:s5], $0x800  }
0x37c: {  	[sflag:s5] =	ssyncset.done $0x0  }
0x37d: {  	[sflag:s5] =	ssyncadd.s32 $0xFFFFF800  }
0x37e: {  	_ =	swait.ge [sflag:s5], $0x800  }
0x37f: {  	[sflag:s5] =	ssyncset.done $0x0  }
0x380: {  	[sflag:s5] =	ssyncadd.s32 $0xFFFFF800  }
0x381: {  	_ =	swait.ge [sflag:s5], $0x800  }
0x382: {  	[sflag:s5] =	ssyncset.done $0x0  }
0x383: {  	[sflag:s5] =	ssyncadd.s32 $0xFFFFF800  }
0x384: {  	_ =	swait.ge [sflag:s5], $0x800  }
0x385: {  	[sflag:s5] =	ssyncset.done $0x0  }
0x386: {  	[sflag:s5] =	ssyncadd.s32 $0xFFFFF800  }
0x387: {  	_ =	swait.ge [sflag:s5], $0x800  }
0x388: {  	[sflag:s5] =	ssyncset.done $0x0  }
0x389: {  	[sflag:s5] =	ssyncadd.s32 $0xFFFFF800  }
0x38a: {  	_ =	swait.ge [sflag:s5], $0x800  }
0x38b: {  	[sflag:s5] =	ssyncset.done $0x0  }
0x38c: {  	[sflag:s5] =	ssyncadd.s32 $0xFFFFF800  }
0x38d: {  	_ =	swait.ge [sflag:s5], $0x800  }
0x38e: {  	[sflag:s5] =	ssyncset.done $0x0  }
0x38f: {  	[sflag:s5] =	ssyncadd.s32 $0xFFFFF800  }
0x390: {  	_ =	swait.ge [sflag:s5], $0x800  }
0x391: {  	[sflag:s5] =	ssyncset.done $0x0  }
0x392: {  	[sflag:s5] =	ssyncadd.s32 $0xFFFFF800  }
0x393: {  	_ =	swait.ge [sflag:s5], $0x800  }
0x394: {  	[sflag:s5] =	ssyncset.done $0x0  }
0x395: {  	[sflag:s5] =	ssyncadd.s32 $0xFFFFF800  }
0x396: {  	_ =	swait.ge [sflag:s5], $0x800  }
0x397: {  	[sflag:s5] =	ssyncset.done $0x0  }
0x398: {  	[sflag:s5] =	ssyncadd.s32 $0xFFFFF800  }
0x399: {  	_ =	swait.ge [sflag:s5], $0x800  }
0x39a: {  	[sflag:s5] =	ssyncset.done $0x0  }
0x39b: {  	[sflag:s5] =	ssyncadd.s32 $0xFFFFF800  }
0x39c: {  	_ =	swait.ge [sflag:s5], $0x800  }
0x39d: {  	s0 =	simm.s32 $0x0;
	[sflag:s5] =	ssyncset.done $0x0  }
0x39e: {  	s12 =	simm.s32 $0xEA00;
	s24 =	rddreg [dreg:$0x7];
	[sflag:s5] =	ssyncadd.s32 $0xFFFFF800  }
0x39f: {  	[hbm4b:s24+s0] =	stream.linear.scatter [tilespmem:s12], [sflag:$0x3], $0xD00, $0x38;
	[tilespmem:$0xF700] =	vst v63  }
0x3a0: {  	_ =	swait.ge [sflag:s3], $0xD00  }
0x3a1: {  	[sflag:s3] =	ssyncset.done $0x0  }
0x3a2: {  	s12 =	rddreg [dreg:$0x8];
	[sflag:s3] =	ssyncadd.s32 $0xFFFFF300  }
0x3a3: {  	[tilespmem:s0], [sflag:$0x3] =	stream.linear.gather [hbm4b:s12+s0], $0xD00, $0x38;
	[tilespmem:$0xF700] =	vst v63  }
0x3a4: {  	_ =	swait.ge [sflag:s3], $0xD00  }
0x3a5: {  	[sflag:s3] =	ssyncset.done $0x0  }
0x3a6: {  	[sflag:s3] =	ssyncadd.s32 $0xFFFFF300  }
0x3a7: {  	[tilespmem:s11], [sflag:$0x1] =	stream.indirect.gather [hbm4b:s9+s2], $0x10, s0, s2, $0xb8;
	[tilespmem:$0xF700] =	vst v63  }
0x3a8: {  	s12 =	simm.s32 $0xEA00  }
0x3a9: {  	[tilespmem:s12], [sflag:$0x2] =	stream.indirect.gather [hbm4b:s1+s2], $0x1, s0, s2, $0xb8;
	[tilespmem:$0xF700] =	vst v63  }
0x3aa: {  	s24 =	rddreg [dreg:$0x9]  }
0x3ab: {  	[tilespmem:s2], [sflag:$0x3] =	stream.linear.gather [hbm4b:s24+s0], $0xD00, $0x38;
	[tilespmem:$0xF700] =	vst v63  }
0x3ac: {  	_ =	swait.ge [sflag:s3], $0xD00  }
0x3ad: {  	[sflag:s3] =	ssyncset.done $0x0  }
0x3ae: {  	[sflag:s3] =	ssyncadd.s32 $0xFFFFF300  }
0x3af: {  	_ =	swait.ge [sflag:s5], $0xD000  }
0x3b0: {  	[sflag:s5] =	ssyncset.done $0x0  }
0x3b1: {  	[sflag:s5] =	ssyncadd.s32 $0xFFFF3000  }
0x3b2: {  	_ =	swait.ge [sflag:s10], $0xD00  }
0x3b3: {  	[sflag:s10] =	ssyncset.done $0x0  }
0x3b4: {  	[sflag:s10] =	ssyncadd.s32 $0xFFFFF300  }
0x3b5: {  	[hbm4b:s6+s7] =	stream.indirect.scatter [tilespmem:s11], [sflag:$0x1], $0x10, s2, s7, $0xb8;
	[tilespmem:$0xF700] =	vst v63  }
0x3b6: {  	s24 =	simm.s32 $0xD80  }
0x3b7: {  	[hbm4b:s6+s7] =	stream.indirect.scatter [tilespmem:s15], [sflag:$0x1], $0x10, s24, s7, $0xb8;
	[tilespmem:$0xF700] =	vst v63  }
0x3b8: {  	s15 =	simm.s32 $0x2A00;
	s24 =	simm.s32 $0xE00  }
0x3b9: {  	[hbm4b:s6+s7] =	stream.indirect.scatter [tilespmem:s15], [sflag:$0x1], $0x10, s24, s7, $0xb8;
	[tilespmem:$0xF700] =	vst v63  }
0x3ba: {  	s24 =	simm.s32 $0xE80  }
0x3bb: {  	[hbm4b:s6+s7] =	stream.indirect.scatter [tilespmem:s14], [sflag:$0x1], $0x10, s24, s7, $0xb8;
	[tilespmem:$0xF700] =	vst v63  }
0x3bc: {  	s15 =	simm.s32 $0xF00  }
0x3bd: {  	[hbm4b:s6+s7] =	stream.indirect.scatter [tilespmem:s13], [sflag:$0x1], $0x10, s15, s7, $0xb8;
	[tilespmem:$0xF700] =	vst v63  }
0x3be: {  	s24 =	simm.s32 $0xF80  }
0x3bf: {  	[hbm4b:s6+s7] =	stream.indirect.scatter [tilespmem:s8], [sflag:$0x1], $0x10, s24, s7, $0xb8;
	[tilespmem:$0xF700] =	vst v63  }
0x3c0: {  	s8 =	simm.s32 $0x1000  }
0x3c1: {  	[hbm4b:s6+s7] =	stream.indirect.scatter [tilespmem:s4], [sflag:$0x1], $0x10, s8, s7, $0xb8;
	[tilespmem:$0xF700] =	vst v63  }
0x3c2: {  	s14 =	simm.s32 $0x1080;
	s13 =	simm.s32 $0x5200  }
0x3c3: {  	[hbm4b:s6+s7] =	stream.indirect.scatter [tilespmem:s13], [sflag:$0x1], $0x10, s14, s7, $0xb8;
	[tilespmem:$0xF700] =	vst v63  }
0x3c4: {  	s15 =	simm.s32 $0x5A00;
	s24 =	simm.s32 $0x1100  }
0x3c5: {  	[hbm4b:s6+s7] =	stream.indirect.scatter [tilespmem:s15], [sflag:$0x1], $0x10, s24, s7, $0xb8;
	[tilespmem:$0xF700] =	vst v63  }
0x3c6: {  	s12 =	simm.s32 $0x1180;
	s8 =	simm.s32 $0x6200  }
0x3c7: {  	[hbm4b:s6+s7] =	stream.indirect.scatter [tilespmem:s8], [sflag:$0x1], $0x10, s12, s7, $0xb8;
	[tilespmem:$0xF700] =	vst v63  }
0x3c8: {  	s13 =	simm.s32 $0x6A00;
	s14 =	simm.s32 $0x1200  }
0x3c9: {  	[hbm4b:s6+s7] =	stream.indirect.scatter [tilespmem:s13], [sflag:$0x1], $0x10, s14, s7, $0xb8;
	[tilespmem:$0xF700] =	vst v63  }
0x3ca: {  	s15 =	simm.s32 $0x1280;
	s12 =	simm.s32 $0x7200  }
0x3cb: {  	[hbm4b:s6+s7] =	stream.indirect.scatter [tilespmem:s12], [sflag:$0x1], $0x10, s15, s7, $0xb8;
	[tilespmem:$0xF700] =	vst v63  }
0x3cc: {  	s24 =	simm.s32 $0x1300  }
0x3cd: {  	[hbm4b:s6+s7] =	stream.indirect.scatter [tilespmem:s16], [sflag:$0x1], $0x10, s24, s7, $0xb8;
	[tilespmem:$0xF700] =	vst v63  }
0x3ce: {  	s8 =	simm.s32 $0x8200;
	s13 =	simm.s32 $0x1380  }
0x3cf: {  	[hbm4b:s6+s7] =	stream.indirect.scatter [tilespmem:s8], [sflag:$0x1], $0x10, s13, s7, $0xb8;
	[tilespmem:$0xF700] =	vst v63  }
0x3d0: {  	s14 =	simm.s32 $0x8A00;
	s15 =	simm.s32 $0x1400  }
0x3d1: {  	[hbm4b:s6+s7] =	stream.indirect.scatter [tilespmem:s14], [sflag:$0x1], $0x10, s15, s7, $0xb8;
	[tilespmem:$0xF700] =	vst v63  }
0x3d2: {  	s24 =	simm.s32 $0x9200;
	s8 =	simm.s32 $0x1480  }
0x3d3: {  	[hbm4b:s6+s7] =	stream.indirect.scatter [tilespmem:s24], [sflag:$0x1], $0x10, s8, s7, $0xb8;
	[tilespmem:$0xF700] =	vst v63  }
0x3d4: {  	s13 =	simm.s32 $0x9A00  }
0x3d5: {  	[hbm4b:s6+s7] =	stream.indirect.scatter [tilespmem:s13], [sflag:$0x1], $0x10, s28, s7, $0xb8;
	[tilespmem:$0xF700] =	vst v63  }
0x3d6: {  	_ = 	snop  }
0x3d7: {  	[hbm4b:s6+s7] =	stream.indirect.scatter [tilespmem:s31], [sflag:$0x1], $0x10, s29, s7, $0xb8;
	[tilespmem:$0xF700] =	vst v63  }
0x3d8: {  	s14 =	simm.s32 $0xAA00  }
0x3d9: {  	[hbm4b:s6+s7] =	stream.indirect.scatter [tilespmem:s14], [sflag:$0x1], $0x10, s21, s7, $0xb8;
	[tilespmem:$0xF700] =	vst v63  }
0x3da: {  	s15 =	simm.s32 $0xB200  }
0x3db: {  	[hbm4b:s6+s7] =	stream.indirect.scatter [tilespmem:s15], [sflag:$0x1], $0x10, s22, s7, $0xb8;
	[tilespmem:$0xF700] =	vst v63  }
0x3dc: {  	_ = 	snop  }
0x3dd: {  	[hbm4b:s6+s7] =	stream.indirect.scatter [tilespmem:s25], [sflag:$0x1], $0x10, s19, s7, $0xb8;
	[tilespmem:$0xF700] =	vst v63  }
0x3de: {  	s24 =	simm.s32 $0xC200  }
0x3df: {  	[hbm4b:s6+s7] =	stream.indirect.scatter [tilespmem:s24], [sflag:$0x1], $0x10, s20, s7, $0xb8;
	[tilespmem:$0xF700] =	vst v63  }
0x3e0: {  	s14 =	simm.s32 $0xCA00  }
0x3e1: {  	[hbm4b:s6+s7] =	stream.indirect.scatter [tilespmem:s14], [sflag:$0x1], $0x10, s30, s7, $0xb8;
	[tilespmem:$0xF700] =	vst v63  }
0x3e2: {  	s15 =	simm.s32 $0xD200  }
0x3e3: {  	[hbm4b:s6+s7] =	stream.indirect.scatter [tilespmem:s15], [sflag:$0x1], $0x10, s17, s7, $0xb8;
	[tilespmem:$0xF700] =	vst v63  }
0x3e4: {  	_ = 	snop  }
0x3e5: {  	[hbm4b:s6+s7] =	stream.indirect.scatter [tilespmem:s26], [sflag:$0x1], $0x10, s18, s7, $0xb8;
	[tilespmem:$0xF700] =	vst v63  }
0x3e6: {  	s24 =	simm.s32 $0xE200;
	s17 =	simm.s32 $0x1980  }
0x3e7: {  	[hbm4b:s6+s7] =	stream.indirect.scatter [tilespmem:s24], [sflag:$0x1], $0x10, s17, s7, $0xb8;
	[tilespmem:$0xF700] =	vst v63  }
0x3e8: {  	_ =	swait.ge [sflag:s5], $0x800  }
0x3e9: {  	[sflag:s5] =	ssyncset.done $0x0  }
0x3ea: {  	[sflag:s5] =	ssyncadd.s32 $0xFFFFF800  }
0x3eb: {  	_ =	swait.ge [sflag:s5], $0x800  }
0x3ec: {  	[sflag:s5] =	ssyncset.done $0x0  }
0x3ed: {  	[sflag:s5] =	ssyncadd.s32 $0xFFFFF800  }
0x3ee: {  	_ =	swait.ge [sflag:s5], $0x800  }
0x3ef: {  	[sflag:s5] =	ssyncset.done $0x0  }
0x3f0: {  	[sflag:s5] =	ssyncadd.s32 $0xFFFFF800  }
0x3f1: {  	_ =	swait.ge [sflag:s5], $0x800  }
0x3f2: {  	[sflag:s5] =	ssyncset.done $0x0  }
0x3f3: {  	[sflag:s5] =	ssyncadd.s32 $0xFFFFF800  }
0x3f4: {  	_ =	swait.ge [sflag:s5], $0x800  }
0x3f5: {  	[sflag:s5] =	ssyncset.done $0x0  }
0x3f6: {  	[sflag:s5] =	ssyncadd.s32 $0xFFFFF800  }
0x3f7: {  	_ =	swait.ge [sflag:s5], $0x800  }
0x3f8: {  	[sflag:s5] =	ssyncset.done $0x0  }
0x3f9: {  	[sflag:s5] =	ssyncadd.s32 $0xFFFFF800  }
0x3fa: {  	_ =	swait.ge [sflag:s5], $0x800  }
0x3fb: {  	[sflag:s5] =	ssyncset.done $0x0  }
0x3fc: {  	[sflag:s5] =	ssyncadd.s32 $0xFFFFF800  }
0x3fd: {  	_ =	swait.ge [sflag:s5], $0x800  }
0x3fe: {  	[sflag:s5] =	ssyncset.done $0x0  }
0x3ff: {  	[sflag:s5] =	ssyncadd.s32 $0xFFFFF800  }
0x400: {  	_ =	swait.ge [sflag:s5], $0x800  }
0x401: {  	[sflag:s5] =	ssyncset.done $0x0  }
0x402: {  	[sflag:s5] =	ssyncadd.s32 $0xFFFFF800  }
0x403: {  	_ =	swait.ge [sflag:s5], $0x800  }
0x404: {  	[sflag:s5] =	ssyncset.done $0x0  }
0x405: {  	[sflag:s5] =	ssyncadd.s32 $0xFFFFF800  }
0x406: {  	_ =	swait.ge [sflag:s5], $0x800  }
0x407: {  	[sflag:s5] =	ssyncset.done $0x0  }
0x408: {  	[sflag:s5] =	ssyncadd.s32 $0xFFFFF800  }
0x409: {  	_ =	swait.ge [sflag:s5], $0x800  }
0x40a: {  	[sflag:s5] =	ssyncset.done $0x0  }
0x40b: {  	[sflag:s5] =	ssyncadd.s32 $0xFFFFF800  }
0x40c: {  	_ =	swait.ge [sflag:s5], $0x800  }
0x40d: {  	[sflag:s5] =	ssyncset.done $0x0  }
0x40e: {  	[sflag:s5] =	ssyncadd.s32 $0xFFFFF800  }
0x40f: {  	_ =	swait.ge [sflag:s5], $0x800  }
0x410: {  	[sflag:s5] =	ssyncset.done $0x0  }
0x411: {  	[sflag:s5] =	ssyncadd.s32 $0xFFFFF800  }
0x412: {  	_ =	swait.ge [sflag:s5], $0x800  }
0x413: {  	[sflag:s5] =	ssyncset.done $0x0  }
0x414: {  	[sflag:s5] =	ssyncadd.s32 $0xFFFFF800  }
0x415: {  	_ =	swait.ge [sflag:s5], $0x800  }
0x416: {  	[sflag:s5] =	ssyncset.done $0x0  }
0x417: {  	[sflag:s5] =	ssyncadd.s32 $0xFFFFF800  }
0x418: {  	_ =	swait.ge [sflag:s5], $0x800  }
0x419: {  	[sflag:s5] =	ssyncset.done $0x0  }
0x41a: {  	[sflag:s5] =	ssyncadd.s32 $0xFFFFF800  }
0x41b: {  	_ =	swait.ge [sflag:s5], $0x800  }
0x41c: {  	[sflag:s5] =	ssyncset.done $0x0  }
0x41d: {  	[sflag:s5] =	ssyncadd.s32 $0xFFFFF800  }
0x41e: {  	_ =	swait.ge [sflag:s5], $0x800  }
0x41f: {  	[sflag:s5] =	ssyncset.done $0x0  }
0x420: {  	[sflag:s5] =	ssyncadd.s32 $0xFFFFF800  }
0x421: {  	_ =	swait.ge [sflag:s5], $0x800  }
0x422: {  	[sflag:s5] =	ssyncset.done $0x0  }
0x423: {  	[sflag:s5] =	ssyncadd.s32 $0xFFFFF800  }
0x424: {  	_ =	swait.ge [sflag:s5], $0x800  }
0x425: {  	[sflag:s5] =	ssyncset.done $0x0  }
0x426: {  	[sflag:s5] =	ssyncadd.s32 $0xFFFFF800  }
0x427: {  	_ =	swait.ge [sflag:s5], $0x800  }
0x428: {  	[sflag:s5] =	ssyncset.done $0x0  }
0x429: {  	[sflag:s5] =	ssyncadd.s32 $0xFFFFF800  }
0x42a: {  	_ =	swait.ge [sflag:s5], $0x800  }
0x42b: {  	[sflag:s5] =	ssyncset.done $0x0  }
0x42c: {  	[sflag:s5] =	ssyncadd.s32 $0xFFFFF800  }
0x42d: {  	_ =	swait.ge [sflag:s5], $0x800  }
0x42e: {  	[sflag:s5] =	ssyncset.done $0x0  }
0x42f: {  	[sflag:s5] =	ssyncadd.s32 $0xFFFFF800  }
0x430: {  	_ =	swait.ge [sflag:s5], $0x800  }
0x431: {  	[sflag:s5] =	ssyncset.done $0x0  }
0x432: {  	[sflag:s5] =	ssyncadd.s32 $0xFFFFF800  }
0x433: {  	_ =	swait.ge [sflag:s5], $0x800  }
0x434: {  	[sflag:s5] =	ssyncset.done $0x0  }
0x435: {  	s4 =	simm.s32 $0xEA00;
	s24 =	rddreg [dreg:$0xa];
	[sflag:s5] =	ssyncadd.s32 $0xFFFFF800  }
0x436: {  	[hbm4b:s24+s0] =	stream.linear.scatter [tilespmem:s4], [sflag:$0x3], $0xD00, $0x38;
	[tilespmem:$0xF700] =	vst v63  }
0x437: {  	_ =	swait.ge [sflag:s3], $0xD00  }
0x438: {  	[sflag:s3] =	ssyncset.done $0x0  }
0x439: {  	s4 =	rddreg [dreg:$0xb];
	[sflag:s3] =	ssyncadd.s32 $0xFFFFF300  }
0x43a: {  	[tilespmem:s0], [sflag:$0x3] =	stream.linear.gather [hbm4b:s4+s0], $0xD00, $0x38;
	[tilespmem:$0xF700] =	vst v63  }
0x43b: {  	_ =	swait.ge [sflag:s3], $0xD00  }
0x43c: {  	[sflag:s3] =	ssyncset.done $0x0  }
0x43d: {  	[sflag:s3] =	ssyncadd.s32 $0xFFFFF300  }
0x43e: {  	[tilespmem:s11], [sflag:$0x1] =	stream.indirect.gather [hbm4b:s9+s2], $0x10, s0, s2, $0xb8;
	[tilespmem:$0xF700] =	vst v63  }
0x43f: {  	s9 =	simm.s32 $0xEA00  }
0x440: {  	[tilespmem:s9], [sflag:$0x2] =	stream.indirect.gather [hbm4b:s1+s2], $0x1, s0, s2, $0xb8;
	[tilespmem:$0xF700] =	vst v63  }
0x441: {  	s24 =	rddreg [dreg:$0xc]  }
0x442: {  	[tilespmem:s2], [sflag:$0x3] =	stream.linear.gather [hbm4b:s24+s0], $0xD00, $0x38;
	[tilespmem:$0xF700] =	vst v63  }
0x443: {  	_ =	swait.ge [sflag:s3], $0xD00  }
0x444: {  	[sflag:s3] =	ssyncset.done $0x0  }
0x445: {  	[sflag:s3] =	ssyncadd.s32 $0xFFFFF300  }
0x446: {  	_ =	swait.ge [sflag:s5], $0xD000  }
0x447: {  	[sflag:s5] =	ssyncset.done $0x0  }
0x448: {  	[sflag:s5] =	ssyncadd.s32 $0xFFFF3000  }
0x449: {  	_ =	swait.ge [sflag:s10], $0xD00  }
0x44a: {  	[sflag:s10] =	ssyncset.done $0x0  }
0x44b: {  	[sflag:s10] =	ssyncadd.s32 $0xFFFFF300;
	s10 =	simm.s32 $0xD00  }
0x44c: {  	[hbm4b:s6+s7] =	stream.indirect.scatter [tilespmem:s11], [sflag:$0x1], $0x10, s10, s7, $0xb8;
	[tilespmem:$0xF700] =	vst v63  }
0x44d: {  	s4 =	simm.s32 $0xD80;
	s1 =	simm.s32 $0x2200  }
0x44e: {  	[hbm4b:s6+s7] =	stream.indirect.scatter [tilespmem:s1], [sflag:$0x1], $0x10, s4, s7, $0xb8;
	[tilespmem:$0xF700] =	vst v63  }
0x44f: {  	s9 =	simm.s32 $0xE00;
	s24 =	simm.s32 $0x2A00  }
0x450: {  	[hbm4b:s6+s7] =	stream.indirect.scatter [tilespmem:s24], [sflag:$0x1], $0x10, s9, s7, $0xb8;
	[tilespmem:$0xF700] =	vst v63  }
0x451: {  	s1 =	simm.s32 $0x3200;
	s4 =	simm.s32 $0xE80  }
0x452: {  	[hbm4b:s6+s7] =	stream.indirect.scatter [tilespmem:s1], [sflag:$0x1], $0x10, s4, s7, $0xb8;
	[tilespmem:$0xF700] =	vst v63  }
0x453: {  	s9 =	simm.s32 $0x3A00;
	s24 =	simm.s32 $0xF00  }
0x454: {  	[hbm4b:s6+s7] =	stream.indirect.scatter [tilespmem:s9], [sflag:$0x1], $0x10, s24, s7, $0xb8;
	[tilespmem:$0xF700] =	vst v63  }
0x455: {  	s1 =	simm.s32 $0x4200;
	s4 =	simm.s32 $0xF80  }
0x456: {  	[hbm4b:s6+s7] =	stream.indirect.scatter [tilespmem:s1], [sflag:$0x1], $0x10, s4, s7, $0xb8;
	[tilespmem:$0xF700] =	vst v63  }
0x457: {  	s9 =	simm.s32 $0x4A00;
	s24 =	simm.s32 $0x1000  }
0x458: {  	[hbm4b:s6+s7] =	stream.indirect.scatter [tilespmem:s9], [sflag:$0x1], $0x10, s24, s7, $0xb8;
	[tilespmem:$0xF700] =	vst v63  }
0x459: {  	s1 =	simm.s32 $0x1080;
	s4 =	simm.s32 $0x5200  }
0x45a: {  	[hbm4b:s6+s7] =	stream.indirect.scatter [tilespmem:s4], [sflag:$0x1], $0x10, s1, s7, $0xb8;
	[tilespmem:$0xF700] =	vst v63  }
0x45b: {  	s9 =	simm.s32 $0x1100;
	s24 =	simm.s32 $0x5A00  }
0x45c: {  	[hbm4b:s6+s7] =	stream.indirect.scatter [tilespmem:s24], [sflag:$0x1], $0x10, s9, s7, $0xb8;
	[tilespmem:$0xF700] =	vst v63  }
0x45d: {  	s1 =	simm.s32 $0x1180;
	s4 =	simm.s32 $0x6200  }
0x45e: {  	[hbm4b:s6+s7] =	stream.indirect.scatter [tilespmem:s4], [sflag:$0x1], $0x10, s1, s7, $0xb8;
	[tilespmem:$0xF700] =	vst v63  }
0x45f: {  	s9 =	simm.s32 $0x1200;
	s24 =	simm.s32 $0x6A00  }
0x460: {  	[hbm4b:s6+s7] =	stream.indirect.scatter [tilespmem:s24], [sflag:$0x1], $0x10, s9, s7, $0xb8;
	[tilespmem:$0xF700] =	vst v63  }
0x461: {  	s1 =	simm.s32 $0x1280  }
0x462: {  	[hbm4b:s6+s7] =	stream.indirect.scatter [tilespmem:s12], [sflag:$0x1], $0x10, s1, s7, $0xb8;
	[tilespmem:$0xF700] =	vst v63  }
0x463: {  	s9 =	simm.s32 $0x7A00;
	s12 =	simm.s32 $0x1300  }
0x464: {  	[hbm4b:s6+s7] =	stream.indirect.scatter [tilespmem:s9], [sflag:$0x1], $0x10, s12, s7, $0xb8;
	[tilespmem:$0xF700] =	vst v63  }
0x465: {  	s16 =	simm.s32 $0x8200;
	s24 =	simm.s32 $0x1380  }
0x466: {  	[hbm4b:s6+s7] =	stream.indirect.scatter [tilespmem:s16], [sflag:$0x1], $0x10, s24, s7, $0xb8;
	[tilespmem:$0xF700] =	vst v63  }
0x467: {  	s1 =	simm.s32 $0x1400;
	s9 =	simm.s32 $0x8A00  }
0x468: {  	[hbm4b:s6+s7] =	stream.indirect.scatter [tilespmem:s9], [sflag:$0x1], $0x10, s1, s7, $0xb8;
	[tilespmem:$0xF700] =	vst v63  }
0x469: {  	s12 =	simm.s32 $0x9200  }
0x46a: {  	[hbm4b:s6+s7] =	stream.indirect.scatter [tilespmem:s12], [sflag:$0x1], $0x10, s8, s7, $0xb8;
	[tilespmem:$0xF700] =	vst v63  }
0x46b: {  	s28 =	simm.s32 $0x1500;
	s16 =	simm.s32 $0x9A00  }
0x46c: {  	[hbm4b:s6+s7] =	stream.indirect.scatter [tilespmem:s16], [sflag:$0x1], $0x10, s28, s7, $0xb8;
	[tilespmem:$0xF700] =	vst v63  }
0x46d: {  	s31 =	simm.s32 $0xA200;
	s29 =	simm.s32 $0x1580  }
0x46e: {  	[hbm4b:s6+s7] =	stream.indirect.scatter [tilespmem:s31], [sflag:$0x1], $0x10, s29, s7, $0xb8;
	[tilespmem:$0xF700] =	vst v63  }
0x46f: {  	s13 =	simm.s32 $0xAA00;
	s21 =	simm.s32 $0x1600  }
0x470: {  	[hbm4b:s6+s7] =	stream.indirect.scatter [tilespmem:s13], [sflag:$0x1], $0x10, s21, s7, $0xb8;
	[tilespmem:$0xF700] =	vst v63  }
0x471: {  	s22 =	simm.s32 $0x1680;
	s21 =	simm.s32 $0xB200  }
0x472: {  	[hbm4b:s6+s7] =	stream.indirect.scatter [tilespmem:s21], [sflag:$0x1], $0x10, s22, s7, $0xb8;
	[tilespmem:$0xF700] =	vst v63  }
0x473: {  	s25 =	simm.s32 $0xBA00;
	s24 =	simm.s32 $0x1700  }
0x474: {  	[hbm4b:s6+s7] =	stream.indirect.scatter [tilespmem:s25], [sflag:$0x1], $0x10, s24, s7, $0xb8;
	[tilespmem:$0xF700] =	vst v63  }
0x475: {  	s19 =	simm.s32 $0xC200;
	s20 =	simm.s32 $0x1780  }
0x476: {  	[hbm4b:s6+s7] =	stream.indirect.scatter [tilespmem:s19], [sflag:$0x1], $0x10, s20, s7, $0xb8;
	[tilespmem:$0xF700] =	vst v63  }
0x477: {  	s30 =	simm.s32 $0x1800;
	s14 =	simm.s32 $0xCA00  }
0x478: {  	[hbm4b:s6+s7] =	stream.indirect.scatter [tilespmem:s14], [sflag:$0x1], $0x10, s30, s7, $0xb8;
	[tilespmem:$0xF700] =	vst v63  }
0x479: {  	s15 =	simm.s32 $0xD200;
	s28 =	simm.s32 $0x1880  }
0x47a: {  	[hbm4b:s6+s7] =	stream.indirect.scatter [tilespmem:s15], [sflag:$0x1], $0x10, s28, s7, $0xb8;
	[tilespmem:$0xF700] =	vst v63  }
0x47b: {  	s18 =	simm.s32 $0x1900;
	s26 =	simm.s32 $0xDA00  }
0x47c: {  	[hbm4b:s6+s7] =	stream.indirect.scatter [tilespmem:s26], [sflag:$0x1], $0x10, s18, s7, $0xb8;
	[tilespmem:$0xF700] =	vst v63  }
0x47d: {  	s17 =	simm.s32 $0x1980;
	s29 =	simm.s32 $0xE200  }
0x47e: {  	[hbm4b:s6+s7] =	stream.indirect.scatter [tilespmem:s29], [sflag:$0x1], $0x10, s17, s7, $0xb8;
	[tilespmem:$0xF700] =	vst v63  }
0x47f: {  	_ =	swait.ge [sflag:s5], $0x800  }
0x480: {  	[sflag:s5] =	ssyncset.done $0x0  }
0x481: {  	[sflag:s5] =	ssyncadd.s32 $0xFFFFF800  }
0x482: {  	_ =	swait.ge [sflag:s5], $0x800  }
0x483: {  	[sflag:s5] =	ssyncset.done $0x0  }
0x484: {  	[sflag:s5] =	ssyncadd.s32 $0xFFFFF800  }
0x485: {  	_ =	swait.ge [sflag:s5], $0x800  }
0x486: {  	[sflag:s5] =	ssyncset.done $0x0  }
0x487: {  	[sflag:s5] =	ssyncadd.s32 $0xFFFFF800  }
0x488: {  	_ =	swait.ge [sflag:s5], $0x800  }
0x489: {  	[sflag:s5] =	ssyncset.done $0x0  }
0x48a: {  	[sflag:s5] =	ssyncadd.s32 $0xFFFFF800  }
0x48b: {  	_ =	swait.ge [sflag:s5], $0x800  }
0x48c: {  	[sflag:s5] =	ssyncset.done $0x0  }
0x48d: {  	[sflag:s5] =	ssyncadd.s32 $0xFFFFF800  }
0x48e: {  	_ =	swait.ge [sflag:s5], $0x800  }
0x48f: {  	[sflag:s5] =	ssyncset.done $0x0  }
0x490: {  	[sflag:s5] =	ssyncadd.s32 $0xFFFFF800  }
0x491: {  	_ =	swait.ge [sflag:s5], $0x800  }
0x492: {  	[sflag:s5] =	ssyncset.done $0x0  }
0x493: {  	[sflag:s5] =	ssyncadd.s32 $0xFFFFF800  }
0x494: {  	_ =	swait.ge [sflag:s5], $0x800  }
0x495: {  	[sflag:s5] =	ssyncset.done $0x0  }
0x496: {  	[sflag:s5] =	ssyncadd.s32 $0xFFFFF800  }
0x497: {  	_ =	swait.ge [sflag:s5], $0x800  }
0x498: {  	[sflag:s5] =	ssyncset.done $0x0  }
0x499: {  	[sflag:s5] =	ssyncadd.s32 $0xFFFFF800  }
0x49a: {  	_ =	swait.ge [sflag:s5], $0x800  }
0x49b: {  	[sflag:s5] =	ssyncset.done $0x0  }
0x49c: {  	[sflag:s5] =	ssyncadd.s32 $0xFFFFF800  }
0x49d: {  	_ =	swait.ge [sflag:s5], $0x800  }
0x49e: {  	[sflag:s5] =	ssyncset.done $0x0  }
0x49f: {  	[sflag:s5] =	ssyncadd.s32 $0xFFFFF800  }
0x4a0: {  	_ =	swait.ge [sflag:s5], $0x800  }
0x4a1: {  	[sflag:s5] =	ssyncset.done $0x0  }
0x4a2: {  	[sflag:s5] =	ssyncadd.s32 $0xFFFFF800  }
0x4a3: {  	_ =	swait.ge [sflag:s5], $0x800  }
0x4a4: {  	[sflag:s5] =	ssyncset.done $0x0  }
0x4a5: {  	[sflag:s5] =	ssyncadd.s32 $0xFFFFF800  }
0x4a6: {  	_ =	swait.ge [sflag:s5], $0x800  }
0x4a7: {  	[sflag:s5] =	ssyncset.done $0x0  }
0x4a8: {  	[sflag:s5] =	ssyncadd.s32 $0xFFFFF800  }
0x4a9: {  	_ =	swait.ge [sflag:s5], $0x800  }
0x4aa: {  	[sflag:s5] =	ssyncset.done $0x0  }
0x4ab: {  	[sflag:s5] =	ssyncadd.s32 $0xFFFFF800  }
0x4ac: {  	_ =	swait.ge [sflag:s5], $0x800  }
0x4ad: {  	[sflag:s5] =	ssyncset.done $0x0  }
0x4ae: {  	[sflag:s5] =	ssyncadd.s32 $0xFFFFF800  }
0x4af: {  	_ =	swait.ge [sflag:s5], $0x800  }
0x4b0: {  	[sflag:s5] =	ssyncset.done $0x0  }
0x4b1: {  	[sflag:s5] =	ssyncadd.s32 $0xFFFFF800  }
0x4b2: {  	_ =	swait.ge [sflag:s5], $0x800  }
0x4b3: {  	[sflag:s5] =	ssyncset.done $0x0  }
0x4b4: {  	[sflag:s5] =	ssyncadd.s32 $0xFFFFF800  }
0x4b5: {  	_ =	swait.ge [sflag:s5], $0x800  }
0x4b6: {  	[sflag:s5] =	ssyncset.done $0x0  }
0x4b7: {  	[sflag:s5] =	ssyncadd.s32 $0xFFFFF800  }
0x4b8: {  	_ =	swait.ge [sflag:s5], $0x800  }
0x4b9: {  	[sflag:s5] =	ssyncset.done $0x0  }
0x4ba: {  	[sflag:s5] =	ssyncadd.s32 $0xFFFFF800  }
0x4bb: {  	_ =	swait.ge [sflag:s5], $0x800  }
0x4bc: {  	[sflag:s5] =	ssyncset.done $0x0  }
0x4bd: {  	[sflag:s5] =	ssyncadd.s32 $0xFFFFF800  }
0x4be: {  	_ =	swait.ge [sflag:s5], $0x800  }
0x4bf: {  	[sflag:s5] =	ssyncset.done $0x0  }
0x4c0: {  	[sflag:s5] =	ssyncadd.s32 $0xFFFFF800  }
0x4c1: {  	_ =	swait.ge [sflag:s5], $0x800  }
0x4c2: {  	[sflag:s5] =	ssyncset.done $0x0  }
0x4c3: {  	[sflag:s5] =	ssyncadd.s32 $0xFFFFF800  }
0x4c4: {  	_ =	swait.ge [sflag:s5], $0x800  }
0x4c5: {  	[sflag:s5] =	ssyncset.done $0x0  }
0x4c6: {  	[sflag:s5] =	ssyncadd.s32 $0xFFFFF800  }
0x4c7: {  	_ =	swait.ge [sflag:s5], $0x800  }
0x4c8: {  	[sflag:s5] =	ssyncset.done $0x0  }
0x4c9: {  	[sflag:s5] =	ssyncadd.s32 $0xFFFFF800  }
0x4ca: {  	p1 =	sne.s32 s23, $0x1;
	_ =	swait.ge [sflag:s5], $0x800  }
.Ltmp2:
0x4cb: {  	s4 =	simm.s32 $0xEA00;
	[sflag:s5] =	ssyncset.done $0x0;
	(pc) =	sbr.rel @p1 .LBB2_3-.Ltmp2, $4  }
0x4cc: {  	s30 =	simm.s32 $0x0;
	s31 =	rddreg [dreg:$0xd];
	[sflag:s5] =	ssyncadd.s32 $0xFFFFF800  }
0x4cd: {  	[hbm4b:s31+s30] =	stream.linear.scatter [tilespmem:s4], [sflag:$0x3], $0xD00, $0x38;
	[tilespmem:$0xF700] =	vst v63  }
0x4ce: {  	_ =	swait.ge [sflag:s3], $0xD00  }
0x4cf: {  	s23 =	sadd.s32 $0xFFFFFFFF, s23;
	s24 =	rddreg [dreg:$0x2];
	[sflag:s3] =	ssyncset.done $0x0  }
0x4d0: {  	s8 =	rddreg [dreg:$0xf]  }
0x4d1: {  	s31 =	rddreg [dreg:$0xe];
	s9 =	simm.s32 $0x1A00  }
.LBB2_5:
0x4d2: {  	[sflag:s3] =	ssyncadd.s32 @p0 $0xFFFFF300  }
0x4d3: {  	[tilespmem:s30], [sflag:$0x3] =	stream.linear.gather [hbm4b:s24+s30], $0xD00, $0x38;
	[tilespmem:$0xF700] =	vst v63  }
0x4d4: {  	_ =	swait.ge [sflag:s3], $0xD00  }
0x4d5: {  	[sflag:s3] =	ssyncset.done $0x0  }
0x4d6: {  	[sflag:s3] =	ssyncadd.s32 $0xFFFFF300  }
0x4d7: {  	[tilespmem:s9], [sflag:$0x1] =	stream.indirect.gather [hbm4b:s8+s10], $0x10, s30, s10, $0xb8;
	[tilespmem:$0xF700] =	vst v63  }
0x4d8: {  	_ = 	snop  }
0x4d9: {  	[tilespmem:s4], [sflag:$0x2] =	stream.indirect.gather [hbm4b:s31+s10], $0x1, s30, s10, $0xb8;
	[tilespmem:$0xF700] =	vst v63  }
0x4da: {  	s23 =	rddreg [dreg:$0x3]  }
0x4db: {  	[tilespmem:s10], [sflag:$0x3] =	stream.linear.gather [hbm4b:s23+s30], $0xD00, $0x38;
	[tilespmem:$0xF700] =	vst v63  }
0x4dc: {  	_ =	swait.ge [sflag:s3], $0xD00  }
0x4dd: {  	[sflag:s3] =	ssyncset.done $0x0  }
0x4de: {  	[sflag:s3] =	ssyncadd.s32 $0xFFFFF300  }
0x4df: {  	_ =	swait.ge [sflag:s5], $0xD000  }
0x4e0: {  	[sflag:s5] =	ssyncset.done $0x0  }
0x4e1: {  	s12 =	simm.s32 $0x2;
	[sflag:s5] =	ssyncadd.s32 $0xFFFF3000  }
0x4e2: {  	_ =	swait.ge [sflag:s12], $0xD00  }
0x4e3: {  	[sflag:s12] =	ssyncset.done $0x0  }
0x4e4: {  	[sflag:s12] =	ssyncadd.s32 $0xFFFFF300  }
0x4e5: {  	[hbm4b:s6+s7] =	stream.indirect.scatter [tilespmem:s9], [sflag:$0x1], $0x10, s10, s7, $0xb8;
	[tilespmem:$0xF700] =	vst v63  }
0x4e6: {  	s0 =	simm.s32 $0xD80;
	s1 =	simm.s32 $0x2200  }
0x4e7: {  	[hbm4b:s6+s7] =	stream.indirect.scatter [tilespmem:s1], [sflag:$0x1], $0x10, s0, s7, $0xb8;
	[tilespmem:$0xF700] =	vst v63  }
0x4e8: {  	s11 =	simm.s32 $0xE00;
	s13 =	simm.s32 $0x2A00  }
0x4e9: {  	[hbm4b:s6+s7] =	stream.indirect.scatter [tilespmem:s13], [sflag:$0x1], $0x10, s11, s7, $0xb8;
	[tilespmem:$0xF700] =	vst v63  }
0x4ea: {  	s14 =	simm.s32 $0xE80;
	s15 =	simm.s32 $0x3200  }
0x4eb: {  	[hbm4b:s6+s7] =	stream.indirect.scatter [tilespmem:s15], [sflag:$0x1], $0x10, s14, s7, $0xb8;
	[tilespmem:$0xF700] =	vst v63  }
0x4ec: {  	s16 =	simm.s32 $0xF00;
	s17 =	simm.s32 $0x3A00  }
0x4ed: {  	[hbm4b:s6+s7] =	stream.indirect.scatter [tilespmem:s17], [sflag:$0x1], $0x10, s16, s7, $0xb8;
	[tilespmem:$0xF700] =	vst v63  }
0x4ee: {  	s18 =	simm.s32 $0xF80;
	s19 =	simm.s32 $0x4200  }
0x4ef: {  	[hbm4b:s6+s7] =	stream.indirect.scatter [tilespmem:s19], [sflag:$0x1], $0x10, s18, s7, $0xb8;
	[tilespmem:$0xF700] =	vst v63  }
0x4f0: {  	s20 =	simm.s32 $0x1000;
	s21 =	simm.s32 $0x4A00  }
0x4f1: {  	[hbm4b:s6+s7] =	stream.indirect.scatter [tilespmem:s21], [sflag:$0x1], $0x10, s20, s7, $0xb8;
	[tilespmem:$0xF700] =	vst v63  }
0x4f2: {  	s22 =	simm.s32 $0x1080;
	s23 =	simm.s32 $0x5200  }
0x4f3: {  	[hbm4b:s6+s7] =	stream.indirect.scatter [tilespmem:s23], [sflag:$0x1], $0x10, s22, s7, $0xb8;
	[tilespmem:$0xF700] =	vst v63  }
0x4f4: {  	s25 =	simm.s32 $0x5A00;
	s24 =	simm.s32 $0x1100  }
0x4f5: {  	[hbm4b:s6+s7] =	stream.indirect.scatter [tilespmem:s25], [sflag:$0x1], $0x10, s24, s7, $0xb8;
	[tilespmem:$0xF700] =	vst v63  }
0x4f6: {  	s26 =	simm.s32 $0x1180;
	s28 =	simm.s32 $0x6200  }
0x4f7: {  	[hbm4b:s6+s7] =	stream.indirect.scatter [tilespmem:s28], [sflag:$0x1], $0x10, s26, s7, $0xb8;
	[tilespmem:$0xF700] =	vst v63  }
0x4f8: {  	s29 =	simm.s32 $0x1200;
	s30 =	simm.s32 $0x6A00  }
0x4f9: {  	[hbm4b:s6+s7] =	stream.indirect.scatter [tilespmem:s30], [sflag:$0x1], $0x10, s29, s7, $0xb8;
	[tilespmem:$0xF700] =	vst v63  }
0x4fa: {  	s2 =	simm.s32 $0x1280;
	s11 =	simm.s32 $0x7200  }
0x4fb: {  	[hbm4b:s6+s7] =	stream.indirect.scatter [tilespmem:s11], [sflag:$0x1], $0x10, s2, s7, $0xb8;
	[tilespmem:$0xF700] =	vst v63  }
0x4fc: {  	s13 =	simm.s32 $0x1300;
	s14 =	simm.s32 $0x7A00  }
0x4fd: {  	[hbm4b:s6+s7] =	stream.indirect.scatter [tilespmem:s14], [sflag:$0x1], $0x10, s13, s7, $0xb8;
	[tilespmem:$0xF700] =	vst v63  }
0x4fe: {  	s15 =	simm.s32 $0x1380;
	s16 =	simm.s32 $0x8200  }
0x4ff: {  	[hbm4b:s6+s7] =	stream.indirect.scatter [tilespmem:s16], [sflag:$0x1], $0x10, s15, s7, $0xb8;
	[tilespmem:$0xF700] =	vst v63  }
0x500: {  	s17 =	simm.s32 $0x1400;
	s18 =	simm.s32 $0x8A00  }
0x501: {  	[hbm4b:s6+s7] =	stream.indirect.scatter [tilespmem:s18], [sflag:$0x1], $0x10, s17, s7, $0xb8;
	[tilespmem:$0xF700] =	vst v63  }
0x502: {  	s19 =	simm.s32 $0x1480;
	s20 =	simm.s32 $0x9200  }
0x503: {  	[hbm4b:s6+s7] =	stream.indirect.scatter [tilespmem:s20], [sflag:$0x1], $0x10, s19, s7, $0xb8;
	[tilespmem:$0xF700] =	vst v63  }
0x504: {  	s21 =	simm.s32 $0x1500;
	s22 =	simm.s32 $0x9A00  }
0x505: {  	[hbm4b:s6+s7] =	stream.indirect.scatter [tilespmem:s22], [sflag:$0x1], $0x10, s21, s7, $0xb8;
	[tilespmem:$0xF700] =	vst v63  }
0x506: {  	s23 =	simm.s32 $0x1580;
	s24 =	simm.s32 $0xA200  }
0x507: {  	[hbm4b:s6+s7] =	stream.indirect.scatter [tilespmem:s24], [sflag:$0x1], $0x10, s23, s7, $0xb8;
	[tilespmem:$0xF700] =	vst v63  }
0x508: {  	s25 =	simm.s32 $0x1600;
	s26 =	simm.s32 $0xAA00  }
0x509: {  	[hbm4b:s6+s7] =	stream.indirect.scatter [tilespmem:s26], [sflag:$0x1], $0x10, s25, s7, $0xb8;
	[tilespmem:$0xF700] =	vst v63  }
0x50a: {  	s28 =	simm.s32 $0x1680;
	s30 =	simm.s32 $0xB200  }
0x50b: {  	[hbm4b:s6+s7] =	stream.indirect.scatter [tilespmem:s30], [sflag:$0x1], $0x10, s28, s7, $0xb8;
	[tilespmem:$0xF700] =	vst v63  }
0x50c: {  	s11 =	simm.s32 $0x1700;
	s14 =	simm.s32 $0xBA00  }
0x50d: {  	[hbm4b:s6+s7] =	stream.indirect.scatter [tilespmem:s14], [sflag:$0x1], $0x10, s11, s7, $0xb8;
	[tilespmem:$0xF700] =	vst v63  }
0x50e: {  	s18 =	simm.s32 $0x1780;
	s20 =	simm.s32 $0xC200  }
0x50f: {  	[hbm4b:s6+s7] =	stream.indirect.scatter [tilespmem:s20], [sflag:$0x1], $0x10, s18, s7, $0xb8;
	[tilespmem:$0xF700] =	vst v63  }
0x510: {  	s22 =	simm.s32 $0x1800;
	s23 =	simm.s32 $0xCA00  }
0x511: {  	[hbm4b:s6+s7] =	stream.indirect.scatter [tilespmem:s23], [sflag:$0x1], $0x10, s22, s7, $0xb8;
	[tilespmem:$0xF700] =	vst v63  }
0x512: {  	s24 =	simm.s32 $0x1880;
	s25 =	simm.s32 $0xD200  }
0x513: {  	[hbm4b:s6+s7] =	stream.indirect.scatter [tilespmem:s25], [sflag:$0x1], $0x10, s24, s7, $0xb8;
	[tilespmem:$0xF700] =	vst v63  }
0x514: {  	s11 =	simm.s32 $0x1900;
	s14 =	simm.s32 $0xDA00  }
0x515: {  	[hbm4b:s6+s7] =	stream.indirect.scatter [tilespmem:s14], [sflag:$0x1], $0x10, s11, s7, $0xb8;
	[tilespmem:$0xF700] =	vst v63  }
0x516: {  	s18 =	simm.s32 $0x1980;
	s23 =	simm.s32 $0xE200  }
0x517: {  	[hbm4b:s6+s7] =	stream.indirect.scatter [tilespmem:s23], [sflag:$0x1], $0x10, s18, s7, $0xb8;
	[tilespmem:$0xF700] =	vst v63  }
0x518: {  	_ =	swait.ge [sflag:s5], $0x800  }
0x519: {  	[sflag:s5] =	ssyncset.done $0x0  }
0x51a: {  	[sflag:s5] =	ssyncadd.s32 $0xFFFFF800  }
0x51b: {  	_ =	swait.ge [sflag:s5], $0x800  }
0x51c: {  	[sflag:s5] =	ssyncset.done $0x0  }
0x51d: {  	[sflag:s5] =	ssyncadd.s32 $0xFFFFF800  }
0x51e: {  	_ =	swait.ge [sflag:s5], $0x800  }
0x51f: {  	[sflag:s5] =	ssyncset.done $0x0  }
0x520: {  	[sflag:s5] =	ssyncadd.s32 $0xFFFFF800  }
0x521: {  	_ =	swait.ge [sflag:s5], $0x800  }
0x522: {  	[sflag:s5] =	ssyncset.done $0x0  }
0x523: {  	[sflag:s5] =	ssyncadd.s32 $0xFFFFF800  }
0x524: {  	_ =	swait.ge [sflag:s5], $0x800  }
0x525: {  	[sflag:s5] =	ssyncset.done $0x0  }
0x526: {  	[sflag:s5] =	ssyncadd.s32 $0xFFFFF800  }
0x527: {  	_ =	swait.ge [sflag:s5], $0x800  }
0x528: {  	[sflag:s5] =	ssyncset.done $0x0  }
0x529: {  	[sflag:s5] =	ssyncadd.s32 $0xFFFFF800  }
0x52a: {  	_ =	swait.ge [sflag:s5], $0x800  }
0x52b: {  	[sflag:s5] =	ssyncset.done $0x0  }
0x52c: {  	[sflag:s5] =	ssyncadd.s32 $0xFFFFF800  }
0x52d: {  	_ =	swait.ge [sflag:s5], $0x800  }
0x52e: {  	[sflag:s5] =	ssyncset.done $0x0  }
0x52f: {  	[sflag:s5] =	ssyncadd.s32 $0xFFFFF800  }
0x530: {  	_ =	swait.ge [sflag:s5], $0x800  }
0x531: {  	[sflag:s5] =	ssyncset.done $0x0  }
0x532: {  	[sflag:s5] =	ssyncadd.s32 $0xFFFFF800  }
0x533: {  	_ =	swait.ge [sflag:s5], $0x800  }
0x534: {  	[sflag:s5] =	ssyncset.done $0x0  }
0x535: {  	[sflag:s5] =	ssyncadd.s32 $0xFFFFF800  }
0x536: {  	_ =	swait.ge [sflag:s5], $0x800  }
0x537: {  	[sflag:s5] =	ssyncset.done $0x0  }
0x538: {  	[sflag:s5] =	ssyncadd.s32 $0xFFFFF800  }
0x539: {  	_ =	swait.ge [sflag:s5], $0x800  }
0x53a: {  	[sflag:s5] =	ssyncset.done $0x0  }
0x53b: {  	[sflag:s5] =	ssyncadd.s32 $0xFFFFF800  }
0x53c: {  	_ =	swait.ge [sflag:s5], $0x800  }
0x53d: {  	[sflag:s5] =	ssyncset.done $0x0  }
0x53e: {  	[sflag:s5] =	ssyncadd.s32 $0xFFFFF800  }
0x53f: {  	_ =	swait.ge [sflag:s5], $0x800  }
0x540: {  	[sflag:s5] =	ssyncset.done $0x0  }
0x541: {  	[sflag:s5] =	ssyncadd.s32 $0xFFFFF800  }
0x542: {  	_ =	swait.ge [sflag:s5], $0x800  }
0x543: {  	[sflag:s5] =	ssyncset.done $0x0  }
0x544: {  	[sflag:s5] =	ssyncadd.s32 $0xFFFFF800  }
0x545: {  	_ =	swait.ge [sflag:s5], $0x800  }
0x546: {  	[sflag:s5] =	ssyncset.done $0x0  }
0x547: {  	[sflag:s5] =	ssyncadd.s32 $0xFFFFF800  }
0x548: {  	_ =	swait.ge [sflag:s5], $0x800  }
0x549: {  	[sflag:s5] =	ssyncset.done $0x0  }
0x54a: {  	[sflag:s5] =	ssyncadd.s32 $0xFFFFF800  }
0x54b: {  	_ =	swait.ge [sflag:s5], $0x800  }
0x54c: {  	[sflag:s5] =	ssyncset.done $0x0  }
0x54d: {  	[sflag:s5] =	ssyncadd.s32 $0xFFFFF800  }
0x54e: {  	_ =	swait.ge [sflag:s5], $0x800  }
0x54f: {  	[sflag:s5] =	ssyncset.done $0x0  }
0x550: {  	[sflag:s5] =	ssyncadd.s32 $0xFFFFF800  }
0x551: {  	_ =	swait.ge [sflag:s5], $0x800  }
0x552: {  	[sflag:s5] =	ssyncset.done $0x0  }
0x553: {  	[sflag:s5] =	ssyncadd.s32 $0xFFFFF800  }
0x554: {  	_ =	swait.ge [sflag:s5], $0x800  }
0x555: {  	[sflag:s5] =	ssyncset.done $0x0  }
0x556: {  	[sflag:s5] =	ssyncadd.s32 $0xFFFFF800  }
0x557: {  	_ =	swait.ge [sflag:s5], $0x800  }
0x558: {  	[sflag:s5] =	ssyncset.done $0x0  }
0x559: {  	[sflag:s5] =	ssyncadd.s32 $0xFFFFF800  }
0x55a: {  	_ =	swait.ge [sflag:s5], $0x800  }
0x55b: {  	[sflag:s5] =	ssyncset.done $0x0  }
0x55c: {  	[sflag:s5] =	ssyncadd.s32 $0xFFFFF800  }
0x55d: {  	_ =	swait.ge [sflag:s5], $0x800  }
0x55e: {  	[sflag:s5] =	ssyncset.done $0x0  }
0x55f: {  	[sflag:s5] =	ssyncadd.s32 $0xFFFFF800  }
0x560: {  	_ =	swait.ge [sflag:s5], $0x800  }
0x561: {  	[sflag:s5] =	ssyncset.done $0x0  }
0x562: {  	[sflag:s5] =	ssyncadd.s32 $0xFFFFF800  }
0x563: {  	_ =	swait.ge [sflag:s5], $0x800  }
0x564: {  	[sflag:s5] =	ssyncset.done $0x0  }
0x565: {  	s2 =	simm.s32 $0x0;
	s0 =	rddreg [dreg:$0x4];
	[sflag:s5] =	ssyncadd.s32 $0xFFFFF800  }
0x566: {  	[hbm4b:s0+s2] =	stream.linear.scatter [tilespmem:s4], [sflag:$0x3], $0xD00, $0x38;
	[tilespmem:$0xF700] =	vst v63  }
0x567: {  	_ =	swait.ge [sflag:s3], $0xD00  }
0x568: {  	[sflag:s3] =	ssyncset.done $0x0  }
0x569: {  	s1 =	rddreg [dreg:$0x5];
	[sflag:s3] =	ssyncadd.s32 $0xFFFFF300  }
0x56a: {  	[tilespmem:s2], [sflag:$0x3] =	stream.linear.gather [hbm4b:s1+s2], $0xD00, $0x38;
	[tilespmem:$0xF700] =	vst v63  }
0x56b: {  	_ =	swait.ge [sflag:s3], $0xD00  }
0x56c: {  	[sflag:s3] =	ssyncset.done $0x0  }
0x56d: {  	[sflag:s3] =	ssyncadd.s32 $0xFFFFF300  }
0x56e: {  	[tilespmem:s9], [sflag:$0x1] =	stream.indirect.gather [hbm4b:s8+s10], $0x10, s2, s10, $0xb8;
	[tilespmem:$0xF700] =	vst v63  }
0x56f: {  	_ = 	snop  }
0x570: {  	[tilespmem:s4], [sflag:$0x2] =	stream.indirect.gather [hbm4b:s31+s10], $0x1, s2, s10, $0xb8;
	[tilespmem:$0xF700] =	vst v63  }
0x571: {  	s11 =	rddreg [dreg:$0x6]  }
0x572: {  	[tilespmem:s10], [sflag:$0x3] =	stream.linear.gather [hbm4b:s11+s2], $0xD00, $0x38;
	[tilespmem:$0xF700] =	vst v63  }
0x573: {  	_ =	swait.ge [sflag:s3], $0xD00  }
0x574: {  	[sflag:s3] =	ssyncset.done $0x0  }
0x575: {  	[sflag:s3] =	ssyncadd.s32 $0xFFFFF300  }
0x576: {  	_ =	swait.ge [sflag:s5], $0xD000  }
0x577: {  	[sflag:s5] =	ssyncset.done $0x0  }
0x578: {  	[sflag:s5] =	ssyncadd.s32 $0xFFFF3000  }
0x579: {  	_ =	swait.ge [sflag:s12], $0xD00  }
0x57a: {  	[sflag:s12] =	ssyncset.done $0x0  }
0x57b: {  	[sflag:s12] =	ssyncadd.s32 $0xFFFFF300  }
0x57c: {  	[hbm4b:s6+s7] =	stream.indirect.scatter [tilespmem:s9], [sflag:$0x1], $0x10, s10, s7, $0xb8;
	[tilespmem:$0xF700] =	vst v63  }
0x57d: {  	s1 =	simm.s32 $0x2200;
	s11 =	simm.s32 $0xD80  }
0x57e: {  	[hbm4b:s6+s7] =	stream.indirect.scatter [tilespmem:s1], [sflag:$0x1], $0x10, s11, s7, $0xb8;
	[tilespmem:$0xF700] =	vst v63  }
0x57f: {  	s23 =	simm.s32 $0xE00;
	s0 =	simm.s32 $0x2A00  }
0x580: {  	[hbm4b:s6+s7] =	stream.indirect.scatter [tilespmem:s0], [sflag:$0x1], $0x10, s23, s7, $0xb8;
	[tilespmem:$0xF700] =	vst v63  }
0x581: {  	s0 =	simm.s32 $0x3200;
	s23 =	simm.s32 $0xE80  }
0x582: {  	[hbm4b:s6+s7] =	stream.indirect.scatter [tilespmem:s0], [sflag:$0x1], $0x10, s23, s7, $0xb8;
	[tilespmem:$0xF700] =	vst v63  }
0x583: {  	s0 =	simm.s32 $0x3A00;
	s23 =	simm.s32 $0xF00  }
0x584: {  	[hbm4b:s6+s7] =	stream.indirect.scatter [tilespmem:s0], [sflag:$0x1], $0x10, s23, s7, $0xb8;
	[tilespmem:$0xF700] =	vst v63  }
0x585: {  	s0 =	simm.s32 $0x4200;
	s23 =	simm.s32 $0xF80  }
0x586: {  	[hbm4b:s6+s7] =	stream.indirect.scatter [tilespmem:s0], [sflag:$0x1], $0x10, s23, s7, $0xb8;
	[tilespmem:$0xF700] =	vst v63  }
0x587: {  	s0 =	simm.s32 $0x4A00;
	s23 =	simm.s32 $0x1000  }
0x588: {  	[hbm4b:s6+s7] =	stream.indirect.scatter [tilespmem:s0], [sflag:$0x1], $0x10, s23, s7, $0xb8;
	[tilespmem:$0xF700] =	vst v63  }
0x589: {  	s0 =	simm.s32 $0x5200;
	s23 =	simm.s32 $0x1080  }
0x58a: {  	[hbm4b:s6+s7] =	stream.indirect.scatter [tilespmem:s0], [sflag:$0x1], $0x10, s23, s7, $0xb8;
	[tilespmem:$0xF700] =	vst v63  }
0x58b: {  	s0 =	simm.s32 $0x5A00;
	s23 =	simm.s32 $0x1100  }
0x58c: {  	[hbm4b:s6+s7] =	stream.indirect.scatter [tilespmem:s0], [sflag:$0x1], $0x10, s23, s7, $0xb8;
	[tilespmem:$0xF700] =	vst v63  }
0x58d: {  	s0 =	simm.s32 $0x6200;
	s23 =	simm.s32 $0x1180  }
0x58e: {  	[hbm4b:s6+s7] =	stream.indirect.scatter [tilespmem:s0], [sflag:$0x1], $0x10, s23, s7, $0xb8;
	[tilespmem:$0xF700] =	vst v63  }
0x58f: {  	s0 =	simm.s32 $0x1200;
	s23 =	simm.s32 $0x6A00  }
0x590: {  	[hbm4b:s6+s7] =	stream.indirect.scatter [tilespmem:s23], [sflag:$0x1], $0x10, s0, s7, $0xb8;
	[tilespmem:$0xF700] =	vst v63  }
0x591: {  	s0 =	simm.s32 $0x7200;
	s23 =	simm.s32 $0x1280  }
0x592: {  	[hbm4b:s6+s7] =	stream.indirect.scatter [tilespmem:s0], [sflag:$0x1], $0x10, s23, s7, $0xb8;
	[tilespmem:$0xF700] =	vst v63  }
0x593: {  	s0 =	simm.s32 $0x7A00;
	s23 =	simm.s32 $0x1300  }
0x594: {  	[hbm4b:s6+s7] =	stream.indirect.scatter [tilespmem:s0], [sflag:$0x1], $0x10, s23, s7, $0xb8;
	[tilespmem:$0xF700] =	vst v63  }
0x595: {  	s0 =	simm.s32 $0x8200;
	s23 =	simm.s32 $0x1380  }
0x596: {  	[hbm4b:s6+s7] =	stream.indirect.scatter [tilespmem:s0], [sflag:$0x1], $0x10, s23, s7, $0xb8;
	[tilespmem:$0xF700] =	vst v63  }
0x597: {  	s0 =	simm.s32 $0x8A00;
	s23 =	simm.s32 $0x1400  }
0x598: {  	[hbm4b:s6+s7] =	stream.indirect.scatter [tilespmem:s0], [sflag:$0x1], $0x10, s23, s7, $0xb8;
	[tilespmem:$0xF700] =	vst v63  }
0x599: {  	s29 =	simm.s32 $0x1480;
	s23 =	simm.s32 $0x9200  }
0x59a: {  	[hbm4b:s6+s7] =	stream.indirect.scatter [tilespmem:s23], [sflag:$0x1], $0x10, s29, s7, $0xb8;
	[tilespmem:$0xF700] =	vst v63  }
0x59b: {  	s19 =	simm.s32 $0x1500;
	s21 =	simm.s32 $0x9A00  }
0x59c: {  	[hbm4b:s6+s7] =	stream.indirect.scatter [tilespmem:s21], [sflag:$0x1], $0x10, s19, s7, $0xb8;
	[tilespmem:$0xF700] =	vst v63  }
0x59d: {  	s16 =	simm.s32 $0x1580;
	s17 =	simm.s32 $0xA200  }
0x59e: {  	[hbm4b:s6+s7] =	stream.indirect.scatter [tilespmem:s17], [sflag:$0x1], $0x10, s16, s7, $0xb8;
	[tilespmem:$0xF700] =	vst v63  }
0x59f: {  	s13 =	simm.s32 $0x1600;
	s15 =	simm.s32 $0xAA00  }
0x5a0: {  	[hbm4b:s6+s7] =	stream.indirect.scatter [tilespmem:s15], [sflag:$0x1], $0x10, s13, s7, $0xb8;
	[tilespmem:$0xF700] =	vst v63  }
0x5a1: {  	s16 =	simm.s32 $0x1680;
	s17 =	simm.s32 $0xB200  }
0x5a2: {  	[hbm4b:s6+s7] =	stream.indirect.scatter [tilespmem:s17], [sflag:$0x1], $0x10, s16, s7, $0xb8;
	[tilespmem:$0xF700] =	vst v63  }
0x5a3: {  	s19 =	simm.s32 $0x1700;
	s21 =	simm.s32 $0xBA00  }
0x5a4: {  	[hbm4b:s6+s7] =	stream.indirect.scatter [tilespmem:s21], [sflag:$0x1], $0x10, s19, s7, $0xb8;
	[tilespmem:$0xF700] =	vst v63  }
0x5a5: {  	s30 =	simm.s32 $0x1780;
	s0 =	simm.s32 $0xC200  }
0x5a6: {  	[hbm4b:s6+s7] =	stream.indirect.scatter [tilespmem:s0], [sflag:$0x1], $0x10, s30, s7, $0xb8;
	[tilespmem:$0xF700] =	vst v63  }
0x5a7: {  	s26 =	simm.s32 $0x1800;
	s28 =	simm.s32 $0xCA00  }
0x5a8: {  	[hbm4b:s6+s7] =	stream.indirect.scatter [tilespmem:s28], [sflag:$0x1], $0x10, s26, s7, $0xb8;
	[tilespmem:$0xF700] =	vst v63  }
0x5a9: {  	s25 =	simm.s32 $0xD200;
	s24 =	simm.s32 $0x1880  }
0x5aa: {  	[hbm4b:s6+s7] =	stream.indirect.scatter [tilespmem:s25], [sflag:$0x1], $0x10, s24, s7, $0xb8;
	[tilespmem:$0xF700] =	vst v63  }
0x5ab: {  	s20 =	simm.s32 $0x1900;
	s22 =	simm.s32 $0xDA00  }
0x5ac: {  	[hbm4b:s6+s7] =	stream.indirect.scatter [tilespmem:s22], [sflag:$0x1], $0x10, s20, s7, $0xb8;
	[tilespmem:$0xF700] =	vst v63  }
0x5ad: {  	s14 =	simm.s32 $0x1980;
	s18 =	simm.s32 $0xE200  }
0x5ae: {  	[hbm4b:s6+s7] =	stream.indirect.scatter [tilespmem:s18], [sflag:$0x1], $0x10, s14, s7, $0xb8;
	[tilespmem:$0xF700] =	vst v63  }
0x5af: {  	_ =	swait.ge [sflag:s5], $0x800  }
0x5b0: {  	[sflag:s5] =	ssyncset.done $0x0  }
0x5b1: {  	[sflag:s5] =	ssyncadd.s32 $0xFFFFF800  }
0x5b2: {  	_ =	swait.ge [sflag:s5], $0x800  }
0x5b3: {  	[sflag:s5] =	ssyncset.done $0x0  }
0x5b4: {  	[sflag:s5] =	ssyncadd.s32 $0xFFFFF800  }
0x5b5: {  	_ =	swait.ge [sflag:s5], $0x800  }
0x5b6: {  	[sflag:s5] =	ssyncset.done $0x0  }
0x5b7: {  	[sflag:s5] =	ssyncadd.s32 $0xFFFFF800  }
0x5b8: {  	_ =	swait.ge [sflag:s5], $0x800  }
0x5b9: {  	[sflag:s5] =	ssyncset.done $0x0  }
0x5ba: {  	[sflag:s5] =	ssyncadd.s32 $0xFFFFF800  }
0x5bb: {  	_ =	swait.ge [sflag:s5], $0x800  }
0x5bc: {  	[sflag:s5] =	ssyncset.done $0x0  }
0x5bd: {  	[sflag:s5] =	ssyncadd.s32 $0xFFFFF800  }
0x5be: {  	_ =	swait.ge [sflag:s5], $0x800  }
0x5bf: {  	[sflag:s5] =	ssyncset.done $0x0  }
0x5c0: {  	[sflag:s5] =	ssyncadd.s32 $0xFFFFF800  }
0x5c1: {  	_ =	swait.ge [sflag:s5], $0x800  }
0x5c2: {  	[sflag:s5] =	ssyncset.done $0x0  }
0x5c3: {  	[sflag:s5] =	ssyncadd.s32 $0xFFFFF800  }
0x5c4: {  	_ =	swait.ge [sflag:s5], $0x800  }
0x5c5: {  	[sflag:s5] =	ssyncset.done $0x0  }
0x5c6: {  	[sflag:s5] =	ssyncadd.s32 $0xFFFFF800  }
0x5c7: {  	_ =	swait.ge [sflag:s5], $0x800  }
0x5c8: {  	[sflag:s5] =	ssyncset.done $0x0  }
0x5c9: {  	[sflag:s5] =	ssyncadd.s32 $0xFFFFF800  }
0x5ca: {  	_ =	swait.ge [sflag:s5], $0x800  }
0x5cb: {  	[sflag:s5] =	ssyncset.done $0x0  }
0x5cc: {  	[sflag:s5] =	ssyncadd.s32 $0xFFFFF800  }
0x5cd: {  	_ =	swait.ge [sflag:s5], $0x800  }
0x5ce: {  	[sflag:s5] =	ssyncset.done $0x0  }
0x5cf: {  	[sflag:s5] =	ssyncadd.s32 $0xFFFFF800  }
0x5d0: {  	_ =	swait.ge [sflag:s5], $0x800  }
0x5d1: {  	[sflag:s5] =	ssyncset.done $0x0  }
0x5d2: {  	[sflag:s5] =	ssyncadd.s32 $0xFFFFF800  }
0x5d3: {  	_ =	swait.ge [sflag:s5], $0x800  }
0x5d4: {  	[sflag:s5] =	ssyncset.done $0x0  }
0x5d5: {  	[sflag:s5] =	ssyncadd.s32 $0xFFFFF800  }
0x5d6: {  	_ =	swait.ge [sflag:s5], $0x800  }
0x5d7: {  	[sflag:s5] =	ssyncset.done $0x0  }
0x5d8: {  	[sflag:s5] =	ssyncadd.s32 $0xFFFFF800  }
0x5d9: {  	_ =	swait.ge [sflag:s5], $0x800  }
0x5da: {  	[sflag:s5] =	ssyncset.done $0x0  }
0x5db: {  	[sflag:s5] =	ssyncadd.s32 $0xFFFFF800  }
0x5dc: {  	_ =	swait.ge [sflag:s5], $0x800  }
0x5dd: {  	[sflag:s5] =	ssyncset.done $0x0  }
0x5de: {  	[sflag:s5] =	ssyncadd.s32 $0xFFFFF800  }
0x5df: {  	_ =	swait.ge [sflag:s5], $0x800  }
0x5e0: {  	[sflag:s5] =	ssyncset.done $0x0  }
0x5e1: {  	[sflag:s5] =	ssyncadd.s32 $0xFFFFF800  }
0x5e2: {  	_ =	swait.ge [sflag:s5], $0x800  }
0x5e3: {  	[sflag:s5] =	ssyncset.done $0x0  }
0x5e4: {  	[sflag:s5] =	ssyncadd.s32 $0xFFFFF800  }
0x5e5: {  	_ =	swait.ge [sflag:s5], $0x800  }
0x5e6: {  	[sflag:s5] =	ssyncset.done $0x0  }
0x5e7: {  	[sflag:s5] =	ssyncadd.s32 $0xFFFFF800  }
0x5e8: {  	_ =	swait.ge [sflag:s5], $0x800  }
0x5e9: {  	[sflag:s5] =	ssyncset.done $0x0  }
0x5ea: {  	[sflag:s5] =	ssyncadd.s32 $0xFFFFF800  }
0x5eb: {  	_ =	swait.ge [sflag:s5], $0x800  }
0x5ec: {  	[sflag:s5] =	ssyncset.done $0x0  }
0x5ed: {  	[sflag:s5] =	ssyncadd.s32 $0xFFFFF800  }
0x5ee: {  	_ =	swait.ge [sflag:s5], $0x800  }
0x5ef: {  	[sflag:s5] =	ssyncset.done $0x0  }
0x5f0: {  	[sflag:s5] =	ssyncadd.s32 $0xFFFFF800  }
0x5f1: {  	_ =	swait.ge [sflag:s5], $0x800  }
0x5f2: {  	[sflag:s5] =	ssyncset.done $0x0  }
0x5f3: {  	[sflag:s5] =	ssyncadd.s32 $0xFFFFF800  }
0x5f4: {  	_ =	swait.ge [sflag:s5], $0x800  }
0x5f5: {  	[sflag:s5] =	ssyncset.done $0x0  }
0x5f6: {  	[sflag:s5] =	ssyncadd.s32 $0xFFFFF800  }
0x5f7: {  	_ =	swait.ge [sflag:s5], $0x800  }
0x5f8: {  	[sflag:s5] =	ssyncset.done $0x0  }
0x5f9: {  	[sflag:s5] =	ssyncadd.s32 $0xFFFFF800  }
0x5fa: {  	_ =	swait.ge [sflag:s5], $0x800  }
0x5fb: {  	[sflag:s5] =	ssyncset.done $0x0  }
0x5fc: {  	s28 =	rddreg [dreg:$0x7];
	[sflag:s5] =	ssyncadd.s32 $0xFFFFF800  }
0x5fd: {  	[hbm4b:s28+s2] =	stream.linear.scatter [tilespmem:s4], [sflag:$0x3], $0xD00, $0x38;
	[tilespmem:$0xF700] =	vst v63  }
0x5fe: {  	_ =	swait.ge [sflag:s3], $0xD00  }
0x5ff: {  	[sflag:s3] =	ssyncset.done $0x0  }
0x600: {  	s29 =	rddreg [dreg:$0x8];
	[sflag:s3] =	ssyncadd.s32 $0xFFFFF300  }
0x601: {  	[tilespmem:s2], [sflag:$0x3] =	stream.linear.gather [hbm4b:s29+s2], $0xD00, $0x38;
	[tilespmem:$0xF700] =	vst v63  }
0x602: {  	_ =	swait.ge [sflag:s3], $0xD00  }
0x603: {  	[sflag:s3] =	ssyncset.done $0x0  }
0x604: {  	[sflag:s3] =	ssyncadd.s32 $0xFFFFF300  }
0x605: {  	[tilespmem:s9], [sflag:$0x1] =	stream.indirect.gather [hbm4b:s8+s10], $0x10, s2, s10, $0xb8;
	[tilespmem:$0xF700] =	vst v63  }
0x606: {  	_ = 	snop  }
0x607: {  	[tilespmem:s4], [sflag:$0x2] =	stream.indirect.gather [hbm4b:s31+s10], $0x1, s2, s10, $0xb8;
	[tilespmem:$0xF700] =	vst v63  }
0x608: {  	s30 =	rddreg [dreg:$0x9]  }
0x609: {  	[tilespmem:s10], [sflag:$0x3] =	stream.linear.gather [hbm4b:s30+s2], $0xD00, $0x38;
	[tilespmem:$0xF700] =	vst v63  }
0x60a: {  	_ =	swait.ge [sflag:s3], $0xD00  }
0x60b: {  	[sflag:s3] =	ssyncset.done $0x0  }
0x60c: {  	[sflag:s3] =	ssyncadd.s32 $0xFFFFF300  }
0x60d: {  	_ =	swait.ge [sflag:s5], $0xD000  }
0x60e: {  	[sflag:s5] =	ssyncset.done $0x0  }
0x60f: {  	[sflag:s5] =	ssyncadd.s32 $0xFFFF3000  }
0x610: {  	_ =	swait.ge [sflag:s12], $0xD00  }
0x611: {  	[sflag:s12] =	ssyncset.done $0x0  }
0x612: {  	[sflag:s12] =	ssyncadd.s32 $0xFFFFF300  }
0x613: {  	[hbm4b:s6+s7] =	stream.indirect.scatter [tilespmem:s9], [sflag:$0x1], $0x10, s10, s7, $0xb8;
	[tilespmem:$0xF700] =	vst v63  }
0x614: {  	_ = 	snop  }
0x615: {  	[hbm4b:s6+s7] =	stream.indirect.scatter [tilespmem:s1], [sflag:$0x1], $0x10, s11, s7, $0xb8;
	[tilespmem:$0xF700] =	vst v63  }
0x616: {  	s13 =	simm.s32 $0xE00;
	s11 =	simm.s32 $0x2A00  }
0x617: {  	[hbm4b:s6+s7] =	stream.indirect.scatter [tilespmem:s11], [sflag:$0x1], $0x10, s13, s7, $0xb8;
	[tilespmem:$0xF700] =	vst v63  }
0x618: {  	s14 =	simm.s32 $0xE80;
	s28 =	simm.s32 $0x3200  }
0x619: {  	[hbm4b:s6+s7] =	stream.indirect.scatter [tilespmem:s28], [sflag:$0x1], $0x10, s14, s7, $0xb8;
	[tilespmem:$0xF700] =	vst v63  }
0x61a: {  	s15 =	simm.s32 $0xF00;
	s18 =	simm.s32 $0x3A00  }
0x61b: {  	[hbm4b:s6+s7] =	stream.indirect.scatter [tilespmem:s18], [sflag:$0x1], $0x10, s15, s7, $0xb8;
	[tilespmem:$0xF700] =	vst v63  }
0x61c: {  	s20 =	simm.s32 $0xF80;
	s22 =	simm.s32 $0x4200  }
0x61d: {  	[hbm4b:s6+s7] =	stream.indirect.scatter [tilespmem:s22], [sflag:$0x1], $0x10, s20, s7, $0xb8;
	[tilespmem:$0xF700] =	vst v63  }
0x61e: {  	s23 =	simm.s32 $0x1000;
	s29 =	simm.s32 $0x4A00  }
0x61f: {  	[hbm4b:s6+s7] =	stream.indirect.scatter [tilespmem:s29], [sflag:$0x1], $0x10, s23, s7, $0xb8;
	[tilespmem:$0xF700] =	vst v63  }
0x620: {  	s24 =	simm.s32 $0x1080;
	s30 =	simm.s32 $0x5200  }
0x621: {  	[hbm4b:s6+s7] =	stream.indirect.scatter [tilespmem:s30], [sflag:$0x1], $0x10, s24, s7, $0xb8;
	[tilespmem:$0xF700] =	vst v63  }
0x622: {  	s26 =	simm.s32 $0x5A00;
	s25 =	simm.s32 $0x1100  }
0x623: {  	[hbm4b:s6+s7] =	stream.indirect.scatter [tilespmem:s26], [sflag:$0x1], $0x10, s25, s7, $0xb8;
	[tilespmem:$0xF700] =	vst v63  }
0x624: {  	s11 =	simm.s32 $0x1180;
	s13 =	simm.s32 $0x6200  }
0x625: {  	[hbm4b:s6+s7] =	stream.indirect.scatter [tilespmem:s13], [sflag:$0x1], $0x10, s11, s7, $0xb8;
	[tilespmem:$0xF700] =	vst v63  }
0x626: {  	s14 =	simm.s32 $0x1200;
	s15 =	simm.s32 $0x6A00  }
0x627: {  	[hbm4b:s6+s7] =	stream.indirect.scatter [tilespmem:s15], [sflag:$0x1], $0x10, s14, s7, $0xb8;
	[tilespmem:$0xF700] =	vst v63  }
0x628: {  	s18 =	simm.s32 $0x7200;
	s20 =	simm.s32 $0x1280  }
0x629: {  	[hbm4b:s6+s7] =	stream.indirect.scatter [tilespmem:s18], [sflag:$0x1], $0x10, s20, s7, $0xb8;
	[tilespmem:$0xF700] =	vst v63  }
0x62a: {  	s24 =	simm.s32 $0x7A00;
	s26 =	simm.s32 $0x1300  }
0x62b: {  	[hbm4b:s6+s7] =	stream.indirect.scatter [tilespmem:s24], [sflag:$0x1], $0x10, s26, s7, $0xb8;
	[tilespmem:$0xF700] =	vst v63  }
0x62c: {  	s1 =	simm.s32 $0x1380;
	s25 =	simm.s32 $0x8200  }
0x62d: {  	[hbm4b:s6+s7] =	stream.indirect.scatter [tilespmem:s25], [sflag:$0x1], $0x10, s1, s7, $0xb8;
	[tilespmem:$0xF700] =	vst v63  }
0x62e: {  	s11 =	simm.s32 $0x8A00;
	s25 =	simm.s32 $0x1400  }
0x62f: {  	[hbm4b:s6+s7] =	stream.indirect.scatter [tilespmem:s11], [sflag:$0x1], $0x10, s25, s7, $0xb8;
	[tilespmem:$0xF700] =	vst v63  }
0x630: {  	s13 =	simm.s32 $0x9200;
	s14 =	simm.s32 $0x1480  }
0x631: {  	[hbm4b:s6+s7] =	stream.indirect.scatter [tilespmem:s13], [sflag:$0x1], $0x10, s14, s7, $0xb8;
	[tilespmem:$0xF700] =	vst v63  }
0x632: {  	s15 =	simm.s32 $0x9A00;
	s18 =	simm.s32 $0x1500  }
0x633: {  	[hbm4b:s6+s7] =	stream.indirect.scatter [tilespmem:s15], [sflag:$0x1], $0x10, s18, s7, $0xb8;
	[tilespmem:$0xF700] =	vst v63  }
0x634: {  	s22 =	simm.s32 $0x1580;
	s20 =	simm.s32 $0xA200  }
0x635: {  	[hbm4b:s6+s7] =	stream.indirect.scatter [tilespmem:s20], [sflag:$0x1], $0x10, s22, s7, $0xb8;
	[tilespmem:$0xF700] =	vst v63  }
0x636: {  	s22 =	simm.s32 $0xAA00;
	s20 =	simm.s32 $0x1600  }
0x637: {  	[hbm4b:s6+s7] =	stream.indirect.scatter [tilespmem:s22], [sflag:$0x1], $0x10, s20, s7, $0xb8;
	[tilespmem:$0xF700] =	vst v63  }
0x638: {  	_ = 	snop  }
0x639: {  	[hbm4b:s6+s7] =	stream.indirect.scatter [tilespmem:s17], [sflag:$0x1], $0x10, s16, s7, $0xb8;
	[tilespmem:$0xF700] =	vst v63  }
0x63a: {  	_ = 	snop  }
0x63b: {  	[hbm4b:s6+s7] =	stream.indirect.scatter [tilespmem:s21], [sflag:$0x1], $0x10, s19, s7, $0xb8;
	[tilespmem:$0xF700] =	vst v63  }
0x63c: {  	s17 =	simm.s32 $0x1780  }
0x63d: {  	[hbm4b:s6+s7] =	stream.indirect.scatter [tilespmem:s0], [sflag:$0x1], $0x10, s17, s7, $0xb8;
	[tilespmem:$0xF700] =	vst v63  }
0x63e: {  	s18 =	simm.s32 $0xCA00;
	s16 =	simm.s32 $0x1800  }
0x63f: {  	[hbm4b:s6+s7] =	stream.indirect.scatter [tilespmem:s18], [sflag:$0x1], $0x10, s16, s7, $0xb8;
	[tilespmem:$0xF700] =	vst v63  }
0x640: {  	s13 =	simm.s32 $0x1880;
	s15 =	simm.s32 $0xD200  }
0x641: {  	[hbm4b:s6+s7] =	stream.indirect.scatter [tilespmem:s15], [sflag:$0x1], $0x10, s13, s7, $0xb8;
	[tilespmem:$0xF700] =	vst v63  }
0x642: {  	s14 =	simm.s32 $0xDA00;
	s0 =	simm.s32 $0x1900  }
0x643: {  	[hbm4b:s6+s7] =	stream.indirect.scatter [tilespmem:s14], [sflag:$0x1], $0x10, s0, s7, $0xb8;
	[tilespmem:$0xF700] =	vst v63  }
0x644: {  	s1 =	simm.s32 $0x1980;
	s11 =	simm.s32 $0xE200  }
0x645: {  	[hbm4b:s6+s7] =	stream.indirect.scatter [tilespmem:s11], [sflag:$0x1], $0x10, s1, s7, $0xb8;
	[tilespmem:$0xF700] =	vst v63  }
0x646: {  	_ =	swait.ge [sflag:s5], $0x800  }
0x647: {  	[sflag:s5] =	ssyncset.done $0x0  }
0x648: {  	[sflag:s5] =	ssyncadd.s32 $0xFFFFF800  }
0x649: {  	_ =	swait.ge [sflag:s5], $0x800  }
0x64a: {  	[sflag:s5] =	ssyncset.done $0x0  }
0x64b: {  	[sflag:s5] =	ssyncadd.s32 $0xFFFFF800  }
0x64c: {  	_ =	swait.ge [sflag:s5], $0x800  }
0x64d: {  	[sflag:s5] =	ssyncset.done $0x0  }
0x64e: {  	[sflag:s5] =	ssyncadd.s32 $0xFFFFF800  }
0x64f: {  	_ =	swait.ge [sflag:s5], $0x800  }
0x650: {  	[sflag:s5] =	ssyncset.done $0x0  }
0x651: {  	[sflag:s5] =	ssyncadd.s32 $0xFFFFF800  }
0x652: {  	_ =	swait.ge [sflag:s5], $0x800  }
0x653: {  	[sflag:s5] =	ssyncset.done $0x0  }
0x654: {  	[sflag:s5] =	ssyncadd.s32 $0xFFFFF800  }
0x655: {  	_ =	swait.ge [sflag:s5], $0x800  }
0x656: {  	[sflag:s5] =	ssyncset.done $0x0  }
0x657: {  	[sflag:s5] =	ssyncadd.s32 $0xFFFFF800  }
0x658: {  	_ =	swait.ge [sflag:s5], $0x800  }
0x659: {  	[sflag:s5] =	ssyncset.done $0x0  }
0x65a: {  	[sflag:s5] =	ssyncadd.s32 $0xFFFFF800  }
0x65b: {  	_ =	swait.ge [sflag:s5], $0x800  }
0x65c: {  	[sflag:s5] =	ssyncset.done $0x0  }
0x65d: {  	[sflag:s5] =	ssyncadd.s32 $0xFFFFF800  }
0x65e: {  	_ =	swait.ge [sflag:s5], $0x800  }
0x65f: {  	[sflag:s5] =	ssyncset.done $0x0  }
0x660: {  	[sflag:s5] =	ssyncadd.s32 $0xFFFFF800  }
0x661: {  	_ =	swait.ge [sflag:s5], $0x800  }
0x662: {  	[sflag:s5] =	ssyncset.done $0x0  }
0x663: {  	[sflag:s5] =	ssyncadd.s32 $0xFFFFF800  }
0x664: {  	_ =	swait.ge [sflag:s5], $0x800  }
0x665: {  	[sflag:s5] =	ssyncset.done $0x0  }
0x666: {  	[sflag:s5] =	ssyncadd.s32 $0xFFFFF800  }
0x667: {  	_ =	swait.ge [sflag:s5], $0x800  }
0x668: {  	[sflag:s5] =	ssyncset.done $0x0  }
0x669: {  	[sflag:s5] =	ssyncadd.s32 $0xFFFFF800  }
0x66a: {  	_ =	swait.ge [sflag:s5], $0x800  }
0x66b: {  	[sflag:s5] =	ssyncset.done $0x0  }
0x66c: {  	[sflag:s5] =	ssyncadd.s32 $0xFFFFF800  }
0x66d: {  	_ =	swait.ge [sflag:s5], $0x800  }
0x66e: {  	[sflag:s5] =	ssyncset.done $0x0  }
0x66f: {  	[sflag:s5] =	ssyncadd.s32 $0xFFFFF800  }
0x670: {  	_ =	swait.ge [sflag:s5], $0x800  }
0x671: {  	[sflag:s5] =	ssyncset.done $0x0  }
0x672: {  	[sflag:s5] =	ssyncadd.s32 $0xFFFFF800  }
0x673: {  	_ =	swait.ge [sflag:s5], $0x800  }
0x674: {  	[sflag:s5] =	ssyncset.done $0x0  }
0x675: {  	[sflag:s5] =	ssyncadd.s32 $0xFFFFF800  }
0x676: {  	_ =	swait.ge [sflag:s5], $0x800  }
0x677: {  	[sflag:s5] =	ssyncset.done $0x0  }
0x678: {  	[sflag:s5] =	ssyncadd.s32 $0xFFFFF800  }
0x679: {  	_ =	swait.ge [sflag:s5], $0x800  }
0x67a: {  	[sflag:s5] =	ssyncset.done $0x0  }
0x67b: {  	[sflag:s5] =	ssyncadd.s32 $0xFFFFF800  }
0x67c: {  	_ =	swait.ge [sflag:s5], $0x800  }
0x67d: {  	[sflag:s5] =	ssyncset.done $0x0  }
0x67e: {  	[sflag:s5] =	ssyncadd.s32 $0xFFFFF800  }
0x67f: {  	_ =	swait.ge [sflag:s5], $0x800  }
0x680: {  	[sflag:s5] =	ssyncset.done $0x0  }
0x681: {  	[sflag:s5] =	ssyncadd.s32 $0xFFFFF800  }
0x682: {  	_ =	swait.ge [sflag:s5], $0x800  }
0x683: {  	[sflag:s5] =	ssyncset.done $0x0  }
0x684: {  	[sflag:s5] =	ssyncadd.s32 $0xFFFFF800  }
0x685: {  	_ =	swait.ge [sflag:s5], $0x800  }
0x686: {  	[sflag:s5] =	ssyncset.done $0x0  }
0x687: {  	[sflag:s5] =	ssyncadd.s32 $0xFFFFF800  }
0x688: {  	_ =	swait.ge [sflag:s5], $0x800  }
0x689: {  	[sflag:s5] =	ssyncset.done $0x0  }
0x68a: {  	[sflag:s5] =	ssyncadd.s32 $0xFFFFF800  }
0x68b: {  	_ =	swait.ge [sflag:s5], $0x800  }
0x68c: {  	[sflag:s5] =	ssyncset.done $0x0  }
0x68d: {  	[sflag:s5] =	ssyncadd.s32 $0xFFFFF800  }
0x68e: {  	_ =	swait.ge [sflag:s5], $0x800  }
0x68f: {  	[sflag:s5] =	ssyncset.done $0x0  }
0x690: {  	[sflag:s5] =	ssyncadd.s32 $0xFFFFF800  }
0x691: {  	_ =	swait.ge [sflag:s5], $0x800  }
0x692: {  	[sflag:s5] =	ssyncset.done $0x0  }
0x693: {  	s23 =	rddreg [dreg:$0xa];
	[sflag:s5] =	ssyncadd.s32 $0xFFFFF800  }
0x694: {  	[hbm4b:s23+s2] =	stream.linear.scatter [tilespmem:s4], [sflag:$0x3], $0xD00, $0x38;
	[tilespmem:$0xF700] =	vst v63  }
0x695: {  	_ =	swait.ge [sflag:s3], $0xD00  }
0x696: {  	[sflag:s3] =	ssyncset.done $0x0  }
0x697: {  	s23 =	rddreg [dreg:$0xb];
	[sflag:s3] =	ssyncadd.s32 $0xFFFFF300  }
0x698: {  	[tilespmem:s2], [sflag:$0x3] =	stream.linear.gather [hbm4b:s23+s2], $0xD00, $0x38;
	[tilespmem:$0xF700] =	vst v63  }
0x699: {  	_ =	swait.ge [sflag:s3], $0xD00  }
0x69a: {  	[sflag:s3] =	ssyncset.done $0x0  }
0x69b: {  	[sflag:s3] =	ssyncadd.s32 $0xFFFFF300  }
0x69c: {  	[tilespmem:s9], [sflag:$0x1] =	stream.indirect.gather [hbm4b:s8+s10], $0x10, s2, s10, $0xb8;
	[tilespmem:$0xF700] =	vst v63  }
0x69d: {  	_ = 	snop  }
0x69e: {  	[tilespmem:s4], [sflag:$0x2] =	stream.indirect.gather [hbm4b:s31+s10], $0x1, s2, s10, $0xb8;
	[tilespmem:$0xF700] =	vst v63  }
0x69f: {  	s23 =	rddreg [dreg:$0xc]  }
0x6a0: {  	[tilespmem:s10], [sflag:$0x3] =	stream.linear.gather [hbm4b:s23+s2], $0xD00, $0x38;
	[tilespmem:$0xF700] =	vst v63  }
0x6a1: {  	_ =	swait.ge [sflag:s3], $0xD00  }
0x6a2: {  	[sflag:s3] =	ssyncset.done $0x0  }
0x6a3: {  	[sflag:s3] =	ssyncadd.s32 $0xFFFFF300  }
0x6a4: {  	_ =	swait.ge [sflag:s5], $0xD000  }
0x6a5: {  	[sflag:s5] =	ssyncset.done $0x0  }
0x6a6: {  	[sflag:s5] =	ssyncadd.s32 $0xFFFF3000  }
0x6a7: {  	_ =	swait.ge [sflag:s12], $0xD00  }
0x6a8: {  	[sflag:s12] =	ssyncset.done $0x0  }
0x6a9: {  	[sflag:s12] =	ssyncadd.s32 $0xFFFFF300  }
0x6aa: {  	[hbm4b:s6+s7] =	stream.indirect.scatter [tilespmem:s9], [sflag:$0x1], $0x10, s10, s7, $0xb8;
	[tilespmem:$0xF700] =	vst v63  }
0x6ab: {  	s31 =	simm.s32 $0xD80;
	s23 =	simm.s32 $0x2200  }
0x6ac: {  	[hbm4b:s6+s7] =	stream.indirect.scatter [tilespmem:s23], [sflag:$0x1], $0x10, s31, s7, $0xb8;
	[tilespmem:$0xF700] =	vst v63  }
0x6ad: {  	s12 =	simm.s32 $0x2A00;
	s10 =	simm.s32 $0xE00  }
0x6ae: {  	[hbm4b:s6+s7] =	stream.indirect.scatter [tilespmem:s12], [sflag:$0x1], $0x10, s10, s7, $0xb8;
	[tilespmem:$0xF700] =	vst v63  }
0x6af: {  	s23 =	simm.s32 $0xE80  }
0x6b0: {  	[hbm4b:s6+s7] =	stream.indirect.scatter [tilespmem:s28], [sflag:$0x1], $0x10, s23, s7, $0xb8;
	[tilespmem:$0xF700] =	vst v63  }
0x6b1: {  	s31 =	simm.s32 $0xF00;
	s28 =	simm.s32 $0x3A00  }
0x6b2: {  	[hbm4b:s6+s7] =	stream.indirect.scatter [tilespmem:s28], [sflag:$0x1], $0x10, s31, s7, $0xb8;
	[tilespmem:$0xF700] =	vst v63  }
0x6b3: {  	s9 =	simm.s32 $0x4200;
	s10 =	simm.s32 $0xF80  }
0x6b4: {  	[hbm4b:s6+s7] =	stream.indirect.scatter [tilespmem:s9], [sflag:$0x1], $0x10, s10, s7, $0xb8;
	[tilespmem:$0xF700] =	vst v63  }
0x6b5: {  	s12 =	simm.s32 $0x1000  }
0x6b6: {  	[hbm4b:s6+s7] =	stream.indirect.scatter [tilespmem:s29], [sflag:$0x1], $0x10, s12, s7, $0xb8;
	[tilespmem:$0xF700] =	vst v63  }
0x6b7: {  	s23 =	simm.s32 $0x1080  }
0x6b8: {  	[hbm4b:s6+s7] =	stream.indirect.scatter [tilespmem:s30], [sflag:$0x1], $0x10, s23, s7, $0xb8;
	[tilespmem:$0xF700] =	vst v63  }
0x6b9: {  	s28 =	simm.s32 $0x5A00;
	s29 =	simm.s32 $0x1100  }
0x6ba: {  	[hbm4b:s6+s7] =	stream.indirect.scatter [tilespmem:s28], [sflag:$0x1], $0x10, s29, s7, $0xb8;
	[tilespmem:$0xF700] =	vst v63  }
0x6bb: {  	s31 =	simm.s32 $0x1180;
	s30 =	simm.s32 $0x6200  }
0x6bc: {  	[hbm4b:s6+s7] =	stream.indirect.scatter [tilespmem:s30], [sflag:$0x1], $0x10, s31, s7, $0xb8;
	[tilespmem:$0xF700] =	vst v63  }
0x6bd: {  	s9 =	simm.s32 $0x6A00;
	s10 =	simm.s32 $0x1200  }
0x6be: {  	[hbm4b:s6+s7] =	stream.indirect.scatter [tilespmem:s9], [sflag:$0x1], $0x10, s10, s7, $0xb8;
	[tilespmem:$0xF700] =	vst v63  }
0x6bf: {  	s12 =	simm.s32 $0x1280;
	s23 =	simm.s32 $0x7200  }
0x6c0: {  	[hbm4b:s6+s7] =	stream.indirect.scatter [tilespmem:s23], [sflag:$0x1], $0x10, s12, s7, $0xb8;
	[tilespmem:$0xF700] =	vst v63  }
0x6c1: {  	s28 =	simm.s32 $0x7A00  }
0x6c2: {  	[hbm4b:s6+s7] =	stream.indirect.scatter [tilespmem:s28], [sflag:$0x1], $0x10, s26, s7, $0xb8;
	[tilespmem:$0xF700] =	vst v63  }
0x6c3: {  	s29 =	simm.s32 $0x1380;
	s30 =	simm.s32 $0x8200  }
0x6c4: {  	[hbm4b:s6+s7] =	stream.indirect.scatter [tilespmem:s30], [sflag:$0x1], $0x10, s29, s7, $0xb8;
	[tilespmem:$0xF700] =	vst v63  }
0x6c5: {  	s31 =	simm.s32 $0x8A00  }
0x6c6: {  	[hbm4b:s6+s7] =	stream.indirect.scatter [tilespmem:s31], [sflag:$0x1], $0x10, s25, s7, $0xb8;
	[tilespmem:$0xF700] =	vst v63  }
0x6c7: {  	s9 =	simm.s32 $0x1480;
	s10 =	simm.s32 $0x9200  }
0x6c8: {  	[hbm4b:s6+s7] =	stream.indirect.scatter [tilespmem:s10], [sflag:$0x1], $0x10, s9, s7, $0xb8;
	[tilespmem:$0xF700] =	vst v63  }
0x6c9: {  	s12 =	simm.s32 $0x9A00;
	s23 =	simm.s32 $0x1500  }
0x6ca: {  	[hbm4b:s6+s7] =	stream.indirect.scatter [tilespmem:s12], [sflag:$0x1], $0x10, s23, s7, $0xb8;
	[tilespmem:$0xF700] =	vst v63  }
0x6cb: {  	s24 =	simm.s32 $0x1580;
	s25 =	simm.s32 $0xA200  }
0x6cc: {  	[hbm4b:s6+s7] =	stream.indirect.scatter [tilespmem:s25], [sflag:$0x1], $0x10, s24, s7, $0xb8;
	[tilespmem:$0xF700] =	vst v63  }
0x6cd: {  	_ = 	snop  }
0x6ce: {  	[hbm4b:s6+s7] =	stream.indirect.scatter [tilespmem:s22], [sflag:$0x1], $0x10, s20, s7, $0xb8;
	[tilespmem:$0xF700] =	vst v63  }
0x6cf: {  	s26 =	simm.s32 $0xB200;
	s28 =	simm.s32 $0x1680  }
0x6d0: {  	[hbm4b:s6+s7] =	stream.indirect.scatter [tilespmem:s26], [sflag:$0x1], $0x10, s28, s7, $0xb8;
	[tilespmem:$0xF700] =	vst v63  }
0x6d1: {  	s19 =	simm.s32 $0x1700;
	s29 =	simm.s32 $0xBA00  }
0x6d2: {  	[hbm4b:s6+s7] =	stream.indirect.scatter [tilespmem:s29], [sflag:$0x1], $0x10, s19, s7, $0xb8;
	[tilespmem:$0xF700] =	vst v63  }
0x6d3: {  	s21 =	simm.s32 $0xC200  }
0x6d4: {  	[hbm4b:s6+s7] =	stream.indirect.scatter [tilespmem:s21], [sflag:$0x1], $0x10, s17, s7, $0xb8;
	[tilespmem:$0xF700] =	vst v63  }
0x6d5: {  	_ = 	snop  }
0x6d6: {  	[hbm4b:s6+s7] =	stream.indirect.scatter [tilespmem:s18], [sflag:$0x1], $0x10, s16, s7, $0xb8;
	[tilespmem:$0xF700] =	vst v63  }
0x6d7: {  	_ = 	snop  }
0x6d8: {  	[hbm4b:s6+s7] =	stream.indirect.scatter [tilespmem:s15], [sflag:$0x1], $0x10, s13, s7, $0xb8;
	[tilespmem:$0xF700] =	vst v63  }
0x6d9: {  	_ = 	snop  }
0x6da: {  	[hbm4b:s6+s7] =	stream.indirect.scatter [tilespmem:s14], [sflag:$0x1], $0x10, s0, s7, $0xb8;
	[tilespmem:$0xF700] =	vst v63  }
0x6db: {  	_ = 	snop  }
0x6dc: {  	[hbm4b:s6+s7] =	stream.indirect.scatter [tilespmem:s11], [sflag:$0x1], $0x10, s1, s7, $0xb8;
	[tilespmem:$0xF700] =	vst v63  }
0x6dd: {  	_ =	swait.ge [sflag:s5], $0x800  }
0x6de: {  	[sflag:s5] =	ssyncset.done $0x0  }
0x6df: {  	[sflag:s5] =	ssyncadd.s32 $0xFFFFF800  }
0x6e0: {  	_ =	swait.ge [sflag:s5], $0x800  }
0x6e1: {  	[sflag:s5] =	ssyncset.done $0x0  }
0x6e2: {  	[sflag:s5] =	ssyncadd.s32 $0xFFFFF800  }
0x6e3: {  	_ =	swait.ge [sflag:s5], $0x800  }
0x6e4: {  	[sflag:s5] =	ssyncset.done $0x0  }
0x6e5: {  	[sflag:s5] =	ssyncadd.s32 $0xFFFFF800  }
0x6e6: {  	_ =	swait.ge [sflag:s5], $0x800  }
0x6e7: {  	[sflag:s5] =	ssyncset.done $0x0  }
0x6e8: {  	[sflag:s5] =	ssyncadd.s32 $0xFFFFF800  }
0x6e9: {  	_ =	swait.ge [sflag:s5], $0x800  }
0x6ea: {  	[sflag:s5] =	ssyncset.done $0x0  }
0x6eb: {  	[sflag:s5] =	ssyncadd.s32 $0xFFFFF800  }
0x6ec: {  	_ =	swait.ge [sflag:s5], $0x800  }
0x6ed: {  	[sflag:s5] =	ssyncset.done $0x0  }
0x6ee: {  	[sflag:s5] =	ssyncadd.s32 $0xFFFFF800  }
0x6ef: {  	_ =	swait.ge [sflag:s5], $0x800  }
0x6f0: {  	[sflag:s5] =	ssyncset.done $0x0  }
0x6f1: {  	[sflag:s5] =	ssyncadd.s32 $0xFFFFF800  }
0x6f2: {  	_ =	swait.ge [sflag:s5], $0x800  }
0x6f3: {  	[sflag:s5] =	ssyncset.done $0x0  }
0x6f4: {  	[sflag:s5] =	ssyncadd.s32 $0xFFFFF800  }
0x6f5: {  	_ =	swait.ge [sflag:s5], $0x800  }
0x6f6: {  	[sflag:s5] =	ssyncset.done $0x0  }
0x6f7: {  	[sflag:s5] =	ssyncadd.s32 $0xFFFFF800  }
0x6f8: {  	_ =	swait.ge [sflag:s5], $0x800  }
0x6f9: {  	[sflag:s5] =	ssyncset.done $0x0  }
0x6fa: {  	[sflag:s5] =	ssyncadd.s32 $0xFFFFF800  }
0x6fb: {  	_ =	swait.ge [sflag:s5], $0x800  }
0x6fc: {  	[sflag:s5] =	ssyncset.done $0x0  }
0x6fd: {  	[sflag:s5] =	ssyncadd.s32 $0xFFFFF800  }
0x6fe: {  	_ =	swait.ge [sflag:s5], $0x800  }
0x6ff: {  	[sflag:s5] =	ssyncset.done $0x0  }
0x700: {  	[sflag:s5] =	ssyncadd.s32 $0xFFFFF800  }
0x701: {  	_ =	swait.ge [sflag:s5], $0x800  }
0x702: {  	[sflag:s5] =	ssyncset.done $0x0  }
0x703: {  	[sflag:s5] =	ssyncadd.s32 $0xFFFFF800  }
0x704: {  	_ =	swait.ge [sflag:s5], $0x800  }
0x705: {  	[sflag:s5] =	ssyncset.done $0x0  }
0x706: {  	[sflag:s5] =	ssyncadd.s32 $0xFFFFF800  }
0x707: {  	_ =	swait.ge [sflag:s5], $0x800  }
0x708: {  	[sflag:s5] =	ssyncset.done $0x0  }
0x709: {  	[sflag:s5] =	ssyncadd.s32 $0xFFFFF800  }
0x70a: {  	_ =	swait.ge [sflag:s5], $0x800  }
0x70b: {  	[sflag:s5] =	ssyncset.done $0x0  }
0x70c: {  	[sflag:s5] =	ssyncadd.s32 $0xFFFFF800  }
0x70d: {  	_ =	swait.ge [sflag:s5], $0x800  }
0x70e: {  	[sflag:s5] =	ssyncset.done $0x0  }
0x70f: {  	[sflag:s5] =	ssyncadd.s32 $0xFFFFF800  }
0x710: {  	_ =	swait.ge [sflag:s5], $0x800  }
0x711: {  	[sflag:s5] =	ssyncset.done $0x0  }
0x712: {  	[sflag:s5] =	ssyncadd.s32 $0xFFFFF800  }
0x713: {  	_ =	swait.ge [sflag:s5], $0x800  }
0x714: {  	[sflag:s5] =	ssyncset.done $0x0  }
0x715: {  	[sflag:s5] =	ssyncadd.s32 $0xFFFFF800  }
0x716: {  	_ =	swait.ge [sflag:s5], $0x800  }
0x717: {  	[sflag:s5] =	ssyncset.done $0x0  }
0x718: {  	[sflag:s5] =	ssyncadd.s32 $0xFFFFF800  }
0x719: {  	_ =	swait.ge [sflag:s5], $0x800  }
0x71a: {  	[sflag:s5] =	ssyncset.done $0x0  }
0x71b: {  	[sflag:s5] =	ssyncadd.s32 $0xFFFFF800  }
0x71c: {  	_ =	swait.ge [sflag:s5], $0x800  }
0x71d: {  	[sflag:s5] =	ssyncset.done $0x0  }
0x71e: {  	[sflag:s5] =	ssyncadd.s32 $0xFFFFF800  }
0x71f: {  	_ =	swait.ge [sflag:s5], $0x800  }
0x720: {  	[sflag:s5] =	ssyncset.done $0x0  }
0x721: {  	[sflag:s5] =	ssyncadd.s32 $0xFFFFF800  }
0x722: {  	_ =	swait.ge [sflag:s5], $0x800  }
0x723: {  	[sflag:s5] =	ssyncset.done $0x0  }
0x724: {  	[sflag:s5] =	ssyncadd.s32 $0xFFFFF800  }
0x725: {  	_ =	swait.ge [sflag:s5], $0x800  }
0x726: {  	[sflag:s5] =	ssyncset.done $0x0  }
0x727: {  	[sflag:s5] =	ssyncadd.s32 $0xFFFFF800  }
0x728: {  	_ =	swait.ge [sflag:s5], $0x800  }
0x729: {  	[sflag:s5] =	ssyncset.done $0x0  }
0x72a: {  	s30 =	rddreg [dreg:$0xd];
	[sflag:s5] =	ssyncadd.s32 $0xFFFFF800  }
0x72b: {  	[hbm4b:s30+s2] =	stream.linear.scatter [tilespmem:s4], [sflag:$0x3], $0xD00, $0x38;
	[tilespmem:$0xF700] =	vst v63  }
0x72c: {  	_ =	swait.ge [sflag:s3], $0xD00  }
0x72d: {  	[sflag:s3] =	ssyncset.done $0x0  }
0x72e: {  	[sflag:s3] =	ssyncadd.s32 $0xFFFFF300  }
0x72f: {  	_ =	sfence.sel $0x180000  }
0x730: {  	[bflag:$0x0] =	sbarrier.arrive $0xFFFF  }
0x731: {  	_ =	strace $0x90000047  }
0x732: {  	s31 =	stileid.u32;
	[bflag:$0x2] =	sbarrier.arrive $0xFFFF  }
0x733: {  	p0 =	sne.s32 s31, $0x0;
	s0 =	rddreg [dreg:$0x1]  }
0x734: {  	s0 =	sadd.s32 @!p0 $0x100000, s0  }
0x735: {  	[sflag:s0] =	ssyncadd.tile.s32 @!p0 $0x1;
	_ =	shalt  }
.LBB2_6:
.Ltmp3:
0x736: {  	(pc) =	sbr.rel .LBB2_5-.Ltmp3, $3  }
0x737: {  	_ =	sdelay $0x1  }
0x738: {  	s8 =	rddreg [dreg:$0xf]  }
0x739: {  	s31 =	rddreg [dreg:$0xe];
	s9 =	simm.s32 $0x1A00  }
.Lfunc_end2:
_tile_overlayer_lowered:
.L_overlay_start_2:
0x73a: {  	(tag) =	ssettag $0x2  }
0x73b: {  	s0 =	rddreg [dreg:$0x0];
	s2 =	stileid.u32  }
0x73c: {  	s1 =	rddreg [dreg:$0x1];
	p0 =	sne.s32 s2, $0x0  }
0x73d: {  	s3 =	rddreg [dreg:$0x2];
	[bflag:$0x3] =	sbarrier.arrive $0xFFFF;
	s2 =	simm.s32 @!p0 $0x1C03  }
0x73e: {  	[timem:s3], [sflag:s2] =	dma.local @!p0 [hbm:s0], s1  }
0x73f: {  	s0 =	simm.s32 @!p0 $0x3  }
0x740: {  	_ =	swait.ge @!p0 [sflag:s0], s1  }
0x741: {  	s1 =	ssub.s32 @!p0 $0x0, s1;
	[sflag:s0] =	ssyncset.done @!p0 $0x0  }
0x742: {  	[sflag:s0] =	ssyncadd.s32 @!p0 s1  }
0x743: {  	[bflag:$0x3] =	sbarrier.arrive $0xFFFF  }
0x744: {  	_ =	shalt  }

</sc_bundles>
